<compile_context>
chip_gen: v7x
topology: tpu7x:2x2x1
jax: 0.10.2.dev20260603
libtpu: 0.0.44.dev20260713+nightly
codegen_flags: <defaults>
</compile_context>

<pallas_src>
import functools

import jax
import jax.numpy as jnp
from jax import lax
from jax.experimental import pallas as pl
from jax.experimental.pallas import tpu as pltpu
from jax.experimental.pallas import tpu_sc as plsc

N = 10000
E = 320000
G = 64
NC = 2
NS = 16
CH = 128
IGRP = 16
EP = ((E + NS * IGRP * CH - 1) // (NS * IGRP * CH)) * (NS * IGRP * CH)
NCH_F = EP // NS // CH
NCH_E = EP // (NC * NS) // CH
ACC_ROWS = 10240
ZROWS = ACC_ROWS // NS
BR = 1000


@functools.lru_cache(maxsize=None)
def _make_sc_agg(nchunk, edge_split):
    mesh = plsc.VectorSubcoreMesh(core_axis_name="c", subcore_axis_name="s",
                                  num_cores=NC, num_subcores=NS)

    @functools.partial(
        pl.kernel,
        out_type=jax.ShapeDtypeStruct((NC, ACC_ROWS, CH), jnp.float32),
        mesh=mesh,
        scratch_types=[
            pltpu.VMEM((2, IGRP, CH), jnp.int32),
            pltpu.VMEM((2, IGRP, CH), jnp.int32),
            pltpu.VMEM((CH, CH), jnp.float32),
            pltpu.VMEM((CH, CH), jnp.float32),
            pltpu.VMEM_SHARED((ACC_ROWS, CH), jnp.float32),
            pltpu.SemaphoreType.DMA,
            pltpu.SemaphoreType.DMA,
            pltpu.SemaphoreType.DMA,
            pltpu.SemaphoreType.DMA,
            pltpu.SemaphoreType.DMA,
        ],
    )
    def sc_agg(src_hbm, dst_hbm, tab_hbm, out_hbm, sbuf, dbuf,
               rb0, rb1, acc,
               isem, gsem0, gsem1, ssem0, ssem1):
        c = lax.axis_index("c")
        s = lax.axis_index("s")
        t = c * NS + s
        ngrp = nchunk // IGRP
        rbufs = (rb0, rb1)
        gsems = (gsem0, gsem1)
        ssems = (ssem0, ssem1)
        NB = 2

        zeros16 = jnp.zeros((16,), jnp.float32)

        def zrow(r, carry):
            for kk in range(CH // 16):
                rb0[r, pl.ds(kk * 16, 16)] = zeros16
            return carry

        lax.fori_loop(0, CH, zrow, 0)
        for k in range(ZROWS // CH):
            pltpu.sync_copy(rb0, acc.at[pl.ds(s * ZROWS + k * CH, CH)])
        plsc.subcore_barrier()

        td = t if edge_split else s

        def stage_idx(g, slot):
            pltpu.async_copy(src_hbm.at[t, pl.ds(g * IGRP, IGRP)],
                             sbuf.at[slot], isem)
            pltpu.async_copy(dst_hbm.at[td, pl.ds(g * IGRP, IGRP)],
                             dbuf.at[slot], isem)

        def wait_idx(slot):
            pltpu.make_async_copy(src_hbm.at[t, pl.ds(0, IGRP)],
                                  sbuf.at[slot], isem).wait()
            pltpu.make_async_copy(dst_hbm.at[td, pl.ds(0, IGRP)],
                                  dbuf.at[slot], isem).wait()

        def start_gather(slot, j, b):
            pltpu.async_copy(tab_hbm.at[sbuf.at[slot, j]], rbufs[b], gsems[b])

        def wait_gather(slot, b):
            pltpu.make_async_copy(tab_hbm.at[sbuf.at[slot, 0]], rbufs[b],
                                  gsems[b]).wait()

        def start_scatter(slot, j, b):
            pltpu.async_copy(rbufs[b], acc.at[dbuf.at[slot, j]], ssems[b],
                             add=True)

        def wait_scatter(slot, b):
            pltpu.make_async_copy(rbufs[b], acc.at[dbuf.at[slot, 0]],
                                  ssems[b]).wait()

        stage_idx(0, 0)

        def group(g, carry):
            slot = lax.rem(g, 2)
            wait_idx(slot)

            @pl.when(g + 1 < ngrp)
            def _():
                stage_idx(g + 1, 1 - slot)

            for j in range(NB - 1):
                start_gather(slot, j, j)
            for j in range(IGRP):
                b = j % NB
                wait_gather(slot, b)
                start_scatter(slot, j, b)
                if j + NB - 1 < IGRP:
                    nb = (j + NB - 1) % NB
                    if j >= 1:
                        wait_scatter(slot, nb)
                    start_gather(slot, j + NB - 1, nb)
            for b in range(NB):
                wait_scatter(slot, b)
            return carry

        lax.fori_loop(0, ngrp, group, 0)
        plsc.subcore_barrier()

        for k in range(ZROWS // CH):
            pltpu.sync_copy(acc.at[pl.ds(s * ZROWS + k * CH, CH)],
                            out_hbm.at[c].at[pl.ds(s * ZROWS + k * CH, CH)])

    return sc_agg


def _sc_agg_feature_split(h2, idx):
    tab = h2.reshape(2 * N, CH)
    return _make_sc_agg(NCH_F, False)(idx["src_f"], idx["dst_f"], tab)


def _sc_agg_edge_split(h, idx):
    tab2 = jnp.concatenate([h, h], axis=0)
    return _make_sc_agg(NCH_E, True)(idx["src_e"], idx["dst_e"], tab2)


def _mlp0(p, x, Wa, ba, Wb, bb):
    def body(p0_ref, p1_ref, x_ref, wa_ref, ba_ref, wb_ref, bb_ref, out_ref):
        z = p0_ref[0] + p1_ref[0] + x_ref[...]
        t = jnp.dot(z, wa_ref[...], preferred_element_type=jnp.float32) + ba_ref[...]
        t = jnp.maximum(t, 0.0)
        y = jnp.dot(t, wb_ref[...], preferred_element_type=jnp.float32) + bb_ref[...]
        y = jnp.maximum(y, 0.0)
        out_ref[:, 0] = y[:, :CH]
        out_ref[:, 1] = y[:, CH:]

    return pl.pallas_call(
        body,
        grid=(N // BR,),
        in_specs=[
            pl.BlockSpec((1, BR, CH), lambda i: (0, i, 0)),
            pl.BlockSpec((1, BR, CH), lambda i: (1, i, 0)),
            pl.BlockSpec((BR, CH), lambda i: (i, 0)),
            pl.BlockSpec((CH, 256), lambda i: (0, 0)),
            pl.BlockSpec((1, 256), lambda i: (0, 0)),
            pl.BlockSpec((256, 256), lambda i: (0, 0)),
            pl.BlockSpec((1, 256), lambda i: (0, 0)),
        ],
        out_specs=pl.BlockSpec((BR, 2, CH), lambda i: (i, 0, 0)),
        out_shape=jax.ShapeDtypeStruct((N, 2, CH), jnp.float32),
    )(p, p, x, Wa, ba.reshape(1, -1), Wb, bb.reshape(1, -1))


def _mlp1(agg, h2, Wa, ba, Wb, bb):
    def body(al_ref, ah_ref, h_ref, wa_ref, ba_ref, wb_ref, bb_ref, out_ref):
        z = (jnp.concatenate([al_ref[0], ah_ref[0]], axis=1)
             + jnp.concatenate([h_ref[:, 0], h_ref[:, 1]], axis=1))
        t = jnp.dot(z, wa_ref[...], preferred_element_type=jnp.float32) + ba_ref[...]
        t = jnp.maximum(t, 0.0)
        y = jnp.dot(t, wb_ref[...], preferred_element_type=jnp.float32) + bb_ref[...]
        y = jnp.maximum(y, 0.0)
        out_ref[:, 0] = y[:, :CH]
        out_ref[:, 1] = y[:, CH:]

    return pl.pallas_call(
        body,
        grid=(N // BR,),
        in_specs=[
            pl.BlockSpec((1, BR, CH), lambda i: (0, i, 0)),
            pl.BlockSpec((1, BR, CH), lambda i: (1, i, 0)),
            pl.BlockSpec((BR, 2, CH), lambda i: (i, 0, 0)),
            pl.BlockSpec((256, 256), lambda i: (0, 0)),
            pl.BlockSpec((1, 256), lambda i: (0, 0)),
            pl.BlockSpec((256, 256), lambda i: (0, 0)),
            pl.BlockSpec((1, 256), lambda i: (0, 0)),
        ],
        out_specs=pl.BlockSpec((BR, 2, CH), lambda i: (i, 0, 0)),
        out_shape=jax.ShapeDtypeStruct((N, 2, CH), jnp.float32),
    )(agg, agg, h2, Wa, ba.reshape(1, -1), Wb, bb.reshape(1, -1))


def _mlp2_pool(agg, h2, Wa, ba, Wb, bb, gidx):
    g3 = gidx.astype(jnp.int32).reshape(N // BR, 1, BR)

    def body(al_ref, ah_ref, h_ref, wa_ref, ba_ref, wb_ref, bb_ref, g_ref,
             out_ref, pool_ref):
        i = pl.program_id(0)
        z = (jnp.concatenate([al_ref[0], ah_ref[0]], axis=1)
             + jnp.concatenate([h_ref[:, 0], h_ref[:, 1]], axis=1))
        t = jnp.dot(z, wa_ref[...], preferred_element_type=jnp.float32) + ba_ref[...]
        t = jnp.maximum(t, 0.0)
        y = jnp.dot(t, wb_ref[...], preferred_element_type=jnp.float32) + bb_ref[...]
        y = jnp.maximum(y, 0.0)
        out_ref[...] = y
        gids = lax.broadcasted_iota(jnp.int32, (G, BR), 0)
        onehot = (g_ref[0] == gids).astype(jnp.float32)
        part = jnp.dot(onehot, y, preferred_element_type=jnp.float32)

        @pl.when(i == 0)
        def _():
            pool_ref[...] = part

        @pl.when(i > 0)
        def _():
            pool_ref[...] += part

    return pl.pallas_call(
        body,
        grid=(N // BR,),
        in_specs=[
            pl.BlockSpec((1, BR, CH), lambda i: (0, i, 0)),
            pl.BlockSpec((1, BR, CH), lambda i: (1, i, 0)),
            pl.BlockSpec((BR, 2, CH), lambda i: (i, 0, 0)),
            pl.BlockSpec((256, CH), lambda i: (0, 0)),
            pl.BlockSpec((1, CH), lambda i: (0, 0)),
            pl.BlockSpec((CH, CH), lambda i: (0, 0)),
            pl.BlockSpec((1, CH), lambda i: (0, 0)),
            pl.BlockSpec((1, 1, BR), lambda i: (i, 0, 0)),
        ],
        out_specs=[
            pl.BlockSpec((BR, CH), lambda i: (i, 0)),
            pl.BlockSpec((G, CH), lambda i: (0, 0)),
        ],
        out_shape=[
            jax.ShapeDtypeStruct((N, CH), jnp.float32),
            jax.ShapeDtypeStruct((G, CH), jnp.float32),
        ],
    )(agg, agg, h2, Wa, ba.reshape(1, -1), Wb, bb.reshape(1, -1), g3)


def _prep_indices(edge_idx):
    src = edge_idx[0].astype(jnp.int32)
    dst = edge_idx[1].astype(jnp.int32)
    pad = EP - E
    src_p = jnp.concatenate([src, jnp.zeros((pad,), jnp.int32)])
    dst_p = jnp.concatenate([dst, jnp.full((pad,), N, jnp.int32)])
    sf = src_p.reshape(NS, NCH_F, CH)
    return {
        "src_f": jnp.concatenate([2 * sf, 2 * sf + 1], axis=0),
        "dst_f": dst_p.reshape(NS, NCH_F, CH),
        "src_e": (src_p.reshape(NC * NS, NCH_E, CH)
                  + (jnp.arange(NC * NS) >= NS).astype(jnp.int32)
                  .reshape(NC * NS, 1, 1) * N),
        "dst_e": dst_p.reshape(NC * NS, NCH_E, CH),
    }


def kernel(x, edge_idx, graph_idx,
           W0a, b0a, W0b, b0b,
           W1a, b1a, W1b, b1b,
           W2a, b2a, W2b, b2b):
    idx = _prep_indices(edge_idx)
    p0 = _sc_agg_edge_split(x, idx)
    h0 = _mlp0(p0, x, W0a, b0a, W0b, b0b)
    a1 = _sc_agg_feature_split(h0, idx)
    h1 = _mlp1(a1, h0, W1a, b1a, W1b, b1b)
    a2 = _sc_agg_feature_split(h1, idx)
    h2, pooled = _mlp2_pool(a2, h1, W2a, b2a, W2b, b2b, graph_idx)
    return (pooled, h2)

# --- scband reference (transcript-rebuilt; emitter-appended) ---
"""Pipeline reference for scband-gin-44100724195778 (READ-ONLY COPY).

The authoritative reference and input builder live on the scoring server;
editing this copy changes nothing except your own understanding.
"""

import jax, jax.numpy as jnp
import numpy as np

N_NODES = 10000
N_EDGES = 320000
N_GRAPHS = 64
D_IN = 128
D_HID = 256
D_OUT = 128


def setup_inputs(seed: int = 0) -> dict:
    key = jax.random.key(seed)
    ks = jax.random.split(key, 16)
    x = jax.random.normal(ks[0], (N_NODES, D_IN), dtype=jnp.float32)
    edge_idx = jax.random.randint(ks[1], (2, N_EDGES), 0, N_NODES, dtype=jnp.int64)
    graph_idx = jnp.sort(jax.random.randint(ks[2], (N_NODES,), 0, N_GRAPHS, dtype=jnp.int64))

    def lin(k, fin, fout):
        kw, kb = jax.random.split(k)
        W = jax.random.normal(kw, (fin, fout), dtype=jnp.float32) / jnp.sqrt(fin)
        b = jnp.zeros((fout,), dtype=jnp.float32)
        return W, b

    W0a, b0a = lin(ks[3], D_IN, D_HID)
    W0b, b0b = lin(ks[4], D_HID, D_HID)
    W1a, b1a = lin(ks[5], D_HID, D_HID)
    W1b, b1b = lin(ks[6], D_HID, D_HID)
    W2a, b2a = lin(ks[7], D_HID, D_OUT)
    W2b, b2b = lin(ks[8], D_OUT, D_OUT)
    return {"x": x, "edge_idx": edge_idx, "graph_idx": graph_idx,
            "W0a": W0a, "b0a": b0a, "W0b": W0b, "b0b": b0b,
            "W1a": W1a, "b1a": b1a, "W1b": W1b, "b1b": b1b,
            "W2a": W2a, "b2a": b2a, "W2b": W2b, "b2b": b2b}


def reference(x, edge_idx, graph_idx,
              W0a, b0a, W0b, b0b,
              W1a, b1a, W1b, b1b,
              W2a, b2a, W2b, b2b):
    # GIN forward (eval mode: dropout is identity), eps=0, aggr='add', pooling='sum'
    src = edge_idx[0]
    dst = edge_idx[1]

    def gin_conv(h, Wa, ba, Wb, bb):
        # propagate: message x_j = h[src] (edge_atten=None), sum-aggregate at dst
        agg = jax.ops.segment_sum(h[src], dst, num_segments=N_NODES)
        out = agg + (1.0 + 0.0) * h  # (1 + eps) * x_r
        hh = jnp.maximum(out @ Wa + ba, 0.0)
        return hh @ Wb + bb

    h = jnp.maximum(gin_conv(x, W0a, b0a, W0b, b0b), 0.0)
    h = jnp.maximum(gin_conv(h, W1a, b1a, W1b, b1b), 0.0)
    h = jnp.maximum(gin_conv(h, W2a, b2a, W2b, b2b), 0.0)
    pooled = jax.ops.segment_sum(h, graph_idx, num_segments=N_GRAPHS)  # global_add_pool
    return (pooled, h)

if __name__ == "__main__":
    import jax
    _d = setup_inputs()
    print(jax.jit(kernel)(*tuple(_d.values())))

</pallas_src>

<mosaic_0001>
#map = affine_map<(d0, d1) -> (0, 0, 0)>
#map1 = affine_map<(d0, d1) -> (0, 0)>
module attributes {stable_mosaic.version = 14 : i64} {
  func.func @sc_agg(%arg0: i32, %arg1: i32, %arg2: memref<32x80x128xi32, #tpu.memory_space<hbm>>, %arg3: memref<32x80x128xi32, #tpu.memory_space<hbm>>, %arg4: memref<20000x128xf32, #tpu.memory_space<hbm>>, %arg5: memref<2x10240x128xf32, #tpu.memory_space<hbm>>, %arg6: memref<2x16x128xi32, #tpu.memory_space<vmem>>, %arg7: memref<2x16x128xi32, #tpu.memory_space<vmem>>, %arg8: memref<128x128xf32, #tpu.memory_space<vmem>>, %arg9: memref<128x128xf32, #tpu.memory_space<vmem>>, %arg10: memref<10240x128xf32, #tpu.memory_space<vmem_shared>>, %arg11: memref<!tpu.dma_semaphore, #tpu.memory_space<semaphore_mem>>, %arg12: memref<!tpu.dma_semaphore, #tpu.memory_space<semaphore_mem>>, %arg13: memref<!tpu.dma_semaphore, #tpu.memory_space<semaphore_mem>>, %arg14: memref<!tpu.dma_semaphore, #tpu.memory_space<semaphore_mem>>, %arg15: memref<!tpu.dma_semaphore, #tpu.memory_space<semaphore_mem>>) attributes {dimension_semantics = [#tpu.dimension_semantics<core_parallel>, #tpu.dimension_semantics<subcore_parallel>], iteration_bounds = array<i64: 2, 16>, scalar_prefetch = 0 : i64, scratch_operands = 10 : i64, tpu.core_type = #tpu.core_type<sc_vector_subcore>, window_params = [{transform_indices = #map}, {transform_indices = #map}, {transform_indices = #map1}, {transform_indices = #map}]} {
    %mul3A = arith.constant 16 : i32
    %mul3A_0 = arith.muli %arg0, %mul3A : i32
    %add3A = arith.addi %mul3A_0, %arg1 : i32
    %broadcast_in_dim3A = arith.constant 0.000000e+00 : f32
    %broadcast_in_dim3A_1 = vector.broadcast %broadcast_in_dim3A : f32 to vector<16xf32>
    %scan3A = arith.constant 0 : i32
    %scan3A_2 = arith.constant 0 : i32
    %scan3A_3 = arith.constant 128 : i32
    %scan3A_4 = arith.addi %scan3A_2, %scan3A_3 : i32
    %scan3A_5 = arith.constant 1 : i32
    scf.for %scan3A_107 = %scan3A_2 to %scan3A_4 step %scan3A_5  : i32 {
      %swap3A = arith.index_cast %scan3A_107 : i32 to index
      %swap3A_108 = arith.constant 0 : index
      %swap3A_109 = tpu.vector_load %arg8[%swap3A, %swap3A_108] {strides = array<i32>} : memref<128x128xf32, #tpu.memory_space<vmem>>, vector<1x16xf32>,
      %swap3A_110 = vector.shape_cast %swap3A_109 : vector<1x16xf32> to vector<16xf32>
      %swap3A_111 = vector.shape_cast %broadcast_in_dim3A_1 : vector<16xf32> to vector<1x16xf32>
      tpu.vector_store %arg8[%swap3A, %swap3A_108], %swap3A_111 {strides = array<i32>} : memref<128x128xf32, #tpu.memory_space<vmem>>, vector<1x16xf32>,
      %swap3A_112 = arith.index_cast %scan3A_107 : i32 to index
      %swap3A_113 = arith.constant 16 : index
      %swap3A_114 = tpu.vector_load %arg8[%swap3A_112, %swap3A_113] {strides = array<i32>} : memref<128x128xf32, #tpu.memory_space<vmem>>, vector<1x16xf32>,
      %swap3A_115 = vector.shape_cast %swap3A_114 : vector<1x16xf32> to vector<16xf32>
      %swap3A_116 = vector.shape_cast %broadcast_in_dim3A_1 : vector<16xf32> to vector<1x16xf32>
      tpu.vector_store %arg8[%swap3A_112, %swap3A_113], %swap3A_116 {strides = array<i32>} : memref<128x128xf32, #tpu.memory_space<vmem>>, vector<1x16xf32>,
      %swap3A_117 = arith.index_cast %scan3A_107 : i32 to index
      %swap3A_118 = arith.constant 32 : index
      %swap3A_119 = tpu.vector_load %arg8[%swap3A_117, %swap3A_118] {strides = array<i32>} : memref<128x128xf32, #tpu.memory_space<vmem>>, vector<1x16xf32>,
      %swap3A_120 = vector.shape_cast %swap3A_119 : vector<1x16xf32> to vector<16xf32>
      %swap3A_121 = vector.shape_cast %broadcast_in_dim3A_1 : vector<16xf32> to vector<1x16xf32>
      tpu.vector_store %arg8[%swap3A_117, %swap3A_118], %swap3A_121 {strides = array<i32>} : memref<128x128xf32, #tpu.memory_space<vmem>>, vector<1x16xf32>,
      %swap3A_122 = arith.index_cast %scan3A_107 : i32 to index
      %swap3A_123 = arith.constant 48 : index
      %swap3A_124 = tpu.vector_load %arg8[%swap3A_122, %swap3A_123] {strides = array<i32>} : memref<128x128xf32, #tpu.memory_space<vmem>>, vector<1x16xf32>,
      %swap3A_125 = vector.shape_cast %swap3A_124 : vector<1x16xf32> to vector<16xf32>
      %swap3A_126 = vector.shape_cast %broadcast_in_dim3A_1 : vector<16xf32> to vector<1x16xf32>
      tpu.vector_store %arg8[%swap3A_122, %swap3A_123], %swap3A_126 {strides = array<i32>} : memref<128x128xf32, #tpu.memory_space<vmem>>, vector<1x16xf32>,
      %swap3A_127 = arith.index_cast %scan3A_107 : i32 to index
      %swap3A_128 = arith.constant 64 : index
      %swap3A_129 = tpu.vector_load %arg8[%swap3A_127, %swap3A_128] {strides = array<i32>} : memref<128x128xf32, #tpu.memory_space<vmem>>, vector<1x16xf32>,
      %swap3A_130 = vector.shape_cast %swap3A_129 : vector<1x16xf32> to vector<16xf32>
      %swap3A_131 = vector.shape_cast %broadcast_in_dim3A_1 : vector<16xf32> to vector<1x16xf32>
      tpu.vector_store %arg8[%swap3A_127, %swap3A_128], %swap3A_131 {strides = array<i32>} : memref<128x128xf32, #tpu.memory_space<vmem>>, vector<1x16xf32>,
      %swap3A_132 = arith.index_cast %scan3A_107 : i32 to index
      %swap3A_133 = arith.constant 80 : index
      %swap3A_134 = tpu.vector_load %arg8[%swap3A_132, %swap3A_133] {strides = array<i32>} : memref<128x128xf32, #tpu.memory_space<vmem>>, vector<1x16xf32>,
      %swap3A_135 = vector.shape_cast %swap3A_134 : vector<1x16xf32> to vector<16xf32>
      %swap3A_136 = vector.shape_cast %broadcast_in_dim3A_1 : vector<16xf32> to vector<1x16xf32>
      tpu.vector_store %arg8[%swap3A_132, %swap3A_133], %swap3A_136 {strides = array<i32>} : memref<128x128xf32, #tpu.memory_space<vmem>>, vector<1x16xf32>,
      %swap3A_137 = arith.index_cast %scan3A_107 : i32 to index
      %swap3A_138 = arith.constant 96 : index
      %swap3A_139 = tpu.vector_load %arg8[%swap3A_137, %swap3A_138] {strides = array<i32>} : memref<128x128xf32, #tpu.memory_space<vmem>>, vector<1x16xf32>,
      %swap3A_140 = vector.shape_cast %swap3A_139 : vector<1x16xf32> to vector<16xf32>
      %swap3A_141 = vector.shape_cast %broadcast_in_dim3A_1 : vector<16xf32> to vector<1x16xf32>
      tpu.vector_store %arg8[%swap3A_137, %swap3A_138], %swap3A_141 {strides = array<i32>} : memref<128x128xf32, #tpu.memory_space<vmem>>, vector<1x16xf32>,
      %swap3A_142 = arith.index_cast %scan3A_107 : i32 to index
      %swap3A_143 = arith.constant 112 : index
      %swap3A_144 = tpu.vector_load %arg8[%swap3A_142, %swap3A_143] {strides = array<i32>} : memref<128x128xf32, #tpu.memory_space<vmem>>, vector<1x16xf32>,
      %swap3A_145 = vector.shape_cast %swap3A_144 : vector<1x16xf32> to vector<16xf32>
      %swap3A_146 = vector.shape_cast %broadcast_in_dim3A_1 : vector<16xf32> to vector<1x16xf32>
      tpu.vector_store %arg8[%swap3A_142, %swap3A_143], %swap3A_146 {strides = array<i32>} : memref<128x128xf32, #tpu.memory_space<vmem>>, vector<1x16xf32>,
    }
    %scan3A_6 = arith.constant 128 : i32
    %mul3A_7 = arith.constant 640 : i32
    %mul3A_8 = arith.muli %arg1, %mul3A_7 : i32
    %add3A_9 = arith.constant 0 : i32
    %add3A_10 = arith.addi %mul3A_8, %add3A_9 : i32
    "tpu.region"() ({
      %run_scoped3A = tpu.sem_alloc : memref<!tpu.dma_semaphore, #tpu.memory_space<semaphore_mem>>
      %dma_start3A_107 = arith.constant 0 : i32
      %dma_start3A_108 = tpu.memref_slice %arg10[%add3A_10, %dma_start3A_107] : memref<10240x128xf32, #tpu.memory_space<vmem_shared>> -> memref<128x128xf32, #tpu.memory_space<vmem_shared>>
      %dma_start3A_109 = arith.constant 0 : i32
      %dma_start3A_110 = tpu.memref_slice %arg10[%add3A_10, %dma_start3A_109] : memref<10240x128xf32, #tpu.memory_space<vmem_shared>> -> memref<128x128xf32, #tpu.memory_space<vmem_shared>>
      tpu.enqueue_dma source(%arg8 : memref<128x128xf32, #tpu.memory_space<vmem>>) target(%dma_start3A_110 : memref<128x128xf32, #tpu.memory_space<vmem_shared>>) target_semaphore(%run_scoped3A : memref<!tpu.dma_semaphore, #tpu.memory_space<semaphore_mem>>)
      %dma_wait3A = arith.constant 0 : i32
      %dma_wait3A_111 = tpu.memref_slice %arg10[%add3A_10, %dma_wait3A] : memref<10240x128xf32, #tpu.memory_space<vmem_shared>> -> memref<128x128xf32, #tpu.memory_space<vmem_shared>>
      %dma_wait3A_112 = arith.constant 0 : i32
      %dma_wait3A_113 = tpu.memref_slice %arg10[%add3A_10, %dma_wait3A_112] : memref<10240x128xf32, #tpu.memory_space<vmem_shared>> -> memref<128x128xf32, #tpu.memory_space<vmem_shared>>
      tpu.wait_dma2 semaphore(%run_scoped3A : memref<!tpu.dma_semaphore, #tpu.memory_space<semaphore_mem>>) src(%arg8 : memref<128x128xf32, #tpu.memory_space<vmem>>) dst(%dma_wait3A_113 : memref<128x128xf32, #tpu.memory_space<vmem_shared>>)
      tpu.yield
    }) : () -> ()
    %mul3A_11 = arith.constant 640 : i32
    %mul3A_12 = arith.muli %arg1, %mul3A_11 : i32
    %add3A_13 = arith.constant 128 : i32
    %add3A_14 = arith.addi %mul3A_12, %add3A_13 : i32
    "tpu.region"() ({
      %run_scoped3A = tpu.sem_alloc : memref<!tpu.dma_semaphore, #tpu.memory_space<semaphore_mem>>
      %dma_start3A_107 = arith.constant 0 : i32
      %dma_start3A_108 = tpu.memref_slice %arg10[%add3A_14, %dma_start3A_107] : memref<10240x128xf32, #tpu.memory_space<vmem_shared>> -> memref<128x128xf32, #tpu.memory_space<vmem_shared>>
      %dma_start3A_109 = arith.constant 0 : i32
      %dma_start3A_110 = tpu.memref_slice %arg10[%add3A_14, %dma_start3A_109] : memref<10240x128xf32, #tpu.memory_space<vmem_shared>> -> memref<128x128xf32, #tpu.memory_space<vmem_shared>>
      tpu.enqueue_dma source(%arg8 : memref<128x128xf32, #tpu.memory_space<vmem>>) target(%dma_start3A_110 : memref<128x128xf32, #tpu.memory_space<vmem_shared>>) target_semaphore(%run_scoped3A : memref<!tpu.dma_semaphore, #tpu.memory_space<semaphore_mem>>)
      %dma_wait3A = arith.constant 0 : i32
      %dma_wait3A_111 = tpu.memref_slice %arg10[%add3A_14, %dma_wait3A] : memref<10240x128xf32, #tpu.memory_space<vmem_shared>> -> memref<128x128xf32, #tpu.memory_space<vmem_shared>>
      %dma_wait3A_112 = arith.constant 0 : i32
      %dma_wait3A_113 = tpu.memref_slice %arg10[%add3A_14, %dma_wait3A_112] : memref<10240x128xf32, #tpu.memory_space<vmem_shared>> -> memref<128x128xf32, #tpu.memory_space<vmem_shared>>
      tpu.wait_dma2 semaphore(%run_scoped3A : memref<!tpu.dma_semaphore, #tpu.memory_space<semaphore_mem>>) src(%arg8 : memref<128x128xf32, #tpu.memory_space<vmem>>) dst(%dma_wait3A_113 : memref<128x128xf32, #tpu.memory_space<vmem_shared>>)
      tpu.yield
    }) : () -> ()
    %mul3A_15 = arith.constant 640 : i32
    %mul3A_16 = arith.muli %arg1, %mul3A_15 : i32
    %add3A_17 = arith.constant 256 : i32
    %add3A_18 = arith.addi %mul3A_16, %add3A_17 : i32
    "tpu.region"() ({
      %run_scoped3A = tpu.sem_alloc : memref<!tpu.dma_semaphore, #tpu.memory_space<semaphore_mem>>
      %dma_start3A_107 = arith.constant 0 : i32
      %dma_start3A_108 = tpu.memref_slice %arg10[%add3A_18, %dma_start3A_107] : memref<10240x128xf32, #tpu.memory_space<vmem_shared>> -> memref<128x128xf32, #tpu.memory_space<vmem_shared>>
      %dma_start3A_109 = arith.constant 0 : i32
      %dma_start3A_110 = tpu.memref_slice %arg10[%add3A_18, %dma_start3A_109] : memref<10240x128xf32, #tpu.memory_space<vmem_shared>> -> memref<128x128xf32, #tpu.memory_space<vmem_shared>>
      tpu.enqueue_dma source(%arg8 : memref<128x128xf32, #tpu.memory_space<vmem>>) target(%dma_start3A_110 : memref<128x128xf32, #tpu.memory_space<vmem_shared>>) target_semaphore(%run_scoped3A : memref<!tpu.dma_semaphore, #tpu.memory_space<semaphore_mem>>)
      %dma_wait3A = arith.constant 0 : i32
      %dma_wait3A_111 = tpu.memref_slice %arg10[%add3A_18, %dma_wait3A] : memref<10240x128xf32, #tpu.memory_space<vmem_shared>> -> memref<128x128xf32, #tpu.memory_space<vmem_shared>>
      %dma_wait3A_112 = arith.constant 0 : i32
      %dma_wait3A_113 = tpu.memref_slice %arg10[%add3A_18, %dma_wait3A_112] : memref<10240x128xf32, #tpu.memory_space<vmem_shared>> -> memref<128x128xf32, #tpu.memory_space<vmem_shared>>
      tpu.wait_dma2 semaphore(%run_scoped3A : memref<!tpu.dma_semaphore, #tpu.memory_space<semaphore_mem>>) src(%arg8 : memref<128x128xf32, #tpu.memory_space<vmem>>) dst(%dma_wait3A_113 : memref<128x128xf32, #tpu.memory_space<vmem_shared>>)
      tpu.yield
    }) : () -> ()
    %mul3A_19 = arith.constant 640 : i32
    %mul3A_20 = arith.muli %arg1, %mul3A_19 : i32
    %add3A_21 = arith.constant 384 : i32
    %add3A_22 = arith.addi %mul3A_20, %add3A_21 : i32
    "tpu.region"() ({
      %run_scoped3A = tpu.sem_alloc : memref<!tpu.dma_semaphore, #tpu.memory_space<semaphore_mem>>
      %dma_start3A_107 = arith.constant 0 : i32
      %dma_start3A_108 = tpu.memref_slice %arg10[%add3A_22, %dma_start3A_107] : memref<10240x128xf32, #tpu.memory_space<vmem_shared>> -> memref<128x128xf32, #tpu.memory_space<vmem_shared>>
      %dma_start3A_109 = arith.constant 0 : i32
      %dma_start3A_110 = tpu.memref_slice %arg10[%add3A_22, %dma_start3A_109] : memref<10240x128xf32, #tpu.memory_space<vmem_shared>> -> memref<128x128xf32, #tpu.memory_space<vmem_shared>>
      tpu.enqueue_dma source(%arg8 : memref<128x128xf32, #tpu.memory_space<vmem>>) target(%dma_start3A_110 : memref<128x128xf32, #tpu.memory_space<vmem_shared>>) target_semaphore(%run_scoped3A : memref<!tpu.dma_semaphore, #tpu.memory_space<semaphore_mem>>)
      %dma_wait3A = arith.constant 0 : i32
      %dma_wait3A_111 = tpu.memref_slice %arg10[%add3A_22, %dma_wait3A] : memref<10240x128xf32, #tpu.memory_space<vmem_shared>> -> memref<128x128xf32, #tpu.memory_space<vmem_shared>>
      %dma_wait3A_112 = arith.constant 0 : i32
      %dma_wait3A_113 = tpu.memref_slice %arg10[%add3A_22, %dma_wait3A_112] : memref<10240x128xf32, #tpu.memory_space<vmem_shared>> -> memref<128x128xf32, #tpu.memory_space<vmem_shared>>
      tpu.wait_dma2 semaphore(%run_scoped3A : memref<!tpu.dma_semaphore, #tpu.memory_space<semaphore_mem>>) src(%arg8 : memref<128x128xf32, #tpu.memory_space<vmem>>) dst(%dma_wait3A_113 : memref<128x128xf32, #tpu.memory_space<vmem_shared>>)
      tpu.yield
    }) : () -> ()
    %mul3A_23 = arith.constant 640 : i32
    %mul3A_24 = arith.muli %arg1, %mul3A_23 : i32
    %add3A_25 = arith.constant 512 : i32
    %add3A_26 = arith.addi %mul3A_24, %add3A_25 : i32
    "tpu.region"() ({
      %run_scoped3A = tpu.sem_alloc : memref<!tpu.dma_semaphore, #tpu.memory_space<semaphore_mem>>
      %dma_start3A_107 = arith.constant 0 : i32
      %dma_start3A_108 = tpu.memref_slice %arg10[%add3A_26, %dma_start3A_107] : memref<10240x128xf32, #tpu.memory_space<vmem_shared>> -> memref<128x128xf32, #tpu.memory_space<vmem_shared>>
      %dma_start3A_109 = arith.constant 0 : i32
      %dma_start3A_110 = tpu.memref_slice %arg10[%add3A_26, %dma_start3A_109] : memref<10240x128xf32, #tpu.memory_space<vmem_shared>> -> memref<128x128xf32, #tpu.memory_space<vmem_shared>>
      tpu.enqueue_dma source(%arg8 : memref<128x128xf32, #tpu.memory_space<vmem>>) target(%dma_start3A_110 : memref<128x128xf32, #tpu.memory_space<vmem_shared>>) target_semaphore(%run_scoped3A : memref<!tpu.dma_semaphore, #tpu.memory_space<semaphore_mem>>)
      %dma_wait3A = arith.constant 0 : i32
      %dma_wait3A_111 = tpu.memref_slice %arg10[%add3A_26, %dma_wait3A] : memref<10240x128xf32, #tpu.memory_space<vmem_shared>> -> memref<128x128xf32, #tpu.memory_space<vmem_shared>>
      %dma_wait3A_112 = arith.constant 0 : i32
      %dma_wait3A_113 = tpu.memref_slice %arg10[%add3A_26, %dma_wait3A_112] : memref<10240x128xf32, #tpu.memory_space<vmem_shared>> -> memref<128x128xf32, #tpu.memory_space<vmem_shared>>
      tpu.wait_dma2 semaphore(%run_scoped3A : memref<!tpu.dma_semaphore, #tpu.memory_space<semaphore_mem>>) src(%arg8 : memref<128x128xf32, #tpu.memory_space<vmem>>) dst(%dma_wait3A_113 : memref<128x128xf32, #tpu.memory_space<vmem_shared>>)
      tpu.yield
    }) : () -> ()
    %barrier3A = arith.constant 0 : index
    tpu.barrier barrier_id(%barrier3A)
    %dma_start3A = arith.constant 0 : i32
    %dma_start3A_27 = arith.constant 0 : i32
    %dma_start3A_28 = arith.constant 0 : i32
    %dma_start3A_29 = tpu.memref_slice %arg6[%dma_start3A, %dma_start3A_27, %dma_start3A_28] : memref<2x16x128xi32, #tpu.memory_space<vmem>> -> memref<1x16x128xi32, #tpu.memory_space<vmem>>
    %dma_start3A_30 = tpu.memref_squeeze %dma_start3A_29 : memref<1x16x128xi32, #tpu.memory_space<vmem>> -> memref<16x128xi32, #tpu.memory_space<vmem>>
    %dma_start3A_31 = arith.constant 0 : i32
    %dma_start3A_32 = arith.constant 0 : i32
    %dma_start3A_33 = tpu.memref_slice %arg2[%add3A, %dma_start3A_31, %dma_start3A_32] : memref<32x80x128xi32, #tpu.memory_space<hbm>> -> memref<1x16x128xi32, #tpu.memory_space<hbm>>
    %dma_start3A_34 = tpu.memref_squeeze %dma_start3A_33 : memref<1x16x128xi32, #tpu.memory_space<hbm>> -> memref<16x128xi32, #tpu.memory_space<hbm>>
    %dma_start3A_35 = arith.constant 0 : i32
    %dma_start3A_36 = arith.constant 0 : i32
    %dma_start3A_37 = tpu.memref_slice %arg6[%dma_start3A, %dma_start3A_35, %dma_start3A_36] : memref<2x16x128xi32, #tpu.memory_space<vmem>> -> memref<1x16x128xi32, #tpu.memory_space<vmem>>
    %dma_start3A_38 = tpu.memref_squeeze %dma_start3A_37 : memref<1x16x128xi32, #tpu.memory_space<vmem>> -> memref<16x128xi32, #tpu.memory_space<vmem>>
    %dma_start3A_39 = arith.constant 0 : i32
    %dma_start3A_40 = arith.constant 0 : i32
    %dma_start3A_41 = tpu.memref_slice %arg2[%add3A, %dma_start3A_39, %dma_start3A_40] : memref<32x80x128xi32, #tpu.memory_space<hbm>> -> memref<1x16x128xi32, #tpu.memory_space<hbm>>
    %dma_start3A_42 = tpu.memref_squeeze %dma_start3A_41 : memref<1x16x128xi32, #tpu.memory_space<hbm>> -> memref<16x128xi32, #tpu.memory_space<hbm>>
    tpu.enqueue_dma source(%dma_start3A_42 : memref<16x128xi32, #tpu.memory_space<hbm>>) target(%dma_start3A_38 : memref<16x128xi32, #tpu.memory_space<vmem>>) target_semaphore(%arg11 : memref<!tpu.dma_semaphore, #tpu.memory_space<semaphore_mem>>)
    %dma_start3A_43 = arith.constant 0 : i32
    %dma_start3A_44 = arith.constant 0 : i32
    %dma_start3A_45 = arith.constant 0 : i32
    %dma_start3A_46 = tpu.memref_slice %arg7[%dma_start3A_43, %dma_start3A_44, %dma_start3A_45] : memref<2x16x128xi32, #tpu.memory_space<vmem>> -> memref<1x16x128xi32, #tpu.memory_space<vmem>>
    %dma_start3A_47 = tpu.memref_squeeze %dma_start3A_46 : memref<1x16x128xi32, #tpu.memory_space<vmem>> -> memref<16x128xi32, #tpu.memory_space<vmem>>
    %dma_start3A_48 = arith.constant 0 : i32
    %dma_start3A_49 = arith.constant 0 : i32
    %dma_start3A_50 = tpu.memref_slice %arg3[%add3A, %dma_start3A_48, %dma_start3A_49] : memref<32x80x128xi32, #tpu.memory_space<hbm>> -> memref<1x16x128xi32, #tpu.memory_space<hbm>>
    %dma_start3A_51 = tpu.memref_squeeze %dma_start3A_50 : memref<1x16x128xi32, #tpu.memory_space<hbm>> -> memref<16x128xi32, #tpu.memory_space<hbm>>
    %dma_start3A_52 = arith.constant 0 : i32
    %dma_start3A_53 = arith.constant 0 : i32
    %dma_start3A_54 = tpu.memref_slice %arg7[%dma_start3A_43, %dma_start3A_52, %dma_start3A_53] : memref<2x16x128xi32, #tpu.memory_space<vmem>> -> memref<1x16x128xi32, #tpu.memory_space<vmem>>
    %dma_start3A_55 = tpu.memref_squeeze %dma_start3A_54 : memref<1x16x128xi32, #tpu.memory_space<vmem>> -> memref<16x128xi32, #tpu.memory_space<vmem>>
    %dma_start3A_56 = arith.constant 0 : i32
    %dma_start3A_57 = arith.constant 0 : i32
    %dma_start3A_58 = tpu.memref_slice %arg3[%add3A, %dma_start3A_56, %dma_start3A_57] : memref<32x80x128xi32, #tpu.memory_space<hbm>> -> memref<1x16x128xi32, #tpu.memory_space<hbm>>
    %dma_start3A_59 = tpu.memref_squeeze %dma_start3A_58 : memref<1x16x128xi32, #tpu.memory_space<hbm>> -> memref<16x128xi32, #tpu.memory_space<hbm>>
    tpu.enqueue_dma source(%dma_start3A_59 : memref<16x128xi32, #tpu.memory_space<hbm>>) target(%dma_start3A_55 : memref<16x128xi32, #tpu.memory_space<vmem>>) target_semaphore(%arg11 : memref<!tpu.dma_semaphore, #tpu.memory_space<semaphore_mem>>)
    %scan3A_60 = arith.constant 0 : i32
    %scan3A_61 = arith.constant 0 : i32
    %scan3A_62 = arith.constant 5 : i32
    %scan3A_63 = arith.addi %scan3A_61, %scan3A_62 : i32
    %scan3A_64 = arith.constant 1 : i32
    scf.for %scan3A_107 = %scan3A_61 to %scan3A_63 step %scan3A_64  : i32 {
      %rem3A = arith.constant 2 : i32
      %rem3A_108 = arith.remsi %scan3A_107, %rem3A : i32
      %dma_wait3A = arith.constant 0 : i32
      %dma_wait3A_109 = arith.constant 0 : i32
      %dma_wait3A_110 = tpu.memref_slice %arg6[%rem3A_108, %dma_wait3A, %dma_wait3A_109] : memref<2x16x128xi32, #tpu.memory_space<vmem>> -> memref<1x16x128xi32, #tpu.memory_space<vmem>>
      %dma_wait3A_111 = tpu.memref_squeeze %dma_wait3A_110 : memref<1x16x128xi32, #tpu.memory_space<vmem>> -> memref<16x128xi32, #tpu.memory_space<vmem>>
      %dma_wait3A_112 = arith.constant 0 : i32
      %dma_wait3A_113 = arith.constant 0 : i32
      %dma_wait3A_114 = tpu.memref_slice %arg2[%add3A, %dma_wait3A_112, %dma_wait3A_113] : memref<32x80x128xi32, #tpu.memory_space<hbm>> -> memref<1x16x128xi32, #tpu.memory_space<hbm>>
      %dma_wait3A_115 = tpu.memref_squeeze %dma_wait3A_114 : memref<1x16x128xi32, #tpu.memory_space<hbm>> -> memref<16x128xi32, #tpu.memory_space<hbm>>
      %dma_wait3A_116 = arith.constant 0 : i32
      %dma_wait3A_117 = arith.constant 0 : i32
      %dma_wait3A_118 = tpu.memref_slice %arg6[%rem3A_108, %dma_wait3A_116, %dma_wait3A_117] : memref<2x16x128xi32, #tpu.memory_space<vmem>> -> memref<1x16x128xi32, #tpu.memory_space<vmem>>
      %dma_wait3A_119 = tpu.memref_squeeze %dma_wait3A_118 : memref<1x16x128xi32, #tpu.memory_space<vmem>> -> memref<16x128xi32, #tpu.memory_space<vmem>>
      %dma_wait3A_120 = arith.constant 0 : i32
      %dma_wait3A_121 = arith.constant 0 : i32
      %dma_wait3A_122 = tpu.memref_slice %arg2[%add3A, %dma_wait3A_120, %dma_wait3A_121] : memref<32x80x128xi32, #tpu.memory_space<hbm>> -> memref<1x16x128xi32, #tpu.memory_space<hbm>>
      %dma_wait3A_123 = tpu.memref_squeeze %dma_wait3A_122 : memref<1x16x128xi32, #tpu.memory_space<hbm>> -> memref<16x128xi32, #tpu.memory_space<hbm>>
      tpu.wait_dma2 semaphore(%arg11 : memref<!tpu.dma_semaphore, #tpu.memory_space<semaphore_mem>>) src(%dma_wait3A_123 : memref<16x128xi32, #tpu.memory_space<hbm>>) dst(%dma_wait3A_119 : memref<16x128xi32, #tpu.memory_space<vmem>>)
      %dma_wait3A_124 = arith.constant 0 : i32
      %dma_wait3A_125 = arith.constant 0 : i32
      %dma_wait3A_126 = tpu.memref_slice %arg7[%rem3A_108, %dma_wait3A_124, %dma_wait3A_125] : memref<2x16x128xi32, #tpu.memory_space<vmem>> -> memref<1x16x128xi32, #tpu.memory_space<vmem>>
      %dma_wait3A_127 = tpu.memref_squeeze %dma_wait3A_126 : memref<1x16x128xi32, #tpu.memory_space<vmem>> -> memref<16x128xi32, #tpu.memory_space<vmem>>
      %dma_wait3A_128 = arith.constant 0 : i32
      %dma_wait3A_129 = arith.constant 0 : i32
      %dma_wait3A_130 = tpu.memref_slice %arg3[%add3A, %dma_wait3A_128, %dma_wait3A_129] : memref<32x80x128xi32, #tpu.memory_space<hbm>> -> memref<1x16x128xi32, #tpu.memory_space<hbm>>
      %dma_wait3A_131 = tpu.memref_squeeze %dma_wait3A_130 : memref<1x16x128xi32, #tpu.memory_space<hbm>> -> memref<16x128xi32, #tpu.memory_space<hbm>>
      %dma_wait3A_132 = arith.constant 0 : i32
      %dma_wait3A_133 = arith.constant 0 : i32
      %dma_wait3A_134 = tpu.memref_slice %arg7[%rem3A_108, %dma_wait3A_132, %dma_wait3A_133] : memref<2x16x128xi32, #tpu.memory_space<vmem>> -> memref<1x16x128xi32, #tpu.memory_space<vmem>>
      %dma_wait3A_135 = tpu.memref_squeeze %dma_wait3A_134 : memref<1x16x128xi32, #tpu.memory_space<vmem>> -> memref<16x128xi32, #tpu.memory_space<vmem>>
      %dma_wait3A_136 = arith.constant 0 : i32
      %dma_wait3A_137 = arith.constant 0 : i32
      %dma_wait3A_138 = tpu.memref_slice %arg3[%add3A, %dma_wait3A_136, %dma_wait3A_137] : memref<32x80x128xi32, #tpu.memory_space<hbm>> -> memref<1x16x128xi32, #tpu.memory_space<hbm>>
      %dma_wait3A_139 = tpu.memref_squeeze %dma_wait3A_138 : memref<1x16x128xi32, #tpu.memory_space<hbm>> -> memref<16x128xi32, #tpu.memory_space<hbm>>
      tpu.wait_dma2 semaphore(%arg11 : memref<!tpu.dma_semaphore, #tpu.memory_space<semaphore_mem>>) src(%dma_wait3A_139 : memref<16x128xi32, #tpu.memory_space<hbm>>) dst(%dma_wait3A_135 : memref<16x128xi32, #tpu.memory_space<vmem>>)
      %add3A_140 = arith.constant 1 : i32
      %add3A_141 = arith.addi %scan3A_107, %add3A_140 : i32
      %lt3A = arith.constant 5 : i32
      %lt3A_142 = arith.cmpi slt, %add3A_141, %lt3A : i32
      %convert_element_type3A = arith.extui %lt3A_142 : i1 to i32
      %cond3A = arith.constant 0 : i32
      %cond3A_143 = arith.cmpi ne, %convert_element_type3A, %cond3A : i32
      scf.if %cond3A_143 {
        %add3A_592 = arith.constant 1 : i32
        %add3A_593 = arith.addi %scan3A_107, %add3A_592 : i32
        %sub3A = arith.constant 1 : i32
        %sub3A_594 = arith.subi %sub3A, %rem3A_108 : i32
        %mul3A_595 = arith.constant 16 : i32
        %mul3A_596 = arith.muli %add3A_593, %mul3A_595 : i32
        %dma_start3A_597 = arith.constant 0 : i32
        %dma_start3A_598 = arith.constant 0 : i32
        %dma_start3A_599 = tpu.memref_slice %arg6[%sub3A_594, %dma_start3A_597, %dma_start3A_598] : memref<2x16x128xi32, #tpu.memory_space<vmem>> -> memref<1x16x128xi32, #tpu.memory_space<vmem>>
        %dma_start3A_600 = tpu.memref_squeeze %dma_start3A_599 : memref<1x16x128xi32, #tpu.memory_space<vmem>> -> memref<16x128xi32, #tpu.memory_space<vmem>>
        %dma_start3A_601 = arith.constant 0 : i32
        %dma_start3A_602 = tpu.memref_slice %arg2[%add3A, %mul3A_596, %dma_start3A_601] : memref<32x80x128xi32, #tpu.memory_space<hbm>> -> memref<1x16x128xi32, #tpu.memory_space<hbm>>
        %dma_start3A_603 = tpu.memref_squeeze %dma_start3A_602 : memref<1x16x128xi32, #tpu.memory_space<hbm>> -> memref<16x128xi32, #tpu.memory_space<hbm>>
        %dma_start3A_604 = arith.constant 0 : i32
        %dma_start3A_605 = arith.constant 0 : i32
        %dma_start3A_606 = tpu.memref_slice %arg6[%sub3A_594, %dma_start3A_604, %dma_start3A_605] : memref<2x16x128xi32, #tpu.memory_space<vmem>> -> memref<1x16x128xi32, #tpu.memory_space<vmem>>
        %dma_start3A_607 = tpu.memref_squeeze %dma_start3A_606 : memref<1x16x128xi32, #tpu.memory_space<vmem>> -> memref<16x128xi32, #tpu.memory_space<vmem>>
        %dma_start3A_608 = arith.constant 0 : i32
        %dma_start3A_609 = tpu.memref_slice %arg2[%add3A, %mul3A_596, %dma_start3A_608] : memref<32x80x128xi32, #tpu.memory_space<hbm>> -> memref<1x16x128xi32, #tpu.memory_space<hbm>>
        %dma_start3A_610 = tpu.memref_squeeze %dma_start3A_609 : memref<1x16x128xi32, #tpu.memory_space<hbm>> -> memref<16x128xi32, #tpu.memory_space<hbm>>
        tpu.enqueue_dma source(%dma_start3A_610 : memref<16x128xi32, #tpu.memory_space<hbm>>) target(%dma_start3A_607 : memref<16x128xi32, #tpu.memory_space<vmem>>) target_semaphore(%arg11 : memref<!tpu.dma_semaphore, #tpu.memory_space<semaphore_mem>>)
        %mul3A_611 = arith.constant 16 : i32
        %mul3A_612 = arith.muli %add3A_593, %mul3A_611 : i32
        %dma_start3A_613 = arith.constant 0 : i32
        %dma_start3A_614 = arith.constant 0 : i32
        %dma_start3A_615 = tpu.memref_slice %arg7[%sub3A_594, %dma_start3A_613, %dma_start3A_614] : memref<2x16x128xi32, #tpu.memory_space<vmem>> -> memref<1x16x128xi32, #tpu.memory_space<vmem>>
        %dma_start3A_616 = tpu.memref_squeeze %dma_start3A_615 : memref<1x16x128xi32, #tpu.memory_space<vmem>> -> memref<16x128xi32, #tpu.memory_space<vmem>>
        %dma_start3A_617 = arith.constant 0 : i32
        %dma_start3A_618 = tpu.memref_slice %arg3[%add3A, %mul3A_612, %dma_start3A_617] : memref<32x80x128xi32, #tpu.memory_space<hbm>> -> memref<1x16x128xi32, #tpu.memory_space<hbm>>
        %dma_start3A_619 = tpu.memref_squeeze %dma_start3A_618 : memref<1x16x128xi32, #tpu.memory_space<hbm>> -> memref<16x128xi32, #tpu.memory_space<hbm>>
        %dma_start3A_620 = arith.constant 0 : i32
        %dma_start3A_621 = arith.constant 0 : i32
        %dma_start3A_622 = tpu.memref_slice %arg7[%sub3A_594, %dma_start3A_620, %dma_start3A_621] : memref<2x16x128xi32, #tpu.memory_space<vmem>> -> memref<1x16x128xi32, #tpu.memory_space<vmem>>
        %dma_start3A_623 = tpu.memref_squeeze %dma_start3A_622 : memref<1x16x128xi32, #tpu.memory_space<vmem>> -> memref<16x128xi32, #tpu.memory_space<vmem>>
        %dma_start3A_624 = arith.constant 0 : i32
        %dma_start3A_625 = tpu.memref_slice %arg3[%add3A, %mul3A_612, %dma_start3A_624] : memref<32x80x128xi32, #tpu.memory_space<hbm>> -> memref<1x16x128xi32, #tpu.memory_space<hbm>>
        %dma_start3A_626 = tpu.memref_squeeze %dma_start3A_625 : memref<1x16x128xi32, #tpu.memory_space<hbm>> -> memref<16x128xi32, #tpu.memory_space<hbm>>
        tpu.enqueue_dma source(%dma_start3A_626 : memref<16x128xi32, #tpu.memory_space<hbm>>) target(%dma_start3A_623 : memref<16x128xi32, #tpu.memory_space<vmem>>) target_semaphore(%arg11 : memref<!tpu.dma_semaphore, #tpu.memory_space<semaphore_mem>>)
      } else {
      }
      %dma_start3A_144 = arith.constant 0 : i32
      %dma_start3A_145 = arith.constant 0 : i32
      %dma_start3A_146 = tpu.memref_slice %arg6[%rem3A_108, %dma_start3A_144, %dma_start3A_145] : memref<2x16x128xi32, #tpu.memory_space<vmem>> -> memref<1x1x128xi32, #tpu.memory_space<vmem>>
      %dma_start3A_147 = tpu.memref_squeeze %dma_start3A_146 : memref<1x1x128xi32, #tpu.memory_space<vmem>> -> memref<128xi32, #tpu.memory_space<vmem>>
      %dma_start3A_148 = arith.constant 0 : i32
      %dma_start3A_149 = arith.constant 0 : i32
      %dma_start3A_150 = tpu.memref_slice %arg4[%dma_start3A_148, %dma_start3A_149] : memref<20000x128xf32, #tpu.memory_space<hbm>> -> memref<20000x128xf32, #tpu.memory_space<hbm>>
      tpu.enqueue_indirect_dma source(%dma_start3A_150 : memref<20000x128xf32, #tpu.memory_space<hbm>>) target(%arg8 : memref<128x128xf32, #tpu.memory_space<vmem>>) offsets(%dma_start3A_147 : memref<128xi32, #tpu.memory_space<vmem>>) semaphore(%arg12 : memref<!tpu.dma_semaphore, #tpu.memory_space<semaphore_mem>>)
      %dma_wait3A_151 = arith.constant 0 : i32
      %dma_wait3A_152 = arith.constant 0 : i32
      %dma_wait3A_153 = tpu.memref_slice %arg6[%rem3A_108, %dma_wait3A_151, %dma_wait3A_152] : memref<2x16x128xi32, #tpu.memory_space<vmem>> -> memref<1x1x128xi32, #tpu.memory_space<vmem>>
      %dma_wait3A_154 = tpu.memref_squeeze %dma_wait3A_153 : memref<1x1x128xi32, #tpu.memory_space<vmem>> -> memref<128xi32, #tpu.memory_space<vmem>>
      %dma_wait3A_155 = arith.constant 0 : i32
      %dma_wait3A_156 = arith.constant 0 : i32
      %dma_wait3A_157 = tpu.memref_slice %arg4[%dma_wait3A_155, %dma_wait3A_156] : memref<20000x128xf32, #tpu.memory_space<hbm>> -> memref<20000x128xf32, #tpu.memory_space<hbm>>
      tpu.wait_indirect_dma semaphore(%arg12 : memref<!tpu.dma_semaphore, #tpu.memory_space<semaphore_mem>>) src(%dma_wait3A_157 : memref<20000x128xf32, #tpu.memory_space<hbm>>) dst(%arg8 : memref<128x128xf32, #tpu.memory_space<vmem>>)
      %dma_start3A_158 = arith.constant 0 : i32
      %dma_start3A_159 = arith.constant 0 : i32
      %dma_start3A_160 = tpu.memref_slice %arg7[%rem3A_108, %dma_start3A_158, %dma_start3A_159] : memref<2x16x128xi32, #tpu.memory_space<vmem>> -> memref<1x1x128xi32, #tpu.memory_space<vmem>>
      %dma_start3A_161 = tpu.memref_squeeze %dma_start3A_160 : memref<1x1x128xi32, #tpu.memory_space<vmem>> -> memref<128xi32, #tpu.memory_space<vmem>>
      %dma_start3A_162 = arith.constant 0 : i32
      %dma_start3A_163 = arith.constant 0 : i32
      %dma_start3A_164 = tpu.memref_slice %arg10[%dma_start3A_162, %dma_start3A_163] : memref<10240x128xf32, #tpu.memory_space<vmem_shared>> -> memref<10240x128xf32, #tpu.memory_space<vmem_shared>>
      tpu.enqueue_indirect_dma source(%arg8 : memref<128x128xf32, #tpu.memory_space<vmem>>) target(%dma_start3A_164 : memref<10240x128xf32, #tpu.memory_space<vmem_shared>>) offsets(%dma_start3A_161 : memref<128xi32, #tpu.memory_space<vmem>>) semaphore(%arg14 : memref<!tpu.dma_semaphore, #tpu.memory_space<semaphore_mem>>) {add = true}
      %dma_start3A_165 = arith.constant 1 : i32
      %dma_start3A_166 = arith.constant 0 : i32
      %dma_start3A_167 = tpu.memref_slice %arg6[%rem3A_108, %dma_start3A_165, %dma_start3A_166] : memref<2x16x128xi32, #tpu.memory_space<vmem>> -> memref<1x1x128xi32, #tpu.memory_space<vmem>>
      %dma_start3A_168 = tpu.memref_squeeze %dma_start3A_167 : memref<1x1x128xi32, #tpu.memory_space<vmem>> -> memref<128xi32, #tpu.memory_space<vmem>>
      %dma_start3A_169 = arith.constant 0 : i32
      %dma_start3A_170 = arith.constant 0 : i32
      %dma_start3A_171 = tpu.memref_slice %arg4[%dma_start3A_169, %dma_start3A_170] : memref<20000x128xf32, #tpu.memory_space<hbm>> -> memref<20000x128xf32, #tpu.memory_space<hbm>>
      tpu.enqueue_indirect_dma source(%dma_start3A_171 : memref<20000x128xf32, #tpu.memory_space<hbm>>) target(%arg9 : memref<128x128xf32, #tpu.memory_space<vmem>>) offsets(%dma_start3A_168 : memref<128xi32, #tpu.memory_space<vmem>>) semaphore(%arg13 : memref<!tpu.dma_semaphore, #tpu.memory_space<semaphore_mem>>)
      %dma_wait3A_172 = arith.constant 0 : i32
      %dma_wait3A_173 = arith.constant 0 : i32
      %dma_wait3A_174 = tpu.memref_slice %arg6[%rem3A_108, %dma_wait3A_172, %dma_wait3A_173] : memref<2x16x128xi32, #tpu.memory_space<vmem>> -> memref<1x1x128xi32, #tpu.memory_space<vmem>>
      %dma_wait3A_175 = tpu.memref_squeeze %dma_wait3A_174 : memref<1x1x128xi32, #tpu.memory_space<vmem>> -> memref<128xi32, #tpu.memory_space<vmem>>
      %dma_wait3A_176 = arith.constant 0 : i32
      %dma_wait3A_177 = arith.constant 0 : i32
      %dma_wait3A_178 = tpu.memref_slice %arg4[%dma_wait3A_176, %dma_wait3A_177] : memref<20000x128xf32, #tpu.memory_space<hbm>> -> memref<20000x128xf32, #tpu.memory_space<hbm>>
      tpu.wait_indirect_dma semaphore(%arg13 : memref<!tpu.dma_semaphore, #tpu.memory_space<semaphore_mem>>) src(%dma_wait3A_178 : memref<20000x128xf32, #tpu.memory_space<hbm>>) dst(%arg9 : memref<128x128xf32, #tpu.memory_space<vmem>>)
      %dma_start3A_179 = arith.constant 1 : i32
      %dma_start3A_180 = arith.constant 0 : i32
      %dma_start3A_181 = tpu.memref_slice %arg7[%rem3A_108, %dma_start3A_179, %dma_start3A_180] : memref<2x16x128xi32, #tpu.memory_space<vmem>> -> memref<1x1x128xi32, #tpu.memory_space<vmem>>
      %dma_start3A_182 = tpu.memref_squeeze %dma_start3A_181 : memref<1x1x128xi32, #tpu.memory_space<vmem>> -> memref<128xi32, #tpu.memory_space<vmem>>
      %dma_start3A_183 = arith.constant 0 : i32
      %dma_start3A_184 = arith.constant 0 : i32
      %dma_start3A_185 = tpu.memref_slice %arg10[%dma_start3A_183, %dma_start3A_184] : memref<10240x128xf32, #tpu.memory_space<vmem_shared>> -> memref<10240x128xf32, #tpu.memory_space<vmem_shared>>
      tpu.enqueue_indirect_dma source(%arg9 : memref<128x128xf32, #tpu.memory_space<vmem>>) target(%dma_start3A_185 : memref<10240x128xf32, #tpu.memory_space<vmem_shared>>) offsets(%dma_start3A_182 : memref<128xi32, #tpu.memory_space<vmem>>) semaphore(%arg15 : memref<!tpu.dma_semaphore, #tpu.memory_space<semaphore_mem>>) {add = true}
      %dma_wait3A_186 = arith.constant 0 : i32
      %dma_wait3A_187 = arith.constant 0 : i32
      %dma_wait3A_188 = tpu.memref_slice %arg7[%rem3A_108, %dma_wait3A_186, %dma_wait3A_187] : memref<2x16x128xi32, #tpu.memory_space<vmem>> -> memref<1x1x128xi32, #tpu.memory_space<vmem>>
      %dma_wait3A_189 = tpu.memref_squeeze %dma_wait3A_188 : memref<1x1x128xi32, #tpu.memory_space<vmem>> -> memref<128xi32, #tpu.memory_space<vmem>>
      %dma_wait3A_190 = arith.constant 0 : i32
      %dma_wait3A_191 = arith.constant 0 : i32
      %dma_wait3A_192 = tpu.memref_slice %arg10[%dma_wait3A_190, %dma_wait3A_191] : memref<10240x128xf32, #tpu.memory_space<vmem_shared>> -> memref<10240x128xf32, #tpu.memory_space<vmem_shared>>
      tpu.wait_indirect_dma semaphore(%arg14 : memref<!tpu.dma_semaphore, #tpu.memory_space<semaphore_mem>>) src(%arg8 : memref<128x128xf32, #tpu.memory_space<vmem>>) dst(%dma_wait3A_192 : memref<10240x128xf32, #tpu.memory_space<vmem_shared>>)
      %dma_start3A_193 = arith.constant 2 : i32
      %dma_start3A_194 = arith.constant 0 : i32
      %dma_start3A_195 = tpu.memref_slice %arg6[%rem3A_108, %dma_start3A_193, %dma_start3A_194] : memref<2x16x128xi32, #tpu.memory_space<vmem>> -> memref<1x1x128xi32, #tpu.memory_space<vmem>>
      %dma_start3A_196 = tpu.memref_squeeze %dma_start3A_195 : memref<1x1x128xi32, #tpu.memory_space<vmem>> -> memref<128xi32, #tpu.memory_space<vmem>>
      %dma_start3A_197 = arith.constant 0 : i32
      %dma_start3A_198 = arith.constant 0 : i32
      %dma_start3A_199 = tpu.memref_slice %arg4[%dma_start3A_197, %dma_start3A_198] : memref<20000x128xf32, #tpu.memory_space<hbm>> -> memref<20000x128xf32, #tpu.memory_space<hbm>>
      tpu.enqueue_indirect_dma source(%dma_start3A_199 : memref<20000x128xf32, #tpu.memory_space<hbm>>) target(%arg8 : memref<128x128xf32, #tpu.memory_space<vmem>>) offsets(%dma_start3A_196 : memref<128xi32, #tpu.memory_space<vmem>>) semaphore(%arg12 : memref<!tpu.dma_semaphore, #tpu.memory_space<semaphore_mem>>)
      %dma_wait3A_200 = arith.constant 0 : i32
      %dma_wait3A_201 = arith.constant 0 : i32
      %dma_wait3A_202 = tpu.memref_slice %arg6[%rem3A_108, %dma_wait3A_200, %dma_wait3A_201] : memref<2x16x128xi32, #tpu.memory_space<vmem>> -> memref<1x1x128xi32, #tpu.memory_space<vmem>>
      %dma_wait3A_203 = tpu.memref_squeeze %dma_wait3A_202 : memref<1x1x128xi32, #tpu.memory_space<vmem>> -> memref<128xi32, #tpu.memory_space<vmem>>
      %dma_wait3A_204 = arith.constant 0 : i32
      %dma_wait3A_205 = arith.constant 0 : i32
      %dma_wait3A_206 = tpu.memref_slice %arg4[%dma_wait3A_204, %dma_wait3A_205] : memref<20000x128xf32, #tpu.memory_space<hbm>> -> memref<20000x128xf32, #tpu.memory_space<hbm>>
      tpu.wait_indirect_dma semaphore(%arg12 : memref<!tpu.dma_semaphore, #tpu.memory_space<semaphore_mem>>) src(%dma_wait3A_206 : memref<20000x128xf32, #tpu.memory_space<hbm>>) dst(%arg8 : memref<128x128xf32, #tpu.memory_space<vmem>>)
      %dma_start3A_207 = arith.constant 2 : i32
      %dma_start3A_208 = arith.constant 0 : i32
      %dma_start3A_209 = tpu.memref_slice %arg7[%rem3A_108, %dma_start3A_207, %dma_start3A_208] : memref<2x16x128xi32, #tpu.memory_space<vmem>> -> memref<1x1x128xi32, #tpu.memory_space<vmem>>
      %dma_start3A_210 = tpu.memref_squeeze %dma_start3A_209 : memref<1x1x128xi32, #tpu.memory_space<vmem>> -> memref<128xi32, #tpu.memory_space<vmem>>
      %dma_start3A_211 = arith.constant 0 : i32
      %dma_start3A_212 = arith.constant 0 : i32
      %dma_start3A_213 = tpu.memref_slice %arg10[%dma_start3A_211, %dma_start3A_212] : memref<10240x128xf32, #tpu.memory_space<vmem_shared>> -> memref<10240x128xf32, #tpu.memory_space<vmem_shared>>
      tpu.enqueue_indirect_dma source(%arg8 : memref<128x128xf32, #tpu.memory_space<vmem>>) target(%dma_start3A_213 : memref<10240x128xf32, #tpu.memory_space<vmem_shared>>) offsets(%dma_start3A_210 : memref<128xi32, #tpu.memory_space<vmem>>) semaphore(%arg14 : memref<!tpu.dma_semaphore, #tpu.memory_space<semaphore_mem>>) {add = true}
      %dma_wait3A_214 = arith.constant 0 : i32
      %dma_wait3A_215 = arith.constant 0 : i32
      %dma_wait3A_216 = tpu.memref_slice %arg7[%rem3A_108, %dma_wait3A_214, %dma_wait3A_215] : memref<2x16x128xi32, #tpu.memory_space<vmem>> -> memref<1x1x128xi32, #tpu.memory_space<vmem>>
      %dma_wait3A_217 = tpu.memref_squeeze %dma_wait3A_216 : memref<1x1x128xi32, #tpu.memory_space<vmem>> -> memref<128xi32, #tpu.memory_space<vmem>>
      %dma_wait3A_218 = arith.constant 0 : i32
      %dma_wait3A_219 = arith.constant 0 : i32
      %dma_wait3A_220 = tpu.memref_slice %arg10[%dma_wait3A_218, %dma_wait3A_219] : memref<10240x128xf32, #tpu.memory_space<vmem_shared>> -> memref<10240x128xf32, #tpu.memory_space<vmem_shared>>
      tpu.wait_indirect_dma semaphore(%arg15 : memref<!tpu.dma_semaphore, #tpu.memory_space<semaphore_mem>>) src(%arg9 : memref<128x128xf32, #tpu.memory_space<vmem>>) dst(%dma_wait3A_220 : memref<10240x128xf32, #tpu.memory_space<vmem_shared>>)
      %dma_start3A_221 = arith.constant 3 : i32
      %dma_start3A_222 = arith.constant 0 : i32
      %dma_start3A_223 = tpu.memref_slice %arg6[%rem3A_108, %dma_start3A_221, %dma_start3A_222] : memref<2x16x128xi32, #tpu.memory_space<vmem>> -> memref<1x1x128xi32, #tpu.memory_space<vmem>>
      %dma_start3A_224 = tpu.memref_squeeze %dma_start3A_223 : memref<1x1x128xi32, #tpu.memory_space<vmem>> -> memref<128xi32, #tpu.memory_space<vmem>>
      %dma_start3A_225 = arith.constant 0 : i32
      %dma_start3A_226 = arith.constant 0 : i32
      %dma_start3A_227 = tpu.memref_slice %arg4[%dma_start3A_225, %dma_start3A_226] : memref<20000x128xf32, #tpu.memory_space<hbm>> -> memref<20000x128xf32, #tpu.memory_space<hbm>>
      tpu.enqueue_indirect_dma source(%dma_start3A_227 : memref<20000x128xf32, #tpu.memory_space<hbm>>) target(%arg9 : memref<128x128xf32, #tpu.memory_space<vmem>>) offsets(%dma_start3A_224 : memref<128xi32, #tpu.memory_space<vmem>>) semaphore(%arg13 : memref<!tpu.dma_semaphore, #tpu.memory_space<semaphore_mem>>)
      %dma_wait3A_228 = arith.constant 0 : i32
      %dma_wait3A_229 = arith.constant 0 : i32
      %dma_wait3A_230 = tpu.memref_slice %arg6[%rem3A_108, %dma_wait3A_228, %dma_wait3A_229] : memref<2x16x128xi32, #tpu.memory_space<vmem>> -> memref<1x1x128xi32, #tpu.memory_space<vmem>>
      %dma_wait3A_231 = tpu.memref_squeeze %dma_wait3A_230 : memref<1x1x128xi32, #tpu.memory_space<vmem>> -> memref<128xi32, #tpu.memory_space<vmem>>
      %dma_wait3A_232 = arith.constant 0 : i32
      %dma_wait3A_233 = arith.constant 0 : i32
      %dma_wait3A_234 = tpu.memref_slice %arg4[%dma_wait3A_232, %dma_wait3A_233] : memref<20000x128xf32, #tpu.memory_space<hbm>> -> memref<20000x128xf32, #tpu.memory_space<hbm>>
      tpu.wait_indirect_dma semaphore(%arg13 : memref<!tpu.dma_semaphore, #tpu.memory_space<semaphore_mem>>) src(%dma_wait3A_234 : memref<20000x128xf32, #tpu.memory_space<hbm>>) dst(%arg9 : memref<128x128xf32, #tpu.memory_space<vmem>>)
      %dma_start3A_235 = arith.constant 3 : i32
      %dma_start3A_236 = arith.constant 0 : i32
      %dma_start3A_237 = tpu.memref_slice %arg7[%rem3A_108, %dma_start3A_235, %dma_start3A_236] : memref<2x16x128xi32, #tpu.memory_space<vmem>> -> memref<1x1x128xi32, #tpu.memory_space<vmem>>
      %dma_start3A_238 = tpu.memref_squeeze %dma_start3A_237 : memref<1x1x128xi32, #tpu.memory_space<vmem>> -> memref<128xi32, #tpu.memory_space<vmem>>
      %dma_start3A_239 = arith.constant 0 : i32
      %dma_start3A_240 = arith.constant 0 : i32
      %dma_start3A_241 = tpu.memref_slice %arg10[%dma_start3A_239, %dma_start3A_240] : memref<10240x128xf32, #tpu.memory_space<vmem_shared>> -> memref<10240x128xf32, #tpu.memory_space<vmem_shared>>
      tpu.enqueue_indirect_dma source(%arg9 : memref<128x128xf32, #tpu.memory_space<vmem>>) target(%dma_start3A_241 : memref<10240x128xf32, #tpu.memory_space<vmem_shared>>) offsets(%dma_start3A_238 : memref<128xi32, #tpu.memory_space<vmem>>) semaphore(%arg15 : memref<!tpu.dma_semaphore, #tpu.memory_space<semaphore_mem>>) {add = true}
      %dma_wait3A_242 = arith.constant 0 : i32
      %dma_wait3A_243 = arith.constant 0 : i32
      %dma_wait3A_244 = tpu.memref_slice %arg7[%rem3A_108, %dma_wait3A_242, %dma_wait3A_243] : memref<2x16x128xi32, #tpu.memory_space<vmem>> -> memref<1x1x128xi32, #tpu.memory_space<vmem>>
      %dma_wait3A_245 = tpu.memref_squeeze %dma_wait3A_244 : memref<1x1x128xi32, #tpu.memory_space<vmem>> -> memref<128xi32, #tpu.memory_space<vmem>>
      %dma_wait3A_246 = arith.constant 0 : i32
      %dma_wait3A_247 = arith.constant 0 : i32
      %dma_wait3A_248 = tpu.memref_slice %arg10[%dma_wait3A_246, %dma_wait3A_247] : memref<10240x128xf32, #tpu.memory_space<vmem_shared>> -> memref<10240x128xf32, #tpu.memory_space<vmem_shared>>
      tpu.wait_indirect_dma semaphore(%arg14 : memref<!tpu.dma_semaphore, #tpu.memory_space<semaphore_mem>>) src(%arg8 : memref<128x128xf32, #tpu.memory_space<vmem>>) dst(%dma_wait3A_248 : memref<10240x128xf32, #tpu.memory_space<vmem_shared>>)
      %dma_start3A_249 = arith.constant 4 : i32
      %dma_start3A_250 = arith.constant 0 : i32
      %dma_start3A_251 = tpu.memref_slice %arg6[%rem3A_108, %dma_start3A_249, %dma_start3A_250] : memref<2x16x128xi32, #tpu.memory_space<vmem>> -> memref<1x1x128xi32, #tpu.memory_space<vmem>>
      %dma_start3A_252 = tpu.memref_squeeze %dma_start3A_251 : memref<1x1x128xi32, #tpu.memory_space<vmem>> -> memref<128xi32, #tpu.memory_space<vmem>>
      %dma_start3A_253 = arith.constant 0 : i32
      %dma_start3A_254 = arith.constant 0 : i32
      %dma_start3A_255 = tpu.memref_slice %arg4[%dma_start3A_253, %dma_start3A_254] : memref<20000x128xf32, #tpu.memory_space<hbm>> -> memref<20000x128xf32, #tpu.memory_space<hbm>>
      tpu.enqueue_indirect_dma source(%dma_start3A_255 : memref<20000x128xf32, #tpu.memory_space<hbm>>) target(%arg8 : memref<128x128xf32, #tpu.memory_space<vmem>>) offsets(%dma_start3A_252 : memref<128xi32, #tpu.memory_space<vmem>>) semaphore(%arg12 : memref<!tpu.dma_semaphore, #tpu.memory_space<semaphore_mem>>)
      %dma_wait3A_256 = arith.constant 0 : i32
      %dma_wait3A_257 = arith.constant 0 : i32
      %dma_wait3A_258 = tpu.memref_slice %arg6[%rem3A_108, %dma_wait3A_256, %dma_wait3A_257] : memref<2x16x128xi32, #tpu.memory_space<vmem>> -> memref<1x1x128xi32, #tpu.memory_space<vmem>>
      %dma_wait3A_259 = tpu.memref_squeeze %dma_wait3A_258 : memref<1x1x128xi32, #tpu.memory_space<vmem>> -> memref<128xi32, #tpu.memory_space<vmem>>
      %dma_wait3A_260 = arith.constant 0 : i32
      %dma_wait3A_261 = arith.constant 0 : i32
      %dma_wait3A_262 = tpu.memref_slice %arg4[%dma_wait3A_260, %dma_wait3A_261] : memref<20000x128xf32, #tpu.memory_space<hbm>> -> memref<20000x128xf32, #tpu.memory_space<hbm>>
      tpu.wait_indirect_dma semaphore(%arg12 : memref<!tpu.dma_semaphore, #tpu.memory_space<semaphore_mem>>) src(%dma_wait3A_262 : memref<20000x128xf32, #tpu.memory_space<hbm>>) dst(%arg8 : memref<128x128xf32, #tpu.memory_space<vmem>>)
      %dma_start3A_263 = arith.constant 4 : i32
      %dma_start3A_264 = arith.constant 0 : i32
      %dma_start3A_265 = tpu.memref_slice %arg7[%rem3A_108, %dma_start3A_263, %dma_start3A_264] : memref<2x16x128xi32, #tpu.memory_space<vmem>> -> memref<1x1x128xi32, #tpu.memory_space<vmem>>
      %dma_start3A_266 = tpu.memref_squeeze %dma_start3A_265 : memref<1x1x128xi32, #tpu.memory_space<vmem>> -> memref<128xi32, #tpu.memory_space<vmem>>
      %dma_start3A_267 = arith.constant 0 : i32
      %dma_start3A_268 = arith.constant 0 : i32
      %dma_start3A_269 = tpu.memref_slice %arg10[%dma_start3A_267, %dma_start3A_268] : memref<10240x128xf32, #tpu.memory_space<vmem_shared>> -> memref<10240x128xf32, #tpu.memory_space<vmem_shared>>
      tpu.enqueue_indirect_dma source(%arg8 : memref<128x128xf32, #tpu.memory_space<vmem>>) target(%dma_start3A_269 : memref<10240x128xf32, #tpu.memory_space<vmem_shared>>) offsets(%dma_start3A_266 : memref<128xi32, #tpu.memory_space<vmem>>) semaphore(%arg14 : memref<!tpu.dma_semaphore, #tpu.memory_space<semaphore_mem>>) {add = true}
      %dma_wait3A_270 = arith.constant 0 : i32
      %dma_wait3A_271 = arith.constant 0 : i32
      %dma_wait3A_272 = tpu.memref_slice %arg7[%rem3A_108, %dma_wait3A_270, %dma_wait3A_271] : memref<2x16x128xi32, #tpu.memory_space<vmem>> -> memref<1x1x128xi32, #tpu.memory_space<vmem>>
      %dma_wait3A_273 = tpu.memref_squeeze %dma_wait3A_272 : memref<1x1x128xi32, #tpu.memory_space<vmem>> -> memref<128xi32, #tpu.memory_space<vmem>>
      %dma_wait3A_274 = arith.constant 0 : i32
      %dma_wait3A_275 = arith.constant 0 : i32
      %dma_wait3A_276 = tpu.memref_slice %arg10[%dma_wait3A_274, %dma_wait3A_275] : memref<10240x128xf32, #tpu.memory_space<vmem_shared>> -> memref<10240x128xf32, #tpu.memory_space<vmem_shared>>
      tpu.wait_indirect_dma semaphore(%arg15 : memref<!tpu.dma_semaphore, #tpu.memory_space<semaphore_mem>>) src(%arg9 : memref<128x128xf32, #tpu.memory_space<vmem>>) dst(%dma_wait3A_276 : memref<10240x128xf32, #tpu.memory_space<vmem_shared>>)
      %dma_start3A_277 = arith.constant 5 : i32
      %dma_start3A_278 = arith.constant 0 : i32
      %dma_start3A_279 = tpu.memref_slice %arg6[%rem3A_108, %dma_start3A_277, %dma_start3A_278] : memref<2x16x128xi32, #tpu.memory_space<vmem>> -> memref<1x1x128xi32, #tpu.memory_space<vmem>>
      %dma_start3A_280 = tpu.memref_squeeze %dma_start3A_279 : memref<1x1x128xi32, #tpu.memory_space<vmem>> -> memref<128xi32, #tpu.memory_space<vmem>>
      %dma_start3A_281 = arith.constant 0 : i32
      %dma_start3A_282 = arith.constant 0 : i32
      %dma_start3A_283 = tpu.memref_slice %arg4[%dma_start3A_281, %dma_start3A_282] : memref<20000x128xf32, #tpu.memory_space<hbm>> -> memref<20000x128xf32, #tpu.memory_space<hbm>>
      tpu.enqueue_indirect_dma source(%dma_start3A_283 : memref<20000x128xf32, #tpu.memory_space<hbm>>) target(%arg9 : memref<128x128xf32, #tpu.memory_space<vmem>>) offsets(%dma_start3A_280 : memref<128xi32, #tpu.memory_space<vmem>>) semaphore(%arg13 : memref<!tpu.dma_semaphore, #tpu.memory_space<semaphore_mem>>)
      %dma_wait3A_284 = arith.constant 0 : i32
      %dma_wait3A_285 = arith.constant 0 : i32
      %dma_wait3A_286 = tpu.memref_slice %arg6[%rem3A_108, %dma_wait3A_284, %dma_wait3A_285] : memref<2x16x128xi32, #tpu.memory_space<vmem>> -> memref<1x1x128xi32, #tpu.memory_space<vmem>>
      %dma_wait3A_287 = tpu.memref_squeeze %dma_wait3A_286 : memref<1x1x128xi32, #tpu.memory_space<vmem>> -> memref<128xi32, #tpu.memory_space<vmem>>
      %dma_wait3A_288 = arith.constant 0 : i32
      %dma_wait3A_289 = arith.constant 0 : i32
      %dma_wait3A_290 = tpu.memref_slice %arg4[%dma_wait3A_288, %dma_wait3A_289] : memref<20000x128xf32, #tpu.memory_space<hbm>> -> memref<20000x128xf32, #tpu.memory_space<hbm>>
      tpu.wait_indirect_dma semaphore(%arg13 : memref<!tpu.dma_semaphore, #tpu.memory_space<semaphore_mem>>) src(%dma_wait3A_290 : memref<20000x128xf32, #tpu.memory_space<hbm>>) dst(%arg9 : memref<128x128xf32, #tpu.memory_space<vmem>>)
      %dma_start3A_291 = arith.constant 5 : i32
      %dma_start3A_292 = arith.constant 0 : i32
      %dma_start3A_293 = tpu.memref_slice %arg7[%rem3A_108, %dma_start3A_291, %dma_start3A_292] : memref<2x16x128xi32, #tpu.memory_space<vmem>> -> memref<1x1x128xi32, #tpu.memory_space<vmem>>
      %dma_start3A_294 = tpu.memref_squeeze %dma_start3A_293 : memref<1x1x128xi32, #tpu.memory_space<vmem>> -> memref<128xi32, #tpu.memory_space<vmem>>
      %dma_start3A_295 = arith.constant 0 : i32
      %dma_start3A_296 = arith.constant 0 : i32
      %dma_start3A_297 = tpu.memref_slice %arg10[%dma_start3A_295, %dma_start3A_296] : memref<10240x128xf32, #tpu.memory_space<vmem_shared>> -> memref<10240x128xf32, #tpu.memory_space<vmem_shared>>
      tpu.enqueue_indirect_dma source(%arg9 : memref<128x128xf32, #tpu.memory_space<vmem>>) target(%dma_start3A_297 : memref<10240x128xf32, #tpu.memory_space<vmem_shared>>) offsets(%dma_start3A_294 : memref<128xi32, #tpu.memory_space<vmem>>) semaphore(%arg15 : memref<!tpu.dma_semaphore, #tpu.memory_space<semaphore_mem>>) {add = true}
      %dma_wait3A_298 = arith.constant 0 : i32
      %dma_wait3A_299 = arith.constant 0 : i32
      %dma_wait3A_300 = tpu.memref_slice %arg7[%rem3A_108, %dma_wait3A_298, %dma_wait3A_299] : memref<2x16x128xi32, #tpu.memory_space<vmem>> -> memref<1x1x128xi32, #tpu.memory_space<vmem>>
      %dma_wait3A_301 = tpu.memref_squeeze %dma_wait3A_300 : memref<1x1x128xi32, #tpu.memory_space<vmem>> -> memref<128xi32, #tpu.memory_space<vmem>>
      %dma_wait3A_302 = arith.constant 0 : i32
      %dma_wait3A_303 = arith.constant 0 : i32
      %dma_wait3A_304 = tpu.memref_slice %arg10[%dma_wait3A_302, %dma_wait3A_303] : memref<10240x128xf32, #tpu.memory_space<vmem_shared>> -> memref<10240x128xf32, #tpu.memory_space<vmem_shared>>
      tpu.wait_indirect_dma semaphore(%arg14 : memref<!tpu.dma_semaphore, #tpu.memory_space<semaphore_mem>>) src(%arg8 : memref<128x128xf32, #tpu.memory_space<vmem>>) dst(%dma_wait3A_304 : memref<10240x128xf32, #tpu.memory_space<vmem_shared>>)
      %dma_start3A_305 = arith.constant 6 : i32
      %dma_start3A_306 = arith.constant 0 : i32
      %dma_start3A_307 = tpu.memref_slice %arg6[%rem3A_108, %dma_start3A_305, %dma_start3A_306] : memref<2x16x128xi32, #tpu.memory_space<vmem>> -> memref<1x1x128xi32, #tpu.memory_space<vmem>>
      %dma_start3A_308 = tpu.memref_squeeze %dma_start3A_307 : memref<1x1x128xi32, #tpu.memory_space<vmem>> -> memref<128xi32, #tpu.memory_space<vmem>>
      %dma_start3A_309 = arith.constant 0 : i32
      %dma_start3A_310 = arith.constant 0 : i32
      %dma_start3A_311 = tpu.memref_slice %arg4[%dma_start3A_309, %dma_start3A_310] : memref<20000x128xf32, #tpu.memory_space<hbm>> -> memref<20000x128xf32, #tpu.memory_space<hbm>>
      tpu.enqueue_indirect_dma source(%dma_start3A_311 : memref<20000x128xf32, #tpu.memory_space<hbm>>) target(%arg8 : memref<128x128xf32, #tpu.memory_space<vmem>>) offsets(%dma_start3A_308 : memref<128xi32, #tpu.memory_space<vmem>>) semaphore(%arg12 : memref<!tpu.dma_semaphore, #tpu.memory_space<semaphore_mem>>)
      %dma_wait3A_312 = arith.constant 0 : i32
      %dma_wait3A_313 = arith.constant 0 : i32
      %dma_wait3A_314 = tpu.memref_slice %arg6[%rem3A_108, %dma_wait3A_312, %dma_wait3A_313] : memref<2x16x128xi32, #tpu.memory_space<vmem>> -> memref<1x1x128xi32, #tpu.memory_space<vmem>>
      %dma_wait3A_315 = tpu.memref_squeeze %dma_wait3A_314 : memref<1x1x128xi32, #tpu.memory_space<vmem>> -> memref<128xi32, #tpu.memory_space<vmem>>
      %dma_wait3A_316 = arith.constant 0 : i32
      %dma_wait3A_317 = arith.constant 0 : i32
      %dma_wait3A_318 = tpu.memref_slice %arg4[%dma_wait3A_316, %dma_wait3A_317] : memref<20000x128xf32, #tpu.memory_space<hbm>> -> memref<20000x128xf32, #tpu.memory_space<hbm>>
      tpu.wait_indirect_dma semaphore(%arg12 : memref<!tpu.dma_semaphore, #tpu.memory_space<semaphore_mem>>) src(%dma_wait3A_318 : memref<20000x128xf32, #tpu.memory_space<hbm>>) dst(%arg8 : memref<128x128xf32, #tpu.memory_space<vmem>>)
      %dma_start3A_319 = arith.constant 6 : i32
      %dma_start3A_320 = arith.constant 0 : i32
      %dma_start3A_321 = tpu.memref_slice %arg7[%rem3A_108, %dma_start3A_319, %dma_start3A_320] : memref<2x16x128xi32, #tpu.memory_space<vmem>> -> memref<1x1x128xi32, #tpu.memory_space<vmem>>
      %dma_start3A_322 = tpu.memref_squeeze %dma_start3A_321 : memref<1x1x128xi32, #tpu.memory_space<vmem>> -> memref<128xi32, #tpu.memory_space<vmem>>
      %dma_start3A_323 = arith.constant 0 : i32
      %dma_start3A_324 = arith.constant 0 : i32
      %dma_start3A_325 = tpu.memref_slice %arg10[%dma_start3A_323, %dma_start3A_324] : memref<10240x128xf32, #tpu.memory_space<vmem_shared>> -> memref<10240x128xf32, #tpu.memory_space<vmem_shared>>
      tpu.enqueue_indirect_dma source(%arg8 : memref<128x128xf32, #tpu.memory_space<vmem>>) target(%dma_start3A_325 : memref<10240x128xf32, #tpu.memory_space<vmem_shared>>) offsets(%dma_start3A_322 : memref<128xi32, #tpu.memory_space<vmem>>) semaphore(%arg14 : memref<!tpu.dma_semaphore, #tpu.memory_space<semaphore_mem>>) {add = true}
      %dma_wait3A_326 = arith.constant 0 : i32
      %dma_wait3A_327 = arith.constant 0 : i32
      %dma_wait3A_328 = tpu.memref_slice %arg7[%rem3A_108, %dma_wait3A_326, %dma_wait3A_327] : memref<2x16x128xi32, #tpu.memory_space<vmem>> -> memref<1x1x128xi32, #tpu.memory_space<vmem>>
      %dma_wait3A_329 = tpu.memref_squeeze %dma_wait3A_328 : memref<1x1x128xi32, #tpu.memory_space<vmem>> -> memref<128xi32, #tpu.memory_space<vmem>>
      %dma_wait3A_330 = arith.constant 0 : i32
      %dma_wait3A_331 = arith.constant 0 : i32
      %dma_wait3A_332 = tpu.memref_slice %arg10[%dma_wait3A_330, %dma_wait3A_331] : memref<10240x128xf32, #tpu.memory_space<vmem_shared>> -> memref<10240x128xf32, #tpu.memory_space<vmem_shared>>
      tpu.wait_indirect_dma semaphore(%arg15 : memref<!tpu.dma_semaphore, #tpu.memory_space<semaphore_mem>>) src(%arg9 : memref<128x128xf32, #tpu.memory_space<vmem>>) dst(%dma_wait3A_332 : memref<10240x128xf32, #tpu.memory_space<vmem_shared>>)
      %dma_start3A_333 = arith.constant 7 : i32
      %dma_start3A_334 = arith.constant 0 : i32
      %dma_start3A_335 = tpu.memref_slice %arg6[%rem3A_108, %dma_start3A_333, %dma_start3A_334] : memref<2x16x128xi32, #tpu.memory_space<vmem>> -> memref<1x1x128xi32, #tpu.memory_space<vmem>>
      %dma_start3A_336 = tpu.memref_squeeze %dma_start3A_335 : memref<1x1x128xi32, #tpu.memory_space<vmem>> -> memref<128xi32, #tpu.memory_space<vmem>>
      %dma_start3A_337 = arith.constant 0 : i32
      %dma_start3A_338 = arith.constant 0 : i32
      %dma_start3A_339 = tpu.memref_slice %arg4[%dma_start3A_337, %dma_start3A_338] : memref<20000x128xf32, #tpu.memory_space<hbm>> -> memref<20000x128xf32, #tpu.memory_space<hbm>>
      tpu.enqueue_indirect_dma source(%dma_start3A_339 : memref<20000x128xf32, #tpu.memory_space<hbm>>) target(%arg9 : memref<128x128xf32, #tpu.memory_space<vmem>>) offsets(%dma_start3A_336 : memref<128xi32, #tpu.memory_space<vmem>>) semaphore(%arg13 : memref<!tpu.dma_semaphore, #tpu.memory_space<semaphore_mem>>)
      %dma_wait3A_340 = arith.constant 0 : i32
      %dma_wait3A_341 = arith.constant 0 : i32
      %dma_wait3A_342 = tpu.memref_slice %arg6[%rem3A_108, %dma_wait3A_340, %dma_wait3A_341] : memref<2x16x128xi32, #tpu.memory_space<vmem>> -> memref<1x1x128xi32, #tpu.memory_space<vmem>>
      %dma_wait3A_343 = tpu.memref_squeeze %dma_wait3A_342 : memref<1x1x128xi32, #tpu.memory_space<vmem>> -> memref<128xi32, #tpu.memory_space<vmem>>
      %dma_wait3A_344 = arith.constant 0 : i32
      %dma_wait3A_345 = arith.constant 0 : i32
      %dma_wait3A_346 = tpu.memref_slice %arg4[%dma_wait3A_344, %dma_wait3A_345] : memref<20000x128xf32, #tpu.memory_space<hbm>> -> memref<20000x128xf32, #tpu.memory_space<hbm>>
      tpu.wait_indirect_dma semaphore(%arg13 : memref<!tpu.dma_semaphore, #tpu.memory_space<semaphore_mem>>) src(%dma_wait3A_346 : memref<20000x128xf32, #tpu.memory_space<hbm>>) dst(%arg9 : memref<128x128xf32, #tpu.memory_space<vmem>>)
      %dma_start3A_347 = arith.constant 7 : i32
      %dma_start3A_348 = arith.constant 0 : i32
      %dma_start3A_349 = tpu.memref_slice %arg7[%rem3A_108, %dma_start3A_347, %dma_start3A_348] : memref<2x16x128xi32, #tpu.memory_space<vmem>> -> memref<1x1x128xi32, #tpu.memory_space<vmem>>
      %dma_start3A_350 = tpu.memref_squeeze %dma_start3A_349 : memref<1x1x128xi32, #tpu.memory_space<vmem>> -> memref<128xi32, #tpu.memory_space<vmem>>
      %dma_start3A_351 = arith.constant 0 : i32
      %dma_start3A_352 = arith.constant 0 : i32
      %dma_start3A_353 = tpu.memref_slice %arg10[%dma_start3A_351, %dma_start3A_352] : memref<10240x128xf32, #tpu.memory_space<vmem_shared>> -> memref<10240x128xf32, #tpu.memory_space<vmem_shared>>
      tpu.enqueue_indirect_dma source(%arg9 : memref<128x128xf32, #tpu.memory_space<vmem>>) target(%dma_start3A_353 : memref<10240x128xf32, #tpu.memory_space<vmem_shared>>) offsets(%dma_start3A_350 : memref<128xi32, #tpu.memory_space<vmem>>) semaphore(%arg15 : memref<!tpu.dma_semaphore, #tpu.memory_space<semaphore_mem>>) {add = true}
      %dma_wait3A_354 = arith.constant 0 : i32
      %dma_wait3A_355 = arith.constant 0 : i32
      %dma_wait3A_356 = tpu.memref_slice %arg7[%rem3A_108, %dma_wait3A_354, %dma_wait3A_355] : memref<2x16x128xi32, #tpu.memory_space<vmem>> -> memref<1x1x128xi32, #tpu.memory_space<vmem>>
      %dma_wait3A_357 = tpu.memref_squeeze %dma_wait3A_356 : memref<1x1x128xi32, #tpu.memory_space<vmem>> -> memref<128xi32, #tpu.memory_space<vmem>>
      %dma_wait3A_358 = arith.constant 0 : i32
      %dma_wait3A_359 = arith.constant 0 : i32
      %dma_wait3A_360 = tpu.memref_slice %arg10[%dma_wait3A_358, %dma_wait3A_359] : memref<10240x128xf32, #tpu.memory_space<vmem_shared>> -> memref<10240x128xf32, #tpu.memory_space<vmem_shared>>
      tpu.wait_indirect_dma semaphore(%arg14 : memref<!tpu.dma_semaphore, #tpu.memory_space<semaphore_mem>>) src(%arg8 : memref<128x128xf32, #tpu.memory_space<vmem>>) dst(%dma_wait3A_360 : memref<10240x128xf32, #tpu.memory_space<vmem_shared>>)
      %dma_start3A_361 = arith.constant 8 : i32
      %dma_start3A_362 = arith.constant 0 : i32
      %dma_start3A_363 = tpu.memref_slice %arg6[%rem3A_108, %dma_start3A_361, %dma_start3A_362] : memref<2x16x128xi32, #tpu.memory_space<vmem>> -> memref<1x1x128xi32, #tpu.memory_space<vmem>>
      %dma_start3A_364 = tpu.memref_squeeze %dma_start3A_363 : memref<1x1x128xi32, #tpu.memory_space<vmem>> -> memref<128xi32, #tpu.memory_space<vmem>>
      %dma_start3A_365 = arith.constant 0 : i32
      %dma_start3A_366 = arith.constant 0 : i32
      %dma_start3A_367 = tpu.memref_slice %arg4[%dma_start3A_365, %dma_start3A_366] : memref<20000x128xf32, #tpu.memory_space<hbm>> -> memref<20000x128xf32, #tpu.memory_space<hbm>>
      tpu.enqueue_indirect_dma source(%dma_start3A_367 : memref<20000x128xf32, #tpu.memory_space<hbm>>) target(%arg8 : memref<128x128xf32, #tpu.memory_space<vmem>>) offsets(%dma_start3A_364 : memref<128xi32, #tpu.memory_space<vmem>>) semaphore(%arg12 : memref<!tpu.dma_semaphore, #tpu.memory_space<semaphore_mem>>)
      %dma_wait3A_368 = arith.constant 0 : i32
      %dma_wait3A_369 = arith.constant 0 : i32
      %dma_wait3A_370 = tpu.memref_slice %arg6[%rem3A_108, %dma_wait3A_368, %dma_wait3A_369] : memref<2x16x128xi32, #tpu.memory_space<vmem>> -> memref<1x1x128xi32, #tpu.memory_space<vmem>>
      %dma_wait3A_371 = tpu.memref_squeeze %dma_wait3A_370 : memref<1x1x128xi32, #tpu.memory_space<vmem>> -> memref<128xi32, #tpu.memory_space<vmem>>
      %dma_wait3A_372 = arith.constant 0 : i32
      %dma_wait3A_373 = arith.constant 0 : i32
      %dma_wait3A_374 = tpu.memref_slice %arg4[%dma_wait3A_372, %dma_wait3A_373] : memref<20000x128xf32, #tpu.memory_space<hbm>> -> memref<20000x128xf32, #tpu.memory_space<hbm>>
      tpu.wait_indirect_dma semaphore(%arg12 : memref<!tpu.dma_semaphore, #tpu.memory_space<semaphore_mem>>) src(%dma_wait3A_374 : memref<20000x128xf32, #tpu.memory_space<hbm>>) dst(%arg8 : memref<128x128xf32, #tpu.memory_space<vmem>>)
      %dma_start3A_375 = arith.constant 8 : i32
      %dma_start3A_376 = arith.constant 0 : i32
      %dma_start3A_377 = tpu.memref_slice %arg7[%rem3A_108, %dma_start3A_375, %dma_start3A_376] : memref<2x16x128xi32, #tpu.memory_space<vmem>> -> memref<1x1x128xi32, #tpu.memory_space<vmem>>
      %dma_start3A_378 = tpu.memref_squeeze %dma_start3A_377 : memref<1x1x128xi32, #tpu.memory_space<vmem>> -> memref<128xi32, #tpu.memory_space<vmem>>
      %dma_start3A_379 = arith.constant 0 : i32
      %dma_start3A_380 = arith.constant 0 : i32
      %dma_start3A_381 = tpu.memref_slice %arg10[%dma_start3A_379, %dma_start3A_380] : memref<10240x128xf32, #tpu.memory_space<vmem_shared>> -> memref<10240x128xf32, #tpu.memory_space<vmem_shared>>
      tpu.enqueue_indirect_dma source(%arg8 : memref<128x128xf32, #tpu.memory_space<vmem>>) target(%dma_start3A_381 : memref<10240x128xf32, #tpu.memory_space<vmem_shared>>) offsets(%dma_start3A_378 : memref<128xi32, #tpu.memory_space<vmem>>) semaphore(%arg14 : memref<!tpu.dma_semaphore, #tpu.memory_space<semaphore_mem>>) {add = true}
      %dma_wait3A_382 = arith.constant 0 : i32
      %dma_wait3A_383 = arith.constant 0 : i32
      %dma_wait3A_384 = tpu.memref_slice %arg7[%rem3A_108, %dma_wait3A_382, %dma_wait3A_383] : memref<2x16x128xi32, #tpu.memory_space<vmem>> -> memref<1x1x128xi32, #tpu.memory_space<vmem>>
      %dma_wait3A_385 = tpu.memref_squeeze %dma_wait3A_384 : memref<1x1x128xi32, #tpu.memory_space<vmem>> -> memref<128xi32, #tpu.memory_space<vmem>>
      %dma_wait3A_386 = arith.constant 0 : i32
      %dma_wait3A_387 = arith.constant 0 : i32
      %dma_wait3A_388 = tpu.memref_slice %arg10[%dma_wait3A_386, %dma_wait3A_387] : memref<10240x128xf32, #tpu.memory_space<vmem_shared>> -> memref<10240x128xf32, #tpu.memory_space<vmem_shared>>
      tpu.wait_indirect_dma semaphore(%arg15 : memref<!tpu.dma_semaphore, #tpu.memory_space<semaphore_mem>>) src(%arg9 : memref<128x128xf32, #tpu.memory_space<vmem>>) dst(%dma_wait3A_388 : memref<10240x128xf32, #tpu.memory_space<vmem_shared>>)
      %dma_start3A_389 = arith.constant 9 : i32
      %dma_start3A_390 = arith.constant 0 : i32
      %dma_start3A_391 = tpu.memref_slice %arg6[%rem3A_108, %dma_start3A_389, %dma_start3A_390] : memref<2x16x128xi32, #tpu.memory_space<vmem>> -> memref<1x1x128xi32, #tpu.memory_space<vmem>>
      %dma_start3A_392 = tpu.memref_squeeze %dma_start3A_391 : memref<1x1x128xi32, #tpu.memory_space<vmem>> -> memref<128xi32, #tpu.memory_space<vmem>>
      %dma_start3A_393 = arith.constant 0 : i32
      %dma_start3A_394 = arith.constant 0 : i32
      %dma_start3A_395 = tpu.memref_slice %arg4[%dma_start3A_393, %dma_start3A_394] : memref<20000x128xf32, #tpu.memory_space<hbm>> -> memref<20000x128xf32, #tpu.memory_space<hbm>>
      tpu.enqueue_indirect_dma source(%dma_start3A_395 : memref<20000x128xf32, #tpu.memory_space<hbm>>) target(%arg9 : memref<128x128xf32, #tpu.memory_space<vmem>>) offsets(%dma_start3A_392 : memref<128xi32, #tpu.memory_space<vmem>>) semaphore(%arg13 : memref<!tpu.dma_semaphore, #tpu.memory_space<semaphore_mem>>)
      %dma_wait3A_396 = arith.constant 0 : i32
      %dma_wait3A_397 = arith.constant 0 : i32
      %dma_wait3A_398 = tpu.memref_slice %arg6[%rem3A_108, %dma_wait3A_396, %dma_wait3A_397] : memref<2x16x128xi32, #tpu.memory_space<vmem>> -> memref<1x1x128xi32, #tpu.memory_space<vmem>>
      %dma_wait3A_399 = tpu.memref_squeeze %dma_wait3A_398 : memref<1x1x128xi32, #tpu.memory_space<vmem>> -> memref<128xi32, #tpu.memory_space<vmem>>
      %dma_wait3A_400 = arith.constant 0 : i32
      %dma_wait3A_401 = arith.constant 0 : i32
      %dma_wait3A_402 = tpu.memref_slice %arg4[%dma_wait3A_400, %dma_wait3A_401] : memref<20000x128xf32, #tpu.memory_space<hbm>> -> memref<20000x128xf32, #tpu.memory_space<hbm>>
      tpu.wait_indirect_dma semaphore(%arg13 : memref<!tpu.dma_semaphore, #tpu.memory_space<semaphore_mem>>) src(%dma_wait3A_402 : memref<20000x128xf32, #tpu.memory_space<hbm>>) dst(%arg9 : memref<128x128xf32, #tpu.memory_space<vmem>>)
      %dma_start3A_403 = arith.constant 9 : i32
      %dma_start3A_404 = arith.constant 0 : i32
      %dma_start3A_405 = tpu.memref_slice %arg7[%rem3A_108, %dma_start3A_403, %dma_start3A_404] : memref<2x16x128xi32, #tpu.memory_space<vmem>> -> memref<1x1x128xi32, #tpu.memory_space<vmem>>
      %dma_start3A_406 = tpu.memref_squeeze %dma_start3A_405 : memref<1x1x128xi32, #tpu.memory_space<vmem>> -> memref<128xi32, #tpu.memory_space<vmem>>
      %dma_start3A_407 = arith.constant 0 : i32
      %dma_start3A_408 = arith.constant 0 : i32
      %dma_start3A_409 = tpu.memref_slice %arg10[%dma_start3A_407, %dma_start3A_408] : memref<10240x128xf32, #tpu.memory_space<vmem_shared>> -> memref<10240x128xf32, #tpu.memory_space<vmem_shared>>
      tpu.enqueue_indirect_dma source(%arg9 : memref<128x128xf32, #tpu.memory_space<vmem>>) target(%dma_start3A_409 : memref<10240x128xf32, #tpu.memory_space<vmem_shared>>) offsets(%dma_start3A_406 : memref<128xi32, #tpu.memory_space<vmem>>) semaphore(%arg15 : memref<!tpu.dma_semaphore, #tpu.memory_space<semaphore_mem>>) {add = true}
      %dma_wait3A_410 = arith.constant 0 : i32
      %dma_wait3A_411 = arith.constant 0 : i32
      %dma_wait3A_412 = tpu.memref_slice %arg7[%rem3A_108, %dma_wait3A_410, %dma_wait3A_411] : memref<2x16x128xi32, #tpu.memory_space<vmem>> -> memref<1x1x128xi32, #tpu.memory_space<vmem>>
      %dma_wait3A_413 = tpu.memref_squeeze %dma_wait3A_412 : memref<1x1x128xi32, #tpu.memory_space<vmem>> -> memref<128xi32, #tpu.memory_space<vmem>>
      %dma_wait3A_414 = arith.constant 0 : i32
      %dma_wait3A_415 = arith.constant 0 : i32
      %dma_wait3A_416 = tpu.memref_slice %arg10[%dma_wait3A_414, %dma_wait3A_415] : memref<10240x128xf32, #tpu.memory_space<vmem_shared>> -> memref<10240x128xf32, #tpu.memory_space<vmem_shared>>
      tpu.wait_indirect_dma semaphore(%arg14 : memref<!tpu.dma_semaphore, #tpu.memory_space<semaphore_mem>>) src(%arg8 : memref<128x128xf32, #tpu.memory_space<vmem>>) dst(%dma_wait3A_416 : memref<10240x128xf32, #tpu.memory_space<vmem_shared>>)
      %dma_start3A_417 = arith.constant 10 : i32
      %dma_start3A_418 = arith.constant 0 : i32
      %dma_start3A_419 = tpu.memref_slice %arg6[%rem3A_108, %dma_start3A_417, %dma_start3A_418] : memref<2x16x128xi32, #tpu.memory_space<vmem>> -> memref<1x1x128xi32, #tpu.memory_space<vmem>>
      %dma_start3A_420 = tpu.memref_squeeze %dma_start3A_419 : memref<1x1x128xi32, #tpu.memory_space<vmem>> -> memref<128xi32, #tpu.memory_space<vmem>>
      %dma_start3A_421 = arith.constant 0 : i32
      %dma_start3A_422 = arith.constant 0 : i32
      %dma_start3A_423 = tpu.memref_slice %arg4[%dma_start3A_421, %dma_start3A_422] : memref<20000x128xf32, #tpu.memory_space<hbm>> -> memref<20000x128xf32, #tpu.memory_space<hbm>>
      tpu.enqueue_indirect_dma source(%dma_start3A_423 : memref<20000x128xf32, #tpu.memory_space<hbm>>) target(%arg8 : memref<128x128xf32, #tpu.memory_space<vmem>>) offsets(%dma_start3A_420 : memref<128xi32, #tpu.memory_space<vmem>>) semaphore(%arg12 : memref<!tpu.dma_semaphore, #tpu.memory_space<semaphore_mem>>)
      %dma_wait3A_424 = arith.constant 0 : i32
      %dma_wait3A_425 = arith.constant 0 : i32
      %dma_wait3A_426 = tpu.memref_slice %arg6[%rem3A_108, %dma_wait3A_424, %dma_wait3A_425] : memref<2x16x128xi32, #tpu.memory_space<vmem>> -> memref<1x1x128xi32, #tpu.memory_space<vmem>>
      %dma_wait3A_427 = tpu.memref_squeeze %dma_wait3A_426 : memref<1x1x128xi32, #tpu.memory_space<vmem>> -> memref<128xi32, #tpu.memory_space<vmem>>
      %dma_wait3A_428 = arith.constant 0 : i32
      %dma_wait3A_429 = arith.constant 0 : i32
      %dma_wait3A_430 = tpu.memref_slice %arg4[%dma_wait3A_428, %dma_wait3A_429] : memref<20000x128xf32, #tpu.memory_space<hbm>> -> memref<20000x128xf32, #tpu.memory_space<hbm>>
      tpu.wait_indirect_dma semaphore(%arg12 : memref<!tpu.dma_semaphore, #tpu.memory_space<semaphore_mem>>) src(%dma_wait3A_430 : memref<20000x128xf32, #tpu.memory_space<hbm>>) dst(%arg8 : memref<128x128xf32, #tpu.memory_space<vmem>>)
      %dma_start3A_431 = arith.constant 10 : i32
      %dma_start3A_432 = arith.constant 0 : i32
      %dma_start3A_433 = tpu.memref_slice %arg7[%rem3A_108, %dma_start3A_431, %dma_start3A_432] : memref<2x16x128xi32, #tpu.memory_space<vmem>> -> memref<1x1x128xi32, #tpu.memory_space<vmem>>
      %dma_start3A_434 = tpu.memref_squeeze %dma_start3A_433 : memref<1x1x128xi32, #tpu.memory_space<vmem>> -> memref<128xi32, #tpu.memory_space<vmem>>
      %dma_start3A_435 = arith.constant 0 : i32
      %dma_start3A_436 = arith.constant 0 : i32
      %dma_start3A_437 = tpu.memref_slice %arg10[%dma_start3A_435, %dma_start3A_436] : memref<10240x128xf32, #tpu.memory_space<vmem_shared>> -> memref<10240x128xf32, #tpu.memory_space<vmem_shared>>
      tpu.enqueue_indirect_dma source(%arg8 : memref<128x128xf32, #tpu.memory_space<vmem>>) target(%dma_start3A_437 : memref<10240x128xf32, #tpu.memory_space<vmem_shared>>) offsets(%dma_start3A_434 : memref<128xi32, #tpu.memory_space<vmem>>) semaphore(%arg14 : memref<!tpu.dma_semaphore, #tpu.memory_space<semaphore_mem>>) {add = true}
      %dma_wait3A_438 = arith.constant 0 : i32
      %dma_wait3A_439 = arith.constant 0 : i32
      %dma_wait3A_440 = tpu.memref_slice %arg7[%rem3A_108, %dma_wait3A_438, %dma_wait3A_439] : memref<2x16x128xi32, #tpu.memory_space<vmem>> -> memref<1x1x128xi32, #tpu.memory_space<vmem>>
      %dma_wait3A_441 = tpu.memref_squeeze %dma_wait3A_440 : memref<1x1x128xi32, #tpu.memory_space<vmem>> -> memref<128xi32, #tpu.memory_space<vmem>>
      %dma_wait3A_442 = arith.constant 0 : i32
      %dma_wait3A_443 = arith.constant 0 : i32
      %dma_wait3A_444 = tpu.memref_slice %arg10[%dma_wait3A_442, %dma_wait3A_443] : memref<10240x128xf32, #tpu.memory_space<vmem_shared>> -> memref<10240x128xf32, #tpu.memory_space<vmem_shared>>
      tpu.wait_indirect_dma semaphore(%arg15 : memref<!tpu.dma_semaphore, #tpu.memory_space<semaphore_mem>>) src(%arg9 : memref<128x128xf32, #tpu.memory_space<vmem>>) dst(%dma_wait3A_444 : memref<10240x128xf32, #tpu.memory_space<vmem_shared>>)
      %dma_start3A_445 = arith.constant 11 : i32
      %dma_start3A_446 = arith.constant 0 : i32
      %dma_start3A_447 = tpu.memref_slice %arg6[%rem3A_108, %dma_start3A_445, %dma_start3A_446] : memref<2x16x128xi32, #tpu.memory_space<vmem>> -> memref<1x1x128xi32, #tpu.memory_space<vmem>>
      %dma_start3A_448 = tpu.memref_squeeze %dma_start3A_447 : memref<1x1x128xi32, #tpu.memory_space<vmem>> -> memref<128xi32, #tpu.memory_space<vmem>>
      %dma_start3A_449 = arith.constant 0 : i32
      %dma_start3A_450 = arith.constant 0 : i32
      %dma_start3A_451 = tpu.memref_slice %arg4[%dma_start3A_449, %dma_start3A_450] : memref<20000x128xf32, #tpu.memory_space<hbm>> -> memref<20000x128xf32, #tpu.memory_space<hbm>>
      tpu.enqueue_indirect_dma source(%dma_start3A_451 : memref<20000x128xf32, #tpu.memory_space<hbm>>) target(%arg9 : memref<128x128xf32, #tpu.memory_space<vmem>>) offsets(%dma_start3A_448 : memref<128xi32, #tpu.memory_space<vmem>>) semaphore(%arg13 : memref<!tpu.dma_semaphore, #tpu.memory_space<semaphore_mem>>)
      %dma_wait3A_452 = arith.constant 0 : i32
      %dma_wait3A_453 = arith.constant 0 : i32
      %dma_wait3A_454 = tpu.memref_slice %arg6[%rem3A_108, %dma_wait3A_452, %dma_wait3A_453] : memref<2x16x128xi32, #tpu.memory_space<vmem>> -> memref<1x1x128xi32, #tpu.memory_space<vmem>>
      %dma_wait3A_455 = tpu.memref_squeeze %dma_wait3A_454 : memref<1x1x128xi32, #tpu.memory_space<vmem>> -> memref<128xi32, #tpu.memory_space<vmem>>
      %dma_wait3A_456 = arith.constant 0 : i32
      %dma_wait3A_457 = arith.constant 0 : i32
      %dma_wait3A_458 = tpu.memref_slice %arg4[%dma_wait3A_456, %dma_wait3A_457] : memref<20000x128xf32, #tpu.memory_space<hbm>> -> memref<20000x128xf32, #tpu.memory_space<hbm>>
      tpu.wait_indirect_dma semaphore(%arg13 : memref<!tpu.dma_semaphore, #tpu.memory_space<semaphore_mem>>) src(%dma_wait3A_458 : memref<20000x128xf32, #tpu.memory_space<hbm>>) dst(%arg9 : memref<128x128xf32, #tpu.memory_space<vmem>>)
      %dma_start3A_459 = arith.constant 11 : i32
      %dma_start3A_460 = arith.constant 0 : i32
      %dma_start3A_461 = tpu.memref_slice %arg7[%rem3A_108, %dma_start3A_459, %dma_start3A_460] : memref<2x16x128xi32, #tpu.memory_space<vmem>> -> memref<1x1x128xi32, #tpu.memory_space<vmem>>
      %dma_start3A_462 = tpu.memref_squeeze %dma_start3A_461 : memref<1x1x128xi32, #tpu.memory_space<vmem>> -> memref<128xi32, #tpu.memory_space<vmem>>
      %dma_start3A_463 = arith.constant 0 : i32
      %dma_start3A_464 = arith.constant 0 : i32
      %dma_start3A_465 = tpu.memref_slice %arg10[%dma_start3A_463, %dma_start3A_464] : memref<10240x128xf32, #tpu.memory_space<vmem_shared>> -> memref<10240x128xf32, #tpu.memory_space<vmem_shared>>
      tpu.enqueue_indirect_dma source(%arg9 : memref<128x128xf32, #tpu.memory_space<vmem>>) target(%dma_start3A_465 : memref<10240x128xf32, #tpu.memory_space<vmem_shared>>) offsets(%dma_start3A_462 : memref<128xi32, #tpu.memory_space<vmem>>) semaphore(%arg15 : memref<!tpu.dma_semaphore, #tpu.memory_space<semaphore_mem>>) {add = true}
      %dma_wait3A_466 = arith.constant 0 : i32
      %dma_wait3A_467 = arith.constant 0 : i32
      %dma_wait3A_468 = tpu.memref_slice %arg7[%rem3A_108, %dma_wait3A_466, %dma_wait3A_467] : memref<2x16x128xi32, #tpu.memory_space<vmem>> -> memref<1x1x128xi32, #tpu.memory_space<vmem>>
      %dma_wait3A_469 = tpu.memref_squeeze %dma_wait3A_468 : memref<1x1x128xi32, #tpu.memory_space<vmem>> -> memref<128xi32, #tpu.memory_space<vmem>>
      %dma_wait3A_470 = arith.constant 0 : i32
      %dma_wait3A_471 = arith.constant 0 : i32
      %dma_wait3A_472 = tpu.memref_slice %arg10[%dma_wait3A_470, %dma_wait3A_471] : memref<10240x128xf32, #tpu.memory_space<vmem_shared>> -> memref<10240x128xf32, #tpu.memory_space<vmem_shared>>
      tpu.wait_indirect_dma semaphore(%arg14 : memref<!tpu.dma_semaphore, #tpu.memory_space<semaphore_mem>>) src(%arg8 : memref<128x128xf32, #tpu.memory_space<vmem>>) dst(%dma_wait3A_472 : memref<10240x128xf32, #tpu.memory_space<vmem_shared>>)
      %dma_start3A_473 = arith.constant 12 : i32
      %dma_start3A_474 = arith.constant 0 : i32
      %dma_start3A_475 = tpu.memref_slice %arg6[%rem3A_108, %dma_start3A_473, %dma_start3A_474] : memref<2x16x128xi32, #tpu.memory_space<vmem>> -> memref<1x1x128xi32, #tpu.memory_space<vmem>>
      %dma_start3A_476 = tpu.memref_squeeze %dma_start3A_475 : memref<1x1x128xi32, #tpu.memory_space<vmem>> -> memref<128xi32, #tpu.memory_space<vmem>>
      %dma_start3A_477 = arith.constant 0 : i32
      %dma_start3A_478 = arith.constant 0 : i32
      %dma_start3A_479 = tpu.memref_slice %arg4[%dma_start3A_477, %dma_start3A_478] : memref<20000x128xf32, #tpu.memory_space<hbm>> -> memref<20000x128xf32, #tpu.memory_space<hbm>>
      tpu.enqueue_indirect_dma source(%dma_start3A_479 : memref<20000x128xf32, #tpu.memory_space<hbm>>) target(%arg8 : memref<128x128xf32, #tpu.memory_space<vmem>>) offsets(%dma_start3A_476 : memref<128xi32, #tpu.memory_space<vmem>>) semaphore(%arg12 : memref<!tpu.dma_semaphore, #tpu.memory_space<semaphore_mem>>)
      %dma_wait3A_480 = arith.constant 0 : i32
      %dma_wait3A_481 = arith.constant 0 : i32
      %dma_wait3A_482 = tpu.memref_slice %arg6[%rem3A_108, %dma_wait3A_480, %dma_wait3A_481] : memref<2x16x128xi32, #tpu.memory_space<vmem>> -> memref<1x1x128xi32, #tpu.memory_space<vmem>>
      %dma_wait3A_483 = tpu.memref_squeeze %dma_wait3A_482 : memref<1x1x128xi32, #tpu.memory_space<vmem>> -> memref<128xi32, #tpu.memory_space<vmem>>
      %dma_wait3A_484 = arith.constant 0 : i32
      %dma_wait3A_485 = arith.constant 0 : i32
      %dma_wait3A_486 = tpu.memref_slice %arg4[%dma_wait3A_484, %dma_wait3A_485] : memref<20000x128xf32, #tpu.memory_space<hbm>> -> memref<20000x128xf32, #tpu.memory_space<hbm>>
      tpu.wait_indirect_dma semaphore(%arg12 : memref<!tpu.dma_semaphore, #tpu.memory_space<semaphore_mem>>) src(%dma_wait3A_486 : memref<20000x128xf32, #tpu.memory_space<hbm>>) dst(%arg8 : memref<128x128xf32, #tpu.memory_space<vmem>>)
      %dma_start3A_487 = arith.constant 12 : i32
      %dma_start3A_488 = arith.constant 0 : i32
      %dma_start3A_489 = tpu.memref_slice %arg7[%rem3A_108, %dma_start3A_487, %dma_start3A_488] : memref<2x16x128xi32, #tpu.memory_space<vmem>> -> memref<1x1x128xi32, #tpu.memory_space<vmem>>
      %dma_start3A_490 = tpu.memref_squeeze %dma_start3A_489 : memref<1x1x128xi32, #tpu.memory_space<vmem>> -> memref<128xi32, #tpu.memory_space<vmem>>
      %dma_start3A_491 = arith.constant 0 : i32
      %dma_start3A_492 = arith.constant 0 : i32
      %dma_start3A_493 = tpu.memref_slice %arg10[%dma_start3A_491, %dma_start3A_492] : memref<10240x128xf32, #tpu.memory_space<vmem_shared>> -> memref<10240x128xf32, #tpu.memory_space<vmem_shared>>
      tpu.enqueue_indirect_dma source(%arg8 : memref<128x128xf32, #tpu.memory_space<vmem>>) target(%dma_start3A_493 : memref<10240x128xf32, #tpu.memory_space<vmem_shared>>) offsets(%dma_start3A_490 : memref<128xi32, #tpu.memory_space<vmem>>) semaphore(%arg14 : memref<!tpu.dma_semaphore, #tpu.memory_space<semaphore_mem>>) {add = true}
      %dma_wait3A_494 = arith.constant 0 : i32
      %dma_wait3A_495 = arith.constant 0 : i32
      %dma_wait3A_496 = tpu.memref_slice %arg7[%rem3A_108, %dma_wait3A_494, %dma_wait3A_495] : memref<2x16x128xi32, #tpu.memory_space<vmem>> -> memref<1x1x128xi32, #tpu.memory_space<vmem>>
      %dma_wait3A_497 = tpu.memref_squeeze %dma_wait3A_496 : memref<1x1x128xi32, #tpu.memory_space<vmem>> -> memref<128xi32, #tpu.memory_space<vmem>>
      %dma_wait3A_498 = arith.constant 0 : i32
      %dma_wait3A_499 = arith.constant 0 : i32
      %dma_wait3A_500 = tpu.memref_slice %arg10[%dma_wait3A_498, %dma_wait3A_499] : memref<10240x128xf32, #tpu.memory_space<vmem_shared>> -> memref<10240x128xf32, #tpu.memory_space<vmem_shared>>
      tpu.wait_indirect_dma semaphore(%arg15 : memref<!tpu.dma_semaphore, #tpu.memory_space<semaphore_mem>>) src(%arg9 : memref<128x128xf32, #tpu.memory_space<vmem>>) dst(%dma_wait3A_500 : memref<10240x128xf32, #tpu.memory_space<vmem_shared>>)
      %dma_start3A_501 = arith.constant 13 : i32
      %dma_start3A_502 = arith.constant 0 : i32
      %dma_start3A_503 = tpu.memref_slice %arg6[%rem3A_108, %dma_start3A_501, %dma_start3A_502] : memref<2x16x128xi32, #tpu.memory_space<vmem>> -> memref<1x1x128xi32, #tpu.memory_space<vmem>>
      %dma_start3A_504 = tpu.memref_squeeze %dma_start3A_503 : memref<1x1x128xi32, #tpu.memory_space<vmem>> -> memref<128xi32, #tpu.memory_space<vmem>>
      %dma_start3A_505 = arith.constant 0 : i32
      %dma_start3A_506 = arith.constant 0 : i32
      %dma_start3A_507 = tpu.memref_slice %arg4[%dma_start3A_505, %dma_start3A_506] : memref<20000x128xf32, #tpu.memory_space<hbm>> -> memref<20000x128xf32, #tpu.memory_space<hbm>>
      tpu.enqueue_indirect_dma source(%dma_start3A_507 : memref<20000x128xf32, #tpu.memory_space<hbm>>) target(%arg9 : memref<128x128xf32, #tpu.memory_space<vmem>>) offsets(%dma_start3A_504 : memref<128xi32, #tpu.memory_space<vmem>>) semaphore(%arg13 : memref<!tpu.dma_semaphore, #tpu.memory_space<semaphore_mem>>)
      %dma_wait3A_508 = arith.constant 0 : i32
      %dma_wait3A_509 = arith.constant 0 : i32
      %dma_wait3A_510 = tpu.memref_slice %arg6[%rem3A_108, %dma_wait3A_508, %dma_wait3A_509] : memref<2x16x128xi32, #tpu.memory_space<vmem>> -> memref<1x1x128xi32, #tpu.memory_space<vmem>>
      %dma_wait3A_511 = tpu.memref_squeeze %dma_wait3A_510 : memref<1x1x128xi32, #tpu.memory_space<vmem>> -> memref<128xi32, #tpu.memory_space<vmem>>
      %dma_wait3A_512 = arith.constant 0 : i32
      %dma_wait3A_513 = arith.constant 0 : i32
      %dma_wait3A_514 = tpu.memref_slice %arg4[%dma_wait3A_512, %dma_wait3A_513] : memref<20000x128xf32, #tpu.memory_space<hbm>> -> memref<20000x128xf32, #tpu.memory_space<hbm>>
      tpu.wait_indirect_dma semaphore(%arg13 : memref<!tpu.dma_semaphore, #tpu.memory_space<semaphore_mem>>) src(%dma_wait3A_514 : memref<20000x128xf32, #tpu.memory_space<hbm>>) dst(%arg9 : memref<128x128xf32, #tpu.memory_space<vmem>>)
      %dma_start3A_515 = arith.constant 13 : i32
      %dma_start3A_516 = arith.constant 0 : i32
      %dma_start3A_517 = tpu.memref_slice %arg7[%rem3A_108, %dma_start3A_515, %dma_start3A_516] : memref<2x16x128xi32, #tpu.memory_space<vmem>> -> memref<1x1x128xi32, #tpu.memory_space<vmem>>
      %dma_start3A_518 = tpu.memref_squeeze %dma_start3A_517 : memref<1x1x128xi32, #tpu.memory_space<vmem>> -> memref<128xi32, #tpu.memory_space<vmem>>
      %dma_start3A_519 = arith.constant 0 : i32
      %dma_start3A_520 = arith.constant 0 : i32
      %dma_start3A_521 = tpu.memref_slice %arg10[%dma_start3A_519, %dma_start3A_520] : memref<10240x128xf32, #tpu.memory_space<vmem_shared>> -> memref<10240x128xf32, #tpu.memory_space<vmem_shared>>
      tpu.enqueue_indirect_dma source(%arg9 : memref<128x128xf32, #tpu.memory_space<vmem>>) target(%dma_start3A_521 : memref<10240x128xf32, #tpu.memory_space<vmem_shared>>) offsets(%dma_start3A_518 : memref<128xi32, #tpu.memory_space<vmem>>) semaphore(%arg15 : memref<!tpu.dma_semaphore, #tpu.memory_space<semaphore_mem>>) {add = true}
      %dma_wait3A_522 = arith.constant 0 : i32
      %dma_wait3A_523 = arith.constant 0 : i32
      %dma_wait3A_524 = tpu.memref_slice %arg7[%rem3A_108, %dma_wait3A_522, %dma_wait3A_523] : memref<2x16x128xi32, #tpu.memory_space<vmem>> -> memref<1x1x128xi32, #tpu.memory_space<vmem>>
      %dma_wait3A_525 = tpu.memref_squeeze %dma_wait3A_524 : memref<1x1x128xi32, #tpu.memory_space<vmem>> -> memref<128xi32, #tpu.memory_space<vmem>>
      %dma_wait3A_526 = arith.constant 0 : i32
      %dma_wait3A_527 = arith.constant 0 : i32
      %dma_wait3A_528 = tpu.memref_slice %arg10[%dma_wait3A_526, %dma_wait3A_527] : memref<10240x128xf32, #tpu.memory_space<vmem_shared>> -> memref<10240x128xf32, #tpu.memory_space<vmem_shared>>
      tpu.wait_indirect_dma semaphore(%arg14 : memref<!tpu.dma_semaphore, #tpu.memory_space<semaphore_mem>>) src(%arg8 : memref<128x128xf32, #tpu.memory_space<vmem>>) dst(%dma_wait3A_528 : memref<10240x128xf32, #tpu.memory_space<vmem_shared>>)
      %dma_start3A_529 = arith.constant 14 : i32
      %dma_start3A_530 = arith.constant 0 : i32
      %dma_start3A_531 = tpu.memref_slice %arg6[%rem3A_108, %dma_start3A_529, %dma_start3A_530] : memref<2x16x128xi32, #tpu.memory_space<vmem>> -> memref<1x1x128xi32, #tpu.memory_space<vmem>>
      %dma_start3A_532 = tpu.memref_squeeze %dma_start3A_531 : memref<1x1x128xi32, #tpu.memory_space<vmem>> -> memref<128xi32, #tpu.memory_space<vmem>>
      %dma_start3A_533 = arith.constant 0 : i32
      %dma_start3A_534 = arith.constant 0 : i32
      %dma_start3A_535 = tpu.memref_slice %arg4[%dma_start3A_533, %dma_start3A_534] : memref<20000x128xf32, #tpu.memory_space<hbm>> -> memref<20000x128xf32, #tpu.memory_space<hbm>>
      tpu.enqueue_indirect_dma source(%dma_start3A_535 : memref<20000x128xf32, #tpu.memory_space<hbm>>) target(%arg8 : memref<128x128xf32, #tpu.memory_space<vmem>>) offsets(%dma_start3A_532 : memref<128xi32, #tpu.memory_space<vmem>>) semaphore(%arg12 : memref<!tpu.dma_semaphore, #tpu.memory_space<semaphore_mem>>)
      %dma_wait3A_536 = arith.constant 0 : i32
      %dma_wait3A_537 = arith.constant 0 : i32
      %dma_wait3A_538 = tpu.memref_slice %arg6[%rem3A_108, %dma_wait3A_536, %dma_wait3A_537] : memref<2x16x128xi32, #tpu.memory_space<vmem>> -> memref<1x1x128xi32, #tpu.memory_space<vmem>>
      %dma_wait3A_539 = tpu.memref_squeeze %dma_wait3A_538 : memref<1x1x128xi32, #tpu.memory_space<vmem>> -> memref<128xi32, #tpu.memory_space<vmem>>
      %dma_wait3A_540 = arith.constant 0 : i32
      %dma_wait3A_541 = arith.constant 0 : i32
      %dma_wait3A_542 = tpu.memref_slice %arg4[%dma_wait3A_540, %dma_wait3A_541] : memref<20000x128xf32, #tpu.memory_space<hbm>> -> memref<20000x128xf32, #tpu.memory_space<hbm>>
      tpu.wait_indirect_dma semaphore(%arg12 : memref<!tpu.dma_semaphore, #tpu.memory_space<semaphore_mem>>) src(%dma_wait3A_542 : memref<20000x128xf32, #tpu.memory_space<hbm>>) dst(%arg8 : memref<128x128xf32, #tpu.memory_space<vmem>>)
      %dma_start3A_543 = arith.constant 14 : i32
      %dma_start3A_544 = arith.constant 0 : i32
      %dma_start3A_545 = tpu.memref_slice %arg7[%rem3A_108, %dma_start3A_543, %dma_start3A_544] : memref<2x16x128xi32, #tpu.memory_space<vmem>> -> memref<1x1x128xi32, #tpu.memory_space<vmem>>
      %dma_start3A_546 = tpu.memref_squeeze %dma_start3A_545 : memref<1x1x128xi32, #tpu.memory_space<vmem>> -> memref<128xi32, #tpu.memory_space<vmem>>
      %dma_start3A_547 = arith.constant 0 : i32
      %dma_start3A_548 = arith.constant 0 : i32
      %dma_start3A_549 = tpu.memref_slice %arg10[%dma_start3A_547, %dma_start3A_548] : memref<10240x128xf32, #tpu.memory_space<vmem_shared>> -> memref<10240x128xf32, #tpu.memory_space<vmem_shared>>
      tpu.enqueue_indirect_dma source(%arg8 : memref<128x128xf32, #tpu.memory_space<vmem>>) target(%dma_start3A_549 : memref<10240x128xf32, #tpu.memory_space<vmem_shared>>) offsets(%dma_start3A_546 : memref<128xi32, #tpu.memory_space<vmem>>) semaphore(%arg14 : memref<!tpu.dma_semaphore, #tpu.memory_space<semaphore_mem>>) {add = true}
      %dma_wait3A_550 = arith.constant 0 : i32
      %dma_wait3A_551 = arith.constant 0 : i32
      %dma_wait3A_552 = tpu.memref_slice %arg7[%rem3A_108, %dma_wait3A_550, %dma_wait3A_551] : memref<2x16x128xi32, #tpu.memory_space<vmem>> -> memref<1x1x128xi32, #tpu.memory_space<vmem>>
      %dma_wait3A_553 = tpu.memref_squeeze %dma_wait3A_552 : memref<1x1x128xi32, #tpu.memory_space<vmem>> -> memref<128xi32, #tpu.memory_space<vmem>>
      %dma_wait3A_554 = arith.constant 0 : i32
      %dma_wait3A_555 = arith.constant 0 : i32
      %dma_wait3A_556 = tpu.memref_slice %arg10[%dma_wait3A_554, %dma_wait3A_555] : memref<10240x128xf32, #tpu.memory_space<vmem_shared>> -> memref<10240x128xf32, #tpu.memory_space<vmem_shared>>
      tpu.wait_indirect_dma semaphore(%arg15 : memref<!tpu.dma_semaphore, #tpu.memory_space<semaphore_mem>>) src(%arg9 : memref<128x128xf32, #tpu.memory_space<vmem>>) dst(%dma_wait3A_556 : memref<10240x128xf32, #tpu.memory_space<vmem_shared>>)
      %dma_start3A_557 = arith.constant 15 : i32
      %dma_start3A_558 = arith.constant 0 : i32
      %dma_start3A_559 = tpu.memref_slice %arg6[%rem3A_108, %dma_start3A_557, %dma_start3A_558] : memref<2x16x128xi32, #tpu.memory_space<vmem>> -> memref<1x1x128xi32, #tpu.memory_space<vmem>>
      %dma_start3A_560 = tpu.memref_squeeze %dma_start3A_559 : memref<1x1x128xi32, #tpu.memory_space<vmem>> -> memref<128xi32, #tpu.memory_space<vmem>>
      %dma_start3A_561 = arith.constant 0 : i32
      %dma_start3A_562 = arith.constant 0 : i32
      %dma_start3A_563 = tpu.memref_slice %arg4[%dma_start3A_561, %dma_start3A_562] : memref<20000x128xf32, #tpu.memory_space<hbm>> -> memref<20000x128xf32, #tpu.memory_space<hbm>>
      tpu.enqueue_indirect_dma source(%dma_start3A_563 : memref<20000x128xf32, #tpu.memory_space<hbm>>) target(%arg9 : memref<128x128xf32, #tpu.memory_space<vmem>>) offsets(%dma_start3A_560 : memref<128xi32, #tpu.memory_space<vmem>>) semaphore(%arg13 : memref<!tpu.dma_semaphore, #tpu.memory_space<semaphore_mem>>)
      %dma_wait3A_564 = arith.constant 0 : i32
      %dma_wait3A_565 = arith.constant 0 : i32
      %dma_wait3A_566 = tpu.memref_slice %arg6[%rem3A_108, %dma_wait3A_564, %dma_wait3A_565] : memref<2x16x128xi32, #tpu.memory_space<vmem>> -> memref<1x1x128xi32, #tpu.memory_space<vmem>>
      %dma_wait3A_567 = tpu.memref_squeeze %dma_wait3A_566 : memref<1x1x128xi32, #tpu.memory_space<vmem>> -> memref<128xi32, #tpu.memory_space<vmem>>
      %dma_wait3A_568 = arith.constant 0 : i32
      %dma_wait3A_569 = arith.constant 0 : i32
      %dma_wait3A_570 = tpu.memref_slice %arg4[%dma_wait3A_568, %dma_wait3A_569] : memref<20000x128xf32, #tpu.memory_space<hbm>> -> memref<20000x128xf32, #tpu.memory_space<hbm>>
      tpu.wait_indirect_dma semaphore(%arg13 : memref<!tpu.dma_semaphore, #tpu.memory_space<semaphore_mem>>) src(%dma_wait3A_570 : memref<20000x128xf32, #tpu.memory_space<hbm>>) dst(%arg9 : memref<128x128xf32, #tpu.memory_space<vmem>>)
      %dma_start3A_571 = arith.constant 15 : i32
      %dma_start3A_572 = arith.constant 0 : i32
      %dma_start3A_573 = tpu.memref_slice %arg7[%rem3A_108, %dma_start3A_571, %dma_start3A_572] : memref<2x16x128xi32, #tpu.memory_space<vmem>> -> memref<1x1x128xi32, #tpu.memory_space<vmem>>
      %dma_start3A_574 = tpu.memref_squeeze %dma_start3A_573 : memref<1x1x128xi32, #tpu.memory_space<vmem>> -> memref<128xi32, #tpu.memory_space<vmem>>
      %dma_start3A_575 = arith.constant 0 : i32
      %dma_start3A_576 = arith.constant 0 : i32
      %dma_start3A_577 = tpu.memref_slice %arg10[%dma_start3A_575, %dma_start3A_576] : memref<10240x128xf32, #tpu.memory_space<vmem_shared>> -> memref<10240x128xf32, #tpu.memory_space<vmem_shared>>
      tpu.enqueue_indirect_dma source(%arg9 : memref<128x128xf32, #tpu.memory_space<vmem>>) target(%dma_start3A_577 : memref<10240x128xf32, #tpu.memory_space<vmem_shared>>) offsets(%dma_start3A_574 : memref<128xi32, #tpu.memory_space<vmem>>) semaphore(%arg15 : memref<!tpu.dma_semaphore, #tpu.memory_space<semaphore_mem>>) {add = true}
      %dma_wait3A_578 = arith.constant 0 : i32
      %dma_wait3A_579 = arith.constant 0 : i32
      %dma_wait3A_580 = tpu.memref_slice %arg7[%rem3A_108, %dma_wait3A_578, %dma_wait3A_579] : memref<2x16x128xi32, #tpu.memory_space<vmem>> -> memref<1x1x128xi32, #tpu.memory_space<vmem>>
      %dma_wait3A_581 = tpu.memref_squeeze %dma_wait3A_580 : memref<1x1x128xi32, #tpu.memory_space<vmem>> -> memref<128xi32, #tpu.memory_space<vmem>>
      %dma_wait3A_582 = arith.constant 0 : i32
      %dma_wait3A_583 = arith.constant 0 : i32
      %dma_wait3A_584 = tpu.memref_slice %arg10[%dma_wait3A_582, %dma_wait3A_583] : memref<10240x128xf32, #tpu.memory_space<vmem_shared>> -> memref<10240x128xf32, #tpu.memory_space<vmem_shared>>
      tpu.wait_indirect_dma semaphore(%arg14 : memref<!tpu.dma_semaphore, #tpu.memory_space<semaphore_mem>>) src(%arg8 : memref<128x128xf32, #tpu.memory_space<vmem>>) dst(%dma_wait3A_584 : memref<10240x128xf32, #tpu.memory_space<vmem_shared>>)
      %dma_wait3A_585 = arith.constant 0 : i32
      %dma_wait3A_586 = arith.constant 0 : i32
      %dma_wait3A_587 = tpu.memref_slice %arg7[%rem3A_108, %dma_wait3A_585, %dma_wait3A_586] : memref<2x16x128xi32, #tpu.memory_space<vmem>> -> memref<1x1x128xi32, #tpu.memory_space<vmem>>
      %dma_wait3A_588 = tpu.memref_squeeze %dma_wait3A_587 : memref<1x1x128xi32, #tpu.memory_space<vmem>> -> memref<128xi32, #tpu.memory_space<vmem>>
      %dma_wait3A_589 = arith.constant 0 : i32
      %dma_wait3A_590 = arith.constant 0 : i32
      %dma_wait3A_591 = tpu.memref_slice %arg10[%dma_wait3A_589, %dma_wait3A_590] : memref<10240x128xf32, #tpu.memory_space<vmem_shared>> -> memref<10240x128xf32, #tpu.memory_space<vmem_shared>>
      tpu.wait_indirect_dma semaphore(%arg15 : memref<!tpu.dma_semaphore, #tpu.memory_space<semaphore_mem>>) src(%arg9 : memref<128x128xf32, #tpu.memory_space<vmem>>) dst(%dma_wait3A_591 : memref<10240x128xf32, #tpu.memory_space<vmem_shared>>)
    }
    %scan3A_65 = arith.constant 5 : i32
    %barrier3A_66 = arith.constant 0 : index
    tpu.barrier barrier_id(%barrier3A_66)
    %mul3A_67 = arith.constant 640 : i32
    %mul3A_68 = arith.muli %arg1, %mul3A_67 : i32
    %add3A_69 = arith.constant 0 : i32
    %add3A_70 = arith.addi %mul3A_68, %add3A_69 : i32
    %mul3A_71 = arith.constant 640 : i32
    %mul3A_72 = arith.muli %arg1, %mul3A_71 : i32
    %add3A_73 = arith.constant 0 : i32
    %add3A_74 = arith.addi %mul3A_72, %add3A_73 : i32
    "tpu.region"() ({
      %run_scoped3A = tpu.sem_alloc : memref<!tpu.dma_semaphore, #tpu.memory_space<semaphore_mem>>
      %dma_start3A_107 = arith.constant 0 : i32
      %dma_start3A_108 = arith.constant 0 : i32
      %dma_start3A_109 = tpu.memref_slice %arg5[%arg0, %dma_start3A_107, %dma_start3A_108] : memref<2x10240x128xf32, #tpu.memory_space<hbm>> -> memref<1x10240x128xf32, #tpu.memory_space<hbm>>
      %dma_start3A_110 = tpu.memref_squeeze %dma_start3A_109 : memref<1x10240x128xf32, #tpu.memory_space<hbm>> -> memref<10240x128xf32, #tpu.memory_space<hbm>>
      %dma_start3A_111 = arith.constant 0 : i32
      %dma_start3A_112 = tpu.memref_slice %dma_start3A_110[%add3A_74, %dma_start3A_111] : memref<10240x128xf32, #tpu.memory_space<hbm>> -> memref<128x128xf32, #tpu.memory_space<hbm>>
      %dma_start3A_113 = arith.constant 0 : i32
      %dma_start3A_114 = tpu.memref_slice %arg10[%add3A_70, %dma_start3A_113] : memref<10240x128xf32, #tpu.memory_space<vmem_shared>> -> memref<128x128xf32, #tpu.memory_space<vmem_shared>>
      tpu.enqueue_dma source(%dma_start3A_114 : memref<128x128xf32, #tpu.memory_space<vmem_shared>>) target(%dma_start3A_112 : memref<128x128xf32, #tpu.memory_space<hbm>>) target_semaphore(%run_scoped3A : memref<!tpu.dma_semaphore, #tpu.memory_space<semaphore_mem>>)
      %dma_wait3A = arith.constant 0 : i32
      %dma_wait3A_115 = arith.constant 0 : i32
      %dma_wait3A_116 = tpu.memref_slice %arg5[%arg0, %dma_wait3A, %dma_wait3A_115] : memref<2x10240x128xf32, #tpu.memory_space<hbm>> -> memref<1x10240x128xf32, #tpu.memory_space<hbm>>
      %dma_wait3A_117 = tpu.memref_squeeze %dma_wait3A_116 : memref<1x10240x128xf32, #tpu.memory_space<hbm>> -> memref<10240x128xf32, #tpu.memory_space<hbm>>
      %dma_wait3A_118 = arith.constant 0 : i32
      %dma_wait3A_119 = tpu.memref_slice %dma_wait3A_117[%add3A_74, %dma_wait3A_118] : memref<10240x128xf32, #tpu.memory_space<hbm>> -> memref<128x128xf32, #tpu.memory_space<hbm>>
      %dma_wait3A_120 = arith.constant 0 : i32
      %dma_wait3A_121 = tpu.memref_slice %arg10[%add3A_70, %dma_wait3A_120] : memref<10240x128xf32, #tpu.memory_space<vmem_shared>> -> memref<128x128xf32, #tpu.memory_space<vmem_shared>>
      tpu.wait_dma2 semaphore(%run_scoped3A : memref<!tpu.dma_semaphore, #tpu.memory_space<semaphore_mem>>) src(%dma_wait3A_121 : memref<128x128xf32, #tpu.memory_space<vmem_shared>>) dst(%dma_wait3A_119 : memref<128x128xf32, #tpu.memory_space<hbm>>)
      tpu.yield
    }) : () -> ()
    %mul3A_75 = arith.constant 640 : i32
    %mul3A_76 = arith.muli %arg1, %mul3A_75 : i32
    %add3A_77 = arith.constant 128 : i32
    %add3A_78 = arith.addi %mul3A_76, %add3A_77 : i32
    %mul3A_79 = arith.constant 640 : i32
    %mul3A_80 = arith.muli %arg1, %mul3A_79 : i32
    %add3A_81 = arith.constant 128 : i32
    %add3A_82 = arith.addi %mul3A_80, %add3A_81 : i32
    "tpu.region"() ({
      %run_scoped3A = tpu.sem_alloc : memref<!tpu.dma_semaphore, #tpu.memory_space<semaphore_mem>>
      %dma_start3A_107 = arith.constant 0 : i32
      %dma_start3A_108 = arith.constant 0 : i32
      %dma_start3A_109 = tpu.memref_slice %arg5[%arg0, %dma_start3A_107, %dma_start3A_108] : memref<2x10240x128xf32, #tpu.memory_space<hbm>> -> memref<1x10240x128xf32, #tpu.memory_space<hbm>>
      %dma_start3A_110 = tpu.memref_squeeze %dma_start3A_109 : memref<1x10240x128xf32, #tpu.memory_space<hbm>> -> memref<10240x128xf32, #tpu.memory_space<hbm>>
      %dma_start3A_111 = arith.constant 0 : i32
      %dma_start3A_112 = tpu.memref_slice %dma_start3A_110[%add3A_82, %dma_start3A_111] : memref<10240x128xf32, #tpu.memory_space<hbm>> -> memref<128x128xf32, #tpu.memory_space<hbm>>
      %dma_start3A_113 = arith.constant 0 : i32
      %dma_start3A_114 = tpu.memref_slice %arg10[%add3A_78, %dma_start3A_113] : memref<10240x128xf32, #tpu.memory_space<vmem_shared>> -> memref<128x128xf32, #tpu.memory_space<vmem_shared>>
      tpu.enqueue_dma source(%dma_start3A_114 : memref<128x128xf32, #tpu.memory_space<vmem_shared>>) target(%dma_start3A_112 : memref<128x128xf32, #tpu.memory_space<hbm>>) target_semaphore(%run_scoped3A : memref<!tpu.dma_semaphore, #tpu.memory_space<semaphore_mem>>)
      %dma_wait3A = arith.constant 0 : i32
      %dma_wait3A_115 = arith.constant 0 : i32
      %dma_wait3A_116 = tpu.memref_slice %arg5[%arg0, %dma_wait3A, %dma_wait3A_115] : memref<2x10240x128xf32, #tpu.memory_space<hbm>> -> memref<1x10240x128xf32, #tpu.memory_space<hbm>>
      %dma_wait3A_117 = tpu.memref_squeeze %dma_wait3A_116 : memref<1x10240x128xf32, #tpu.memory_space<hbm>> -> memref<10240x128xf32, #tpu.memory_space<hbm>>
      %dma_wait3A_118 = arith.constant 0 : i32
      %dma_wait3A_119 = tpu.memref_slice %dma_wait3A_117[%add3A_82, %dma_wait3A_118] : memref<10240x128xf32, #tpu.memory_space<hbm>> -> memref<128x128xf32, #tpu.memory_space<hbm>>
      %dma_wait3A_120 = arith.constant 0 : i32
      %dma_wait3A_121 = tpu.memref_slice %arg10[%add3A_78, %dma_wait3A_120] : memref<10240x128xf32, #tpu.memory_space<vmem_shared>> -> memref<128x128xf32, #tpu.memory_space<vmem_shared>>
      tpu.wait_dma2 semaphore(%run_scoped3A : memref<!tpu.dma_semaphore, #tpu.memory_space<semaphore_mem>>) src(%dma_wait3A_121 : memref<128x128xf32, #tpu.memory_space<vmem_shared>>) dst(%dma_wait3A_119 : memref<128x128xf32, #tpu.memory_space<hbm>>)
      tpu.yield
    }) : () -> ()
    %mul3A_83 = arith.constant 640 : i32
    %mul3A_84 = arith.muli %arg1, %mul3A_83 : i32
    %add3A_85 = arith.constant 256 : i32
    %add3A_86 = arith.addi %mul3A_84, %add3A_85 : i32
    %mul3A_87 = arith.constant 640 : i32
    %mul3A_88 = arith.muli %arg1, %mul3A_87 : i32
    %add3A_89 = arith.constant 256 : i32
    %add3A_90 = arith.addi %mul3A_88, %add3A_89 : i32
    "tpu.region"() ({
      %run_scoped3A = tpu.sem_alloc : memref<!tpu.dma_semaphore, #tpu.memory_space<semaphore_mem>>
      %dma_start3A_107 = arith.constant 0 : i32
      %dma_start3A_108 = arith.constant 0 : i32
      %dma_start3A_109 = tpu.memref_slice %arg5[%arg0, %dma_start3A_107, %dma_start3A_108] : memref<2x10240x128xf32, #tpu.memory_space<hbm>> -> memref<1x10240x128xf32, #tpu.memory_space<hbm>>
      %dma_start3A_110 = tpu.memref_squeeze %dma_start3A_109 : memref<1x10240x128xf32, #tpu.memory_space<hbm>> -> memref<10240x128xf32, #tpu.memory_space<hbm>>
      %dma_start3A_111 = arith.constant 0 : i32
      %dma_start3A_112 = tpu.memref_slice %dma_start3A_110[%add3A_90, %dma_start3A_111] : memref<10240x128xf32, #tpu.memory_space<hbm>> -> memref<128x128xf32, #tpu.memory_space<hbm>>
      %dma_start3A_113 = arith.constant 0 : i32
      %dma_start3A_114 = tpu.memref_slice %arg10[%add3A_86, %dma_start3A_113] : memref<10240x128xf32, #tpu.memory_space<vmem_shared>> -> memref<128x128xf32, #tpu.memory_space<vmem_shared>>
      tpu.enqueue_dma source(%dma_start3A_114 : memref<128x128xf32, #tpu.memory_space<vmem_shared>>) target(%dma_start3A_112 : memref<128x128xf32, #tpu.memory_space<hbm>>) target_semaphore(%run_scoped3A : memref<!tpu.dma_semaphore, #tpu.memory_space<semaphore_mem>>)
      %dma_wait3A = arith.constant 0 : i32
      %dma_wait3A_115 = arith.constant 0 : i32
      %dma_wait3A_116 = tpu.memref_slice %arg5[%arg0, %dma_wait3A, %dma_wait3A_115] : memref<2x10240x128xf32, #tpu.memory_space<hbm>> -> memref<1x10240x128xf32, #tpu.memory_space<hbm>>
      %dma_wait3A_117 = tpu.memref_squeeze %dma_wait3A_116 : memref<1x10240x128xf32, #tpu.memory_space<hbm>> -> memref<10240x128xf32, #tpu.memory_space<hbm>>
      %dma_wait3A_118 = arith.constant 0 : i32
      %dma_wait3A_119 = tpu.memref_slice %dma_wait3A_117[%add3A_90, %dma_wait3A_118] : memref<10240x128xf32, #tpu.memory_space<hbm>> -> memref<128x128xf32, #tpu.memory_space<hbm>>
      %dma_wait3A_120 = arith.constant 0 : i32
      %dma_wait3A_121 = tpu.memref_slice %arg10[%add3A_86, %dma_wait3A_120] : memref<10240x128xf32, #tpu.memory_space<vmem_shared>> -> memref<128x128xf32, #tpu.memory_space<vmem_shared>>
      tpu.wait_dma2 semaphore(%run_scoped3A : memref<!tpu.dma_semaphore, #tpu.memory_space<semaphore_mem>>) src(%dma_wait3A_121 : memref<128x128xf32, #tpu.memory_space<vmem_shared>>) dst(%dma_wait3A_119 : memref<128x128xf32, #tpu.memory_space<hbm>>)
      tpu.yield
    }) : () -> ()
    %mul3A_91 = arith.constant 640 : i32
    %mul3A_92 = arith.muli %arg1, %mul3A_91 : i32
    %add3A_93 = arith.constant 384 : i32
    %add3A_94 = arith.addi %mul3A_92, %add3A_93 : i32
    %mul3A_95 = arith.constant 640 : i32
    %mul3A_96 = arith.muli %arg1, %mul3A_95 : i32
    %add3A_97 = arith.constant 384 : i32
    %add3A_98 = arith.addi %mul3A_96, %add3A_97 : i32
    "tpu.region"() ({
      %run_scoped3A = tpu.sem_alloc : memref<!tpu.dma_semaphore, #tpu.memory_space<semaphore_mem>>
      %dma_start3A_107 = arith.constant 0 : i32
      %dma_start3A_108 = arith.constant 0 : i32
      %dma_start3A_109 = tpu.memref_slice %arg5[%arg0, %dma_start3A_107, %dma_start3A_108] : memref<2x10240x128xf32, #tpu.memory_space<hbm>> -> memref<1x10240x128xf32, #tpu.memory_space<hbm>>
      %dma_start3A_110 = tpu.memref_squeeze %dma_start3A_109 : memref<1x10240x128xf32, #tpu.memory_space<hbm>> -> memref<10240x128xf32, #tpu.memory_space<hbm>>
      %dma_start3A_111 = arith.constant 0 : i32
      %dma_start3A_112 = tpu.memref_slice %dma_start3A_110[%add3A_98, %dma_start3A_111] : memref<10240x128xf32, #tpu.memory_space<hbm>> -> memref<128x128xf32, #tpu.memory_space<hbm>>
      %dma_start3A_113 = arith.constant 0 : i32
      %dma_start3A_114 = tpu.memref_slice %arg10[%add3A_94, %dma_start3A_113] : memref<10240x128xf32, #tpu.memory_space<vmem_shared>> -> memref<128x128xf32, #tpu.memory_space<vmem_shared>>
      tpu.enqueue_dma source(%dma_start3A_114 : memref<128x128xf32, #tpu.memory_space<vmem_shared>>) target(%dma_start3A_112 : memref<128x128xf32, #tpu.memory_space<hbm>>) target_semaphore(%run_scoped3A : memref<!tpu.dma_semaphore, #tpu.memory_space<semaphore_mem>>)
      %dma_wait3A = arith.constant 0 : i32
      %dma_wait3A_115 = arith.constant 0 : i32
      %dma_wait3A_116 = tpu.memref_slice %arg5[%arg0, %dma_wait3A, %dma_wait3A_115] : memref<2x10240x128xf32, #tpu.memory_space<hbm>> -> memref<1x10240x128xf32, #tpu.memory_space<hbm>>
      %dma_wait3A_117 = tpu.memref_squeeze %dma_wait3A_116 : memref<1x10240x128xf32, #tpu.memory_space<hbm>> -> memref<10240x128xf32, #tpu.memory_space<hbm>>
      %dma_wait3A_118 = arith.constant 0 : i32
      %dma_wait3A_119 = tpu.memref_slice %dma_wait3A_117[%add3A_98, %dma_wait3A_118] : memref<10240x128xf32, #tpu.memory_space<hbm>> -> memref<128x128xf32, #tpu.memory_space<hbm>>
      %dma_wait3A_120 = arith.constant 0 : i32
      %dma_wait3A_121 = tpu.memref_slice %arg10[%add3A_94, %dma_wait3A_120] : memref<10240x128xf32, #tpu.memory_space<vmem_shared>> -> memref<128x128xf32, #tpu.memory_space<vmem_shared>>
      tpu.wait_dma2 semaphore(%run_scoped3A : memref<!tpu.dma_semaphore, #tpu.memory_space<semaphore_mem>>) src(%dma_wait3A_121 : memref<128x128xf32, #tpu.memory_space<vmem_shared>>) dst(%dma_wait3A_119 : memref<128x128xf32, #tpu.memory_space<hbm>>)
      tpu.yield
    }) : () -> ()
    %mul3A_99 = arith.constant 640 : i32
    %mul3A_100 = arith.muli %arg1, %mul3A_99 : i32
    %add3A_101 = arith.constant 512 : i32
    %add3A_102 = arith.addi %mul3A_100, %add3A_101 : i32
    %mul3A_103 = arith.constant 640 : i32
    %mul3A_104 = arith.muli %arg1, %mul3A_103 : i32
    %add3A_105 = arith.constant 512 : i32
    %add3A_106 = arith.addi %mul3A_104, %add3A_105 : i32
    "tpu.region"() ({
      %run_scoped3A = tpu.sem_alloc : memref<!tpu.dma_semaphore, #tpu.memory_space<semaphore_mem>>
      %dma_start3A_107 = arith.constant 0 : i32
      %dma_start3A_108 = arith.constant 0 : i32
      %dma_start3A_109 = tpu.memref_slice %arg5[%arg0, %dma_start3A_107, %dma_start3A_108] : memref<2x10240x128xf32, #tpu.memory_space<hbm>> -> memref<1x10240x128xf32, #tpu.memory_space<hbm>>
      %dma_start3A_110 = tpu.memref_squeeze %dma_start3A_109 : memref<1x10240x128xf32, #tpu.memory_space<hbm>> -> memref<10240x128xf32, #tpu.memory_space<hbm>>
      %dma_start3A_111 = arith.constant 0 : i32
      %dma_start3A_112 = tpu.memref_slice %dma_start3A_110[%add3A_106, %dma_start3A_111] : memref<10240x128xf32, #tpu.memory_space<hbm>> -> memref<128x128xf32, #tpu.memory_space<hbm>>
      %dma_start3A_113 = arith.constant 0 : i32
      %dma_start3A_114 = tpu.memref_slice %arg10[%add3A_102, %dma_start3A_113] : memref<10240x128xf32, #tpu.memory_space<vmem_shared>> -> memref<128x128xf32, #tpu.memory_space<vmem_shared>>
      tpu.enqueue_dma source(%dma_start3A_114 : memref<128x128xf32, #tpu.memory_space<vmem_shared>>) target(%dma_start3A_112 : memref<128x128xf32, #tpu.memory_space<hbm>>) target_semaphore(%run_scoped3A : memref<!tpu.dma_semaphore, #tpu.memory_space<semaphore_mem>>)
      %dma_wait3A = arith.constant 0 : i32
      %dma_wait3A_115 = arith.constant 0 : i32
      %dma_wait3A_116 = tpu.memref_slice %arg5[%arg0, %dma_wait3A, %dma_wait3A_115] : memref<2x10240x128xf32, #tpu.memory_space<hbm>> -> memref<1x10240x128xf32, #tpu.memory_space<hbm>>
      %dma_wait3A_117 = tpu.memref_squeeze %dma_wait3A_116 : memref<1x10240x128xf32, #tpu.memory_space<hbm>> -> memref<10240x128xf32, #tpu.memory_space<hbm>>
      %dma_wait3A_118 = arith.constant 0 : i32
      %dma_wait3A_119 = tpu.memref_slice %dma_wait3A_117[%add3A_106, %dma_wait3A_118] : memref<10240x128xf32, #tpu.memory_space<hbm>> -> memref<128x128xf32, #tpu.memory_space<hbm>>
      %dma_wait3A_120 = arith.constant 0 : i32
      %dma_wait3A_121 = tpu.memref_slice %arg10[%add3A_102, %dma_wait3A_120] : memref<10240x128xf32, #tpu.memory_space<vmem_shared>> -> memref<128x128xf32, #tpu.memory_space<vmem_shared>>
      tpu.wait_dma2 semaphore(%run_scoped3A : memref<!tpu.dma_semaphore, #tpu.memory_space<semaphore_mem>>) src(%dma_wait3A_121 : memref<128x128xf32, #tpu.memory_space<vmem_shared>>) dst(%dma_wait3A_119 : memref<128x128xf32, #tpu.memory_space<hbm>>)
      tpu.yield
    }) : () -> ()
    return
  }
}

#map = affine_map<(d0, d1) -> (0, 0, 0)>
#map1 = affine_map<(d0, d1) -> (0, 0)>
module attributes {stable_mosaic.version = 14 : i64} {
  func.func @sc_agg(%arg0: i32, %arg1: i32, %arg2: memref<32x160x128xi32, #tpu.memory_space<hbm>>, %arg3: memref<16x160x128xi32, #tpu.memory_space<hbm>>, %arg4: memref<20000x128xf32, #tpu.memory_space<hbm>>, %arg5: memref<2x10240x128xf32, #tpu.memory_space<hbm>>, %arg6: memref<2x16x128xi32, #tpu.memory_space<vmem>>, %arg7: memref<2x16x128xi32, #tpu.memory_space<vmem>>, %arg8: memref<128x128xf32, #tpu.memory_space<vmem>>, %arg9: memref<128x128xf32, #tpu.memory_space<vmem>>, %arg10: memref<10240x128xf32, #tpu.memory_space<vmem_shared>>, %arg11: memref<!tpu.dma_semaphore, #tpu.memory_space<semaphore_mem>>, %arg12: memref<!tpu.dma_semaphore, #tpu.memory_space<semaphore_mem>>, %arg13: memref<!tpu.dma_semaphore, #tpu.memory_space<semaphore_mem>>, %arg14: memref<!tpu.dma_semaphore, #tpu.memory_space<semaphore_mem>>, %arg15: memref<!tpu.dma_semaphore, #tpu.memory_space<semaphore_mem>>) attributes {dimension_semantics = [#tpu.dimension_semantics<core_parallel>, #tpu.dimension_semantics<subcore_parallel>], iteration_bounds = array<i64: 2, 16>, scalar_prefetch = 0 : i64, scratch_operands = 10 : i64, tpu.core_type = #tpu.core_type<sc_vector_subcore>, window_params = [{transform_indices = #map}, {transform_indices = #map}, {transform_indices = #map1}, {transform_indices = #map}]} {
    %mul3A = arith.constant 16 : i32
    %mul3A_0 = arith.muli %arg0, %mul3A : i32
    %add3A = arith.addi %mul3A_0, %arg1 : i32
    %broadcast_in_dim3A = arith.constant 0.000000e+00 : f32
    %broadcast_in_dim3A_1 = vector.broadcast %broadcast_in_dim3A : f32 to vector<16xf32>
    %scan3A = arith.constant 0 : i32
    %scan3A_2 = arith.constant 0 : i32
    %scan3A_3 = arith.constant 128 : i32
    %scan3A_4 = arith.addi %scan3A_2, %scan3A_3 : i32
    %scan3A_5 = arith.constant 1 : i32
    scf.for %scan3A_107 = %scan3A_2 to %scan3A_4 step %scan3A_5  : i32 {
      %swap3A = arith.index_cast %scan3A_107 : i32 to index
      %swap3A_108 = arith.constant 0 : index
      %swap3A_109 = tpu.vector_load %arg8[%swap3A, %swap3A_108] {strides = array<i32>} : memref<128x128xf32, #tpu.memory_space<vmem>>, vector<1x16xf32>,
      %swap3A_110 = vector.shape_cast %swap3A_109 : vector<1x16xf32> to vector<16xf32>
      %swap3A_111 = vector.shape_cast %broadcast_in_dim3A_1 : vector<16xf32> to vector<1x16xf32>
      tpu.vector_store %arg8[%swap3A, %swap3A_108], %swap3A_111 {strides = array<i32>} : memref<128x128xf32, #tpu.memory_space<vmem>>, vector<1x16xf32>,
      %swap3A_112 = arith.index_cast %scan3A_107 : i32 to index
      %swap3A_113 = arith.constant 16 : index
      %swap3A_114 = tpu.vector_load %arg8[%swap3A_112, %swap3A_113] {strides = array<i32>} : memref<128x128xf32, #tpu.memory_space<vmem>>, vector<1x16xf32>,
      %swap3A_115 = vector.shape_cast %swap3A_114 : vector<1x16xf32> to vector<16xf32>
      %swap3A_116 = vector.shape_cast %broadcast_in_dim3A_1 : vector<16xf32> to vector<1x16xf32>
      tpu.vector_store %arg8[%swap3A_112, %swap3A_113], %swap3A_116 {strides = array<i32>} : memref<128x128xf32, #tpu.memory_space<vmem>>, vector<1x16xf32>,
      %swap3A_117 = arith.index_cast %scan3A_107 : i32 to index
      %swap3A_118 = arith.constant 32 : index
      %swap3A_119 = tpu.vector_load %arg8[%swap3A_117, %swap3A_118] {strides = array<i32>} : memref<128x128xf32, #tpu.memory_space<vmem>>, vector<1x16xf32>,
      %swap3A_120 = vector.shape_cast %swap3A_119 : vector<1x16xf32> to vector<16xf32>
      %swap3A_121 = vector.shape_cast %broadcast_in_dim3A_1 : vector<16xf32> to vector<1x16xf32>
      tpu.vector_store %arg8[%swap3A_117, %swap3A_118], %swap3A_121 {strides = array<i32>} : memref<128x128xf32, #tpu.memory_space<vmem>>, vector<1x16xf32>,
      %swap3A_122 = arith.index_cast %scan3A_107 : i32 to index
      %swap3A_123 = arith.constant 48 : index
      %swap3A_124 = tpu.vector_load %arg8[%swap3A_122, %swap3A_123] {strides = array<i32>} : memref<128x128xf32, #tpu.memory_space<vmem>>, vector<1x16xf32>,
      %swap3A_125 = vector.shape_cast %swap3A_124 : vector<1x16xf32> to vector<16xf32>
      %swap3A_126 = vector.shape_cast %broadcast_in_dim3A_1 : vector<16xf32> to vector<1x16xf32>
      tpu.vector_store %arg8[%swap3A_122, %swap3A_123], %swap3A_126 {strides = array<i32>} : memref<128x128xf32, #tpu.memory_space<vmem>>, vector<1x16xf32>,
      %swap3A_127 = arith.index_cast %scan3A_107 : i32 to index
      %swap3A_128 = arith.constant 64 : index
      %swap3A_129 = tpu.vector_load %arg8[%swap3A_127, %swap3A_128] {strides = array<i32>} : memref<128x128xf32, #tpu.memory_space<vmem>>, vector<1x16xf32>,
      %swap3A_130 = vector.shape_cast %swap3A_129 : vector<1x16xf32> to vector<16xf32>
      %swap3A_131 = vector.shape_cast %broadcast_in_dim3A_1 : vector<16xf32> to vector<1x16xf32>
      tpu.vector_store %arg8[%swap3A_127, %swap3A_128], %swap3A_131 {strides = array<i32>} : memref<128x128xf32, #tpu.memory_space<vmem>>, vector<1x16xf32>,
      %swap3A_132 = arith.index_cast %scan3A_107 : i32 to index
      %swap3A_133 = arith.constant 80 : index
      %swap3A_134 = tpu.vector_load %arg8[%swap3A_132, %swap3A_133] {strides = array<i32>} : memref<128x128xf32, #tpu.memory_space<vmem>>, vector<1x16xf32>,
      %swap3A_135 = vector.shape_cast %swap3A_134 : vector<1x16xf32> to vector<16xf32>
      %swap3A_136 = vector.shape_cast %broadcast_in_dim3A_1 : vector<16xf32> to vector<1x16xf32>
      tpu.vector_store %arg8[%swap3A_132, %swap3A_133], %swap3A_136 {strides = array<i32>} : memref<128x128xf32, #tpu.memory_space<vmem>>, vector<1x16xf32>,
      %swap3A_137 = arith.index_cast %scan3A_107 : i32 to index
      %swap3A_138 = arith.constant 96 : index
      %swap3A_139 = tpu.vector_load %arg8[%swap3A_137, %swap3A_138] {strides = array<i32>} : memref<128x128xf32, #tpu.memory_space<vmem>>, vector<1x16xf32>,
      %swap3A_140 = vector.shape_cast %swap3A_139 : vector<1x16xf32> to vector<16xf32>
      %swap3A_141 = vector.shape_cast %broadcast_in_dim3A_1 : vector<16xf32> to vector<1x16xf32>
      tpu.vector_store %arg8[%swap3A_137, %swap3A_138], %swap3A_141 {strides = array<i32>} : memref<128x128xf32, #tpu.memory_space<vmem>>, vector<1x16xf32>,
      %swap3A_142 = arith.index_cast %scan3A_107 : i32 to index
      %swap3A_143 = arith.constant 112 : index
      %swap3A_144 = tpu.vector_load %arg8[%swap3A_142, %swap3A_143] {strides = array<i32>} : memref<128x128xf32, #tpu.memory_space<vmem>>, vector<1x16xf32>,
      %swap3A_145 = vector.shape_cast %swap3A_144 : vector<1x16xf32> to vector<16xf32>
      %swap3A_146 = vector.shape_cast %broadcast_in_dim3A_1 : vector<16xf32> to vector<1x16xf32>
      tpu.vector_store %arg8[%swap3A_142, %swap3A_143], %swap3A_146 {strides = array<i32>} : memref<128x128xf32, #tpu.memory_space<vmem>>, vector<1x16xf32>,
    }
    %scan3A_6 = arith.constant 128 : i32
    %mul3A_7 = arith.constant 640 : i32
    %mul3A_8 = arith.muli %arg1, %mul3A_7 : i32
    %add3A_9 = arith.constant 0 : i32
    %add3A_10 = arith.addi %mul3A_8, %add3A_9 : i32
    "tpu.region"() ({
      %run_scoped3A = tpu.sem_alloc : memref<!tpu.dma_semaphore, #tpu.memory_space<semaphore_mem>>
      %dma_start3A_107 = arith.constant 0 : i32
      %dma_start3A_108 = tpu.memref_slice %arg10[%add3A_10, %dma_start3A_107] : memref<10240x128xf32, #tpu.memory_space<vmem_shared>> -> memref<128x128xf32, #tpu.memory_space<vmem_shared>>
      %dma_start3A_109 = arith.constant 0 : i32
      %dma_start3A_110 = tpu.memref_slice %arg10[%add3A_10, %dma_start3A_109] : memref<10240x128xf32, #tpu.memory_space<vmem_shared>> -> memref<128x128xf32, #tpu.memory_space<vmem_shared>>
      tpu.enqueue_dma source(%arg8 : memref<128x128xf32, #tpu.memory_space<vmem>>) target(%dma_start3A_110 : memref<128x128xf32, #tpu.memory_space<vmem_shared>>) target_semaphore(%run_scoped3A : memref<!tpu.dma_semaphore, #tpu.memory_space<semaphore_mem>>)
      %dma_wait3A = arith.constant 0 : i32
      %dma_wait3A_111 = tpu.memref_slice %arg10[%add3A_10, %dma_wait3A] : memref<10240x128xf32, #tpu.memory_space<vmem_shared>> -> memref<128x128xf32, #tpu.memory_space<vmem_shared>>
      %dma_wait3A_112 = arith.constant 0 : i32
      %dma_wait3A_113 = tpu.memref_slice %arg10[%add3A_10, %dma_wait3A_112] : memref<10240x128xf32, #tpu.memory_space<vmem_shared>> -> memref<128x128xf32, #tpu.memory_space<vmem_shared>>
      tpu.wait_dma2 semaphore(%run_scoped3A : memref<!tpu.dma_semaphore, #tpu.memory_space<semaphore_mem>>) src(%arg8 : memref<128x128xf32, #tpu.memory_space<vmem>>) dst(%dma_wait3A_113 : memref<128x128xf32, #tpu.memory_space<vmem_shared>>)
      tpu.yield
    }) : () -> ()
    %mul3A_11 = arith.constant 640 : i32
    %mul3A_12 = arith.muli %arg1, %mul3A_11 : i32
    %add3A_13 = arith.constant 128 : i32
    %add3A_14 = arith.addi %mul3A_12, %add3A_13 : i32
    "tpu.region"() ({
      %run_scoped3A = tpu.sem_alloc : memref<!tpu.dma_semaphore, #tpu.memory_space<semaphore_mem>>
      %dma_start3A_107 = arith.constant 0 : i32
      %dma_start3A_108 = tpu.memref_slice %arg10[%add3A_14, %dma_start3A_107] : memref<10240x128xf32, #tpu.memory_space<vmem_shared>> -> memref<128x128xf32, #tpu.memory_space<vmem_shared>>
      %dma_start3A_109 = arith.constant 0 : i32
      %dma_start3A_110 = tpu.memref_slice %arg10[%add3A_14, %dma_start3A_109] : memref<10240x128xf32, #tpu.memory_space<vmem_shared>> -> memref<128x128xf32, #tpu.memory_space<vmem_shared>>
      tpu.enqueue_dma source(%arg8 : memref<128x128xf32, #tpu.memory_space<vmem>>) target(%dma_start3A_110 : memref<128x128xf32, #tpu.memory_space<vmem_shared>>) target_semaphore(%run_scoped3A : memref<!tpu.dma_semaphore, #tpu.memory_space<semaphore_mem>>)
      %dma_wait3A = arith.constant 0 : i32
      %dma_wait3A_111 = tpu.memref_slice %arg10[%add3A_14, %dma_wait3A] : memref<10240x128xf32, #tpu.memory_space<vmem_shared>> -> memref<128x128xf32, #tpu.memory_space<vmem_shared>>
      %dma_wait3A_112 = arith.constant 0 : i32
      %dma_wait3A_113 = tpu.memref_slice %arg10[%add3A_14, %dma_wait3A_112] : memref<10240x128xf32, #tpu.memory_space<vmem_shared>> -> memref<128x128xf32, #tpu.memory_space<vmem_shared>>
      tpu.wait_dma2 semaphore(%run_scoped3A : memref<!tpu.dma_semaphore, #tpu.memory_space<semaphore_mem>>) src(%arg8 : memref<128x128xf32, #tpu.memory_space<vmem>>) dst(%dma_wait3A_113 : memref<128x128xf32, #tpu.memory_space<vmem_shared>>)
      tpu.yield
    }) : () -> ()
    %mul3A_15 = arith.constant 640 : i32
    %mul3A_16 = arith.muli %arg1, %mul3A_15 : i32
    %add3A_17 = arith.constant 256 : i32
    %add3A_18 = arith.addi %mul3A_16, %add3A_17 : i32
    "tpu.region"() ({
      %run_scoped3A = tpu.sem_alloc : memref<!tpu.dma_semaphore, #tpu.memory_space<semaphore_mem>>
      %dma_start3A_107 = arith.constant 0 : i32
      %dma_start3A_108 = tpu.memref_slice %arg10[%add3A_18, %dma_start3A_107] : memref<10240x128xf32, #tpu.memory_space<vmem_shared>> -> memref<128x128xf32, #tpu.memory_space<vmem_shared>>
      %dma_start3A_109 = arith.constant 0 : i32
      %dma_start3A_110 = tpu.memref_slice %arg10[%add3A_18, %dma_start3A_109] : memref<10240x128xf32, #tpu.memory_space<vmem_shared>> -> memref<128x128xf32, #tpu.memory_space<vmem_shared>>
      tpu.enqueue_dma source(%arg8 : memref<128x128xf32, #tpu.memory_space<vmem>>) target(%dma_start3A_110 : memref<128x128xf32, #tpu.memory_space<vmem_shared>>) target_semaphore(%run_scoped3A : memref<!tpu.dma_semaphore, #tpu.memory_space<semaphore_mem>>)
      %dma_wait3A = arith.constant 0 : i32
      %dma_wait3A_111 = tpu.memref_slice %arg10[%add3A_18, %dma_wait3A] : memref<10240x128xf32, #tpu.memory_space<vmem_shared>> -> memref<128x128xf32, #tpu.memory_space<vmem_shared>>
      %dma_wait3A_112 = arith.constant 0 : i32
      %dma_wait3A_113 = tpu.memref_slice %arg10[%add3A_18, %dma_wait3A_112] : memref<10240x128xf32, #tpu.memory_space<vmem_shared>> -> memref<128x128xf32, #tpu.memory_space<vmem_shared>>
      tpu.wait_dma2 semaphore(%run_scoped3A : memref<!tpu.dma_semaphore, #tpu.memory_space<semaphore_mem>>) src(%arg8 : memref<128x128xf32, #tpu.memory_space<vmem>>) dst(%dma_wait3A_113 : memref<128x128xf32, #tpu.memory_space<vmem_shared>>)
      tpu.yield
    }) : () -> ()
    %mul3A_19 = arith.constant 640 : i32
    %mul3A_20 = arith.muli %arg1, %mul3A_19 : i32
    %add3A_21 = arith.constant 384 : i32
    %add3A_22 = arith.addi %mul3A_20, %add3A_21 : i32
    "tpu.region"() ({
      %run_scoped3A = tpu.sem_alloc : memref<!tpu.dma_semaphore, #tpu.memory_space<semaphore_mem>>
      %dma_start3A_107 = arith.constant 0 : i32
      %dma_start3A_108 = tpu.memref_slice %arg10[%add3A_22, %dma_start3A_107] : memref<10240x128xf32, #tpu.memory_space<vmem_shared>> -> memref<128x128xf32, #tpu.memory_space<vmem_shared>>
      %dma_start3A_109 = arith.constant 0 : i32
      %dma_start3A_110 = tpu.memref_slice %arg10[%add3A_22, %dma_start3A_109] : memref<10240x128xf32, #tpu.memory_space<vmem_shared>> -> memref<128x128xf32, #tpu.memory_space<vmem_shared>>
      tpu.enqueue_dma source(%arg8 : memref<128x128xf32, #tpu.memory_space<vmem>>) target(%dma_start3A_110 : memref<128x128xf32, #tpu.memory_space<vmem_shared>>) target_semaphore(%run_scoped3A : memref<!tpu.dma_semaphore, #tpu.memory_space<semaphore_mem>>)
      %dma_wait3A = arith.constant 0 : i32
      %dma_wait3A_111 = tpu.memref_slice %arg10[%add3A_22, %dma_wait3A] : memref<10240x128xf32, #tpu.memory_space<vmem_shared>> -> memref<128x128xf32, #tpu.memory_space<vmem_shared>>
      %dma_wait3A_112 = arith.constant 0 : i32
      %dma_wait3A_113 = tpu.memref_slice %arg10[%add3A_22, %dma_wait3A_112] : memref<10240x128xf32, #tpu.memory_space<vmem_shared>> -> memref<128x128xf32, #tpu.memory_space<vmem_shared>>
      tpu.wait_dma2 semaphore(%run_scoped3A : memref<!tpu.dma_semaphore, #tpu.memory_space<semaphore_mem>>) src(%arg8 : memref<128x128xf32, #tpu.memory_space<vmem>>) dst(%dma_wait3A_113 : memref<128x128xf32, #tpu.memory_space<vmem_shared>>)
      tpu.yield
    }) : () -> ()
    %mul3A_23 = arith.constant 640 : i32
    %mul3A_24 = arith.muli %arg1, %mul3A_23 : i32
    %add3A_25 = arith.constant 512 : i32
    %add3A_26 = arith.addi %mul3A_24, %add3A_25 : i32
    "tpu.region"() ({
      %run_scoped3A = tpu.sem_alloc : memref<!tpu.dma_semaphore, #tpu.memory_space<semaphore_mem>>
      %dma_start3A_107 = arith.constant 0 : i32
      %dma_start3A_108 = tpu.memref_slice %arg10[%add3A_26, %dma_start3A_107] : memref<10240x128xf32, #tpu.memory_space<vmem_shared>> -> memref<128x128xf32, #tpu.memory_space<vmem_shared>>
      %dma_start3A_109 = arith.constant 0 : i32
      %dma_start3A_110 = tpu.memref_slice %arg10[%add3A_26, %dma_start3A_109] : memref<10240x128xf32, #tpu.memory_space<vmem_shared>> -> memref<128x128xf32, #tpu.memory_space<vmem_shared>>
      tpu.enqueue_dma source(%arg8 : memref<128x128xf32, #tpu.memory_space<vmem>>) target(%dma_start3A_110 : memref<128x128xf32, #tpu.memory_space<vmem_shared>>) target_semaphore(%run_scoped3A : memref<!tpu.dma_semaphore, #tpu.memory_space<semaphore_mem>>)
      %dma_wait3A = arith.constant 0 : i32
      %dma_wait3A_111 = tpu.memref_slice %arg10[%add3A_26, %dma_wait3A] : memref<10240x128xf32, #tpu.memory_space<vmem_shared>> -> memref<128x128xf32, #tpu.memory_space<vmem_shared>>
      %dma_wait3A_112 = arith.constant 0 : i32
      %dma_wait3A_113 = tpu.memref_slice %arg10[%add3A_26, %dma_wait3A_112] : memref<10240x128xf32, #tpu.memory_space<vmem_shared>> -> memref<128x128xf32, #tpu.memory_space<vmem_shared>>
      tpu.wait_dma2 semaphore(%run_scoped3A : memref<!tpu.dma_semaphore, #tpu.memory_space<semaphore_mem>>) src(%arg8 : memref<128x128xf32, #tpu.memory_space<vmem>>) dst(%dma_wait3A_113 : memref<128x128xf32, #tpu.memory_space<vmem_shared>>)
      tpu.yield
    }) : () -> ()
    %barrier3A = arith.constant 0 : index
    tpu.barrier barrier_id(%barrier3A)
    %dma_start3A = arith.constant 0 : i32
    %dma_start3A_27 = arith.constant 0 : i32
    %dma_start3A_28 = arith.constant 0 : i32
    %dma_start3A_29 = tpu.memref_slice %arg6[%dma_start3A, %dma_start3A_27, %dma_start3A_28] : memref<2x16x128xi32, #tpu.memory_space<vmem>> -> memref<1x16x128xi32, #tpu.memory_space<vmem>>
    %dma_start3A_30 = tpu.memref_squeeze %dma_start3A_29 : memref<1x16x128xi32, #tpu.memory_space<vmem>> -> memref<16x128xi32, #tpu.memory_space<vmem>>
    %dma_start3A_31 = arith.constant 0 : i32
    %dma_start3A_32 = arith.constant 0 : i32
    %dma_start3A_33 = tpu.memref_slice %arg2[%add3A, %dma_start3A_31, %dma_start3A_32] : memref<32x160x128xi32, #tpu.memory_space<hbm>> -> memref<1x16x128xi32, #tpu.memory_space<hbm>>
    %dma_start3A_34 = tpu.memref_squeeze %dma_start3A_33 : memref<1x16x128xi32, #tpu.memory_space<hbm>> -> memref<16x128xi32, #tpu.memory_space<hbm>>
    %dma_start3A_35 = arith.constant 0 : i32
    %dma_start3A_36 = arith.constant 0 : i32
    %dma_start3A_37 = tpu.memref_slice %arg6[%dma_start3A, %dma_start3A_35, %dma_start3A_36] : memref<2x16x128xi32, #tpu.memory_space<vmem>> -> memref<1x16x128xi32, #tpu.memory_space<vmem>>
    %dma_start3A_38 = tpu.memref_squeeze %dma_start3A_37 : memref<1x16x128xi32, #tpu.memory_space<vmem>> -> memref<16x128xi32, #tpu.memory_space<vmem>>
    %dma_start3A_39 = arith.constant 0 : i32
    %dma_start3A_40 = arith.constant 0 : i32
    %dma_start3A_41 = tpu.memref_slice %arg2[%add3A, %dma_start3A_39, %dma_start3A_40] : memref<32x160x128xi32, #tpu.memory_space<hbm>> -> memref<1x16x128xi32, #tpu.memory_space<hbm>>
    %dma_start3A_42 = tpu.memref_squeeze %dma_start3A_41 : memref<1x16x128xi32, #tpu.memory_space<hbm>> -> memref<16x128xi32, #tpu.memory_space<hbm>>
    tpu.enqueue_dma source(%dma_start3A_42 : memref<16x128xi32, #tpu.memory_space<hbm>>) target(%dma_start3A_38 : memref<16x128xi32, #tpu.memory_space<vmem>>) target_semaphore(%arg11 : memref<!tpu.dma_semaphore, #tpu.memory_space<semaphore_mem>>)
    %dma_start3A_43 = arith.constant 0 : i32
    %dma_start3A_44 = arith.constant 0 : i32
    %dma_start3A_45 = arith.constant 0 : i32
    %dma_start3A_46 = tpu.memref_slice %arg7[%dma_start3A_43, %dma_start3A_44, %dma_start3A_45] : memref<2x16x128xi32, #tpu.memory_space<vmem>> -> memref<1x16x128xi32, #tpu.memory_space<vmem>>
    %dma_start3A_47 = tpu.memref_squeeze %dma_start3A_46 : memref<1x16x128xi32, #tpu.memory_space<vmem>> -> memref<16x128xi32, #tpu.memory_space<vmem>>
    %dma_start3A_48 = arith.constant 0 : i32
    %dma_start3A_49 = arith.constant 0 : i32
    %dma_start3A_50 = tpu.memref_slice %arg3[%arg1, %dma_start3A_48, %dma_start3A_49] : memref<16x160x128xi32, #tpu.memory_space<hbm>> -> memref<1x16x128xi32, #tpu.memory_space<hbm>>
    %dma_start3A_51 = tpu.memref_squeeze %dma_start3A_50 : memref<1x16x128xi32, #tpu.memory_space<hbm>> -> memref<16x128xi32, #tpu.memory_space<hbm>>
    %dma_start3A_52 = arith.constant 0 : i32
    %dma_start3A_53 = arith.constant 0 : i32
    %dma_start3A_54 = tpu.memref_slice %arg7[%dma_start3A_43, %dma_start3A_52, %dma_start3A_53] : memref<2x16x128xi32, #tpu.memory_space<vmem>> -> memref<1x16x128xi32, #tpu.memory_space<vmem>>
    %dma_start3A_55 = tpu.memref_squeeze %dma_start3A_54 : memref<1x16x128xi32, #tpu.memory_space<vmem>> -> memref<16x128xi32, #tpu.memory_space<vmem>>
    %dma_start3A_56 = arith.constant 0 : i32
    %dma_start3A_57 = arith.constant 0 : i32
    %dma_start3A_58 = tpu.memref_slice %arg3[%arg1, %dma_start3A_56, %dma_start3A_57] : memref<16x160x128xi32, #tpu.memory_space<hbm>> -> memref<1x16x128xi32, #tpu.memory_space<hbm>>
    %dma_start3A_59 = tpu.memref_squeeze %dma_start3A_58 : memref<1x16x128xi32, #tpu.memory_space<hbm>> -> memref<16x128xi32, #tpu.memory_space<hbm>>
    tpu.enqueue_dma source(%dma_start3A_59 : memref<16x128xi32, #tpu.memory_space<hbm>>) target(%dma_start3A_55 : memref<16x128xi32, #tpu.memory_space<vmem>>) target_semaphore(%arg11 : memref<!tpu.dma_semaphore, #tpu.memory_space<semaphore_mem>>)
    %scan3A_60 = arith.constant 0 : i32
    %scan3A_61 = arith.constant 0 : i32
    %scan3A_62 = arith.constant 10 : i32
    %scan3A_63 = arith.addi %scan3A_61, %scan3A_62 : i32
    %scan3A_64 = arith.constant 1 : i32
    scf.for %scan3A_107 = %scan3A_61 to %scan3A_63 step %scan3A_64  : i32 {
      %rem3A = arith.constant 2 : i32
      %rem3A_108 = arith.remsi %scan3A_107, %rem3A : i32
      %dma_wait3A = arith.constant 0 : i32
      %dma_wait3A_109 = arith.constant 0 : i32
      %dma_wait3A_110 = tpu.memref_slice %arg6[%rem3A_108, %dma_wait3A, %dma_wait3A_109] : memref<2x16x128xi32, #tpu.memory_space<vmem>> -> memref<1x16x128xi32, #tpu.memory_space<vmem>>
      %dma_wait3A_111 = tpu.memref_squeeze %dma_wait3A_110 : memref<1x16x128xi32, #tpu.memory_space<vmem>> -> memref<16x128xi32, #tpu.memory_space<vmem>>
      %dma_wait3A_112 = arith.constant 0 : i32
      %dma_wait3A_113 = arith.constant 0 : i32
      %dma_wait3A_114 = tpu.memref_slice %arg2[%add3A, %dma_wait3A_112, %dma_wait3A_113] : memref<32x160x128xi32, #tpu.memory_space<hbm>> -> memref<1x16x128xi32, #tpu.memory_space<hbm>>
      %dma_wait3A_115 = tpu.memref_squeeze %dma_wait3A_114 : memref<1x16x128xi32, #tpu.memory_space<hbm>> -> memref<16x128xi32, #tpu.memory_space<hbm>>
      %dma_wait3A_116 = arith.constant 0 : i32
      %dma_wait3A_117 = arith.constant 0 : i32
      %dma_wait3A_118 = tpu.memref_slice %arg6[%rem3A_108, %dma_wait3A_116, %dma_wait3A_117] : memref<2x16x128xi32, #tpu.memory_space<vmem>> -> memref<1x16x128xi32, #tpu.memory_space<vmem>>
      %dma_wait3A_119 = tpu.memref_squeeze %dma_wait3A_118 : memref<1x16x128xi32, #tpu.memory_space<vmem>> -> memref<16x128xi32, #tpu.memory_space<vmem>>
      %dma_wait3A_120 = arith.constant 0 : i32
      %dma_wait3A_121 = arith.constant 0 : i32
      %dma_wait3A_122 = tpu.memref_slice %arg2[%add3A, %dma_wait3A_120, %dma_wait3A_121] : memref<32x160x128xi32, #tpu.memory_space<hbm>> -> memref<1x16x128xi32, #tpu.memory_space<hbm>>
      %dma_wait3A_123 = tpu.memref_squeeze %dma_wait3A_122 : memref<1x16x128xi32, #tpu.memory_space<hbm>> -> memref<16x128xi32, #tpu.memory_space<hbm>>
      tpu.wait_dma2 semaphore(%arg11 : memref<!tpu.dma_semaphore, #tpu.memory_space<semaphore_mem>>) src(%dma_wait3A_123 : memref<16x128xi32, #tpu.memory_space<hbm>>) dst(%dma_wait3A_119 : memref<16x128xi32, #tpu.memory_space<vmem>>)
      %dma_wait3A_124 = arith.constant 0 : i32
      %dma_wait3A_125 = arith.constant 0 : i32
      %dma_wait3A_126 = tpu.memref_slice %arg7[%rem3A_108, %dma_wait3A_124, %dma_wait3A_125] : memref<2x16x128xi32, #tpu.memory_space<vmem>> -> memref<1x16x128xi32, #tpu.memory_space<vmem>>
      %dma_wait3A_127 = tpu.memref_squeeze %dma_wait3A_126 : memref<1x16x128xi32, #tpu.memory_space<vmem>> -> memref<16x128xi32, #tpu.memory_space<vmem>>
      %dma_wait3A_128 = arith.constant 0 : i32
      %dma_wait3A_129 = arith.constant 0 : i32
      %dma_wait3A_130 = tpu.memref_slice %arg3[%arg1, %dma_wait3A_128, %dma_wait3A_129] : memref<16x160x128xi32, #tpu.memory_space<hbm>> -> memref<1x16x128xi32, #tpu.memory_space<hbm>>
      %dma_wait3A_131 = tpu.memref_squeeze %dma_wait3A_130 : memref<1x16x128xi32, #tpu.memory_space<hbm>> -> memref<16x128xi32, #tpu.memory_space<hbm>>
      %dma_wait3A_132 = arith.constant 0 : i32
      %dma_wait3A_133 = arith.constant 0 : i32
      %dma_wait3A_134 = tpu.memref_slice %arg7[%rem3A_108, %dma_wait3A_132, %dma_wait3A_133] : memref<2x16x128xi32, #tpu.memory_space<vmem>> -> memref<1x16x128xi32, #tpu.memory_space<vmem>>
      %dma_wait3A_135 = tpu.memref_squeeze %dma_wait3A_134 : memref<1x16x128xi32, #tpu.memory_space<vmem>> -> memref<16x128xi32, #tpu.memory_space<vmem>>
      %dma_wait3A_136 = arith.constant 0 : i32
      %dma_wait3A_137 = arith.constant 0 : i32
      %dma_wait3A_138 = tpu.memref_slice %arg3[%arg1, %dma_wait3A_136, %dma_wait3A_137] : memref<16x160x128xi32, #tpu.memory_space<hbm>> -> memref<1x16x128xi32, #tpu.memory_space<hbm>>
      %dma_wait3A_139 = tpu.memref_squeeze %dma_wait3A_138 : memref<1x16x128xi32, #tpu.memory_space<hbm>> -> memref<16x128xi32, #tpu.memory_space<hbm>>
      tpu.wait_dma2 semaphore(%arg11 : memref<!tpu.dma_semaphore, #tpu.memory_space<semaphore_mem>>) src(%dma_wait3A_139 : memref<16x128xi32, #tpu.memory_space<hbm>>) dst(%dma_wait3A_135 : memref<16x128xi32, #tpu.memory_space<vmem>>)
      %add3A_140 = arith.constant 1 : i32
      %add3A_141 = arith.addi %scan3A_107, %add3A_140 : i32
      %lt3A = arith.constant 10 : i32
      %lt3A_142 = arith.cmpi slt, %add3A_141, %lt3A : i32
      %convert_element_type3A = arith.extui %lt3A_142 : i1 to i32
      %cond3A = arith.constant 0 : i32
      %cond3A_143 = arith.cmpi ne, %convert_element_type3A, %cond3A : i32
      scf.if %cond3A_143 {
        %add3A_592 = arith.constant 1 : i32
        %add3A_593 = arith.addi %scan3A_107, %add3A_592 : i32
        %sub3A = arith.constant 1 : i32
        %sub3A_594 = arith.subi %sub3A, %rem3A_108 : i32
        %mul3A_595 = arith.constant 16 : i32
        %mul3A_596 = arith.muli %add3A_593, %mul3A_595 : i32
        %dma_start3A_597 = arith.constant 0 : i32
        %dma_start3A_598 = arith.constant 0 : i32
        %dma_start3A_599 = tpu.memref_slice %arg6[%sub3A_594, %dma_start3A_597, %dma_start3A_598] : memref<2x16x128xi32, #tpu.memory_space<vmem>> -> memref<1x16x128xi32, #tpu.memory_space<vmem>>
        %dma_start3A_600 = tpu.memref_squeeze %dma_start3A_599 : memref<1x16x128xi32, #tpu.memory_space<vmem>> -> memref<16x128xi32, #tpu.memory_space<vmem>>
        %dma_start3A_601 = arith.constant 0 : i32
        %dma_start3A_602 = tpu.memref_slice %arg2[%add3A, %mul3A_596, %dma_start3A_601] : memref<32x160x128xi32, #tpu.memory_space<hbm>> -> memref<1x16x128xi32, #tpu.memory_space<hbm>>
        %dma_start3A_603 = tpu.memref_squeeze %dma_start3A_602 : memref<1x16x128xi32, #tpu.memory_space<hbm>> -> memref<16x128xi32, #tpu.memory_space<hbm>>
        %dma_start3A_604 = arith.constant 0 : i32
        %dma_start3A_605 = arith.constant 0 : i32
        %dma_start3A_606 = tpu.memref_slice %arg6[%sub3A_594, %dma_start3A_604, %dma_start3A_605] : memref<2x16x128xi32, #tpu.memory_space<vmem>> -> memref<1x16x128xi32, #tpu.memory_space<vmem>>
        %dma_start3A_607 = tpu.memref_squeeze %dma_start3A_606 : memref<1x16x128xi32, #tpu.memory_space<vmem>> -> memref<16x128xi32, #tpu.memory_space<vmem>>
        %dma_start3A_608 = arith.constant 0 : i32
        %dma_start3A_609 = tpu.memref_slice %arg2[%add3A, %mul3A_596, %dma_start3A_608] : memref<32x160x128xi32, #tpu.memory_space<hbm>> -> memref<1x16x128xi32, #tpu.memory_space<hbm>>
        %dma_start3A_610 = tpu.memref_squeeze %dma_start3A_609 : memref<1x16x128xi32, #tpu.memory_space<hbm>> -> memref<16x128xi32, #tpu.memory_space<hbm>>
        tpu.enqueue_dma source(%dma_start3A_610 : memref<16x128xi32, #tpu.memory_space<hbm>>) target(%dma_start3A_607 : memref<16x128xi32, #tpu.memory_space<vmem>>) target_semaphore(%arg11 : memref<!tpu.dma_semaphore, #tpu.memory_space<semaphore_mem>>)
        %mul3A_611 = arith.constant 16 : i32
        %mul3A_612 = arith.muli %add3A_593, %mul3A_611 : i32
        %dma_start3A_613 = arith.constant 0 : i32
        %dma_start3A_614 = arith.constant 0 : i32
        %dma_start3A_615 = tpu.memref_slice %arg7[%sub3A_594, %dma_start3A_613, %dma_start3A_614] : memref<2x16x128xi32, #tpu.memory_space<vmem>> -> memref<1x16x128xi32, #tpu.memory_space<vmem>>
        %dma_start3A_616 = tpu.memref_squeeze %dma_start3A_615 : memref<1x16x128xi32, #tpu.memory_space<vmem>> -> memref<16x128xi32, #tpu.memory_space<vmem>>
        %dma_start3A_617 = arith.constant 0 : i32
        %dma_start3A_618 = tpu.memref_slice %arg3[%arg1, %mul3A_612, %dma_start3A_617] : memref<16x160x128xi32, #tpu.memory_space<hbm>> -> memref<1x16x128xi32, #tpu.memory_space<hbm>>
        %dma_start3A_619 = tpu.memref_squeeze %dma_start3A_618 : memref<1x16x128xi32, #tpu.memory_space<hbm>> -> memref<16x128xi32, #tpu.memory_space<hbm>>
        %dma_start3A_620 = arith.constant 0 : i32
        %dma_start3A_621 = arith.constant 0 : i32
        %dma_start3A_622 = tpu.memref_slice %arg7[%sub3A_594, %dma_start3A_620, %dma_start3A_621] : memref<2x16x128xi32, #tpu.memory_space<vmem>> -> memref<1x16x128xi32, #tpu.memory_space<vmem>>
        %dma_start3A_623 = tpu.memref_squeeze %dma_start3A_622 : memref<1x16x128xi32, #tpu.memory_space<vmem>> -> memref<16x128xi32, #tpu.memory_space<vmem>>
        %dma_start3A_624 = arith.constant 0 : i32
        %dma_start3A_625 = tpu.memref_slice %arg3[%arg1, %mul3A_612, %dma_start3A_624] : memref<16x160x128xi32, #tpu.memory_space<hbm>> -> memref<1x16x128xi32, #tpu.memory_space<hbm>>
        %dma_start3A_626 = tpu.memref_squeeze %dma_start3A_625 : memref<1x16x128xi32, #tpu.memory_space<hbm>> -> memref<16x128xi32, #tpu.memory_space<hbm>>
        tpu.enqueue_dma source(%dma_start3A_626 : memref<16x128xi32, #tpu.memory_space<hbm>>) target(%dma_start3A_623 : memref<16x128xi32, #tpu.memory_space<vmem>>) target_semaphore(%arg11 : memref<!tpu.dma_semaphore, #tpu.memory_space<semaphore_mem>>)
      } else {
      }
      %dma_start3A_144 = arith.constant 0 : i32
      %dma_start3A_145 = arith.constant 0 : i32
      %dma_start3A_146 = tpu.memref_slice %arg6[%rem3A_108, %dma_start3A_144, %dma_start3A_145] : memref<2x16x128xi32, #tpu.memory_space<vmem>> -> memref<1x1x128xi32, #tpu.memory_space<vmem>>
      %dma_start3A_147 = tpu.memref_squeeze %dma_start3A_146 : memref<1x1x128xi32, #tpu.memory_space<vmem>> -> memref<128xi32, #tpu.memory_space<vmem>>
      %dma_start3A_148 = arith.constant 0 : i32
      %dma_start3A_149 = arith.constant 0 : i32
      %dma_start3A_150 = tpu.memref_slice %arg4[%dma_start3A_148, %dma_start3A_149] : memref<20000x128xf32, #tpu.memory_space<hbm>> -> memref<20000x128xf32, #tpu.memory_space<hbm>>
      tpu.enqueue_indirect_dma source(%dma_start3A_150 : memref<20000x128xf32, #tpu.memory_space<hbm>>) target(%arg8 : memref<128x128xf32, #tpu.memory_space<vmem>>) offsets(%dma_start3A_147 : memref<128xi32, #tpu.memory_space<vmem>>) semaphore(%arg12 : memref<!tpu.dma_semaphore, #tpu.memory_space<semaphore_mem>>)
      %dma_wait3A_151 = arith.constant 0 : i32
      %dma_wait3A_152 = arith.constant 0 : i32
      %dma_wait3A_153 = tpu.memref_slice %arg6[%rem3A_108, %dma_wait3A_151, %dma_wait3A_152] : memref<2x16x128xi32, #tpu.memory_space<vmem>> -> memref<1x1x128xi32, #tpu.memory_space<vmem>>
      %dma_wait3A_154 = tpu.memref_squeeze %dma_wait3A_153 : memref<1x1x128xi32, #tpu.memory_space<vmem>> -> memref<128xi32, #tpu.memory_space<vmem>>
      %dma_wait3A_155 = arith.constant 0 : i32
      %dma_wait3A_156 = arith.constant 0 : i32
      %dma_wait3A_157 = tpu.memref_slice %arg4[%dma_wait3A_155, %dma_wait3A_156] : memref<20000x128xf32, #tpu.memory_space<hbm>> -> memref<20000x128xf32, #tpu.memory_space<hbm>>
      tpu.wait_indirect_dma semaphore(%arg12 : memref<!tpu.dma_semaphore, #tpu.memory_space<semaphore_mem>>) src(%dma_wait3A_157 : memref<20000x128xf32, #tpu.memory_space<hbm>>) dst(%arg8 : memref<128x128xf32, #tpu.memory_space<vmem>>)
      %dma_start3A_158 = arith.constant 0 : i32
      %dma_start3A_159 = arith.constant 0 : i32
      %dma_start3A_160 = tpu.memref_slice %arg7[%rem3A_108, %dma_start3A_158, %dma_start3A_159] : memref<2x16x128xi32, #tpu.memory_space<vmem>> -> memref<1x1x128xi32, #tpu.memory_space<vmem>>
      %dma_start3A_161 = tpu.memref_squeeze %dma_start3A_160 : memref<1x1x128xi32, #tpu.memory_space<vmem>> -> memref<128xi32, #tpu.memory_space<vmem>>
      %dma_start3A_162 = arith.constant 0 : i32
      %dma_start3A_163 = arith.constant 0 : i32
      %dma_start3A_164 = tpu.memref_slice %arg10[%dma_start3A_162, %dma_start3A_163] : memref<10240x128xf32, #tpu.memory_space<vmem_shared>> -> memref<10240x128xf32, #tpu.memory_space<vmem_shared>>
      tpu.enqueue_indirect_dma source(%arg8 : memref<128x128xf32, #tpu.memory_space<vmem>>) target(%dma_start3A_164 : memref<10240x128xf32, #tpu.memory_space<vmem_shared>>) offsets(%dma_start3A_161 : memref<128xi32, #tpu.memory_space<vmem>>) semaphore(%arg14 : memref<!tpu.dma_semaphore, #tpu.memory_space<semaphore_mem>>) {add = true}
      %dma_start3A_165 = arith.constant 1 : i32
      %dma_start3A_166 = arith.constant 0 : i32
      %dma_start3A_167 = tpu.memref_slice %arg6[%rem3A_108, %dma_start3A_165, %dma_start3A_166] : memref<2x16x128xi32, #tpu.memory_space<vmem>> -> memref<1x1x128xi32, #tpu.memory_space<vmem>>
      %dma_start3A_168 = tpu.memref_squeeze %dma_start3A_167 : memref<1x1x128xi32, #tpu.memory_space<vmem>> -> memref<128xi32, #tpu.memory_space<vmem>>
      %dma_start3A_169 = arith.constant 0 : i32
      %dma_start3A_170 = arith.constant 0 : i32
      %dma_start3A_171 = tpu.memref_slice %arg4[%dma_start3A_169, %dma_start3A_170] : memref<20000x128xf32, #tpu.memory_space<hbm>> -> memref<20000x128xf32, #tpu.memory_space<hbm>>
      tpu.enqueue_indirect_dma source(%dma_start3A_171 : memref<20000x128xf32, #tpu.memory_space<hbm>>) target(%arg9 : memref<128x128xf32, #tpu.memory_space<vmem>>) offsets(%dma_start3A_168 : memref<128xi32, #tpu.memory_space<vmem>>) semaphore(%arg13 : memref<!tpu.dma_semaphore, #tpu.memory_space<semaphore_mem>>)
      %dma_wait3A_172 = arith.constant 0 : i32
      %dma_wait3A_173 = arith.constant 0 : i32
      %dma_wait3A_174 = tpu.memref_slice %arg6[%rem3A_108, %dma_wait3A_172, %dma_wait3A_173] : memref<2x16x128xi32, #tpu.memory_space<vmem>> -> memref<1x1x128xi32, #tpu.memory_space<vmem>>
      %dma_wait3A_175 = tpu.memref_squeeze %dma_wait3A_174 : memref<1x1x128xi32, #tpu.memory_space<vmem>> -> memref<128xi32, #tpu.memory_space<vmem>>
      %dma_wait3A_176 = arith.constant 0 : i32
      %dma_wait3A_177 = arith.constant 0 : i32
      %dma_wait3A_178 = tpu.memref_slice %arg4[%dma_wait3A_176, %dma_wait3A_177] : memref<20000x128xf32, #tpu.memory_space<hbm>> -> memref<20000x128xf32, #tpu.memory_space<hbm>>
      tpu.wait_indirect_dma semaphore(%arg13 : memref<!tpu.dma_semaphore, #tpu.memory_space<semaphore_mem>>) src(%dma_wait3A_178 : memref<20000x128xf32, #tpu.memory_space<hbm>>) dst(%arg9 : memref<128x128xf32, #tpu.memory_space<vmem>>)
      %dma_start3A_179 = arith.constant 1 : i32
      %dma_start3A_180 = arith.constant 0 : i32
      %dma_start3A_181 = tpu.memref_slice %arg7[%rem3A_108, %dma_start3A_179, %dma_start3A_180] : memref<2x16x128xi32, #tpu.memory_space<vmem>> -> memref<1x1x128xi32, #tpu.memory_space<vmem>>
      %dma_start3A_182 = tpu.memref_squeeze %dma_start3A_181 : memref<1x1x128xi32, #tpu.memory_space<vmem>> -> memref<128xi32, #tpu.memory_space<vmem>>
      %dma_start3A_183 = arith.constant 0 : i32
      %dma_start3A_184 = arith.constant 0 : i32
      %dma_start3A_185 = tpu.memref_slice %arg10[%dma_start3A_183, %dma_start3A_184] : memref<10240x128xf32, #tpu.memory_space<vmem_shared>> -> memref<10240x128xf32, #tpu.memory_space<vmem_shared>>
      tpu.enqueue_indirect_dma source(%arg9 : memref<128x128xf32, #tpu.memory_space<vmem>>) target(%dma_start3A_185 : memref<10240x128xf32, #tpu.memory_space<vmem_shared>>) offsets(%dma_start3A_182 : memref<128xi32, #tpu.memory_space<vmem>>) semaphore(%arg15 : memref<!tpu.dma_semaphore, #tpu.memory_space<semaphore_mem>>) {add = true}
      %dma_wait3A_186 = arith.constant 0 : i32
      %dma_wait3A_187 = arith.constant 0 : i32
      %dma_wait3A_188 = tpu.memref_slice %arg7[%rem3A_108, %dma_wait3A_186, %dma_wait3A_187] : memref<2x16x128xi32, #tpu.memory_space<vmem>> -> memref<1x1x128xi32, #tpu.memory_space<vmem>>
      %dma_wait3A_189 = tpu.memref_squeeze %dma_wait3A_188 : memref<1x1x128xi32, #tpu.memory_space<vmem>> -> memref<128xi32, #tpu.memory_space<vmem>>
      %dma_wait3A_190 = arith.constant 0 : i32
      %dma_wait3A_191 = arith.constant 0 : i32
      %dma_wait3A_192 = tpu.memref_slice %arg10[%dma_wait3A_190, %dma_wait3A_191] : memref<10240x128xf32, #tpu.memory_space<vmem_shared>> -> memref<10240x128xf32, #tpu.memory_space<vmem_shared>>
      tpu.wait_indirect_dma semaphore(%arg14 : memref<!tpu.dma_semaphore, #tpu.memory_space<semaphore_mem>>) src(%arg8 : memref<128x128xf32, #tpu.memory_space<vmem>>) dst(%dma_wait3A_192 : memref<10240x128xf32, #tpu.memory_space<vmem_shared>>)
      %dma_start3A_193 = arith.constant 2 : i32
      %dma_start3A_194 = arith.constant 0 : i32
      %dma_start3A_195 = tpu.memref_slice %arg6[%rem3A_108, %dma_start3A_193, %dma_start3A_194] : memref<2x16x128xi32, #tpu.memory_space<vmem>> -> memref<1x1x128xi32, #tpu.memory_space<vmem>>
      %dma_start3A_196 = tpu.memref_squeeze %dma_start3A_195 : memref<1x1x128xi32, #tpu.memory_space<vmem>> -> memref<128xi32, #tpu.memory_space<vmem>>
      %dma_start3A_197 = arith.constant 0 : i32
      %dma_start3A_198 = arith.constant 0 : i32
      %dma_start3A_199 = tpu.memref_slice %arg4[%dma_start3A_197, %dma_start3A_198] : memref<20000x128xf32, #tpu.memory_space<hbm>> -> memref<20000x128xf32, #tpu.memory_space<hbm>>
      tpu.enqueue_indirect_dma source(%dma_start3A_199 : memref<20000x128xf32, #tpu.memory_space<hbm>>) target(%arg8 : memref<128x128xf32, #tpu.memory_space<vmem>>) offsets(%dma_start3A_196 : memref<128xi32, #tpu.memory_space<vmem>>) semaphore(%arg12 : memref<!tpu.dma_semaphore, #tpu.memory_space<semaphore_mem>>)
      %dma_wait3A_200 = arith.constant 0 : i32
      %dma_wait3A_201 = arith.constant 0 : i32
      %dma_wait3A_202 = tpu.memref_slice %arg6[%rem3A_108, %dma_wait3A_200, %dma_wait3A_201] : memref<2x16x128xi32, #tpu.memory_space<vmem>> -> memref<1x1x128xi32, #tpu.memory_space<vmem>>
      %dma_wait3A_203 = tpu.memref_squeeze %dma_wait3A_202 : memref<1x1x128xi32, #tpu.memory_space<vmem>> -> memref<128xi32, #tpu.memory_space<vmem>>
      %dma_wait3A_204 = arith.constant 0 : i32
      %dma_wait3A_205 = arith.constant 0 : i32
      %dma_wait3A_206 = tpu.memref_slice %arg4[%dma_wait3A_204, %dma_wait3A_205] : memref<20000x128xf32, #tpu.memory_space<hbm>> -> memref<20000x128xf32, #tpu.memory_space<hbm>>
      tpu.wait_indirect_dma semaphore(%arg12 : memref<!tpu.dma_semaphore, #tpu.memory_space<semaphore_mem>>) src(%dma_wait3A_206 : memref<20000x128xf32, #tpu.memory_space<hbm>>) dst(%arg8 : memref<128x128xf32, #tpu.memory_space<vmem>>)
      %dma_start3A_207 = arith.constant 2 : i32
      %dma_start3A_208 = arith.constant 0 : i32
      %dma_start3A_209 = tpu.memref_slice %arg7[%rem3A_108, %dma_start3A_207, %dma_start3A_208] : memref<2x16x128xi32, #tpu.memory_space<vmem>> -> memref<1x1x128xi32, #tpu.memory_space<vmem>>
      %dma_start3A_210 = tpu.memref_squeeze %dma_start3A_209 : memref<1x1x128xi32, #tpu.memory_space<vmem>> -> memref<128xi32, #tpu.memory_space<vmem>>
      %dma_start3A_211 = arith.constant 0 : i32
      %dma_start3A_212 = arith.constant 0 : i32
      %dma_start3A_213 = tpu.memref_slice %arg10[%dma_start3A_211, %dma_start3A_212] : memref<10240x128xf32, #tpu.memory_space<vmem_shared>> -> memref<10240x128xf32, #tpu.memory_space<vmem_shared>>
      tpu.enqueue_indirect_dma source(%arg8 : memref<128x128xf32, #tpu.memory_space<vmem>>) target(%dma_start3A_213 : memref<10240x128xf32, #tpu.memory_space<vmem_shared>>) offsets(%dma_start3A_210 : memref<128xi32, #tpu.memory_space<vmem>>) semaphore(%arg14 : memref<!tpu.dma_semaphore, #tpu.memory_space<semaphore_mem>>) {add = true}
      %dma_wait3A_214 = arith.constant 0 : i32
      %dma_wait3A_215 = arith.constant 0 : i32
      %dma_wait3A_216 = tpu.memref_slice %arg7[%rem3A_108, %dma_wait3A_214, %dma_wait3A_215] : memref<2x16x128xi32, #tpu.memory_space<vmem>> -> memref<1x1x128xi32, #tpu.memory_space<vmem>>
      %dma_wait3A_217 = tpu.memref_squeeze %dma_wait3A_216 : memref<1x1x128xi32, #tpu.memory_space<vmem>> -> memref<128xi32, #tpu.memory_space<vmem>>
      %dma_wait3A_218 = arith.constant 0 : i32
      %dma_wait3A_219 = arith.constant 0 : i32
      %dma_wait3A_220 = tpu.memref_slice %arg10[%dma_wait3A_218, %dma_wait3A_219] : memref<10240x128xf32, #tpu.memory_space<vmem_shared>> -> memref<10240x128xf32, #tpu.memory_space<vmem_shared>>
      tpu.wait_indirect_dma semaphore(%arg15 : memref<!tpu.dma_semaphore, #tpu.memory_space<semaphore_mem>>) src(%arg9 : memref<128x128xf32, #tpu.memory_space<vmem>>) dst(%dma_wait3A_220 : memref<10240x128xf32, #tpu.memory_space<vmem_shared>>)
      %dma_start3A_221 = arith.constant 3 : i32
      %dma_start3A_222 = arith.constant 0 : i32
      %dma_start3A_223 = tpu.memref_slice %arg6[%rem3A_108, %dma_start3A_221, %dma_start3A_222] : memref<2x16x128xi32, #tpu.memory_space<vmem>> -> memref<1x1x128xi32, #tpu.memory_space<vmem>>
      %dma_start3A_224 = tpu.memref_squeeze %dma_start3A_223 : memref<1x1x128xi32, #tpu.memory_space<vmem>> -> memref<128xi32, #tpu.memory_space<vmem>>
      %dma_start3A_225 = arith.constant 0 : i32
      %dma_start3A_226 = arith.constant 0 : i32
      %dma_start3A_227 = tpu.memref_slice %arg4[%dma_start3A_225, %dma_start3A_226] : memref<20000x128xf32, #tpu.memory_space<hbm>> -> memref<20000x128xf32, #tpu.memory_space<hbm>>
      tpu.enqueue_indirect_dma source(%dma_start3A_227 : memref<20000x128xf32, #tpu.memory_space<hbm>>) target(%arg9 : memref<128x128xf32, #tpu.memory_space<vmem>>) offsets(%dma_start3A_224 : memref<128xi32, #tpu.memory_space<vmem>>) semaphore(%arg13 : memref<!tpu.dma_semaphore, #tpu.memory_space<semaphore_mem>>)
      %dma_wait3A_228 = arith.constant 0 : i32
      %dma_wait3A_229 = arith.constant 0 : i32
      %dma_wait3A_230 = tpu.memref_slice %arg6[%rem3A_108, %dma_wait3A_228, %dma_wait3A_229] : memref<2x16x128xi32, #tpu.memory_space<vmem>> -> memref<1x1x128xi32, #tpu.memory_space<vmem>>
      %dma_wait3A_231 = tpu.memref_squeeze %dma_wait3A_230 : memref<1x1x128xi32, #tpu.memory_space<vmem>> -> memref<128xi32, #tpu.memory_space<vmem>>
      %dma_wait3A_232 = arith.constant 0 : i32
      %dma_wait3A_233 = arith.constant 0 : i32
      %dma_wait3A_234 = tpu.memref_slice %arg4[%dma_wait3A_232, %dma_wait3A_233] : memref<20000x128xf32, #tpu.memory_space<hbm>> -> memref<20000x128xf32, #tpu.memory_space<hbm>>
      tpu.wait_indirect_dma semaphore(%arg13 : memref<!tpu.dma_semaphore, #tpu.memory_space<semaphore_mem>>) src(%dma_wait3A_234 : memref<20000x128xf32, #tpu.memory_space<hbm>>) dst(%arg9 : memref<128x128xf32, #tpu.memory_space<vmem>>)
      %dma_start3A_235 = arith.constant 3 : i32
      %dma_start3A_236 = arith.constant 0 : i32
      %dma_start3A_237 = tpu.memref_slice %arg7[%rem3A_108, %dma_start3A_235, %dma_start3A_236] : memref<2x16x128xi32, #tpu.memory_space<vmem>> -> memref<1x1x128xi32, #tpu.memory_space<vmem>>
      %dma_start3A_238 = tpu.memref_squeeze %dma_start3A_237 : memref<1x1x128xi32, #tpu.memory_space<vmem>> -> memref<128xi32, #tpu.memory_space<vmem>>
      %dma_start3A_239 = arith.constant 0 : i32
      %dma_start3A_240 = arith.constant 0 : i32
      %dma_start3A_241 = tpu.memref_slice %arg10[%dma_start3A_239, %dma_start3A_240] : memref<10240x128xf32, #tpu.memory_space<vmem_shared>> -> memref<10240x128xf32, #tpu.memory_space<vmem_shared>>
      tpu.enqueue_indirect_dma source(%arg9 : memref<128x128xf32, #tpu.memory_space<vmem>>) target(%dma_start3A_241 : memref<10240x128xf32, #tpu.memory_space<vmem_shared>>) offsets(%dma_start3A_238 : memref<128xi32, #tpu.memory_space<vmem>>) semaphore(%arg15 : memref<!tpu.dma_semaphore, #tpu.memory_space<semaphore_mem>>) {add = true}
      %dma_wait3A_242 = arith.constant 0 : i32
      %dma_wait3A_243 = arith.constant 0 : i32
      %dma_wait3A_244 = tpu.memref_slice %arg7[%rem3A_108, %dma_wait3A_242, %dma_wait3A_243] : memref<2x16x128xi32, #tpu.memory_space<vmem>> -> memref<1x1x128xi32, #tpu.memory_space<vmem>>
      %dma_wait3A_245 = tpu.memref_squeeze %dma_wait3A_244 : memref<1x1x128xi32, #tpu.memory_space<vmem>> -> memref<128xi32, #tpu.memory_space<vmem>>
      %dma_wait3A_246 = arith.constant 0 : i32
      %dma_wait3A_247 = arith.constant 0 : i32
      %dma_wait3A_248 = tpu.memref_slice %arg10[%dma_wait3A_246, %dma_wait3A_247] : memref<10240x128xf32, #tpu.memory_space<vmem_shared>> -> memref<10240x128xf32, #tpu.memory_space<vmem_shared>>
      tpu.wait_indirect_dma semaphore(%arg14 : memref<!tpu.dma_semaphore, #tpu.memory_space<semaphore_mem>>) src(%arg8 : memref<128x128xf32, #tpu.memory_space<vmem>>) dst(%dma_wait3A_248 : memref<10240x128xf32, #tpu.memory_space<vmem_shared>>)
      %dma_start3A_249 = arith.constant 4 : i32
      %dma_start3A_250 = arith.constant 0 : i32
      %dma_start3A_251 = tpu.memref_slice %arg6[%rem3A_108, %dma_start3A_249, %dma_start3A_250] : memref<2x16x128xi32, #tpu.memory_space<vmem>> -> memref<1x1x128xi32, #tpu.memory_space<vmem>>
      %dma_start3A_252 = tpu.memref_squeeze %dma_start3A_251 : memref<1x1x128xi32, #tpu.memory_space<vmem>> -> memref<128xi32, #tpu.memory_space<vmem>>
      %dma_start3A_253 = arith.constant 0 : i32
      %dma_start3A_254 = arith.constant 0 : i32
      %dma_start3A_255 = tpu.memref_slice %arg4[%dma_start3A_253, %dma_start3A_254] : memref<20000x128xf32, #tpu.memory_space<hbm>> -> memref<20000x128xf32, #tpu.memory_space<hbm>>
      tpu.enqueue_indirect_dma source(%dma_start3A_255 : memref<20000x128xf32, #tpu.memory_space<hbm>>) target(%arg8 : memref<128x128xf32, #tpu.memory_space<vmem>>) offsets(%dma_start3A_252 : memref<128xi32, #tpu.memory_space<vmem>>) semaphore(%arg12 : memref<!tpu.dma_semaphore, #tpu.memory_space<semaphore_mem>>)
      %dma_wait3A_256 = arith.constant 0 : i32
      %dma_wait3A_257 = arith.constant 0 : i32
      %dma_wait3A_258 = tpu.memref_slice %arg6[%rem3A_108, %dma_wait3A_256, %dma_wait3A_257] : memref<2x16x128xi32, #tpu.memory_space<vmem>> -> memref<1x1x128xi32, #tpu.memory_space<vmem>>
      %dma_wait3A_259 = tpu.memref_squeeze %dma_wait3A_258 : memref<1x1x128xi32, #tpu.memory_space<vmem>> -> memref<128xi32, #tpu.memory_space<vmem>>
      %dma_wait3A_260 = arith.constant 0 : i32
      %dma_wait3A_261 = arith.constant 0 : i32
      %dma_wait3A_262 = tpu.memref_slice %arg4[%dma_wait3A_260, %dma_wait3A_261] : memref<20000x128xf32, #tpu.memory_space<hbm>> -> memref<20000x128xf32, #tpu.memory_space<hbm>>
      tpu.wait_indirect_dma semaphore(%arg12 : memref<!tpu.dma_semaphore, #tpu.memory_space<semaphore_mem>>) src(%dma_wait3A_262 : memref<20000x128xf32, #tpu.memory_space<hbm>>) dst(%arg8 : memref<128x128xf32, #tpu.memory_space<vmem>>)
      %dma_start3A_263 = arith.constant 4 : i32
      %dma_start3A_264 = arith.constant 0 : i32
      %dma_start3A_265 = tpu.memref_slice %arg7[%rem3A_108, %dma_start3A_263, %dma_start3A_264] : memref<2x16x128xi32, #tpu.memory_space<vmem>> -> memref<1x1x128xi32, #tpu.memory_space<vmem>>
      %dma_start3A_266 = tpu.memref_squeeze %dma_start3A_265 : memref<1x1x128xi32, #tpu.memory_space<vmem>> -> memref<128xi32, #tpu.memory_space<vmem>>
      %dma_start3A_267 = arith.constant 0 : i32
      %dma_start3A_268 = arith.constant 0 : i32
      %dma_start3A_269 = tpu.memref_slice %arg10[%dma_start3A_267, %dma_start3A_268] : memref<10240x128xf32, #tpu.memory_space<vmem_shared>> -> memref<10240x128xf32, #tpu.memory_space<vmem_shared>>
      tpu.enqueue_indirect_dma source(%arg8 : memref<128x128xf32, #tpu.memory_space<vmem>>) target(%dma_start3A_269 : memref<10240x128xf32, #tpu.memory_space<vmem_shared>>) offsets(%dma_start3A_266 : memref<128xi32, #tpu.memory_space<vmem>>) semaphore(%arg14 : memref<!tpu.dma_semaphore, #tpu.memory_space<semaphore_mem>>) {add = true}
      %dma_wait3A_270 = arith.constant 0 : i32
      %dma_wait3A_271 = arith.constant 0 : i32
      %dma_wait3A_272 = tpu.memref_slice %arg7[%rem3A_108, %dma_wait3A_270, %dma_wait3A_271] : memref<2x16x128xi32, #tpu.memory_space<vmem>> -> memref<1x1x128xi32, #tpu.memory_space<vmem>>
      %dma_wait3A_273 = tpu.memref_squeeze %dma_wait3A_272 : memref<1x1x128xi32, #tpu.memory_space<vmem>> -> memref<128xi32, #tpu.memory_space<vmem>>
      %dma_wait3A_274 = arith.constant 0 : i32
      %dma_wait3A_275 = arith.constant 0 : i32
      %dma_wait3A_276 = tpu.memref_slice %arg10[%dma_wait3A_274, %dma_wait3A_275] : memref<10240x128xf32, #tpu.memory_space<vmem_shared>> -> memref<10240x128xf32, #tpu.memory_space<vmem_shared>>
      tpu.wait_indirect_dma semaphore(%arg15 : memref<!tpu.dma_semaphore, #tpu.memory_space<semaphore_mem>>) src(%arg9 : memref<128x128xf32, #tpu.memory_space<vmem>>) dst(%dma_wait3A_276 : memref<10240x128xf32, #tpu.memory_space<vmem_shared>>)
      %dma_start3A_277 = arith.constant 5 : i32
      %dma_start3A_278 = arith.constant 0 : i32
      %dma_start3A_279 = tpu.memref_slice %arg6[%rem3A_108, %dma_start3A_277, %dma_start3A_278] : memref<2x16x128xi32, #tpu.memory_space<vmem>> -> memref<1x1x128xi32, #tpu.memory_space<vmem>>
      %dma_start3A_280 = tpu.memref_squeeze %dma_start3A_279 : memref<1x1x128xi32, #tpu.memory_space<vmem>> -> memref<128xi32, #tpu.memory_space<vmem>>
      %dma_start3A_281 = arith.constant 0 : i32
      %dma_start3A_282 = arith.constant 0 : i32
      %dma_start3A_283 = tpu.memref_slice %arg4[%dma_start3A_281, %dma_start3A_282] : memref<20000x128xf32, #tpu.memory_space<hbm>> -> memref<20000x128xf32, #tpu.memory_space<hbm>>
      tpu.enqueue_indirect_dma source(%dma_start3A_283 : memref<20000x128xf32, #tpu.memory_space<hbm>>) target(%arg9 : memref<128x128xf32, #tpu.memory_space<vmem>>) offsets(%dma_start3A_280 : memref<128xi32, #tpu.memory_space<vmem>>) semaphore(%arg13 : memref<!tpu.dma_semaphore, #tpu.memory_space<semaphore_mem>>)
      %dma_wait3A_284 = arith.constant 0 : i32
      %dma_wait3A_285 = arith.constant 0 : i32
      %dma_wait3A_286 = tpu.memref_slice %arg6[%rem3A_108, %dma_wait3A_284, %dma_wait3A_285] : memref<2x16x128xi32, #tpu.memory_space<vmem>> -> memref<1x1x128xi32, #tpu.memory_space<vmem>>
      %dma_wait3A_287 = tpu.memref_squeeze %dma_wait3A_286 : memref<1x1x128xi32, #tpu.memory_space<vmem>> -> memref<128xi32, #tpu.memory_space<vmem>>
      %dma_wait3A_288 = arith.constant 0 : i32
      %dma_wait3A_289 = arith.constant 0 : i32
      %dma_wait3A_290 = tpu.memref_slice %arg4[%dma_wait3A_288, %dma_wait3A_289] : memref<20000x128xf32, #tpu.memory_space<hbm>> -> memref<20000x128xf32, #tpu.memory_space<hbm>>
      tpu.wait_indirect_dma semaphore(%arg13 : memref<!tpu.dma_semaphore, #tpu.memory_space<semaphore_mem>>) src(%dma_wait3A_290 : memref<20000x128xf32, #tpu.memory_space<hbm>>) dst(%arg9 : memref<128x128xf32, #tpu.memory_space<vmem>>)
      %dma_start3A_291 = arith.constant 5 : i32
      %dma_start3A_292 = arith.constant 0 : i32
      %dma_start3A_293 = tpu.memref_slice %arg7[%rem3A_108, %dma_start3A_291, %dma_start3A_292] : memref<2x16x128xi32, #tpu.memory_space<vmem>> -> memref<1x1x128xi32, #tpu.memory_space<vmem>>
      %dma_start3A_294 = tpu.memref_squeeze %dma_start3A_293 : memref<1x1x128xi32, #tpu.memory_space<vmem>> -> memref<128xi32, #tpu.memory_space<vmem>>
      %dma_start3A_295 = arith.constant 0 : i32
      %dma_start3A_296 = arith.constant 0 : i32
      %dma_start3A_297 = tpu.memref_slice %arg10[%dma_start3A_295, %dma_start3A_296] : memref<10240x128xf32, #tpu.memory_space<vmem_shared>> -> memref<10240x128xf32, #tpu.memory_space<vmem_shared>>
      tpu.enqueue_indirect_dma source(%arg9 : memref<128x128xf32, #tpu.memory_space<vmem>>) target(%dma_start3A_297 : memref<10240x128xf32, #tpu.memory_space<vmem_shared>>) offsets(%dma_start3A_294 : memref<128xi32, #tpu.memory_space<vmem>>) semaphore(%arg15 : memref<!tpu.dma_semaphore, #tpu.memory_space<semaphore_mem>>) {add = true}
      %dma_wait3A_298 = arith.constant 0 : i32
      %dma_wait3A_299 = arith.constant 0 : i32
      %dma_wait3A_300 = tpu.memref_slice %arg7[%rem3A_108, %dma_wait3A_298, %dma_wait3A_299] : memref<2x16x128xi32, #tpu.memory_space<vmem>> -> memref<1x1x128xi32, #tpu.memory_space<vmem>>
      %dma_wait3A_301 = tpu.memref_squeeze %dma_wait3A_300 : memref<1x1x128xi32, #tpu.memory_space<vmem>> -> memref<128xi32, #tpu.memory_space<vmem>>
      %dma_wait3A_302 = arith.constant 0 : i32
      %dma_wait3A_303 = arith.constant 0 : i32
      %dma_wait3A_304 = tpu.memref_slice %arg10[%dma_wait3A_302, %dma_wait3A_303] : memref<10240x128xf32, #tpu.memory_space<vmem_shared>> -> memref<10240x128xf32, #tpu.memory_space<vmem_shared>>
      tpu.wait_indirect_dma semaphore(%arg14 : memref<!tpu.dma_semaphore, #tpu.memory_space<semaphore_mem>>) src(%arg8 : memref<128x128xf32, #tpu.memory_space<vmem>>) dst(%dma_wait3A_304 : memref<10240x128xf32, #tpu.memory_space<vmem_shared>>)
      %dma_start3A_305 = arith.constant 6 : i32
      %dma_start3A_306 = arith.constant 0 : i32
      %dma_start3A_307 = tpu.memref_slice %arg6[%rem3A_108, %dma_start3A_305, %dma_start3A_306] : memref<2x16x128xi32, #tpu.memory_space<vmem>> -> memref<1x1x128xi32, #tpu.memory_space<vmem>>
      %dma_start3A_308 = tpu.memref_squeeze %dma_start3A_307 : memref<1x1x128xi32, #tpu.memory_space<vmem>> -> memref<128xi32, #tpu.memory_space<vmem>>
      %dma_start3A_309 = arith.constant 0 : i32
      %dma_start3A_310 = arith.constant 0 : i32
      %dma_start3A_311 = tpu.memref_slice %arg4[%dma_start3A_309, %dma_start3A_310] : memref<20000x128xf32, #tpu.memory_space<hbm>> -> memref<20000x128xf32, #tpu.memory_space<hbm>>
      tpu.enqueue_indirect_dma source(%dma_start3A_311 : memref<20000x128xf32, #tpu.memory_space<hbm>>) target(%arg8 : memref<128x128xf32, #tpu.memory_space<vmem>>) offsets(%dma_start3A_308 : memref<128xi32, #tpu.memory_space<vmem>>) semaphore(%arg12 : memref<!tpu.dma_semaphore, #tpu.memory_space<semaphore_mem>>)
      %dma_wait3A_312 = arith.constant 0 : i32
      %dma_wait3A_313 = arith.constant 0 : i32
      %dma_wait3A_314 = tpu.memref_slice %arg6[%rem3A_108, %dma_wait3A_312, %dma_wait3A_313] : memref<2x16x128xi32, #tpu.memory_space<vmem>> -> memref<1x1x128xi32, #tpu.memory_space<vmem>>
      %dma_wait3A_315 = tpu.memref_squeeze %dma_wait3A_314 : memref<1x1x128xi32, #tpu.memory_space<vmem>> -> memref<128xi32, #tpu.memory_space<vmem>>
      %dma_wait3A_316 = arith.constant 0 : i32
      %dma_wait3A_317 = arith.constant 0 : i32
      %dma_wait3A_318 = tpu.memref_slice %arg4[%dma_wait3A_316, %dma_wait3A_317] : memref<20000x128xf32, #tpu.memory_space<hbm>> -> memref<20000x128xf32, #tpu.memory_space<hbm>>
      tpu.wait_indirect_dma semaphore(%arg12 : memref<!tpu.dma_semaphore, #tpu.memory_space<semaphore_mem>>) src(%dma_wait3A_318 : memref<20000x128xf32, #tpu.memory_space<hbm>>) dst(%arg8 : memref<128x128xf32, #tpu.memory_space<vmem>>)
      %dma_start3A_319 = arith.constant 6 : i32
      %dma_start3A_320 = arith.constant 0 : i32
      %dma_start3A_321 = tpu.memref_slice %arg7[%rem3A_108, %dma_start3A_319, %dma_start3A_320] : memref<2x16x128xi32, #tpu.memory_space<vmem>> -> memref<1x1x128xi32, #tpu.memory_space<vmem>>
      %dma_start3A_322 = tpu.memref_squeeze %dma_start3A_321 : memref<1x1x128xi32, #tpu.memory_space<vmem>> -> memref<128xi32, #tpu.memory_space<vmem>>
      %dma_start3A_323 = arith.constant 0 : i32
      %dma_start3A_324 = arith.constant 0 : i32
      %dma_start3A_325 = tpu.memref_slice %arg10[%dma_start3A_323, %dma_start3A_324] : memref<10240x128xf32, #tpu.memory_space<vmem_shared>> -> memref<10240x128xf32, #tpu.memory_space<vmem_shared>>
      tpu.enqueue_indirect_dma source(%arg8 : memref<128x128xf32, #tpu.memory_space<vmem>>) target(%dma_start3A_325 : memref<10240x128xf32, #tpu.memory_space<vmem_shared>>) offsets(%dma_start3A_322 : memref<128xi32, #tpu.memory_space<vmem>>) semaphore(%arg14 : memref<!tpu.dma_semaphore, #tpu.memory_space<semaphore_mem>>) {add = true}
      %dma_wait3A_326 = arith.constant 0 : i32
      %dma_wait3A_327 = arith.constant 0 : i32
      %dma_wait3A_328 = tpu.memref_slice %arg7[%rem3A_108, %dma_wait3A_326, %dma_wait3A_327] : memref<2x16x128xi32, #tpu.memory_space<vmem>> -> memref<1x1x128xi32, #tpu.memory_space<vmem>>
      %dma_wait3A_329 = tpu.memref_squeeze %dma_wait3A_328 : memref<1x1x128xi32, #tpu.memory_space<vmem>> -> memref<128xi32, #tpu.memory_space<vmem>>
      %dma_wait3A_330 = arith.constant 0 : i32
      %dma_wait3A_331 = arith.constant 0 : i32
      %dma_wait3A_332 = tpu.memref_slice %arg10[%dma_wait3A_330, %dma_wait3A_331] : memref<10240x128xf32, #tpu.memory_space<vmem_shared>> -> memref<10240x128xf32, #tpu.memory_space<vmem_shared>>
      tpu.wait_indirect_dma semaphore(%arg15 : memref<!tpu.dma_semaphore, #tpu.memory_space<semaphore_mem>>) src(%arg9 : memref<128x128xf32, #tpu.memory_space<vmem>>) dst(%dma_wait3A_332 : memref<10240x128xf32, #tpu.memory_space<vmem_shared>>)
      %dma_start3A_333 = arith.constant 7 : i32
      %dma_start3A_334 = arith.constant 0 : i32
      %dma_start3A_335 = tpu.memref_slice %arg6[%rem3A_108, %dma_start3A_333, %dma_start3A_334] : memref<2x16x128xi32, #tpu.memory_space<vmem>> -> memref<1x1x128xi32, #tpu.memory_space<vmem>>
      %dma_start3A_336 = tpu.memref_squeeze %dma_start3A_335 : memref<1x1x128xi32, #tpu.memory_space<vmem>> -> memref<128xi32, #tpu.memory_space<vmem>>
      %dma_start3A_337 = arith.constant 0 : i32
      %dma_start3A_338 = arith.constant 0 : i32
      %dma_start3A_339 = tpu.memref_slice %arg4[%dma_start3A_337, %dma_start3A_338] : memref<20000x128xf32, #tpu.memory_space<hbm>> -> memref<20000x128xf32, #tpu.memory_space<hbm>>
      tpu.enqueue_indirect_dma source(%dma_start3A_339 : memref<20000x128xf32, #tpu.memory_space<hbm>>) target(%arg9 : memref<128x128xf32, #tpu.memory_space<vmem>>) offsets(%dma_start3A_336 : memref<128xi32, #tpu.memory_space<vmem>>) semaphore(%arg13 : memref<!tpu.dma_semaphore, #tpu.memory_space<semaphore_mem>>)
      %dma_wait3A_340 = arith.constant 0 : i32
      %dma_wait3A_341 = arith.constant 0 : i32
      %dma_wait3A_342 = tpu.memref_slice %arg6[%rem3A_108, %dma_wait3A_340, %dma_wait3A_341] : memref<2x16x128xi32, #tpu.memory_space<vmem>> -> memref<1x1x128xi32, #tpu.memory_space<vmem>>
      %dma_wait3A_343 = tpu.memref_squeeze %dma_wait3A_342 : memref<1x1x128xi32, #tpu.memory_space<vmem>> -> memref<128xi32, #tpu.memory_space<vmem>>
      %dma_wait3A_344 = arith.constant 0 : i32
      %dma_wait3A_345 = arith.constant 0 : i32
      %dma_wait3A_346 = tpu.memref_slice %arg4[%dma_wait3A_344, %dma_wait3A_345] : memref<20000x128xf32, #tpu.memory_space<hbm>> -> memref<20000x128xf32, #tpu.memory_space<hbm>>
      tpu.wait_indirect_dma semaphore(%arg13 : memref<!tpu.dma_semaphore, #tpu.memory_space<semaphore_mem>>) src(%dma_wait3A_346 : memref<20000x128xf32, #tpu.memory_space<hbm>>) dst(%arg9 : memref<128x128xf32, #tpu.memory_space<vmem>>)
      %dma_start3A_347 = arith.constant 7 : i32
      %dma_start3A_348 = arith.constant 0 : i32
      %dma_start3A_349 = tpu.memref_slice %arg7[%rem3A_108, %dma_start3A_347, %dma_start3A_348] : memref<2x16x128xi32, #tpu.memory_space<vmem>> -> memref<1x1x128xi32, #tpu.memory_space<vmem>>
      %dma_start3A_350 = tpu.memref_squeeze %dma_start3A_349 : memref<1x1x128xi32, #tpu.memory_space<vmem>> -> memref<128xi32, #tpu.memory_space<vmem>>
      %dma_start3A_351 = arith.constant 0 : i32
      %dma_start3A_352 = arith.constant 0 : i32
      %dma_start3A_353 = tpu.memref_slice %arg10[%dma_start3A_351, %dma_start3A_352] : memref<10240x128xf32, #tpu.memory_space<vmem_shared>> -> memref<10240x128xf32, #tpu.memory_space<vmem_shared>>
      tpu.enqueue_indirect_dma source(%arg9 : memref<128x128xf32, #tpu.memory_space<vmem>>) target(%dma_start3A_353 : memref<10240x128xf32, #tpu.memory_space<vmem_shared>>) offsets(%dma_start3A_350 : memref<128xi32, #tpu.memory_space<vmem>>) semaphore(%arg15 : memref<!tpu.dma_semaphore, #tpu.memory_space<semaphore_mem>>) {add = true}
      %dma_wait3A_354 = arith.constant 0 : i32
      %dma_wait3A_355 = arith.constant 0 : i32
      %dma_wait3A_356 = tpu.memref_slice %arg7[%rem3A_108, %dma_wait3A_354, %dma_wait3A_355] : memref<2x16x128xi32, #tpu.memory_space<vmem>> -> memref<1x1x128xi32, #tpu.memory_space<vmem>>
      %dma_wait3A_357 = tpu.memref_squeeze %dma_wait3A_356 : memref<1x1x128xi32, #tpu.memory_space<vmem>> -> memref<128xi32, #tpu.memory_space<vmem>>
      %dma_wait3A_358 = arith.constant 0 : i32
      %dma_wait3A_359 = arith.constant 0 : i32
      %dma_wait3A_360 = tpu.memref_slice %arg10[%dma_wait3A_358, %dma_wait3A_359] : memref<10240x128xf32, #tpu.memory_space<vmem_shared>> -> memref<10240x128xf32, #tpu.memory_space<vmem_shared>>
      tpu.wait_indirect_dma semaphore(%arg14 : memref<!tpu.dma_semaphore, #tpu.memory_space<semaphore_mem>>) src(%arg8 : memref<128x128xf32, #tpu.memory_space<vmem>>) dst(%dma_wait3A_360 : memref<10240x128xf32, #tpu.memory_space<vmem_shared>>)
      %dma_start3A_361 = arith.constant 8 : i32
      %dma_start3A_362 = arith.constant 0 : i32
      %dma_start3A_363 = tpu.memref_slice %arg6[%rem3A_108, %dma_start3A_361, %dma_start3A_362] : memref<2x16x128xi32, #tpu.memory_space<vmem>> -> memref<1x1x128xi32, #tpu.memory_space<vmem>>
      %dma_start3A_364 = tpu.memref_squeeze %dma_start3A_363 : memref<1x1x128xi32, #tpu.memory_space<vmem>> -> memref<128xi32, #tpu.memory_space<vmem>>
      %dma_start3A_365 = arith.constant 0 : i32
      %dma_start3A_366 = arith.constant 0 : i32
      %dma_start3A_367 = tpu.memref_slice %arg4[%dma_start3A_365, %dma_start3A_366] : memref<20000x128xf32, #tpu.memory_space<hbm>> -> memref<20000x128xf32, #tpu.memory_space<hbm>>
      tpu.enqueue_indirect_dma source(%dma_start3A_367 : memref<20000x128xf32, #tpu.memory_space<hbm>>) target(%arg8 : memref<128x128xf32, #tpu.memory_space<vmem>>) offsets(%dma_start3A_364 : memref<128xi32, #tpu.memory_space<vmem>>) semaphore(%arg12 : memref<!tpu.dma_semaphore, #tpu.memory_space<semaphore_mem>>)
      %dma_wait3A_368 = arith.constant 0 : i32
      %dma_wait3A_369 = arith.constant 0 : i32
      %dma_wait3A_370 = tpu.memref_slice %arg6[%rem3A_108, %dma_wait3A_368, %dma_wait3A_369] : memref<2x16x128xi32, #tpu.memory_space<vmem>> -> memref<1x1x128xi32, #tpu.memory_space<vmem>>
      %dma_wait3A_371 = tpu.memref_squeeze %dma_wait3A_370 : memref<1x1x128xi32, #tpu.memory_space<vmem>> -> memref<128xi32, #tpu.memory_space<vmem>>
      %dma_wait3A_372 = arith.constant 0 : i32
      %dma_wait3A_373 = arith.constant 0 : i32
      %dma_wait3A_374 = tpu.memref_slice %arg4[%dma_wait3A_372, %dma_wait3A_373] : memref<20000x128xf32, #tpu.memory_space<hbm>> -> memref<20000x128xf32, #tpu.memory_space<hbm>>
      tpu.wait_indirect_dma semaphore(%arg12 : memref<!tpu.dma_semaphore, #tpu.memory_space<semaphore_mem>>) src(%dma_wait3A_374 : memref<20000x128xf32, #tpu.memory_space<hbm>>) dst(%arg8 : memref<128x128xf32, #tpu.memory_space<vmem>>)
      %dma_start3A_375 = arith.constant 8 : i32
      %dma_start3A_376 = arith.constant 0 : i32
      %dma_start3A_377 = tpu.memref_slice %arg7[%rem3A_108, %dma_start3A_375, %dma_start3A_376] : memref<2x16x128xi32, #tpu.memory_space<vmem>> -> memref<1x1x128xi32, #tpu.memory_space<vmem>>
      %dma_start3A_378 = tpu.memref_squeeze %dma_start3A_377 : memref<1x1x128xi32, #tpu.memory_space<vmem>> -> memref<128xi32, #tpu.memory_space<vmem>>
      %dma_start3A_379 = arith.constant 0 : i32
      %dma_start3A_380 = arith.constant 0 : i32
      %dma_start3A_381 = tpu.memref_slice %arg10[%dma_start3A_379, %dma_start3A_380] : memref<10240x128xf32, #tpu.memory_space<vmem_shared>> -> memref<10240x128xf32, #tpu.memory_space<vmem_shared>>
      tpu.enqueue_indirect_dma source(%arg8 : memref<128x128xf32, #tpu.memory_space<vmem>>) target(%dma_start3A_381 : memref<10240x128xf32, #tpu.memory_space<vmem_shared>>) offsets(%dma_start3A_378 : memref<128xi32, #tpu.memory_space<vmem>>) semaphore(%arg14 : memref<!tpu.dma_semaphore, #tpu.memory_space<semaphore_mem>>) {add = true}
      %dma_wait3A_382 = arith.constant 0 : i32
      %dma_wait3A_383 = arith.constant 0 : i32
      %dma_wait3A_384 = tpu.memref_slice %arg7[%rem3A_108, %dma_wait3A_382, %dma_wait3A_383] : memref<2x16x128xi32, #tpu.memory_space<vmem>> -> memref<1x1x128xi32, #tpu.memory_space<vmem>>
      %dma_wait3A_385 = tpu.memref_squeeze %dma_wait3A_384 : memref<1x1x128xi32, #tpu.memory_space<vmem>> -> memref<128xi32, #tpu.memory_space<vmem>>
      %dma_wait3A_386 = arith.constant 0 : i32
      %dma_wait3A_387 = arith.constant 0 : i32
      %dma_wait3A_388 = tpu.memref_slice %arg10[%dma_wait3A_386, %dma_wait3A_387] : memref<10240x128xf32, #tpu.memory_space<vmem_shared>> -> memref<10240x128xf32, #tpu.memory_space<vmem_shared>>
      tpu.wait_indirect_dma semaphore(%arg15 : memref<!tpu.dma_semaphore, #tpu.memory_space<semaphore_mem>>) src(%arg9 : memref<128x128xf32, #tpu.memory_space<vmem>>) dst(%dma_wait3A_388 : memref<10240x128xf32, #tpu.memory_space<vmem_shared>>)
      %dma_start3A_389 = arith.constant 9 : i32
      %dma_start3A_390 = arith.constant 0 : i32
      %dma_start3A_391 = tpu.memref_slice %arg6[%rem3A_108, %dma_start3A_389, %dma_start3A_390] : memref<2x16x128xi32, #tpu.memory_space<vmem>> -> memref<1x1x128xi32, #tpu.memory_space<vmem>>
      %dma_start3A_392 = tpu.memref_squeeze %dma_start3A_391 : memref<1x1x128xi32, #tpu.memory_space<vmem>> -> memref<128xi32, #tpu.memory_space<vmem>>
      %dma_start3A_393 = arith.constant 0 : i32
      %dma_start3A_394 = arith.constant 0 : i32
      %dma_start3A_395 = tpu.memref_slice %arg4[%dma_start3A_393, %dma_start3A_394] : memref<20000x128xf32, #tpu.memory_space<hbm>> -> memref<20000x128xf32, #tpu.memory_space<hbm>>
      tpu.enqueue_indirect_dma source(%dma_start3A_395 : memref<20000x128xf32, #tpu.memory_space<hbm>>) target(%arg9 : memref<128x128xf32, #tpu.memory_space<vmem>>) offsets(%dma_start3A_392 : memref<128xi32, #tpu.memory_space<vmem>>) semaphore(%arg13 : memref<!tpu.dma_semaphore, #tpu.memory_space<semaphore_mem>>)
      %dma_wait3A_396 = arith.constant 0 : i32
      %dma_wait3A_397 = arith.constant 0 : i32
      %dma_wait3A_398 = tpu.memref_slice %arg6[%rem3A_108, %dma_wait3A_396, %dma_wait3A_397] : memref<2x16x128xi32, #tpu.memory_space<vmem>> -> memref<1x1x128xi32, #tpu.memory_space<vmem>>
      %dma_wait3A_399 = tpu.memref_squeeze %dma_wait3A_398 : memref<1x1x128xi32, #tpu.memory_space<vmem>> -> memref<128xi32, #tpu.memory_space<vmem>>
      %dma_wait3A_400 = arith.constant 0 : i32
      %dma_wait3A_401 = arith.constant 0 : i32
      %dma_wait3A_402 = tpu.memref_slice %arg4[%dma_wait3A_400, %dma_wait3A_401] : memref<20000x128xf32, #tpu.memory_space<hbm>> -> memref<20000x128xf32, #tpu.memory_space<hbm>>
      tpu.wait_indirect_dma semaphore(%arg13 : memref<!tpu.dma_semaphore, #tpu.memory_space<semaphore_mem>>) src(%dma_wait3A_402 : memref<20000x128xf32, #tpu.memory_space<hbm>>) dst(%arg9 : memref<128x128xf32, #tpu.memory_space<vmem>>)
      %dma_start3A_403 = arith.constant 9 : i32
      %dma_start3A_404 = arith.constant 0 : i32
      %dma_start3A_405 = tpu.memref_slice %arg7[%rem3A_108, %dma_start3A_403, %dma_start3A_404] : memref<2x16x128xi32, #tpu.memory_space<vmem>> -> memref<1x1x128xi32, #tpu.memory_space<vmem>>
      %dma_start3A_406 = tpu.memref_squeeze %dma_start3A_405 : memref<1x1x128xi32, #tpu.memory_space<vmem>> -> memref<128xi32, #tpu.memory_space<vmem>>
      %dma_start3A_407 = arith.constant 0 : i32
      %dma_start3A_408 = arith.constant 0 : i32
      %dma_start3A_409 = tpu.memref_slice %arg10[%dma_start3A_407, %dma_start3A_408] : memref<10240x128xf32, #tpu.memory_space<vmem_shared>> -> memref<10240x128xf32, #tpu.memory_space<vmem_shared>>
      tpu.enqueue_indirect_dma source(%arg9 : memref<128x128xf32, #tpu.memory_space<vmem>>) target(%dma_start3A_409 : memref<10240x128xf32, #tpu.memory_space<vmem_shared>>) offsets(%dma_start3A_406 : memref<128xi32, #tpu.memory_space<vmem>>) semaphore(%arg15 : memref<!tpu.dma_semaphore, #tpu.memory_space<semaphore_mem>>) {add = true}
      %dma_wait3A_410 = arith.constant 0 : i32
      %dma_wait3A_411 = arith.constant 0 : i32
      %dma_wait3A_412 = tpu.memref_slice %arg7[%rem3A_108, %dma_wait3A_410, %dma_wait3A_411] : memref<2x16x128xi32, #tpu.memory_space<vmem>> -> memref<1x1x128xi32, #tpu.memory_space<vmem>>
      %dma_wait3A_413 = tpu.memref_squeeze %dma_wait3A_412 : memref<1x1x128xi32, #tpu.memory_space<vmem>> -> memref<128xi32, #tpu.memory_space<vmem>>
      %dma_wait3A_414 = arith.constant 0 : i32
      %dma_wait3A_415 = arith.constant 0 : i32
      %dma_wait3A_416 = tpu.memref_slice %arg10[%dma_wait3A_414, %dma_wait3A_415] : memref<10240x128xf32, #tpu.memory_space<vmem_shared>> -> memref<10240x128xf32, #tpu.memory_space<vmem_shared>>
      tpu.wait_indirect_dma semaphore(%arg14 : memref<!tpu.dma_semaphore, #tpu.memory_space<semaphore_mem>>) src(%arg8 : memref<128x128xf32, #tpu.memory_space<vmem>>) dst(%dma_wait3A_416 : memref<10240x128xf32, #tpu.memory_space<vmem_shared>>)
      %dma_start3A_417 = arith.constant 10 : i32
      %dma_start3A_418 = arith.constant 0 : i32
      %dma_start3A_419 = tpu.memref_slice %arg6[%rem3A_108, %dma_start3A_417, %dma_start3A_418] : memref<2x16x128xi32, #tpu.memory_space<vmem>> -> memref<1x1x128xi32, #tpu.memory_space<vmem>>
      %dma_start3A_420 = tpu.memref_squeeze %dma_start3A_419 : memref<1x1x128xi32, #tpu.memory_space<vmem>> -> memref<128xi32, #tpu.memory_space<vmem>>
      %dma_start3A_421 = arith.constant 0 : i32
      %dma_start3A_422 = arith.constant 0 : i32
      %dma_start3A_423 = tpu.memref_slice %arg4[%dma_start3A_421, %dma_start3A_422] : memref<20000x128xf32, #tpu.memory_space<hbm>> -> memref<20000x128xf32, #tpu.memory_space<hbm>>
      tpu.enqueue_indirect_dma source(%dma_start3A_423 : memref<20000x128xf32, #tpu.memory_space<hbm>>) target(%arg8 : memref<128x128xf32, #tpu.memory_space<vmem>>) offsets(%dma_start3A_420 : memref<128xi32, #tpu.memory_space<vmem>>) semaphore(%arg12 : memref<!tpu.dma_semaphore, #tpu.memory_space<semaphore_mem>>)
      %dma_wait3A_424 = arith.constant 0 : i32
      %dma_wait3A_425 = arith.constant 0 : i32
      %dma_wait3A_426 = tpu.memref_slice %arg6[%rem3A_108, %dma_wait3A_424, %dma_wait3A_425] : memref<2x16x128xi32, #tpu.memory_space<vmem>> -> memref<1x1x128xi32, #tpu.memory_space<vmem>>
      %dma_wait3A_427 = tpu.memref_squeeze %dma_wait3A_426 : memref<1x1x128xi32, #tpu.memory_space<vmem>> -> memref<128xi32, #tpu.memory_space<vmem>>
      %dma_wait3A_428 = arith.constant 0 : i32
      %dma_wait3A_429 = arith.constant 0 : i32
      %dma_wait3A_430 = tpu.memref_slice %arg4[%dma_wait3A_428, %dma_wait3A_429] : memref<20000x128xf32, #tpu.memory_space<hbm>> -> memref<20000x128xf32, #tpu.memory_space<hbm>>
      tpu.wait_indirect_dma semaphore(%arg12 : memref<!tpu.dma_semaphore, #tpu.memory_space<semaphore_mem>>) src(%dma_wait3A_430 : memref<20000x128xf32, #tpu.memory_space<hbm>>) dst(%arg8 : memref<128x128xf32, #tpu.memory_space<vmem>>)
      %dma_start3A_431 = arith.constant 10 : i32
      %dma_start3A_432 = arith.constant 0 : i32
      %dma_start3A_433 = tpu.memref_slice %arg7[%rem3A_108, %dma_start3A_431, %dma_start3A_432] : memref<2x16x128xi32, #tpu.memory_space<vmem>> -> memref<1x1x128xi32, #tpu.memory_space<vmem>>
      %dma_start3A_434 = tpu.memref_squeeze %dma_start3A_433 : memref<1x1x128xi32, #tpu.memory_space<vmem>> -> memref<128xi32, #tpu.memory_space<vmem>>
      %dma_start3A_435 = arith.constant 0 : i32
      %dma_start3A_436 = arith.constant 0 : i32
      %dma_start3A_437 = tpu.memref_slice %arg10[%dma_start3A_435, %dma_start3A_436] : memref<10240x128xf32, #tpu.memory_space<vmem_shared>> -> memref<10240x128xf32, #tpu.memory_space<vmem_shared>>
      tpu.enqueue_indirect_dma source(%arg8 : memref<128x128xf32, #tpu.memory_space<vmem>>) target(%dma_start3A_437 : memref<10240x128xf32, #tpu.memory_space<vmem_shared>>) offsets(%dma_start3A_434 : memref<128xi32, #tpu.memory_space<vmem>>) semaphore(%arg14 : memref<!tpu.dma_semaphore, #tpu.memory_space<semaphore_mem>>) {add = true}
      %dma_wait3A_438 = arith.constant 0 : i32
      %dma_wait3A_439 = arith.constant 0 : i32
      %dma_wait3A_440 = tpu.memref_slice %arg7[%rem3A_108, %dma_wait3A_438, %dma_wait3A_439] : memref<2x16x128xi32, #tpu.memory_space<vmem>> -> memref<1x1x128xi32, #tpu.memory_space<vmem>>
      %dma_wait3A_441 = tpu.memref_squeeze %dma_wait3A_440 : memref<1x1x128xi32, #tpu.memory_space<vmem>> -> memref<128xi32, #tpu.memory_space<vmem>>
      %dma_wait3A_442 = arith.constant 0 : i32
      %dma_wait3A_443 = arith.constant 0 : i32
      %dma_wait3A_444 = tpu.memref_slice %arg10[%dma_wait3A_442, %dma_wait3A_443] : memref<10240x128xf32, #tpu.memory_space<vmem_shared>> -> memref<10240x128xf32, #tpu.memory_space<vmem_shared>>
      tpu.wait_indirect_dma semaphore(%arg15 : memref<!tpu.dma_semaphore, #tpu.memory_space<semaphore_mem>>) src(%arg9 : memref<128x128xf32, #tpu.memory_space<vmem>>) dst(%dma_wait3A_444 : memref<10240x128xf32, #tpu.memory_space<vmem_shared>>)
      %dma_start3A_445 = arith.constant 11 : i32
      %dma_start3A_446 = arith.constant 0 : i32
      %dma_start3A_447 = tpu.memref_slice %arg6[%rem3A_108, %dma_start3A_445, %dma_start3A_446] : memref<2x16x128xi32, #tpu.memory_space<vmem>> -> memref<1x1x128xi32, #tpu.memory_space<vmem>>
      %dma_start3A_448 = tpu.memref_squeeze %dma_start3A_447 : memref<1x1x128xi32, #tpu.memory_space<vmem>> -> memref<128xi32, #tpu.memory_space<vmem>>
      %dma_start3A_449 = arith.constant 0 : i32
      %dma_start3A_450 = arith.constant 0 : i32
      %dma_start3A_451 = tpu.memref_slice %arg4[%dma_start3A_449, %dma_start3A_450] : memref<20000x128xf32, #tpu.memory_space<hbm>> -> memref<20000x128xf32, #tpu.memory_space<hbm>>
      tpu.enqueue_indirect_dma source(%dma_start3A_451 : memref<20000x128xf32, #tpu.memory_space<hbm>>) target(%arg9 : memref<128x128xf32, #tpu.memory_space<vmem>>) offsets(%dma_start3A_448 : memref<128xi32, #tpu.memory_space<vmem>>) semaphore(%arg13 : memref<!tpu.dma_semaphore, #tpu.memory_space<semaphore_mem>>)
      %dma_wait3A_452 = arith.constant 0 : i32
      %dma_wait3A_453 = arith.constant 0 : i32
      %dma_wait3A_454 = tpu.memref_slice %arg6[%rem3A_108, %dma_wait3A_452, %dma_wait3A_453] : memref<2x16x128xi32, #tpu.memory_space<vmem>> -> memref<1x1x128xi32, #tpu.memory_space<vmem>>
      %dma_wait3A_455 = tpu.memref_squeeze %dma_wait3A_454 : memref<1x1x128xi32, #tpu.memory_space<vmem>> -> memref<128xi32, #tpu.memory_space<vmem>>
      %dma_wait3A_456 = arith.constant 0 : i32
      %dma_wait3A_457 = arith.constant 0 : i32
      %dma_wait3A_458 = tpu.memref_slice %arg4[%dma_wait3A_456, %dma_wait3A_457] : memref<20000x128xf32, #tpu.memory_space<hbm>> -> memref<20000x128xf32, #tpu.memory_space<hbm>>
      tpu.wait_indirect_dma semaphore(%arg13 : memref<!tpu.dma_semaphore, #tpu.memory_space<semaphore_mem>>) src(%dma_wait3A_458 : memref<20000x128xf32, #tpu.memory_space<hbm>>) dst(%arg9 : memref<128x128xf32, #tpu.memory_space<vmem>>)
      %dma_start3A_459 = arith.constant 11 : i32
      %dma_start3A_460 = arith.constant 0 : i32
      %dma_start3A_461 = tpu.memref_slice %arg7[%rem3A_108, %dma_start3A_459, %dma_start3A_460] : memref<2x16x128xi32, #tpu.memory_space<vmem>> -> memref<1x1x128xi32, #tpu.memory_space<vmem>>
      %dma_start3A_462 = tpu.memref_squeeze %dma_start3A_461 : memref<1x1x128xi32, #tpu.memory_space<vmem>> -> memref<128xi32, #tpu.memory_space<vmem>>
      %dma_start3A_463 = arith.constant 0 : i32
      %dma_start3A_464 = arith.constant 0 : i32
      %dma_start3A_465 = tpu.memref_slice %arg10[%dma_start3A_463, %dma_start3A_464] : memref<10240x128xf32, #tpu.memory_space<vmem_shared>> -> memref<10240x128xf32, #tpu.memory_space<vmem_shared>>
      tpu.enqueue_indirect_dma source(%arg9 : memref<128x128xf32, #tpu.memory_space<vmem>>) target(%dma_start3A_465 : memref<10240x128xf32, #tpu.memory_space<vmem_shared>>) offsets(%dma_start3A_462 : memref<128xi32, #tpu.memory_space<vmem>>) semaphore(%arg15 : memref<!tpu.dma_semaphore, #tpu.memory_space<semaphore_mem>>) {add = true}
      %dma_wait3A_466 = arith.constant 0 : i32
      %dma_wait3A_467 = arith.constant 0 : i32
      %dma_wait3A_468 = tpu.memref_slice %arg7[%rem3A_108, %dma_wait3A_466, %dma_wait3A_467] : memref<2x16x128xi32, #tpu.memory_space<vmem>> -> memref<1x1x128xi32, #tpu.memory_space<vmem>>
      %dma_wait3A_469 = tpu.memref_squeeze %dma_wait3A_468 : memref<1x1x128xi32, #tpu.memory_space<vmem>> -> memref<128xi32, #tpu.memory_space<vmem>>
      %dma_wait3A_470 = arith.constant 0 : i32
      %dma_wait3A_471 = arith.constant 0 : i32
      %dma_wait3A_472 = tpu.memref_slice %arg10[%dma_wait3A_470, %dma_wait3A_471] : memref<10240x128xf32, #tpu.memory_space<vmem_shared>> -> memref<10240x128xf32, #tpu.memory_space<vmem_shared>>
      tpu.wait_indirect_dma semaphore(%arg14 : memref<!tpu.dma_semaphore, #tpu.memory_space<semaphore_mem>>) src(%arg8 : memref<128x128xf32, #tpu.memory_space<vmem>>) dst(%dma_wait3A_472 : memref<10240x128xf32, #tpu.memory_space<vmem_shared>>)
      %dma_start3A_473 = arith.constant 12 : i32
      %dma_start3A_474 = arith.constant 0 : i32
      %dma_start3A_475 = tpu.memref_slice %arg6[%rem3A_108, %dma_start3A_473, %dma_start3A_474] : memref<2x16x128xi32, #tpu.memory_space<vmem>> -> memref<1x1x128xi32, #tpu.memory_space<vmem>>
      %dma_start3A_476 = tpu.memref_squeeze %dma_start3A_475 : memref<1x1x128xi32, #tpu.memory_space<vmem>> -> memref<128xi32, #tpu.memory_space<vmem>>
      %dma_start3A_477 = arith.constant 0 : i32
      %dma_start3A_478 = arith.constant 0 : i32
      %dma_start3A_479 = tpu.memref_slice %arg4[%dma_start3A_477, %dma_start3A_478] : memref<20000x128xf32, #tpu.memory_space<hbm>> -> memref<20000x128xf32, #tpu.memory_space<hbm>>
      tpu.enqueue_indirect_dma source(%dma_start3A_479 : memref<20000x128xf32, #tpu.memory_space<hbm>>) target(%arg8 : memref<128x128xf32, #tpu.memory_space<vmem>>) offsets(%dma_start3A_476 : memref<128xi32, #tpu.memory_space<vmem>>) semaphore(%arg12 : memref<!tpu.dma_semaphore, #tpu.memory_space<semaphore_mem>>)
      %dma_wait3A_480 = arith.constant 0 : i32
      %dma_wait3A_481 = arith.constant 0 : i32
      %dma_wait3A_482 = tpu.memref_slice %arg6[%rem3A_108, %dma_wait3A_480, %dma_wait3A_481] : memref<2x16x128xi32, #tpu.memory_space<vmem>> -> memref<1x1x128xi32, #tpu.memory_space<vmem>>
      %dma_wait3A_483 = tpu.memref_squeeze %dma_wait3A_482 : memref<1x1x128xi32, #tpu.memory_space<vmem>> -> memref<128xi32, #tpu.memory_space<vmem>>
      %dma_wait3A_484 = arith.constant 0 : i32
      %dma_wait3A_485 = arith.constant 0 : i32
      %dma_wait3A_486 = tpu.memref_slice %arg4[%dma_wait3A_484, %dma_wait3A_485] : memref<20000x128xf32, #tpu.memory_space<hbm>> -> memref<20000x128xf32, #tpu.memory_space<hbm>>
      tpu.wait_indirect_dma semaphore(%arg12 : memref<!tpu.dma_semaphore, #tpu.memory_space<semaphore_mem>>) src(%dma_wait3A_486 : memref<20000x128xf32, #tpu.memory_space<hbm>>) dst(%arg8 : memref<128x128xf32, #tpu.memory_space<vmem>>)
      %dma_start3A_487 = arith.constant 12 : i32
      %dma_start3A_488 = arith.constant 0 : i32
      %dma_start3A_489 = tpu.memref_slice %arg7[%rem3A_108, %dma_start3A_487, %dma_start3A_488] : memref<2x16x128xi32, #tpu.memory_space<vmem>> -> memref<1x1x128xi32, #tpu.memory_space<vmem>>
      %dma_start3A_490 = tpu.memref_squeeze %dma_start3A_489 : memref<1x1x128xi32, #tpu.memory_space<vmem>> -> memref<128xi32, #tpu.memory_space<vmem>>
      %dma_start3A_491 = arith.constant 0 : i32
      %dma_start3A_492 = arith.constant 0 : i32
      %dma_start3A_493 = tpu.memref_slice %arg10[%dma_start3A_491, %dma_start3A_492] : memref<10240x128xf32, #tpu.memory_space<vmem_shared>> -> memref<10240x128xf32, #tpu.memory_space<vmem_shared>>
      tpu.enqueue_indirect_dma source(%arg8 : memref<128x128xf32, #tpu.memory_space<vmem>>) target(%dma_start3A_493 : memref<10240x128xf32, #tpu.memory_space<vmem_shared>>) offsets(%dma_start3A_490 : memref<128xi32, #tpu.memory_space<vmem>>) semaphore(%arg14 : memref<!tpu.dma_semaphore, #tpu.memory_space<semaphore_mem>>) {add = true}
      %dma_wait3A_494 = arith.constant 0 : i32
      %dma_wait3A_495 = arith.constant 0 : i32
      %dma_wait3A_496 = tpu.memref_slice %arg7[%rem3A_108, %dma_wait3A_494, %dma_wait3A_495] : memref<2x16x128xi32, #tpu.memory_space<vmem>> -> memref<1x1x128xi32, #tpu.memory_space<vmem>>
      %dma_wait3A_497 = tpu.memref_squeeze %dma_wait3A_496 : memref<1x1x128xi32, #tpu.memory_space<vmem>> -> memref<128xi32, #tpu.memory_space<vmem>>
      %dma_wait3A_498 = arith.constant 0 : i32
      %dma_wait3A_499 = arith.constant 0 : i32
      %dma_wait3A_500 = tpu.memref_slice %arg10[%dma_wait3A_498, %dma_wait3A_499] : memref<10240x128xf32, #tpu.memory_space<vmem_shared>> -> memref<10240x128xf32, #tpu.memory_space<vmem_shared>>
      tpu.wait_indirect_dma semaphore(%arg15 : memref<!tpu.dma_semaphore, #tpu.memory_space<semaphore_mem>>) src(%arg9 : memref<128x128xf32, #tpu.memory_space<vmem>>) dst(%dma_wait3A_500 : memref<10240x128xf32, #tpu.memory_space<vmem_shared>>)
      %dma_start3A_501 = arith.constant 13 : i32
      %dma_start3A_502 = arith.constant 0 : i32
      %dma_start3A_503 = tpu.memref_slice %arg6[%rem3A_108, %dma_start3A_501, %dma_start3A_502] : memref<2x16x128xi32, #tpu.memory_space<vmem>> -> memref<1x1x128xi32, #tpu.memory_space<vmem>>
      %dma_start3A_504 = tpu.memref_squeeze %dma_start3A_503 : memref<1x1x128xi32, #tpu.memory_space<vmem>> -> memref<128xi32, #tpu.memory_space<vmem>>
      %dma_start3A_505 = arith.constant 0 : i32
      %dma_start3A_506 = arith.constant 0 : i32
      %dma_start3A_507 = tpu.memref_slice %arg4[%dma_start3A_505, %dma_start3A_506] : memref<20000x128xf32, #tpu.memory_space<hbm>> -> memref<20000x128xf32, #tpu.memory_space<hbm>>
      tpu.enqueue_indirect_dma source(%dma_start3A_507 : memref<20000x128xf32, #tpu.memory_space<hbm>>) target(%arg9 : memref<128x128xf32, #tpu.memory_space<vmem>>) offsets(%dma_start3A_504 : memref<128xi32, #tpu.memory_space<vmem>>) semaphore(%arg13 : memref<!tpu.dma_semaphore, #tpu.memory_space<semaphore_mem>>)
      %dma_wait3A_508 = arith.constant 0 : i32
      %dma_wait3A_509 = arith.constant 0 : i32
      %dma_wait3A_510 = tpu.memref_slice %arg6[%rem3A_108, %dma_wait3A_508, %dma_wait3A_509] : memref<2x16x128xi32, #tpu.memory_space<vmem>> -> memref<1x1x128xi32, #tpu.memory_space<vmem>>
      %dma_wait3A_511 = tpu.memref_squeeze %dma_wait3A_510 : memref<1x1x128xi32, #tpu.memory_space<vmem>> -> memref<128xi32, #tpu.memory_space<vmem>>
      %dma_wait3A_512 = arith.constant 0 : i32
      %dma_wait3A_513 = arith.constant 0 : i32
      %dma_wait3A_514 = tpu.memref_slice %arg4[%dma_wait3A_512, %dma_wait3A_513] : memref<20000x128xf32, #tpu.memory_space<hbm>> -> memref<20000x128xf32, #tpu.memory_space<hbm>>
      tpu.wait_indirect_dma semaphore(%arg13 : memref<!tpu.dma_semaphore, #tpu.memory_space<semaphore_mem>>) src(%dma_wait3A_514 : memref<20000x128xf32, #tpu.memory_space<hbm>>) dst(%arg9 : memref<128x128xf32, #tpu.memory_space<vmem>>)
      %dma_start3A_515 = arith.constant 13 : i32
      %dma_start3A_516 = arith.constant 0 : i32
      %dma_start3A_517 = tpu.memref_slice %arg7[%rem3A_108, %dma_start3A_515, %dma_start3A_516] : memref<2x16x128xi32, #tpu.memory_space<vmem>> -> memref<1x1x128xi32, #tpu.memory_space<vmem>>
      %dma_start3A_518 = tpu.memref_squeeze %dma_start3A_517 : memref<1x1x128xi32, #tpu.memory_space<vmem>> -> memref<128xi32, #tpu.memory_space<vmem>>
      %dma_start3A_519 = arith.constant 0 : i32
      %dma_start3A_520 = arith.constant 0 : i32
      %dma_start3A_521 = tpu.memref_slice %arg10[%dma_start3A_519, %dma_start3A_520] : memref<10240x128xf32, #tpu.memory_space<vmem_shared>> -> memref<10240x128xf32, #tpu.memory_space<vmem_shared>>
      tpu.enqueue_indirect_dma source(%arg9 : memref<128x128xf32, #tpu.memory_space<vmem>>) target(%dma_start3A_521 : memref<10240x128xf32, #tpu.memory_space<vmem_shared>>) offsets(%dma_start3A_518 : memref<128xi32, #tpu.memory_space<vmem>>) semaphore(%arg15 : memref<!tpu.dma_semaphore, #tpu.memory_space<semaphore_mem>>) {add = true}
      %dma_wait3A_522 = arith.constant 0 : i32
      %dma_wait3A_523 = arith.constant 0 : i32
      %dma_wait3A_524 = tpu.memref_slice %arg7[%rem3A_108, %dma_wait3A_522, %dma_wait3A_523] : memref<2x16x128xi32, #tpu.memory_space<vmem>> -> memref<1x1x128xi32, #tpu.memory_space<vmem>>
      %dma_wait3A_525 = tpu.memref_squeeze %dma_wait3A_524 : memref<1x1x128xi32, #tpu.memory_space<vmem>> -> memref<128xi32, #tpu.memory_space<vmem>>
      %dma_wait3A_526 = arith.constant 0 : i32
      %dma_wait3A_527 = arith.constant 0 : i32
      %dma_wait3A_528 = tpu.memref_slice %arg10[%dma_wait3A_526, %dma_wait3A_527] : memref<10240x128xf32, #tpu.memory_space<vmem_shared>> -> memref<10240x128xf32, #tpu.memory_space<vmem_shared>>
      tpu.wait_indirect_dma semaphore(%arg14 : memref<!tpu.dma_semaphore, #tpu.memory_space<semaphore_mem>>) src(%arg8 : memref<128x128xf32, #tpu.memory_space<vmem>>) dst(%dma_wait3A_528 : memref<10240x128xf32, #tpu.memory_space<vmem_shared>>)
      %dma_start3A_529 = arith.constant 14 : i32
      %dma_start3A_530 = arith.constant 0 : i32
      %dma_start3A_531 = tpu.memref_slice %arg6[%rem3A_108, %dma_start3A_529, %dma_start3A_530] : memref<2x16x128xi32, #tpu.memory_space<vmem>> -> memref<1x1x128xi32, #tpu.memory_space<vmem>>
      %dma_start3A_532 = tpu.memref_squeeze %dma_start3A_531 : memref<1x1x128xi32, #tpu.memory_space<vmem>> -> memref<128xi32, #tpu.memory_space<vmem>>
      %dma_start3A_533 = arith.constant 0 : i32
      %dma_start3A_534 = arith.constant 0 : i32
      %dma_start3A_535 = tpu.memref_slice %arg4[%dma_start3A_533, %dma_start3A_534] : memref<20000x128xf32, #tpu.memory_space<hbm>> -> memref<20000x128xf32, #tpu.memory_space<hbm>>
      tpu.enqueue_indirect_dma source(%dma_start3A_535 : memref<20000x128xf32, #tpu.memory_space<hbm>>) target(%arg8 : memref<128x128xf32, #tpu.memory_space<vmem>>) offsets(%dma_start3A_532 : memref<128xi32, #tpu.memory_space<vmem>>) semaphore(%arg12 : memref<!tpu.dma_semaphore, #tpu.memory_space<semaphore_mem>>)
      %dma_wait3A_536 = arith.constant 0 : i32
      %dma_wait3A_537 = arith.constant 0 : i32
      %dma_wait3A_538 = tpu.memref_slice %arg6[%rem3A_108, %dma_wait3A_536, %dma_wait3A_537] : memref<2x16x128xi32, #tpu.memory_space<vmem>> -> memref<1x1x128xi32, #tpu.memory_space<vmem>>
      %dma_wait3A_539 = tpu.memref_squeeze %dma_wait3A_538 : memref<1x1x128xi32, #tpu.memory_space<vmem>> -> memref<128xi32, #tpu.memory_space<vmem>>
      %dma_wait3A_540 = arith.constant 0 : i32
      %dma_wait3A_541 = arith.constant 0 : i32
      %dma_wait3A_542 = tpu.memref_slice %arg4[%dma_wait3A_540, %dma_wait3A_541] : memref<20000x128xf32, #tpu.memory_space<hbm>> -> memref<20000x128xf32, #tpu.memory_space<hbm>>
      tpu.wait_indirect_dma semaphore(%arg12 : memref<!tpu.dma_semaphore, #tpu.memory_space<semaphore_mem>>) src(%dma_wait3A_542 : memref<20000x128xf32, #tpu.memory_space<hbm>>) dst(%arg8 : memref<128x128xf32, #tpu.memory_space<vmem>>)
      %dma_start3A_543 = arith.constant 14 : i32
      %dma_start3A_544 = arith.constant 0 : i32
      %dma_start3A_545 = tpu.memref_slice %arg7[%rem3A_108, %dma_start3A_543, %dma_start3A_544] : memref<2x16x128xi32, #tpu.memory_space<vmem>> -> memref<1x1x128xi32, #tpu.memory_space<vmem>>
      %dma_start3A_546 = tpu.memref_squeeze %dma_start3A_545 : memref<1x1x128xi32, #tpu.memory_space<vmem>> -> memref<128xi32, #tpu.memory_space<vmem>>
      %dma_start3A_547 = arith.constant 0 : i32
      %dma_start3A_548 = arith.constant 0 : i32
      %dma_start3A_549 = tpu.memref_slice %arg10[%dma_start3A_547, %dma_start3A_548] : memref<10240x128xf32, #tpu.memory_space<vmem_shared>> -> memref<10240x128xf32, #tpu.memory_space<vmem_shared>>
      tpu.enqueue_indirect_dma source(%arg8 : memref<128x128xf32, #tpu.memory_space<vmem>>) target(%dma_start3A_549 : memref<10240x128xf32, #tpu.memory_space<vmem_shared>>) offsets(%dma_start3A_546 : memref<128xi32, #tpu.memory_space<vmem>>) semaphore(%arg14 : memref<!tpu.dma_semaphore, #tpu.memory_space<semaphore_mem>>) {add = true}
      %dma_wait3A_550 = arith.constant 0 : i32
      %dma_wait3A_551 = arith.constant 0 : i32
      %dma_wait3A_552 = tpu.memref_slice %arg7[%rem3A_108, %dma_wait3A_550, %dma_wait3A_551] : memref<2x16x128xi32, #tpu.memory_space<vmem>> -> memref<1x1x128xi32, #tpu.memory_space<vmem>>
      %dma_wait3A_553 = tpu.memref_squeeze %dma_wait3A_552 : memref<1x1x128xi32, #tpu.memory_space<vmem>> -> memref<128xi32, #tpu.memory_space<vmem>>
      %dma_wait3A_554 = arith.constant 0 : i32
      %dma_wait3A_555 = arith.constant 0 : i32
      %dma_wait3A_556 = tpu.memref_slice %arg10[%dma_wait3A_554, %dma_wait3A_555] : memref<10240x128xf32, #tpu.memory_space<vmem_shared>> -> memref<10240x128xf32, #tpu.memory_space<vmem_shared>>
      tpu.wait_indirect_dma semaphore(%arg15 : memref<!tpu.dma_semaphore, #tpu.memory_space<semaphore_mem>>) src(%arg9 : memref<128x128xf32, #tpu.memory_space<vmem>>) dst(%dma_wait3A_556 : memref<10240x128xf32, #tpu.memory_space<vmem_shared>>)
      %dma_start3A_557 = arith.constant 15 : i32
      %dma_start3A_558 = arith.constant 0 : i32
      %dma_start3A_559 = tpu.memref_slice %arg6[%rem3A_108, %dma_start3A_557, %dma_start3A_558] : memref<2x16x128xi32, #tpu.memory_space<vmem>> -> memref<1x1x128xi32, #tpu.memory_space<vmem>>
      %dma_start3A_560 = tpu.memref_squeeze %dma_start3A_559 : memref<1x1x128xi32, #tpu.memory_space<vmem>> -> memref<128xi32, #tpu.memory_space<vmem>>
      %dma_start3A_561 = arith.constant 0 : i32
      %dma_start3A_562 = arith.constant 0 : i32
      %dma_start3A_563 = tpu.memref_slice %arg4[%dma_start3A_561, %dma_start3A_562] : memref<20000x128xf32, #tpu.memory_space<hbm>> -> memref<20000x128xf32, #tpu.memory_space<hbm>>
      tpu.enqueue_indirect_dma source(%dma_start3A_563 : memref<20000x128xf32, #tpu.memory_space<hbm>>) target(%arg9 : memref<128x128xf32, #tpu.memory_space<vmem>>) offsets(%dma_start3A_560 : memref<128xi32, #tpu.memory_space<vmem>>) semaphore(%arg13 : memref<!tpu.dma_semaphore, #tpu.memory_space<semaphore_mem>>)
      %dma_wait3A_564 = arith.constant 0 : i32
      %dma_wait3A_565 = arith.constant 0 : i32
      %dma_wait3A_566 = tpu.memref_slice %arg6[%rem3A_108, %dma_wait3A_564, %dma_wait3A_565] : memref<2x16x128xi32, #tpu.memory_space<vmem>> -> memref<1x1x128xi32, #tpu.memory_space<vmem>>
      %dma_wait3A_567 = tpu.memref_squeeze %dma_wait3A_566 : memref<1x1x128xi32, #tpu.memory_space<vmem>> -> memref<128xi32, #tpu.memory_space<vmem>>
      %dma_wait3A_568 = arith.constant 0 : i32
      %dma_wait3A_569 = arith.constant 0 : i32
      %dma_wait3A_570 = tpu.memref_slice %arg4[%dma_wait3A_568, %dma_wait3A_569] : memref<20000x128xf32, #tpu.memory_space<hbm>> -> memref<20000x128xf32, #tpu.memory_space<hbm>>
      tpu.wait_indirect_dma semaphore(%arg13 : memref<!tpu.dma_semaphore, #tpu.memory_space<semaphore_mem>>) src(%dma_wait3A_570 : memref<20000x128xf32, #tpu.memory_space<hbm>>) dst(%arg9 : memref<128x128xf32, #tpu.memory_space<vmem>>)
      %dma_start3A_571 = arith.constant 15 : i32
      %dma_start3A_572 = arith.constant 0 : i32
      %dma_start3A_573 = tpu.memref_slice %arg7[%rem3A_108, %dma_start3A_571, %dma_start3A_572] : memref<2x16x128xi32, #tpu.memory_space<vmem>> -> memref<1x1x128xi32, #tpu.memory_space<vmem>>
      %dma_start3A_574 = tpu.memref_squeeze %dma_start3A_573 : memref<1x1x128xi32, #tpu.memory_space<vmem>> -> memref<128xi32, #tpu.memory_space<vmem>>
      %dma_start3A_575 = arith.constant 0 : i32
      %dma_start3A_576 = arith.constant 0 : i32
      %dma_start3A_577 = tpu.memref_slice %arg10[%dma_start3A_575, %dma_start3A_576] : memref<10240x128xf32, #tpu.memory_space<vmem_shared>> -> memref<10240x128xf32, #tpu.memory_space<vmem_shared>>
      tpu.enqueue_indirect_dma source(%arg9 : memref<128x128xf32, #tpu.memory_space<vmem>>) target(%dma_start3A_577 : memref<10240x128xf32, #tpu.memory_space<vmem_shared>>) offsets(%dma_start3A_574 : memref<128xi32, #tpu.memory_space<vmem>>) semaphore(%arg15 : memref<!tpu.dma_semaphore, #tpu.memory_space<semaphore_mem>>) {add = true}
      %dma_wait3A_578 = arith.constant 0 : i32
      %dma_wait3A_579 = arith.constant 0 : i32
      %dma_wait3A_580 = tpu.memref_slice %arg7[%rem3A_108, %dma_wait3A_578, %dma_wait3A_579] : memref<2x16x128xi32, #tpu.memory_space<vmem>> -> memref<1x1x128xi32, #tpu.memory_space<vmem>>
      %dma_wait3A_581 = tpu.memref_squeeze %dma_wait3A_580 : memref<1x1x128xi32, #tpu.memory_space<vmem>> -> memref<128xi32, #tpu.memory_space<vmem>>
      %dma_wait3A_582 = arith.constant 0 : i32
      %dma_wait3A_583 = arith.constant 0 : i32
      %dma_wait3A_584 = tpu.memref_slice %arg10[%dma_wait3A_582, %dma_wait3A_583] : memref<10240x128xf32, #tpu.memory_space<vmem_shared>> -> memref<10240x128xf32, #tpu.memory_space<vmem_shared>>
      tpu.wait_indirect_dma semaphore(%arg14 : memref<!tpu.dma_semaphore, #tpu.memory_space<semaphore_mem>>) src(%arg8 : memref<128x128xf32, #tpu.memory_space<vmem>>) dst(%dma_wait3A_584 : memref<10240x128xf32, #tpu.memory_space<vmem_shared>>)
      %dma_wait3A_585 = arith.constant 0 : i32
      %dma_wait3A_586 = arith.constant 0 : i32
      %dma_wait3A_587 = tpu.memref_slice %arg7[%rem3A_108, %dma_wait3A_585, %dma_wait3A_586] : memref<2x16x128xi32, #tpu.memory_space<vmem>> -> memref<1x1x128xi32, #tpu.memory_space<vmem>>
      %dma_wait3A_588 = tpu.memref_squeeze %dma_wait3A_587 : memref<1x1x128xi32, #tpu.memory_space<vmem>> -> memref<128xi32, #tpu.memory_space<vmem>>
      %dma_wait3A_589 = arith.constant 0 : i32
      %dma_wait3A_590 = arith.constant 0 : i32
      %dma_wait3A_591 = tpu.memref_slice %arg10[%dma_wait3A_589, %dma_wait3A_590] : memref<10240x128xf32, #tpu.memory_space<vmem_shared>> -> memref<10240x128xf32, #tpu.memory_space<vmem_shared>>
      tpu.wait_indirect_dma semaphore(%arg15 : memref<!tpu.dma_semaphore, #tpu.memory_space<semaphore_mem>>) src(%arg9 : memref<128x128xf32, #tpu.memory_space<vmem>>) dst(%dma_wait3A_591 : memref<10240x128xf32, #tpu.memory_space<vmem_shared>>)
    }
    %scan3A_65 = arith.constant 10 : i32
    %barrier3A_66 = arith.constant 0 : index
    tpu.barrier barrier_id(%barrier3A_66)
    %mul3A_67 = arith.constant 640 : i32
    %mul3A_68 = arith.muli %arg1, %mul3A_67 : i32
    %add3A_69 = arith.constant 0 : i32
    %add3A_70 = arith.addi %mul3A_68, %add3A_69 : i32
    %mul3A_71 = arith.constant 640 : i32
    %mul3A_72 = arith.muli %arg1, %mul3A_71 : i32
    %add3A_73 = arith.constant 0 : i32
    %add3A_74 = arith.addi %mul3A_72, %add3A_73 : i32
    "tpu.region"() ({
      %run_scoped3A = tpu.sem_alloc : memref<!tpu.dma_semaphore, #tpu.memory_space<semaphore_mem>>
      %dma_start3A_107 = arith.constant 0 : i32
      %dma_start3A_108 = arith.constant 0 : i32
      %dma_start3A_109 = tpu.memref_slice %arg5[%arg0, %dma_start3A_107, %dma_start3A_108] : memref<2x10240x128xf32, #tpu.memory_space<hbm>> -> memref<1x10240x128xf32, #tpu.memory_space<hbm>>
      %dma_start3A_110 = tpu.memref_squeeze %dma_start3A_109 : memref<1x10240x128xf32, #tpu.memory_space<hbm>> -> memref<10240x128xf32, #tpu.memory_space<hbm>>
      %dma_start3A_111 = arith.constant 0 : i32
      %dma_start3A_112 = tpu.memref_slice %dma_start3A_110[%add3A_74, %dma_start3A_111] : memref<10240x128xf32, #tpu.memory_space<hbm>> -> memref<128x128xf32, #tpu.memory_space<hbm>>
      %dma_start3A_113 = arith.constant 0 : i32
      %dma_start3A_114 = tpu.memref_slice %arg10[%add3A_70, %dma_start3A_113] : memref<10240x128xf32, #tpu.memory_space<vmem_shared>> -> memref<128x128xf32, #tpu.memory_space<vmem_shared>>
      tpu.enqueue_dma source(%dma_start3A_114 : memref<128x128xf32, #tpu.memory_space<vmem_shared>>) target(%dma_start3A_112 : memref<128x128xf32, #tpu.memory_space<hbm>>) target_semaphore(%run_scoped3A : memref<!tpu.dma_semaphore, #tpu.memory_space<semaphore_mem>>)
      %dma_wait3A = arith.constant 0 : i32
      %dma_wait3A_115 = arith.constant 0 : i32
      %dma_wait3A_116 = tpu.memref_slice %arg5[%arg0, %dma_wait3A, %dma_wait3A_115] : memref<2x10240x128xf32, #tpu.memory_space<hbm>> -> memref<1x10240x128xf32, #tpu.memory_space<hbm>>
      %dma_wait3A_117 = tpu.memref_squeeze %dma_wait3A_116 : memref<1x10240x128xf32, #tpu.memory_space<hbm>> -> memref<10240x128xf32, #tpu.memory_space<hbm>>
      %dma_wait3A_118 = arith.constant 0 : i32
      %dma_wait3A_119 = tpu.memref_slice %dma_wait3A_117[%add3A_74, %dma_wait3A_118] : memref<10240x128xf32, #tpu.memory_space<hbm>> -> memref<128x128xf32, #tpu.memory_space<hbm>>
      %dma_wait3A_120 = arith.constant 0 : i32
      %dma_wait3A_121 = tpu.memref_slice %arg10[%add3A_70, %dma_wait3A_120] : memref<10240x128xf32, #tpu.memory_space<vmem_shared>> -> memref<128x128xf32, #tpu.memory_space<vmem_shared>>
      tpu.wait_dma2 semaphore(%run_scoped3A : memref<!tpu.dma_semaphore, #tpu.memory_space<semaphore_mem>>) src(%dma_wait3A_121 : memref<128x128xf32, #tpu.memory_space<vmem_shared>>) dst(%dma_wait3A_119 : memref<128x128xf32, #tpu.memory_space<hbm>>)
      tpu.yield
    }) : () -> ()
    %mul3A_75 = arith.constant 640 : i32
    %mul3A_76 = arith.muli %arg1, %mul3A_75 : i32
    %add3A_77 = arith.constant 128 : i32
    %add3A_78 = arith.addi %mul3A_76, %add3A_77 : i32
    %mul3A_79 = arith.constant 640 : i32
    %mul3A_80 = arith.muli %arg1, %mul3A_79 : i32
    %add3A_81 = arith.constant 128 : i32
    %add3A_82 = arith.addi %mul3A_80, %add3A_81 : i32
    "tpu.region"() ({
      %run_scoped3A = tpu.sem_alloc : memref<!tpu.dma_semaphore, #tpu.memory_space<semaphore_mem>>
      %dma_start3A_107 = arith.constant 0 : i32
      %dma_start3A_108 = arith.constant 0 : i32
      %dma_start3A_109 = tpu.memref_slice %arg5[%arg0, %dma_start3A_107, %dma_start3A_108] : memref<2x10240x128xf32, #tpu.memory_space<hbm>> -> memref<1x10240x128xf32, #tpu.memory_space<hbm>>
      %dma_start3A_110 = tpu.memref_squeeze %dma_start3A_109 : memref<1x10240x128xf32, #tpu.memory_space<hbm>> -> memref<10240x128xf32, #tpu.memory_space<hbm>>
      %dma_start3A_111 = arith.constant 0 : i32
      %dma_start3A_112 = tpu.memref_slice %dma_start3A_110[%add3A_82, %dma_start3A_111] : memref<10240x128xf32, #tpu.memory_space<hbm>> -> memref<128x128xf32, #tpu.memory_space<hbm>>
      %dma_start3A_113 = arith.constant 0 : i32
      %dma_start3A_114 = tpu.memref_slice %arg10[%add3A_78, %dma_start3A_113] : memref<10240x128xf32, #tpu.memory_space<vmem_shared>> -> memref<128x128xf32, #tpu.memory_space<vmem_shared>>
      tpu.enqueue_dma source(%dma_start3A_114 : memref<128x128xf32, #tpu.memory_space<vmem_shared>>) target(%dma_start3A_112 : memref<128x128xf32, #tpu.memory_space<hbm>>) target_semaphore(%run_scoped3A : memref<!tpu.dma_semaphore, #tpu.memory_space<semaphore_mem>>)
      %dma_wait3A = arith.constant 0 : i32
      %dma_wait3A_115 = arith.constant 0 : i32
      %dma_wait3A_116 = tpu.memref_slice %arg5[%arg0, %dma_wait3A, %dma_wait3A_115] : memref<2x10240x128xf32, #tpu.memory_space<hbm>> -> memref<1x10240x128xf32, #tpu.memory_space<hbm>>
      %dma_wait3A_117 = tpu.memref_squeeze %dma_wait3A_116 : memref<1x10240x128xf32, #tpu.memory_space<hbm>> -> memref<10240x128xf32, #tpu.memory_space<hbm>>
      %dma_wait3A_118 = arith.constant 0 : i32
      %dma_wait3A_119 = tpu.memref_slice %dma_wait3A_117[%add3A_82, %dma_wait3A_118] : memref<10240x128xf32, #tpu.memory_space<hbm>> -> memref<128x128xf32, #tpu.memory_space<hbm>>
      %dma_wait3A_120 = arith.constant 0 : i32
      %dma_wait3A_121 = tpu.memref_slice %arg10[%add3A_78, %dma_wait3A_120] : memref<10240x128xf32, #tpu.memory_space<vmem_shared>> -> memref<128x128xf32, #tpu.memory_space<vmem_shared>>
      tpu.wait_dma2 semaphore(%run_scoped3A : memref<!tpu.dma_semaphore, #tpu.memory_space<semaphore_mem>>) src(%dma_wait3A_121 : memref<128x128xf32, #tpu.memory_space<vmem_shared>>) dst(%dma_wait3A_119 : memref<128x128xf32, #tpu.memory_space<hbm>>)
      tpu.yield
    }) : () -> ()
    %mul3A_83 = arith.constant 640 : i32
    %mul3A_84 = arith.muli %arg1, %mul3A_83 : i32
    %add3A_85 = arith.constant 256 : i32
    %add3A_86 = arith.addi %mul3A_84, %add3A_85 : i32
    %mul3A_87 = arith.constant 640 : i32
    %mul3A_88 = arith.muli %arg1, %mul3A_87 : i32
    %add3A_89 = arith.constant 256 : i32
    %add3A_90 = arith.addi %mul3A_88, %add3A_89 : i32
    "tpu.region"() ({
      %run_scoped3A = tpu.sem_alloc : memref<!tpu.dma_semaphore, #tpu.memory_space<semaphore_mem>>
      %dma_start3A_107 = arith.constant 0 : i32
      %dma_start3A_108 = arith.constant 0 : i32
      %dma_start3A_109 = tpu.memref_slice %arg5[%arg0, %dma_start3A_107, %dma_start3A_108] : memref<2x10240x128xf32, #tpu.memory_space<hbm>> -> memref<1x10240x128xf32, #tpu.memory_space<hbm>>
      %dma_start3A_110 = tpu.memref_squeeze %dma_start3A_109 : memref<1x10240x128xf32, #tpu.memory_space<hbm>> -> memref<10240x128xf32, #tpu.memory_space<hbm>>
      %dma_start3A_111 = arith.constant 0 : i32
      %dma_start3A_112 = tpu.memref_slice %dma_start3A_110[%add3A_90, %dma_start3A_111] : memref<10240x128xf32, #tpu.memory_space<hbm>> -> memref<128x128xf32, #tpu.memory_space<hbm>>
      %dma_start3A_113 = arith.constant 0 : i32
      %dma_start3A_114 = tpu.memref_slice %arg10[%add3A_86, %dma_start3A_113] : memref<10240x128xf32, #tpu.memory_space<vmem_shared>> -> memref<128x128xf32, #tpu.memory_space<vmem_shared>>
      tpu.enqueue_dma source(%dma_start3A_114 : memref<128x128xf32, #tpu.memory_space<vmem_shared>>) target(%dma_start3A_112 : memref<128x128xf32, #tpu.memory_space<hbm>>) target_semaphore(%run_scoped3A : memref<!tpu.dma_semaphore, #tpu.memory_space<semaphore_mem>>)
      %dma_wait3A = arith.constant 0 : i32
      %dma_wait3A_115 = arith.constant 0 : i32
      %dma_wait3A_116 = tpu.memref_slice %arg5[%arg0, %dma_wait3A, %dma_wait3A_115] : memref<2x10240x128xf32, #tpu.memory_space<hbm>> -> memref<1x10240x128xf32, #tpu.memory_space<hbm>>
      %dma_wait3A_117 = tpu.memref_squeeze %dma_wait3A_116 : memref<1x10240x128xf32, #tpu.memory_space<hbm>> -> memref<10240x128xf32, #tpu.memory_space<hbm>>
      %dma_wait3A_118 = arith.constant 0 : i32
      %dma_wait3A_119 = tpu.memref_slice %dma_wait3A_117[%add3A_90, %dma_wait3A_118] : memref<10240x128xf32, #tpu.memory_space<hbm>> -> memref<128x128xf32, #tpu.memory_space<hbm>>
      %dma_wait3A_120 = arith.constant 0 : i32
      %dma_wait3A_121 = tpu.memref_slice %arg10[%add3A_86, %dma_wait3A_120] : memref<10240x128xf32, #tpu.memory_space<vmem_shared>> -> memref<128x128xf32, #tpu.memory_space<vmem_shared>>
      tpu.wait_dma2 semaphore(%run_scoped3A : memref<!tpu.dma_semaphore, #tpu.memory_space<semaphore_mem>>) src(%dma_wait3A_121 : memref<128x128xf32, #tpu.memory_space<vmem_shared>>) dst(%dma_wait3A_119 : memref<128x128xf32, #tpu.memory_space<hbm>>)
      tpu.yield
    }) : () -> ()
    %mul3A_91 = arith.constant 640 : i32
    %mul3A_92 = arith.muli %arg1, %mul3A_91 : i32
    %add3A_93 = arith.constant 384 : i32
    %add3A_94 = arith.addi %mul3A_92, %add3A_93 : i32
    %mul3A_95 = arith.constant 640 : i32
    %mul3A_96 = arith.muli %arg1, %mul3A_95 : i32
    %add3A_97 = arith.constant 384 : i32
    %add3A_98 = arith.addi %mul3A_96, %add3A_97 : i32
    "tpu.region"() ({
      %run_scoped3A = tpu.sem_alloc : memref<!tpu.dma_semaphore, #tpu.memory_space<semaphore_mem>>
      %dma_start3A_107 = arith.constant 0 : i32
      %dma_start3A_108 = arith.constant 0 : i32
      %dma_start3A_109 = tpu.memref_slice %arg5[%arg0, %dma_start3A_107, %dma_start3A_108] : memref<2x10240x128xf32, #tpu.memory_space<hbm>> -> memref<1x10240x128xf32, #tpu.memory_space<hbm>>
      %dma_start3A_110 = tpu.memref_squeeze %dma_start3A_109 : memref<1x10240x128xf32, #tpu.memory_space<hbm>> -> memref<10240x128xf32, #tpu.memory_space<hbm>>
      %dma_start3A_111 = arith.constant 0 : i32
      %dma_start3A_112 = tpu.memref_slice %dma_start3A_110[%add3A_98, %dma_start3A_111] : memref<10240x128xf32, #tpu.memory_space<hbm>> -> memref<128x128xf32, #tpu.memory_space<hbm>>
      %dma_start3A_113 = arith.constant 0 : i32
      %dma_start3A_114 = tpu.memref_slice %arg10[%add3A_94, %dma_start3A_113] : memref<10240x128xf32, #tpu.memory_space<vmem_shared>> -> memref<128x128xf32, #tpu.memory_space<vmem_shared>>
      tpu.enqueue_dma source(%dma_start3A_114 : memref<128x128xf32, #tpu.memory_space<vmem_shared>>) target(%dma_start3A_112 : memref<128x128xf32, #tpu.memory_space<hbm>>) target_semaphore(%run_scoped3A : memref<!tpu.dma_semaphore, #tpu.memory_space<semaphore_mem>>)
      %dma_wait3A = arith.constant 0 : i32
      %dma_wait3A_115 = arith.constant 0 : i32
      %dma_wait3A_116 = tpu.memref_slice %arg5[%arg0, %dma_wait3A, %dma_wait3A_115] : memref<2x10240x128xf32, #tpu.memory_space<hbm>> -> memref<1x10240x128xf32, #tpu.memory_space<hbm>>
      %dma_wait3A_117 = tpu.memref_squeeze %dma_wait3A_116 : memref<1x10240x128xf32, #tpu.memory_space<hbm>> -> memref<10240x128xf32, #tpu.memory_space<hbm>>
      %dma_wait3A_118 = arith.constant 0 : i32
      %dma_wait3A_119 = tpu.memref_slice %dma_wait3A_117[%add3A_98, %dma_wait3A_118] : memref<10240x128xf32, #tpu.memory_space<hbm>> -> memref<128x128xf32, #tpu.memory_space<hbm>>
      %dma_wait3A_120 = arith.constant 0 : i32
      %dma_wait3A_121 = tpu.memref_slice %arg10[%add3A_94, %dma_wait3A_120] : memref<10240x128xf32, #tpu.memory_space<vmem_shared>> -> memref<128x128xf32, #tpu.memory_space<vmem_shared>>
      tpu.wait_dma2 semaphore(%run_scoped3A : memref<!tpu.dma_semaphore, #tpu.memory_space<semaphore_mem>>) src(%dma_wait3A_121 : memref<128x128xf32, #tpu.memory_space<vmem_shared>>) dst(%dma_wait3A_119 : memref<128x128xf32, #tpu.memory_space<hbm>>)
      tpu.yield
    }) : () -> ()
    %mul3A_99 = arith.constant 640 : i32
    %mul3A_100 = arith.muli %arg1, %mul3A_99 : i32
    %add3A_101 = arith.constant 512 : i32
    %add3A_102 = arith.addi %mul3A_100, %add3A_101 : i32
    %mul3A_103 = arith.constant 640 : i32
    %mul3A_104 = arith.muli %arg1, %mul3A_103 : i32
    %add3A_105 = arith.constant 512 : i32
    %add3A_106 = arith.addi %mul3A_104, %add3A_105 : i32
    "tpu.region"() ({
      %run_scoped3A = tpu.sem_alloc : memref<!tpu.dma_semaphore, #tpu.memory_space<semaphore_mem>>
      %dma_start3A_107 = arith.constant 0 : i32
      %dma_start3A_108 = arith.constant 0 : i32
      %dma_start3A_109 = tpu.memref_slice %arg5[%arg0, %dma_start3A_107, %dma_start3A_108] : memref<2x10240x128xf32, #tpu.memory_space<hbm>> -> memref<1x10240x128xf32, #tpu.memory_space<hbm>>
      %dma_start3A_110 = tpu.memref_squeeze %dma_start3A_109 : memref<1x10240x128xf32, #tpu.memory_space<hbm>> -> memref<10240x128xf32, #tpu.memory_space<hbm>>
      %dma_start3A_111 = arith.constant 0 : i32
      %dma_start3A_112 = tpu.memref_slice %dma_start3A_110[%add3A_106, %dma_start3A_111] : memref<10240x128xf32, #tpu.memory_space<hbm>> -> memref<128x128xf32, #tpu.memory_space<hbm>>
      %dma_start3A_113 = arith.constant 0 : i32
      %dma_start3A_114 = tpu.memref_slice %arg10[%add3A_102, %dma_start3A_113] : memref<10240x128xf32, #tpu.memory_space<vmem_shared>> -> memref<128x128xf32, #tpu.memory_space<vmem_shared>>
      tpu.enqueue_dma source(%dma_start3A_114 : memref<128x128xf32, #tpu.memory_space<vmem_shared>>) target(%dma_start3A_112 : memref<128x128xf32, #tpu.memory_space<hbm>>) target_semaphore(%run_scoped3A : memref<!tpu.dma_semaphore, #tpu.memory_space<semaphore_mem>>)
      %dma_wait3A = arith.constant 0 : i32
      %dma_wait3A_115 = arith.constant 0 : i32
      %dma_wait3A_116 = tpu.memref_slice %arg5[%arg0, %dma_wait3A, %dma_wait3A_115] : memref<2x10240x128xf32, #tpu.memory_space<hbm>> -> memref<1x10240x128xf32, #tpu.memory_space<hbm>>
      %dma_wait3A_117 = tpu.memref_squeeze %dma_wait3A_116 : memref<1x10240x128xf32, #tpu.memory_space<hbm>> -> memref<10240x128xf32, #tpu.memory_space<hbm>>
      %dma_wait3A_118 = arith.constant 0 : i32
      %dma_wait3A_119 = tpu.memref_slice %dma_wait3A_117[%add3A_106, %dma_wait3A_118] : memref<10240x128xf32, #tpu.memory_space<hbm>> -> memref<128x128xf32, #tpu.memory_space<hbm>>
      %dma_wait3A_120 = arith.constant 0 : i32
      %dma_wait3A_121 = tpu.memref_slice %arg10[%add3A_102, %dma_wait3A_120] : memref<10240x128xf32, #tpu.memory_space<vmem_shared>> -> memref<128x128xf32, #tpu.memory_space<vmem_shared>>
      tpu.wait_dma2 semaphore(%run_scoped3A : memref<!tpu.dma_semaphore, #tpu.memory_space<semaphore_mem>>) src(%dma_wait3A_121 : memref<128x128xf32, #tpu.memory_space<vmem_shared>>) dst(%dma_wait3A_119 : memref<128x128xf32, #tpu.memory_space<hbm>>)
      tpu.yield
    }) : () -> ()
    return
  }
}

#map = affine_map<(d0, d1) -> (0, 0, 0)>
#map1 = affine_map<(d0, d1) -> (0, 0)>
module attributes {stable_mosaic.version = 14 : i64} {
  func.func @sc_agg(%arg0: i32, %arg1: i32, %arg2: memref<32x160x128xi32, #tpu.memory_space<hbm>>, %arg3: memref<16x160x128xi32, #tpu.memory_space<hbm>>, %arg4: memref<20000x128xf32, #tpu.memory_space<hbm>>, %arg5: memref<2x10240x128xf32, #tpu.memory_space<hbm>>, %arg6: memref<2x16x128xi32, #tpu.memory_space<vmem>>, %arg7: memref<2x16x128xi32, #tpu.memory_space<vmem>>, %arg8: memref<128x128xf32, #tpu.memory_space<vmem>>, %arg9: memref<128x128xf32, #tpu.memory_space<vmem>>, %arg10: memref<10240x128xf32, #tpu.memory_space<vmem_shared>>, %arg11: memref<!tpu.dma_semaphore, #tpu.memory_space<semaphore_mem>>, %arg12: memref<!tpu.dma_semaphore, #tpu.memory_space<semaphore_mem>>, %arg13: memref<!tpu.dma_semaphore, #tpu.memory_space<semaphore_mem>>, %arg14: memref<!tpu.dma_semaphore, #tpu.memory_space<semaphore_mem>>, %arg15: memref<!tpu.dma_semaphore, #tpu.memory_space<semaphore_mem>>) attributes {dimension_semantics = [#tpu.dimension_semantics<core_parallel>, #tpu.dimension_semantics<subcore_parallel>], iteration_bounds = array<i64: 2, 16>, scalar_prefetch = 0 : i64, scratch_operands = 10 : i64, tpu.core_type = #tpu.core_type<sc_vector_subcore>, window_params = [{transform_indices = #map}, {transform_indices = #map}, {transform_indices = #map1}, {transform_indices = #map}]} {
    %mul3A = arith.constant 16 : i32
    %mul3A_0 = arith.muli %arg0, %mul3A : i32
    %add3A = arith.addi %mul3A_0, %arg1 : i32
    %broadcast_in_dim3A = arith.constant 0.000000e+00 : f32
    %broadcast_in_dim3A_1 = vector.broadcast %broadcast_in_dim3A : f32 to vector<16xf32>
    %scan3A = arith.constant 0 : i32
    %scan3A_2 = arith.constant 0 : i32
    %scan3A_3 = arith.constant 128 : i32
    %scan3A_4 = arith.addi %scan3A_2, %scan3A_3 : i32
    %scan3A_5 = arith.constant 1 : i32
    scf.for %scan3A_107 = %scan3A_2 to %scan3A_4 step %scan3A_5  : i32 {
      %swap3A = arith.index_cast %scan3A_107 : i32 to index
      %swap3A_108 = arith.constant 0 : index
      %swap3A_109 = tpu.vector_load %arg8[%swap3A, %swap3A_108] {strides = array<i32>} : memref<128x128xf32, #tpu.memory_space<vmem>>, vector<1x16xf32>,
      %swap3A_110 = vector.shape_cast %swap3A_109 : vector<1x16xf32> to vector<16xf32>
      %swap3A_111 = vector.shape_cast %broadcast_in_dim3A_1 : vector<16xf32> to vector<1x16xf32>
      tpu.vector_store %arg8[%swap3A, %swap3A_108], %swap3A_111 {strides = array<i32>} : memref<128x128xf32, #tpu.memory_space<vmem>>, vector<1x16xf32>,
      %swap3A_112 = arith.index_cast %scan3A_107 : i32 to index
      %swap3A_113 = arith.constant 16 : index
      %swap3A_114 = tpu.vector_load %arg8[%swap3A_112, %swap3A_113] {strides = array<i32>} : memref<128x128xf32, #tpu.memory_space<vmem>>, vector<1x16xf32>,
      %swap3A_115 = vector.shape_cast %swap3A_114 : vector<1x16xf32> to vector<16xf32>
      %swap3A_116 = vector.shape_cast %broadcast_in_dim3A_1 : vector<16xf32> to vector<1x16xf32>
      tpu.vector_store %arg8[%swap3A_112, %swap3A_113], %swap3A_116 {strides = array<i32>} : memref<128x128xf32, #tpu.memory_space<vmem>>, vector<1x16xf32>,
      %swap3A_117 = arith.index_cast %scan3A_107 : i32 to index
      %swap3A_118 = arith.constant 32 : index
      %swap3A_119 = tpu.vector_load %arg8[%swap3A_117, %swap3A_118] {strides = array<i32>} : memref<128x128xf32, #tpu.memory_space<vmem>>, vector<1x16xf32>,
      %swap3A_120 = vector.shape_cast %swap3A_119 : vector<1x16xf32> to vector<16xf32>
      %swap3A_121 = vector.shape_cast %broadcast_in_dim3A_1 : vector<16xf32> to vector<1x16xf32>
      tpu.vector_store %arg8[%swap3A_117, %swap3A_118], %swap3A_121 {strides = array<i32>} : memref<128x128xf32, #tpu.memory_space<vmem>>, vector<1x16xf32>,
      %swap3A_122 = arith.index_cast %scan3A_107 : i32 to index
      %swap3A_123 = arith.constant 48 : index
      %swap3A_124 = tpu.vector_load %arg8[%swap3A_122, %swap3A_123] {strides = array<i32>} : memref<128x128xf32, #tpu.memory_space<vmem>>, vector<1x16xf32>,
      %swap3A_125 = vector.shape_cast %swap3A_124 : vector<1x16xf32> to vector<16xf32>
      %swap3A_126 = vector.shape_cast %broadcast_in_dim3A_1 : vector<16xf32> to vector<1x16xf32>
      tpu.vector_store %arg8[%swap3A_122, %swap3A_123], %swap3A_126 {strides = array<i32>} : memref<128x128xf32, #tpu.memory_space<vmem>>, vector<1x16xf32>,
      %swap3A_127 = arith.index_cast %scan3A_107 : i32 to index
      %swap3A_128 = arith.constant 64 : index
      %swap3A_129 = tpu.vector_load %arg8[%swap3A_127, %swap3A_128] {strides = array<i32>} : memref<128x128xf32, #tpu.memory_space<vmem>>, vector<1x16xf32>,
      %swap3A_130 = vector.shape_cast %swap3A_129 : vector<1x16xf32> to vector<16xf32>
      %swap3A_131 = vector.shape_cast %broadcast_in_dim3A_1 : vector<16xf32> to vector<1x16xf32>
      tpu.vector_store %arg8[%swap3A_127, %swap3A_128], %swap3A_131 {strides = array<i32>} : memref<128x128xf32, #tpu.memory_space<vmem>>, vector<1x16xf32>,
      %swap3A_132 = arith.index_cast %scan3A_107 : i32 to index
      %swap3A_133 = arith.constant 80 : index
      %swap3A_134 = tpu.vector_load %arg8[%swap3A_132, %swap3A_133] {strides = array<i32>} : memref<128x128xf32, #tpu.memory_space<vmem>>, vector<1x16xf32>,
      %swap3A_135 = vector.shape_cast %swap3A_134 : vector<1x16xf32> to vector<16xf32>
      %swap3A_136 = vector.shape_cast %broadcast_in_dim3A_1 : vector<16xf32> to vector<1x16xf32>
      tpu.vector_store %arg8[%swap3A_132, %swap3A_133], %swap3A_136 {strides = array<i32>} : memref<128x128xf32, #tpu.memory_space<vmem>>, vector<1x16xf32>,
      %swap3A_137 = arith.index_cast %scan3A_107 : i32 to index
      %swap3A_138 = arith.constant 96 : index
      %swap3A_139 = tpu.vector_load %arg8[%swap3A_137, %swap3A_138] {strides = array<i32>} : memref<128x128xf32, #tpu.memory_space<vmem>>, vector<1x16xf32>,
      %swap3A_140 = vector.shape_cast %swap3A_139 : vector<1x16xf32> to vector<16xf32>
      %swap3A_141 = vector.shape_cast %broadcast_in_dim3A_1 : vector<16xf32> to vector<1x16xf32>
      tpu.vector_store %arg8[%swap3A_137, %swap3A_138], %swap3A_141 {strides = array<i32>} : memref<128x128xf32, #tpu.memory_space<vmem>>, vector<1x16xf32>,
      %swap3A_142 = arith.index_cast %scan3A_107 : i32 to index
      %swap3A_143 = arith.constant 112 : index
      %swap3A_144 = tpu.vector_load %arg8[%swap3A_142, %swap3A_143] {strides = array<i32>} : memref<128x128xf32, #tpu.memory_space<vmem>>, vector<1x16xf32>,
      %swap3A_145 = vector.shape_cast %swap3A_144 : vector<1x16xf32> to vector<16xf32>
      %swap3A_146 = vector.shape_cast %broadcast_in_dim3A_1 : vector<16xf32> to vector<1x16xf32>
      tpu.vector_store %arg8[%swap3A_142, %swap3A_143], %swap3A_146 {strides = array<i32>} : memref<128x128xf32, #tpu.memory_space<vmem>>, vector<1x16xf32>,
    }
    %scan3A_6 = arith.constant 128 : i32
    %mul3A_7 = arith.constant 640 : i32
    %mul3A_8 = arith.muli %arg1, %mul3A_7 : i32
    %add3A_9 = arith.constant 0 : i32
    %add3A_10 = arith.addi %mul3A_8, %add3A_9 : i32
    "tpu.region"() ({
      %run_scoped3A = tpu.sem_alloc : memref<!tpu.dma_semaphore, #tpu.memory_space<semaphore_mem>>
      %dma_start3A_107 = arith.constant 0 : i32
      %dma_start3A_108 = tpu.memref_slice %arg10[%add3A_10, %dma_start3A_107] : memref<10240x128xf32, #tpu.memory_space<vmem_shared>> -> memref<128x128xf32, #tpu.memory_space<vmem_shared>>
      %dma_start3A_109 = arith.constant 0 : i32
      %dma_start3A_110 = tpu.memref_slice %arg10[%add3A_10, %dma_start3A_109] : memref<10240x128xf32, #tpu.memory_space<vmem_shared>> -> memref<128x128xf32, #tpu.memory_space<vmem_shared>>
      tpu.enqueue_dma source(%arg8 : memref<128x128xf32, #tpu.memory_space<vmem>>) target(%dma_start3A_110 : memref<128x128xf32, #tpu.memory_space<vmem_shared>>) target_semaphore(%run_scoped3A : memref<!tpu.dma_semaphore, #tpu.memory_space<semaphore_mem>>)
      %dma_wait3A = arith.constant 0 : i32
      %dma_wait3A_111 = tpu.memref_slice %arg10[%add3A_10, %dma_wait3A] : memref<10240x128xf32, #tpu.memory_space<vmem_shared>> -> memref<128x128xf32, #tpu.memory_space<vmem_shared>>
      %dma_wait3A_112 = arith.constant 0 : i32
      %dma_wait3A_113 = tpu.memref_slice %arg10[%add3A_10, %dma_wait3A_112] : memref<10240x128xf32, #tpu.memory_space<vmem_shared>> -> memref<128x128xf32, #tpu.memory_space<vmem_shared>>
      tpu.wait_dma2 semaphore(%run_scoped3A : memref<!tpu.dma_semaphore, #tpu.memory_space<semaphore_mem>>) src(%arg8 : memref<128x128xf32, #tpu.memory_space<vmem>>) dst(%dma_wait3A_113 : memref<128x128xf32, #tpu.memory_space<vmem_shared>>)
      tpu.yield
    }) : () -> ()
    %mul3A_11 = arith.constant 640 : i32
    %mul3A_12 = arith.muli %arg1, %mul3A_11 : i32
    %add3A_13 = arith.constant 128 : i32
    %add3A_14 = arith.addi %mul3A_12, %add3A_13 : i32
    "tpu.region"() ({
      %run_scoped3A = tpu.sem_alloc : memref<!tpu.dma_semaphore, #tpu.memory_space<semaphore_mem>>
      %dma_start3A_107 = arith.constant 0 : i32
      %dma_start3A_108 = tpu.memref_slice %arg10[%add3A_14, %dma_start3A_107] : memref<10240x128xf32, #tpu.memory_space<vmem_shared>> -> memref<128x128xf32, #tpu.memory_space<vmem_shared>>
      %dma_start3A_109 = arith.constant 0 : i32
      %dma_start3A_110 = tpu.memref_slice %arg10[%add3A_14, %dma_start3A_109] : memref<10240x128xf32, #tpu.memory_space<vmem_shared>> -> memref<128x128xf32, #tpu.memory_space<vmem_shared>>
      tpu.enqueue_dma source(%arg8 : memref<128x128xf32, #tpu.memory_space<vmem>>) target(%dma_start3A_110 : memref<128x128xf32, #tpu.memory_space<vmem_shared>>) target_semaphore(%run_scoped3A : memref<!tpu.dma_semaphore, #tpu.memory_space<semaphore_mem>>)
      %dma_wait3A = arith.constant 0 : i32
      %dma_wait3A_111 = tpu.memref_slice %arg10[%add3A_14, %dma_wait3A] : memref<10240x128xf32, #tpu.memory_space<vmem_shared>> -> memref<128x128xf32, #tpu.memory_space<vmem_shared>>
      %dma_wait3A_112 = arith.constant 0 : i32
      %dma_wait3A_113 = tpu.memref_slice %arg10[%add3A_14, %dma_wait3A_112] : memref<10240x128xf32, #tpu.memory_space<vmem_shared>> -> memref<128x128xf32, #tpu.memory_space<vmem_shared>>
      tpu.wait_dma2 semaphore(%run_scoped3A : memref<!tpu.dma_semaphore, #tpu.memory_space<semaphore_mem>>) src(%arg8 : memref<128x128xf32, #tpu.memory_space<vmem>>) dst(%dma_wait3A_113 : memref<128x128xf32, #tpu.memory_space<vmem_shared>>)
      tpu.yield
    }) : () -> ()
    %mul3A_15 = arith.constant 640 : i32
    %mul3A_16 = arith.muli %arg1, %mul3A_15 : i32
    %add3A_17 = arith.constant 256 : i32
    %add3A_18 = arith.addi %mul3A_16, %add3A_17 : i32
    "tpu.region"() ({
      %run_scoped3A = tpu.sem_alloc : memref<!tpu.dma_semaphore, #tpu.memory_space<semaphore_mem>>
      %dma_start3A_107 = arith.constant 0 : i32
      %dma_start3A_108 = tpu.memref_slice %arg10[%add3A_18, %dma_start3A_107] : memref<10240x128xf32, #tpu.memory_space<vmem_shared>> -> memref<128x128xf32, #tpu.memory_space<vmem_shared>>
      %dma_start3A_109 = arith.constant 0 : i32
      %dma_start3A_110 = tpu.memref_slice %arg10[%add3A_18, %dma_start3A_109] : memref<10240x128xf32, #tpu.memory_space<vmem_shared>> -> memref<128x128xf32, #tpu.memory_space<vmem_shared>>
      tpu.enqueue_dma source(%arg8 : memref<128x128xf32, #tpu.memory_space<vmem>>) target(%dma_start3A_110 : memref<128x128xf32, #tpu.memory_space<vmem_shared>>) target_semaphore(%run_scoped3A : memref<!tpu.dma_semaphore, #tpu.memory_space<semaphore_mem>>)
      %dma_wait3A = arith.constant 0 : i32
      %dma_wait3A_111 = tpu.memref_slice %arg10[%add3A_18, %dma_wait3A] : memref<10240x128xf32, #tpu.memory_space<vmem_shared>> -> memref<128x128xf32, #tpu.memory_space<vmem_shared>>
      %dma_wait3A_112 = arith.constant 0 : i32
      %dma_wait3A_113 = tpu.memref_slice %arg10[%add3A_18, %dma_wait3A_112] : memref<10240x128xf32, #tpu.memory_space<vmem_shared>> -> memref<128x128xf32, #tpu.memory_space<vmem_shared>>
      tpu.wait_dma2 semaphore(%run_scoped3A : memref<!tpu.dma_semaphore, #tpu.memory_space<semaphore_mem>>) src(%arg8 : memref<128x128xf32, #tpu.memory_space<vmem>>) dst(%dma_wait3A_113 : memref<128x128xf32, #tpu.memory_space<vmem_shared>>)
      tpu.yield
    }) : () -> ()
    %mul3A_19 = arith.constant 640 : i32
    %mul3A_20 = arith.muli %arg1, %mul3A_19 : i32
    %add3A_21 = arith.constant 384 : i32
    %add3A_22 = arith.addi %mul3A_20, %add3A_21 : i32
    "tpu.region"() ({
      %run_scoped3A = tpu.sem_alloc : memref<!tpu.dma_semaphore, #tpu.memory_space<semaphore_mem>>
      %dma_start3A_107 = arith.constant 0 : i32
      %dma_start3A_108 = tpu.memref_slice %arg10[%add3A_22, %dma_start3A_107] : memref<10240x128xf32, #tpu.memory_space<vmem_shared>> -> memref<128x128xf32, #tpu.memory_space<vmem_shared>>
      %dma_start3A_109 = arith.constant 0 : i32
      %dma_start3A_110 = tpu.memref_slice %arg10[%add3A_22, %dma_start3A_109] : memref<10240x128xf32, #tpu.memory_space<vmem_shared>> -> memref<128x128xf32, #tpu.memory_space<vmem_shared>>
      tpu.enqueue_dma source(%arg8 : memref<128x128xf32, #tpu.memory_space<vmem>>) target(%dma_start3A_110 : memref<128x128xf32, #tpu.memory_space<vmem_shared>>) target_semaphore(%run_scoped3A : memref<!tpu.dma_semaphore, #tpu.memory_space<semaphore_mem>>)
      %dma_wait3A = arith.constant 0 : i32
      %dma_wait3A_111 = tpu.memref_slice %arg10[%add3A_22, %dma_wait3A] : memref<10240x128xf32, #tpu.memory_space<vmem_shared>> -> memref<128x128xf32, #tpu.memory_space<vmem_shared>>
      %dma_wait3A_112 = arith.constant 0 : i32
      %dma_wait3A_113 = tpu.memref_slice %arg10[%add3A_22, %dma_wait3A_112] : memref<10240x128xf32, #tpu.memory_space<vmem_shared>> -> memref<128x128xf32, #tpu.memory_space<vmem_shared>>
      tpu.wait_dma2 semaphore(%run_scoped3A : memref<!tpu.dma_semaphore, #tpu.memory_space<semaphore_mem>>) src(%arg8 : memref<128x128xf32, #tpu.memory_space<vmem>>) dst(%dma_wait3A_113 : memref<128x128xf32, #tpu.memory_space<vmem_shared>>)
      tpu.yield
    }) : () -> ()
    %mul3A_23 = arith.constant 640 : i32
    %mul3A_24 = arith.muli %arg1, %mul3A_23 : i32
    %add3A_25 = arith.constant 512 : i32
    %add3A_26 = arith.addi %mul3A_24, %add3A_25 : i32
    "tpu.region"() ({
      %run_scoped3A = tpu.sem_alloc : memref<!tpu.dma_semaphore, #tpu.memory_space<semaphore_mem>>
      %dma_start3A_107 = arith.constant 0 : i32
      %dma_start3A_108 = tpu.memref_slice %arg10[%add3A_26, %dma_start3A_107] : memref<10240x128xf32, #tpu.memory_space<vmem_shared>> -> memref<128x128xf32, #tpu.memory_space<vmem_shared>>
      %dma_start3A_109 = arith.constant 0 : i32
      %dma_start3A_110 = tpu.memref_slice %arg10[%add3A_26, %dma_start3A_109] : memref<10240x128xf32, #tpu.memory_space<vmem_shared>> -> memref<128x128xf32, #tpu.memory_space<vmem_shared>>
      tpu.enqueue_dma source(%arg8 : memref<128x128xf32, #tpu.memory_space<vmem>>) target(%dma_start3A_110 : memref<128x128xf32, #tpu.memory_space<vmem_shared>>) target_semaphore(%run_scoped3A : memref<!tpu.dma_semaphore, #tpu.memory_space<semaphore_mem>>)
      %dma_wait3A = arith.constant 0 : i32
      %dma_wait3A_111 = tpu.memref_slice %arg10[%add3A_26, %dma_wait3A] : memref<10240x128xf32, #tpu.memory_space<vmem_shared>> -> memref<128x128xf32, #tpu.memory_space<vmem_shared>>
      %dma_wait3A_112 = arith.constant 0 : i32
      %dma_wait3A_113 = tpu.memref_slice %arg10[%add3A_26, %dma_wait3A_112] : memref<10240x128xf32, #tpu.memory_space<vmem_shared>> -> memref<128x128xf32, #tpu.memory_space<vmem_shared>>
      tpu.wait_dma2 semaphore(%run_scoped3A : memref<!tpu.dma_semaphore, #tpu.memory_space<semaphore_mem>>) src(%arg8 : memref<128x128xf32, #tpu.memory_space<vmem>>) dst(%dma_wait3A_113 : memref<128x128xf32, #tpu.memory_space<vmem_shared>>)
      tpu.yield
    }) : () -> ()
    %barrier3A = arith.constant 0 : index
    tpu.barrier barrier_id(%barrier3A)
    %dma_start3A = arith.constant 0 : i32
    %dma_start3A_27 = arith.constant 0 : i32
    %dma_start3A_28 = arith.constant 0 : i32
    %dma_start3A_29 = tpu.memref_slice %arg6[%dma_start3A, %dma_start3A_27, %dma_start3A_28] : memref<2x16x128xi32, #tpu.memory_space<vmem>> -> memref<1x16x128xi32, #tpu.memory_space<vmem>>
    %dma_start3A_30 = tpu.memref_squeeze %dma_start3A_29 : memref<1x16x128xi32, #tpu.memory_space<vmem>> -> memref<16x128xi32, #tpu.memory_space<vmem>>
    %dma_start3A_31 = arith.constant 0 : i32
    %dma_start3A_32 = arith.constant 0 : i32
    %dma_start3A_33 = tpu.memref_slice %arg2[%add3A, %dma_start3A_31, %dma_start3A_32] : memref<32x160x128xi32, #tpu.memory_space<hbm>> -> memref<1x16x128xi32, #tpu.memory_space<hbm>>
    %dma_start3A_34 = tpu.memref_squeeze %dma_start3A_33 : memref<1x16x128xi32, #tpu.memory_space<hbm>> -> memref<16x128xi32, #tpu.memory_space<hbm>>
    %dma_start3A_35 = arith.constant 0 : i32
    %dma_start3A_36 = arith.constant 0 : i32
    %dma_start3A_37 = tpu.memref_slice %arg6[%dma_start3A, %dma_start3A_35, %dma_start3A_36] : memref<2x16x128xi32, #tpu.memory_space<vmem>> -> memref<1x16x128xi32, #tpu.memory_space<vmem>>
    %dma_start3A_38 = tpu.memref_squeeze %dma_start3A_37 : memref<1x16x128xi32, #tpu.memory_space<vmem>> -> memref<16x128xi32, #tpu.memory_space<vmem>>
    %dma_start3A_39 = arith.constant 0 : i32
    %dma_start3A_40 = arith.constant 0 : i32
    %dma_start3A_41 = tpu.memref_slice %arg2[%add3A, %dma_start3A_39, %dma_start3A_40] : memref<32x160x128xi32, #tpu.memory_space<hbm>> -> memref<1x16x128xi32, #tpu.memory_space<hbm>>
    %dma_start3A_42 = tpu.memref_squeeze %dma_start3A_41 : memref<1x16x128xi32, #tpu.memory_space<hbm>> -> memref<16x128xi32, #tpu.memory_space<hbm>>
    tpu.enqueue_dma source(%dma_start3A_42 : memref<16x128xi32, #tpu.memory_space<hbm>>) target(%dma_start3A_38 : memref<16x128xi32, #tpu.memory_space<vmem>>) target_semaphore(%arg11 : memref<!tpu.dma_semaphore, #tpu.memory_space<semaphore_mem>>)
    %dma_start3A_43 = arith.constant 0 : i32
    %dma_start3A_44 = arith.constant 0 : i32
    %dma_start3A_45 = arith.constant 0 : i32
    %dma_start3A_46 = tpu.memref_slice %arg7[%dma_start3A_43, %dma_start3A_44, %dma_start3A_45] : memref<2x16x128xi32, #tpu.memory_space<vmem>> -> memref<1x16x128xi32, #tpu.memory_space<vmem>>
    %dma_start3A_47 = tpu.memref_squeeze %dma_start3A_46 : memref<1x16x128xi32, #tpu.memory_space<vmem>> -> memref<16x128xi32, #tpu.memory_space<vmem>>
    %dma_start3A_48 = arith.constant 0 : i32
    %dma_start3A_49 = arith.constant 0 : i32
    %dma_start3A_50 = tpu.memref_slice %arg3[%arg1, %dma_start3A_48, %dma_start3A_49] : memref<16x160x128xi32, #tpu.memory_space<hbm>> -> memref<1x16x128xi32, #tpu.memory_space<hbm>>
    %dma_start3A_51 = tpu.memref_squeeze %dma_start3A_50 : memref<1x16x128xi32, #tpu.memory_space<hbm>> -> memref<16x128xi32, #tpu.memory_space<hbm>>
    %dma_start3A_52 = arith.constant 0 : i32
    %dma_start3A_53 = arith.constant 0 : i32
    %dma_start3A_54 = tpu.memref_slice %arg7[%dma_start3A_43, %dma_start3A_52, %dma_start3A_53] : memref<2x16x128xi32, #tpu.memory_space<vmem>> -> memref<1x16x128xi32, #tpu.memory_space<vmem>>
    %dma_start3A_55 = tpu.memref_squeeze %dma_start3A_54 : memref<1x16x128xi32, #tpu.memory_space<vmem>> -> memref<16x128xi32, #tpu.memory_space<vmem>>
    %dma_start3A_56 = arith.constant 0 : i32
    %dma_start3A_57 = arith.constant 0 : i32
    %dma_start3A_58 = tpu.memref_slice %arg3[%arg1, %dma_start3A_56, %dma_start3A_57] : memref<16x160x128xi32, #tpu.memory_space<hbm>> -> memref<1x16x128xi32, #tpu.memory_space<hbm>>
    %dma_start3A_59 = tpu.memref_squeeze %dma_start3A_58 : memref<1x16x128xi32, #tpu.memory_space<hbm>> -> memref<16x128xi32, #tpu.memory_space<hbm>>
    tpu.enqueue_dma source(%dma_start3A_59 : memref<16x128xi32, #tpu.memory_space<hbm>>) target(%dma_start3A_55 : memref<16x128xi32, #tpu.memory_space<vmem>>) target_semaphore(%arg11 : memref<!tpu.dma_semaphore, #tpu.memory_space<semaphore_mem>>)
    %scan3A_60 = arith.constant 0 : i32
    %scan3A_61 = arith.constant 0 : i32
    %scan3A_62 = arith.constant 10 : i32
    %scan3A_63 = arith.addi %scan3A_61, %scan3A_62 : i32
    %scan3A_64 = arith.constant 1 : i32
    scf.for %scan3A_107 = %scan3A_61 to %scan3A_63 step %scan3A_64  : i32 {
      %rem3A = arith.constant 2 : i32
      %rem3A_108 = arith.remsi %scan3A_107, %rem3A : i32
      %dma_wait3A = arith.constant 0 : i32
      %dma_wait3A_109 = arith.constant 0 : i32
      %dma_wait3A_110 = tpu.memref_slice %arg6[%rem3A_108, %dma_wait3A, %dma_wait3A_109] : memref<2x16x128xi32, #tpu.memory_space<vmem>> -> memref<1x16x128xi32, #tpu.memory_space<vmem>>
      %dma_wait3A_111 = tpu.memref_squeeze %dma_wait3A_110 : memref<1x16x128xi32, #tpu.memory_space<vmem>> -> memref<16x128xi32, #tpu.memory_space<vmem>>
      %dma_wait3A_112 = arith.constant 0 : i32
      %dma_wait3A_113 = arith.constant 0 : i32
      %dma_wait3A_114 = tpu.memref_slice %arg2[%add3A, %dma_wait3A_112, %dma_wait3A_113] : memref<32x160x128xi32, #tpu.memory_space<hbm>> -> memref<1x16x128xi32, #tpu.memory_space<hbm>>
      %dma_wait3A_115 = tpu.memref_squeeze %dma_wait3A_114 : memref<1x16x128xi32, #tpu.memory_space<hbm>> -> memref<16x128xi32, #tpu.memory_space<hbm>>
      %dma_wait3A_116 = arith.constant 0 : i32
      %dma_wait3A_117 = arith.constant 0 : i32
      %dma_wait3A_118 = tpu.memref_slice %arg6[%rem3A_108, %dma_wait3A_116, %dma_wait3A_117] : memref<2x16x128xi32, #tpu.memory_space<vmem>> -> memref<1x16x128xi32, #tpu.memory_space<vmem>>
      %dma_wait3A_119 = tpu.memref_squeeze %dma_wait3A_118 : memref<1x16x128xi32, #tpu.memory_space<vmem>> -> memref<16x128xi32, #tpu.memory_space<vmem>>
      %dma_wait3A_120 = arith.constant 0 : i32
      %dma_wait3A_121 = arith.constant 0 : i32
      %dma_wait3A_122 = tpu.memref_slice %arg2[%add3A, %dma_wait3A_120, %dma_wait3A_121] : memref<32x160x128xi32, #tpu.memory_space<hbm>> -> memref<1x16x128xi32, #tpu.memory_space<hbm>>
      %dma_wait3A_123 = tpu.memref_squeeze %dma_wait3A_122 : memref<1x16x128xi32, #tpu.memory_space<hbm>> -> memref<16x128xi32, #tpu.memory_space<hbm>>
      tpu.wait_dma2 semaphore(%arg11 : memref<!tpu.dma_semaphore, #tpu.memory_space<semaphore_mem>>) src(%dma_wait3A_123 : memref<16x128xi32, #tpu.memory_space<hbm>>) dst(%dma_wait3A_119 : memref<16x128xi32, #tpu.memory_space<vmem>>)
      %dma_wait3A_124 = arith.constant 0 : i32
      %dma_wait3A_125 = arith.constant 0 : i32
      %dma_wait3A_126 = tpu.memref_slice %arg7[%rem3A_108, %dma_wait3A_124, %dma_wait3A_125] : memref<2x16x128xi32, #tpu.memory_space<vmem>> -> memref<1x16x128xi32, #tpu.memory_space<vmem>>
      %dma_wait3A_127 = tpu.memref_squeeze %dma_wait3A_126 : memref<1x16x128xi32, #tpu.memory_space<vmem>> -> memref<16x128xi32, #tpu.memory_space<vmem>>
      %dma_wait3A_128 = arith.constant 0 : i32
      %dma_wait3A_129 = arith.constant 0 : i32
      %dma_wait3A_130 = tpu.memref_slice %arg3[%arg1, %dma_wait3A_128, %dma_wait3A_129] : memref<16x160x128xi32, #tpu.memory_space<hbm>> -> memref<1x16x128xi32, #tpu.memory_space<hbm>>
      %dma_wait3A_131 = tpu.memref_squeeze %dma_wait3A_130 : memref<1x16x128xi32, #tpu.memory_space<hbm>> -> memref<16x128xi32, #tpu.memory_space<hbm>>
      %dma_wait3A_132 = arith.constant 0 : i32
      %dma_wait3A_133 = arith.constant 0 : i32
      %dma_wait3A_134 = tpu.memref_slice %arg7[%rem3A_108, %dma_wait3A_132, %dma_wait3A_133] : memref<2x16x128xi32, #tpu.memory_space<vmem>> -> memref<1x16x128xi32, #tpu.memory_space<vmem>>
      %dma_wait3A_135 = tpu.memref_squeeze %dma_wait3A_134 : memref<1x16x128xi32, #tpu.memory_space<vmem>> -> memref<16x128xi32, #tpu.memory_space<vmem>>
      %dma_wait3A_136 = arith.constant 0 : i32
      %dma_wait3A_137 = arith.constant 0 : i32
      %dma_wait3A_138 = tpu.memref_slice %arg3[%arg1, %dma_wait3A_136, %dma_wait3A_137] : memref<16x160x128xi32, #tpu.memory_space<hbm>> -> memref<1x16x128xi32, #tpu.memory_space<hbm>>
      %dma_wait3A_139 = tpu.memref_squeeze %dma_wait3A_138 : memref<1x16x128xi32, #tpu.memory_space<hbm>> -> memref<16x128xi32, #tpu.memory_space<hbm>>
      tpu.wait_dma2 semaphore(%arg11 : memref<!tpu.dma_semaphore, #tpu.memory_space<semaphore_mem>>) src(%dma_wait3A_139 : memref<16x128xi32, #tpu.memory_space<hbm>>) dst(%dma_wait3A_135 : memref<16x128xi32, #tpu.memory_space<vmem>>)
      %add3A_140 = arith.constant 1 : i32
      %add3A_141 = arith.addi %scan3A_107, %add3A_140 : i32
      %lt3A = arith.constant 10 : i32
      %lt3A_142 = arith.cmpi slt, %add3A_141, %lt3A : i32
      %convert_element_type3A = arith.extui %lt3A_142 : i1 to i32
      %cond3A = arith.constant 0 : i32
      %cond3A_143 = arith.cmpi ne, %convert_element_type3A, %cond3A : i32
      scf.if %cond3A_143 {
        %add3A_592 = arith.constant 1 : i32
        %add3A_593 = arith.addi %scan3A_107, %add3A_592 : i32
        %sub3A = arith.constant 1 : i32
        %sub3A_594 = arith.subi %sub3A, %rem3A_108 : i32
        %mul3A_595 = arith.constant 16 : i32
        %mul3A_596 = arith.muli %add3A_593, %mul3A_595 : i32
        %dma_start3A_597 = arith.constant 0 : i32
        %dma_start3A_598 = arith.constant 0 : i32
        %dma_start3A_599 = tpu.memref_slice %arg6[%sub3A_594, %dma_start3A_597, %dma_start3A_598] : memref<2x16x128xi32, #tpu.memory_space<vmem>> -> memref<1x16x128xi32, #tpu.memory_space<vmem>>
        %dma_start3A_600 = tpu.memref_squeeze %dma_start3A_599 : memref<1x16x128xi32, #tpu.memory_space<vmem>> -> memref<16x128xi32, #tpu.memory_space<vmem>>
        %dma_start3A_601 = arith.constant 0 : i32
        %dma_start3A_602 = tpu.memref_slice %arg2[%add3A, %mul3A_596, %dma_start3A_601] : memref<32x160x128xi32, #tpu.memory_space<hbm>> -> memref<1x16x128xi32, #tpu.memory_space<hbm>>
        %dma_start3A_603 = tpu.memref_squeeze %dma_start3A_602 : memref<1x16x128xi32, #tpu.memory_space<hbm>> -> memref<16x128xi32, #tpu.memory_space<hbm>>
        %dma_start3A_604 = arith.constant 0 : i32
        %dma_start3A_605 = arith.constant 0 : i32
        %dma_start3A_606 = tpu.memref_slice %arg6[%sub3A_594, %dma_start3A_604, %dma_start3A_605] : memref<2x16x128xi32, #tpu.memory_space<vmem>> -> memref<1x16x128xi32, #tpu.memory_space<vmem>>
        %dma_start3A_607 = tpu.memref_squeeze %dma_start3A_606 : memref<1x16x128xi32, #tpu.memory_space<vmem>> -> memref<16x128xi32, #tpu.memory_space<vmem>>
        %dma_start3A_608 = arith.constant 0 : i32
        %dma_start3A_609 = tpu.memref_slice %arg2[%add3A, %mul3A_596, %dma_start3A_608] : memref<32x160x128xi32, #tpu.memory_space<hbm>> -> memref<1x16x128xi32, #tpu.memory_space<hbm>>
        %dma_start3A_610 = tpu.memref_squeeze %dma_start3A_609 : memref<1x16x128xi32, #tpu.memory_space<hbm>> -> memref<16x128xi32, #tpu.memory_space<hbm>>
        tpu.enqueue_dma source(%dma_start3A_610 : memref<16x128xi32, #tpu.memory_space<hbm>>) target(%dma_start3A_607 : memref<16x128xi32, #tpu.memory_space<vmem>>) target_semaphore(%arg11 : memref<!tpu.dma_semaphore, #tpu.memory_space<semaphore_mem>>)
        %mul3A_611 = arith.constant 16 : i32
        %mul3A_612 = arith.muli %add3A_593, %mul3A_611 : i32
        %dma_start3A_613 = arith.constant 0 : i32
        %dma_start3A_614 = arith.constant 0 : i32
        %dma_start3A_615 = tpu.memref_slice %arg7[%sub3A_594, %dma_start3A_613, %dma_start3A_614] : memref<2x16x128xi32, #tpu.memory_space<vmem>> -> memref<1x16x128xi32, #tpu.memory_space<vmem>>
        %dma_start3A_616 = tpu.memref_squeeze %dma_start3A_615 : memref<1x16x128xi32, #tpu.memory_space<vmem>> -> memref<16x128xi32, #tpu.memory_space<vmem>>
        %dma_start3A_617 = arith.constant 0 : i32
        %dma_start3A_618 = tpu.memref_slice %arg3[%arg1, %mul3A_612, %dma_start3A_617] : memref<16x160x128xi32, #tpu.memory_space<hbm>> -> memref<1x16x128xi32, #tpu.memory_space<hbm>>
        %dma_start3A_619 = tpu.memref_squeeze %dma_start3A_618 : memref<1x16x128xi32, #tpu.memory_space<hbm>> -> memref<16x128xi32, #tpu.memory_space<hbm>>
        %dma_start3A_620 = arith.constant 0 : i32
        %dma_start3A_621 = arith.constant 0 : i32
        %dma_start3A_622 = tpu.memref_slice %arg7[%sub3A_594, %dma_start3A_620, %dma_start3A_621] : memref<2x16x128xi32, #tpu.memory_space<vmem>> -> memref<1x16x128xi32, #tpu.memory_space<vmem>>
        %dma_start3A_623 = tpu.memref_squeeze %dma_start3A_622 : memref<1x16x128xi32, #tpu.memory_space<vmem>> -> memref<16x128xi32, #tpu.memory_space<vmem>>
        %dma_start3A_624 = arith.constant 0 : i32
        %dma_start3A_625 = tpu.memref_slice %arg3[%arg1, %mul3A_612, %dma_start3A_624] : memref<16x160x128xi32, #tpu.memory_space<hbm>> -> memref<1x16x128xi32, #tpu.memory_space<hbm>>
        %dma_start3A_626 = tpu.memref_squeeze %dma_start3A_625 : memref<1x16x128xi32, #tpu.memory_space<hbm>> -> memref<16x128xi32, #tpu.memory_space<hbm>>
        tpu.enqueue_dma source(%dma_start3A_626 : memref<16x128xi32, #tpu.memory_space<hbm>>) target(%dma_start3A_623 : memref<16x128xi32, #tpu.memory_space<vmem>>) target_semaphore(%arg11 : memref<!tpu.dma_semaphore, #tpu.memory_space<semaphore_mem>>)
      } else {
      }
      %dma_start3A_144 = arith.constant 0 : i32
      %dma_start3A_145 = arith.constant 0 : i32
      %dma_start3A_146 = tpu.memref_slice %arg6[%rem3A_108, %dma_start3A_144, %dma_start3A_145] : memref<2x16x128xi32, #tpu.memory_space<vmem>> -> memref<1x1x128xi32, #tpu.memory_space<vmem>>
      %dma_start3A_147 = tpu.memref_squeeze %dma_start3A_146 : memref<1x1x128xi32, #tpu.memory_space<vmem>> -> memref<128xi32, #tpu.memory_space<vmem>>
      %dma_start3A_148 = arith.constant 0 : i32
      %dma_start3A_149 = arith.constant 0 : i32
      %dma_start3A_150 = tpu.memref_slice %arg4[%dma_start3A_148, %dma_start3A_149] : memref<20000x128xf32, #tpu.memory_space<hbm>> -> memref<20000x128xf32, #tpu.memory_space<hbm>>
      tpu.enqueue_indirect_dma source(%dma_start3A_150 : memref<20000x128xf32, #tpu.memory_space<hbm>>) target(%arg8 : memref<128x128xf32, #tpu.memory_space<vmem>>) offsets(%dma_start3A_147 : memref<128xi32, #tpu.memory_space<vmem>>) semaphore(%arg12 : memref<!tpu.dma_semaphore, #tpu.memory_space<semaphore_mem>>)
      %dma_wait3A_151 = arith.constant 0 : i32
      %dma_wait3A_152 = arith.constant 0 : i32
      %dma_wait3A_153 = tpu.memref_slice %arg6[%rem3A_108, %dma_wait3A_151, %dma_wait3A_152] : memref<2x16x128xi32, #tpu.memory_space<vmem>> -> memref<1x1x128xi32, #tpu.memory_space<vmem>>
      %dma_wait3A_154 = tpu.memref_squeeze %dma_wait3A_153 : memref<1x1x128xi32, #tpu.memory_space<vmem>> -> memref<128xi32, #tpu.memory_space<vmem>>
      %dma_wait3A_155 = arith.constant 0 : i32
      %dma_wait3A_156 = arith.constant 0 : i32
      %dma_wait3A_157 = tpu.memref_slice %arg4[%dma_wait3A_155, %dma_wait3A_156] : memref<20000x128xf32, #tpu.memory_space<hbm>> -> memref<20000x128xf32, #tpu.memory_space<hbm>>
      tpu.wait_indirect_dma semaphore(%arg12 : memref<!tpu.dma_semaphore, #tpu.memory_space<semaphore_mem>>) src(%dma_wait3A_157 : memref<20000x128xf32, #tpu.memory_space<hbm>>) dst(%arg8 : memref<128x128xf32, #tpu.memory_space<vmem>>)
      %dma_start3A_158 = arith.constant 0 : i32
      %dma_start3A_159 = arith.constant 0 : i32
      %dma_start3A_160 = tpu.memref_slice %arg7[%rem3A_108, %dma_start3A_158, %dma_start3A_159] : memref<2x16x128xi32, #tpu.memory_space<vmem>> -> memref<1x1x128xi32, #tpu.memory_space<vmem>>
      %dma_start3A_161 = tpu.memref_squeeze %dma_start3A_160 : memref<1x1x128xi32, #tpu.memory_space<vmem>> -> memref<128xi32, #tpu.memory_space<vmem>>
      %dma_start3A_162 = arith.constant 0 : i32
      %dma_start3A_163 = arith.constant 0 : i32
      %dma_start3A_164 = tpu.memref_slice %arg10[%dma_start3A_162, %dma_start3A_163] : memref<10240x128xf32, #tpu.memory_space<vmem_shared>> -> memref<10240x128xf32, #tpu.memory_space<vmem_shared>>
      tpu.enqueue_indirect_dma source(%arg8 : memref<128x128xf32, #tpu.memory_space<vmem>>) target(%dma_start3A_164 : memref<10240x128xf32, #tpu.memory_space<vmem_shared>>) offsets(%dma_start3A_161 : memref<128xi32, #tpu.memory_space<vmem>>) semaphore(%arg14 : memref<!tpu.dma_semaphore, #tpu.memory_space<semaphore_mem>>) {add = true}
      %dma_start3A_165 = arith.constant 1 : i32
      %dma_start3A_166 = arith.constant 0 : i32
      %dma_start3A_167 = tpu.memref_slice %arg6[%rem3A_108, %dma_start3A_165, %dma_start3A_166] : memref<2x16x128xi32, #tpu.memory_space<vmem>> -> memref<1x1x128xi32, #tpu.memory_space<vmem>>
      %dma_start3A_168 = tpu.memref_squeeze %dma_start3A_167 : memref<1x1x128xi32, #tpu.memory_space<vmem>> -> memref<128xi32, #tpu.memory_space<vmem>>
      %dma_start3A_169 = arith.constant 0 : i32
      %dma_start3A_170 = arith.constant 0 : i32
      %dma_start3A_171 = tpu.memref_slice %arg4[%dma_start3A_169, %dma_start3A_170] : memref<20000x128xf32, #tpu.memory_space<hbm>> -> memref<20000x128xf32, #tpu.memory_space<hbm>>
      tpu.enqueue_indirect_dma source(%dma_start3A_171 : memref<20000x128xf32, #tpu.memory_space<hbm>>) target(%arg9 : memref<128x128xf32, #tpu.memory_space<vmem>>) offsets(%dma_start3A_168 : memref<128xi32, #tpu.memory_space<vmem>>) semaphore(%arg13 : memref<!tpu.dma_semaphore, #tpu.memory_space<semaphore_mem>>)
      %dma_wait3A_172 = arith.constant 0 : i32
      %dma_wait3A_173 = arith.constant 0 : i32
      %dma_wait3A_174 = tpu.memref_slice %arg6[%rem3A_108, %dma_wait3A_172, %dma_wait3A_173] : memref<2x16x128xi32, #tpu.memory_space<vmem>> -> memref<1x1x128xi32, #tpu.memory_space<vmem>>
      %dma_wait3A_175 = tpu.memref_squeeze %dma_wait3A_174 : memref<1x1x128xi32, #tpu.memory_space<vmem>> -> memref<128xi32, #tpu.memory_space<vmem>>
      %dma_wait3A_176 = arith.constant 0 : i32
      %dma_wait3A_177 = arith.constant 0 : i32
      %dma_wait3A_178 = tpu.memref_slice %arg4[%dma_wait3A_176, %dma_wait3A_177] : memref<20000x128xf32, #tpu.memory_space<hbm>> -> memref<20000x128xf32, #tpu.memory_space<hbm>>
      tpu.wait_indirect_dma semaphore(%arg13 : memref<!tpu.dma_semaphore, #tpu.memory_space<semaphore_mem>>) src(%dma_wait3A_178 : memref<20000x128xf32, #tpu.memory_space<hbm>>) dst(%arg9 : memref<128x128xf32, #tpu.memory_space<vmem>>)
      %dma_start3A_179 = arith.constant 1 : i32
      %dma_start3A_180 = arith.constant 0 : i32
      %dma_start3A_181 = tpu.memref_slice %arg7[%rem3A_108, %dma_start3A_179, %dma_start3A_180] : memref<2x16x128xi32, #tpu.memory_space<vmem>> -> memref<1x1x128xi32, #tpu.memory_space<vmem>>
      %dma_start3A_182 = tpu.memref_squeeze %dma_start3A_181 : memref<1x1x128xi32, #tpu.memory_space<vmem>> -> memref<128xi32, #tpu.memory_space<vmem>>
      %dma_start3A_183 = arith.constant 0 : i32
      %dma_start3A_184 = arith.constant 0 : i32
      %dma_start3A_185 = tpu.memref_slice %arg10[%dma_start3A_183, %dma_start3A_184] : memref<10240x128xf32, #tpu.memory_space<vmem_shared>> -> memref<10240x128xf32, #tpu.memory_space<vmem_shared>>
      tpu.enqueue_indirect_dma source(%arg9 : memref<128x128xf32, #tpu.memory_space<vmem>>) target(%dma_start3A_185 : memref<10240x128xf32, #tpu.memory_space<vmem_shared>>) offsets(%dma_start3A_182 : memref<128xi32, #tpu.memory_space<vmem>>) semaphore(%arg15 : memref<!tpu.dma_semaphore, #tpu.memory_space<semaphore_mem>>) {add = true}
      %dma_wait3A_186 = arith.constant 0 : i32
      %dma_wait3A_187 = arith.constant 0 : i32
      %dma_wait3A_188 = tpu.memref_slice %arg7[%rem3A_108, %dma_wait3A_186, %dma_wait3A_187] : memref<2x16x128xi32, #tpu.memory_space<vmem>> -> memref<1x1x128xi32, #tpu.memory_space<vmem>>
      %dma_wait3A_189 = tpu.memref_squeeze %dma_wait3A_188 : memref<1x1x128xi32, #tpu.memory_space<vmem>> -> memref<128xi32, #tpu.memory_space<vmem>>
      %dma_wait3A_190 = arith.constant 0 : i32
      %dma_wait3A_191 = arith.constant 0 : i32
      %dma_wait3A_192 = tpu.memref_slice %arg10[%dma_wait3A_190, %dma_wait3A_191] : memref<10240x128xf32, #tpu.memory_space<vmem_shared>> -> memref<10240x128xf32, #tpu.memory_space<vmem_shared>>
      tpu.wait_indirect_dma semaphore(%arg14 : memref<!tpu.dma_semaphore, #tpu.memory_space<semaphore_mem>>) src(%arg8 : memref<128x128xf32, #tpu.memory_space<vmem>>) dst(%dma_wait3A_192 : memref<10240x128xf32, #tpu.memory_space<vmem_shared>>)
      %dma_start3A_193 = arith.constant 2 : i32
      %dma_start3A_194 = arith.constant 0 : i32
      %dma_start3A_195 = tpu.memref_slice %arg6[%rem3A_108, %dma_start3A_193, %dma_start3A_194] : memref<2x16x128xi32, #tpu.memory_space<vmem>> -> memref<1x1x128xi32, #tpu.memory_space<vmem>>
      %dma_start3A_196 = tpu.memref_squeeze %dma_start3A_195 : memref<1x1x128xi32, #tpu.memory_space<vmem>> -> memref<128xi32, #tpu.memory_space<vmem>>
      %dma_start3A_197 = arith.constant 0 : i32
      %dma_start3A_198 = arith.constant 0 : i32
      %dma_start3A_199 = tpu.memref_slice %arg4[%dma_start3A_197, %dma_start3A_198] : memref<20000x128xf32, #tpu.memory_space<hbm>> -> memref<20000x128xf32, #tpu.memory_space<hbm>>
      tpu.enqueue_indirect_dma source(%dma_start3A_199 : memref<20000x128xf32, #tpu.memory_space<hbm>>) target(%arg8 : memref<128x128xf32, #tpu.memory_space<vmem>>) offsets(%dma_start3A_196 : memref<128xi32, #tpu.memory_space<vmem>>) semaphore(%arg12 : memref<!tpu.dma_semaphore, #tpu.memory_space<semaphore_mem>>)
      %dma_wait3A_200 = arith.constant 0 : i32
      %dma_wait3A_201 = arith.constant 0 : i32
      %dma_wait3A_202 = tpu.memref_slice %arg6[%rem3A_108, %dma_wait3A_200, %dma_wait3A_201] : memref<2x16x128xi32, #tpu.memory_space<vmem>> -> memref<1x1x128xi32, #tpu.memory_space<vmem>>
      %dma_wait3A_203 = tpu.memref_squeeze %dma_wait3A_202 : memref<1x1x128xi32, #tpu.memory_space<vmem>> -> memref<128xi32, #tpu.memory_space<vmem>>
      %dma_wait3A_204 = arith.constant 0 : i32
      %dma_wait3A_205 = arith.constant 0 : i32
      %dma_wait3A_206 = tpu.memref_slice %arg4[%dma_wait3A_204, %dma_wait3A_205] : memref<20000x128xf32, #tpu.memory_space<hbm>> -> memref<20000x128xf32, #tpu.memory_space<hbm>>
      tpu.wait_indirect_dma semaphore(%arg12 : memref<!tpu.dma_semaphore, #tpu.memory_space<semaphore_mem>>) src(%dma_wait3A_206 : memref<20000x128xf32, #tpu.memory_space<hbm>>) dst(%arg8 : memref<128x128xf32, #tpu.memory_space<vmem>>)
      %dma_start3A_207 = arith.constant 2 : i32
      %dma_start3A_208 = arith.constant 0 : i32
      %dma_start3A_209 = tpu.memref_slice %arg7[%rem3A_108, %dma_start3A_207, %dma_start3A_208] : memref<2x16x128xi32, #tpu.memory_space<vmem>> -> memref<1x1x128xi32, #tpu.memory_space<vmem>>
      %dma_start3A_210 = tpu.memref_squeeze %dma_start3A_209 : memref<1x1x128xi32, #tpu.memory_space<vmem>> -> memref<128xi32, #tpu.memory_space<vmem>>
      %dma_start3A_211 = arith.constant 0 : i32
      %dma_start3A_212 = arith.constant 0 : i32
      %dma_start3A_213 = tpu.memref_slice %arg10[%dma_start3A_211, %dma_start3A_212] : memref<10240x128xf32, #tpu.memory_space<vmem_shared>> -> memref<10240x128xf32, #tpu.memory_space<vmem_shared>>
      tpu.enqueue_indirect_dma source(%arg8 : memref<128x128xf32, #tpu.memory_space<vmem>>) target(%dma_start3A_213 : memref<10240x128xf32, #tpu.memory_space<vmem_shared>>) offsets(%dma_start3A_210 : memref<128xi32, #tpu.memory_space<vmem>>) semaphore(%arg14 : memref<!tpu.dma_semaphore, #tpu.memory_space<semaphore_mem>>) {add = true}
      %dma_wait3A_214 = arith.constant 0 : i32
      %dma_wait3A_215 = arith.constant 0 : i32
      %dma_wait3A_216 = tpu.memref_slice %arg7[%rem3A_108, %dma_wait3A_214, %dma_wait3A_215] : memref<2x16x128xi32, #tpu.memory_space<vmem>> -> memref<1x1x128xi32, #tpu.memory_space<vmem>>
      %dma_wait3A_217 = tpu.memref_squeeze %dma_wait3A_216 : memref<1x1x128xi32, #tpu.memory_space<vmem>> -> memref<128xi32, #tpu.memory_space<vmem>>
      %dma_wait3A_218 = arith.constant 0 : i32
      %dma_wait3A_219 = arith.constant 0 : i32
      %dma_wait3A_220 = tpu.memref_slice %arg10[%dma_wait3A_218, %dma_wait3A_219] : memref<10240x128xf32, #tpu.memory_space<vmem_shared>> -> memref<10240x128xf32, #tpu.memory_space<vmem_shared>>
      tpu.wait_indirect_dma semaphore(%arg15 : memref<!tpu.dma_semaphore, #tpu.memory_space<semaphore_mem>>) src(%arg9 : memref<128x128xf32, #tpu.memory_space<vmem>>) dst(%dma_wait3A_220 : memref<10240x128xf32, #tpu.memory_space<vmem_shared>>)
      %dma_start3A_221 = arith.constant 3 : i32
      %dma_start3A_222 = arith.constant 0 : i32
      %dma_start3A_223 = tpu.memref_slice %arg6[%rem3A_108, %dma_start3A_221, %dma_start3A_222] : memref<2x16x128xi32, #tpu.memory_space<vmem>> -> memref<1x1x128xi32, #tpu.memory_space<vmem>>
      %dma_start3A_224 = tpu.memref_squeeze %dma_start3A_223 : memref<1x1x128xi32, #tpu.memory_space<vmem>> -> memref<128xi32, #tpu.memory_space<vmem>>
      %dma_start3A_225 = arith.constant 0 : i32
      %dma_start3A_226 = arith.constant 0 : i32
      %dma_start3A_227 = tpu.memref_slice %arg4[%dma_start3A_225, %dma_start3A_226] : memref<20000x128xf32, #tpu.memory_space<hbm>> -> memref<20000x128xf32, #tpu.memory_space<hbm>>
      tpu.enqueue_indirect_dma source(%dma_start3A_227 : memref<20000x128xf32, #tpu.memory_space<hbm>>) target(%arg9 : memref<128x128xf32, #tpu.memory_space<vmem>>) offsets(%dma_start3A_224 : memref<128xi32, #tpu.memory_space<vmem>>) semaphore(%arg13 : memref<!tpu.dma_semaphore, #tpu.memory_space<semaphore_mem>>)
      %dma_wait3A_228 = arith.constant 0 : i32
      %dma_wait3A_229 = arith.constant 0 : i32
      %dma_wait3A_230 = tpu.memref_slice %arg6[%rem3A_108, %dma_wait3A_228, %dma_wait3A_229] : memref<2x16x128xi32, #tpu.memory_space<vmem>> -> memref<1x1x128xi32, #tpu.memory_space<vmem>>
      %dma_wait3A_231 = tpu.memref_squeeze %dma_wait3A_230 : memref<1x1x128xi32, #tpu.memory_space<vmem>> -> memref<128xi32, #tpu.memory_space<vmem>>
      %dma_wait3A_232 = arith.constant 0 : i32
      %dma_wait3A_233 = arith.constant 0 : i32
      %dma_wait3A_234 = tpu.memref_slice %arg4[%dma_wait3A_232, %dma_wait3A_233] : memref<20000x128xf32, #tpu.memory_space<hbm>> -> memref<20000x128xf32, #tpu.memory_space<hbm>>
      tpu.wait_indirect_dma semaphore(%arg13 : memref<!tpu.dma_semaphore, #tpu.memory_space<semaphore_mem>>) src(%dma_wait3A_234 : memref<20000x128xf32, #tpu.memory_space<hbm>>) dst(%arg9 : memref<128x128xf32, #tpu.memory_space<vmem>>)
      %dma_start3A_235 = arith.constant 3 : i32
      %dma_start3A_236 = arith.constant 0 : i32
      %dma_start3A_237 = tpu.memref_slice %arg7[%rem3A_108, %dma_start3A_235, %dma_start3A_236] : memref<2x16x128xi32, #tpu.memory_space<vmem>> -> memref<1x1x128xi32, #tpu.memory_space<vmem>>
      %dma_start3A_238 = tpu.memref_squeeze %dma_start3A_237 : memref<1x1x128xi32, #tpu.memory_space<vmem>> -> memref<128xi32, #tpu.memory_space<vmem>>
      %dma_start3A_239 = arith.constant 0 : i32
      %dma_start3A_240 = arith.constant 0 : i32
      %dma_start3A_241 = tpu.memref_slice %arg10[%dma_start3A_239, %dma_start3A_240] : memref<10240x128xf32, #tpu.memory_space<vmem_shared>> -> memref<10240x128xf32, #tpu.memory_space<vmem_shared>>
      tpu.enqueue_indirect_dma source(%arg9 : memref<128x128xf32, #tpu.memory_space<vmem>>) target(%dma_start3A_241 : memref<10240x128xf32, #tpu.memory_space<vmem_shared>>) offsets(%dma_start3A_238 : memref<128xi32, #tpu.memory_space<vmem>>) semaphore(%arg15 : memref<!tpu.dma_semaphore, #tpu.memory_space<semaphore_mem>>) {add = true}
      %dma_wait3A_242 = arith.constant 0 : i32
      %dma_wait3A_243 = arith.constant 0 : i32
      %dma_wait3A_244 = tpu.memref_slice %arg7[%rem3A_108, %dma_wait3A_242, %dma_wait3A_243] : memref<2x16x128xi32, #tpu.memory_space<vmem>> -> memref<1x1x128xi32, #tpu.memory_space<vmem>>
      %dma_wait3A_245 = tpu.memref_squeeze %dma_wait3A_244 : memref<1x1x128xi32, #tpu.memory_space<vmem>> -> memref<128xi32, #tpu.memory_space<vmem>>
      %dma_wait3A_246 = arith.constant 0 : i32
      %dma_wait3A_247 = arith.constant 0 : i32
      %dma_wait3A_248 = tpu.memref_slice %arg10[%dma_wait3A_246, %dma_wait3A_247] : memref<10240x128xf32, #tpu.memory_space<vmem_shared>> -> memref<10240x128xf32, #tpu.memory_space<vmem_shared>>
      tpu.wait_indirect_dma semaphore(%arg14 : memref<!tpu.dma_semaphore, #tpu.memory_space<semaphore_mem>>) src(%arg8 : memref<128x128xf32, #tpu.memory_space<vmem>>) dst(%dma_wait3A_248 : memref<10240x128xf32, #tpu.memory_space<vmem_shared>>)
      %dma_start3A_249 = arith.constant 4 : i32
      %dma_start3A_250 = arith.constant 0 : i32
      %dma_start3A_251 = tpu.memref_slice %arg6[%rem3A_108, %dma_start3A_249, %dma_start3A_250] : memref<2x16x128xi32, #tpu.memory_space<vmem>> -> memref<1x1x128xi32, #tpu.memory_space<vmem>>
      %dma_start3A_252 = tpu.memref_squeeze %dma_start3A_251 : memref<1x1x128xi32, #tpu.memory_space<vmem>> -> memref<128xi32, #tpu.memory_space<vmem>>
      %dma_start3A_253 = arith.constant 0 : i32
      %dma_start3A_254 = arith.constant 0 : i32
      %dma_start3A_255 = tpu.memref_slice %arg4[%dma_start3A_253, %dma_start3A_254] : memref<20000x128xf32, #tpu.memory_space<hbm>> -> memref<20000x128xf32, #tpu.memory_space<hbm>>
      tpu.enqueue_indirect_dma source(%dma_start3A_255 : memref<20000x128xf32, #tpu.memory_space<hbm>>) target(%arg8 : memref<128x128xf32, #tpu.memory_space<vmem>>) offsets(%dma_start3A_252 : memref<128xi32, #tpu.memory_space<vmem>>) semaphore(%arg12 : memref<!tpu.dma_semaphore, #tpu.memory_space<semaphore_mem>>)
      %dma_wait3A_256 = arith.constant 0 : i32
      %dma_wait3A_257 = arith.constant 0 : i32
      %dma_wait3A_258 = tpu.memref_slice %arg6[%rem3A_108, %dma_wait3A_256, %dma_wait3A_257] : memref<2x16x128xi32, #tpu.memory_space<vmem>> -> memref<1x1x128xi32, #tpu.memory_space<vmem>>
      %dma_wait3A_259 = tpu.memref_squeeze %dma_wait3A_258 : memref<1x1x128xi32, #tpu.memory_space<vmem>> -> memref<128xi32, #tpu.memory_space<vmem>>
      %dma_wait3A_260 = arith.constant 0 : i32
      %dma_wait3A_261 = arith.constant 0 : i32
      %dma_wait3A_262 = tpu.memref_slice %arg4[%dma_wait3A_260, %dma_wait3A_261] : memref<20000x128xf32, #tpu.memory_space<hbm>> -> memref<20000x128xf32, #tpu.memory_space<hbm>>
      tpu.wait_indirect_dma semaphore(%arg12 : memref<!tpu.dma_semaphore, #tpu.memory_space<semaphore_mem>>) src(%dma_wait3A_262 : memref<20000x128xf32, #tpu.memory_space<hbm>>) dst(%arg8 : memref<128x128xf32, #tpu.memory_space<vmem>>)
      %dma_start3A_263 = arith.constant 4 : i32
      %dma_start3A_264 = arith.constant 0 : i32
      %dma_start3A_265 = tpu.memref_slice %arg7[%rem3A_108, %dma_start3A_263, %dma_start3A_264] : memref<2x16x128xi32, #tpu.memory_space<vmem>> -> memref<1x1x128xi32, #tpu.memory_space<vmem>>
      %dma_start3A_266 = tpu.memref_squeeze %dma_start3A_265 : memref<1x1x128xi32, #tpu.memory_space<vmem>> -> memref<128xi32, #tpu.memory_space<vmem>>
      %dma_start3A_267 = arith.constant 0 : i32
      %dma_start3A_268 = arith.constant 0 : i32
      %dma_start3A_269 = tpu.memref_slice %arg10[%dma_start3A_267, %dma_start3A_268] : memref<10240x128xf32, #tpu.memory_space<vmem_shared>> -> memref<10240x128xf32, #tpu.memory_space<vmem_shared>>
      tpu.enqueue_indirect_dma source(%arg8 : memref<128x128xf32, #tpu.memory_space<vmem>>) target(%dma_start3A_269 : memref<10240x128xf32, #tpu.memory_space<vmem_shared>>) offsets(%dma_start3A_266 : memref<128xi32, #tpu.memory_space<vmem>>) semaphore(%arg14 : memref<!tpu.dma_semaphore, #tpu.memory_space<semaphore_mem>>) {add = true}
      %dma_wait3A_270 = arith.constant 0 : i32
      %dma_wait3A_271 = arith.constant 0 : i32
      %dma_wait3A_272 = tpu.memref_slice %arg7[%rem3A_108, %dma_wait3A_270, %dma_wait3A_271] : memref<2x16x128xi32, #tpu.memory_space<vmem>> -> memref<1x1x128xi32, #tpu.memory_space<vmem>>
      %dma_wait3A_273 = tpu.memref_squeeze %dma_wait3A_272 : memref<1x1x128xi32, #tpu.memory_space<vmem>> -> memref<128xi32, #tpu.memory_space<vmem>>
      %dma_wait3A_274 = arith.constant 0 : i32
      %dma_wait3A_275 = arith.constant 0 : i32
      %dma_wait3A_276 = tpu.memref_slice %arg10[%dma_wait3A_274, %dma_wait3A_275] : memref<10240x128xf32, #tpu.memory_space<vmem_shared>> -> memref<10240x128xf32, #tpu.memory_space<vmem_shared>>
      tpu.wait_indirect_dma semaphore(%arg15 : memref<!tpu.dma_semaphore, #tpu.memory_space<semaphore_mem>>) src(%arg9 : memref<128x128xf32, #tpu.memory_space<vmem>>) dst(%dma_wait3A_276 : memref<10240x128xf32, #tpu.memory_space<vmem_shared>>)
      %dma_start3A_277 = arith.constant 5 : i32
      %dma_start3A_278 = arith.constant 0 : i32
      %dma_start3A_279 = tpu.memref_slice %arg6[%rem3A_108, %dma_start3A_277, %dma_start3A_278] : memref<2x16x128xi32, #tpu.memory_space<vmem>> -> memref<1x1x128xi32, #tpu.memory_space<vmem>>
      %dma_start3A_280 = tpu.memref_squeeze %dma_start3A_279 : memref<1x1x128xi32, #tpu.memory_space<vmem>> -> memref<128xi32, #tpu.memory_space<vmem>>
      %dma_start3A_281 = arith.constant 0 : i32
      %dma_start3A_282 = arith.constant 0 : i32
      %dma_start3A_283 = tpu.memref_slice %arg4[%dma_start3A_281, %dma_start3A_282] : memref<20000x128xf32, #tpu.memory_space<hbm>> -> memref<20000x128xf32, #tpu.memory_space<hbm>>
      tpu.enqueue_indirect_dma source(%dma_start3A_283 : memref<20000x128xf32, #tpu.memory_space<hbm>>) target(%arg9 : memref<128x128xf32, #tpu.memory_space<vmem>>) offsets(%dma_start3A_280 : memref<128xi32, #tpu.memory_space<vmem>>) semaphore(%arg13 : memref<!tpu.dma_semaphore, #tpu.memory_space<semaphore_mem>>)
      %dma_wait3A_284 = arith.constant 0 : i32
      %dma_wait3A_285 = arith.constant 0 : i32
      %dma_wait3A_286 = tpu.memref_slice %arg6[%rem3A_108, %dma_wait3A_284, %dma_wait3A_285] : memref<2x16x128xi32, #tpu.memory_space<vmem>> -> memref<1x1x128xi32, #tpu.memory_space<vmem>>
      %dma_wait3A_287 = tpu.memref_squeeze %dma_wait3A_286 : memref<1x1x128xi32, #tpu.memory_space<vmem>> -> memref<128xi32, #tpu.memory_space<vmem>>
      %dma_wait3A_288 = arith.constant 0 : i32
      %dma_wait3A_289 = arith.constant 0 : i32
      %dma_wait3A_290 = tpu.memref_slice %arg4[%dma_wait3A_288, %dma_wait3A_289] : memref<20000x128xf32, #tpu.memory_space<hbm>> -> memref<20000x128xf32, #tpu.memory_space<hbm>>
      tpu.wait_indirect_dma semaphore(%arg13 : memref<!tpu.dma_semaphore, #tpu.memory_space<semaphore_mem>>) src(%dma_wait3A_290 : memref<20000x128xf32, #tpu.memory_space<hbm>>) dst(%arg9 : memref<128x128xf32, #tpu.memory_space<vmem>>)
      %dma_start3A_291 = arith.constant 5 : i32
      %dma_start3A_292 = arith.constant 0 : i32
      %dma_start3A_293 = tpu.memref_slice %arg7[%rem3A_108, %dma_start3A_291, %dma_start3A_292] : memref<2x16x128xi32, #tpu.memory_space<vmem>> -> memref<1x1x128xi32, #tpu.memory_space<vmem>>
      %dma_start3A_294 = tpu.memref_squeeze %dma_start3A_293 : memref<1x1x128xi32, #tpu.memory_space<vmem>> -> memref<128xi32, #tpu.memory_space<vmem>>
      %dma_start3A_295 = arith.constant 0 : i32
      %dma_start3A_296 = arith.constant 0 : i32
      %dma_start3A_297 = tpu.memref_slice %arg10[%dma_start3A_295, %dma_start3A_296] : memref<10240x128xf32, #tpu.memory_space<vmem_shared>> -> memref<10240x128xf32, #tpu.memory_space<vmem_shared>>
      tpu.enqueue_indirect_dma source(%arg9 : memref<128x128xf32, #tpu.memory_space<vmem>>) target(%dma_start3A_297 : memref<10240x128xf32, #tpu.memory_space<vmem_shared>>) offsets(%dma_start3A_294 : memref<128xi32, #tpu.memory_space<vmem>>) semaphore(%arg15 : memref<!tpu.dma_semaphore, #tpu.memory_space<semaphore_mem>>) {add = true}
      %dma_wait3A_298 = arith.constant 0 : i32
      %dma_wait3A_299 = arith.constant 0 : i32
      %dma_wait3A_300 = tpu.memref_slice %arg7[%rem3A_108, %dma_wait3A_298, %dma_wait3A_299] : memref<2x16x128xi32, #tpu.memory_space<vmem>> -> memref<1x1x128xi32, #tpu.memory_space<vmem>>
      %dma_wait3A_301 = tpu.memref_squeeze %dma_wait3A_300 : memref<1x1x128xi32, #tpu.memory_space<vmem>> -> memref<128xi32, #tpu.memory_space<vmem>>
      %dma_wait3A_302 = arith.constant 0 : i32
      %dma_wait3A_303 = arith.constant 0 : i32
      %dma_wait3A_304 = tpu.memref_slice %arg10[%dma_wait3A_302, %dma_wait3A_303] : memref<10240x128xf32, #tpu.memory_space<vmem_shared>> -> memref<10240x128xf32, #tpu.memory_space<vmem_shared>>
      tpu.wait_indirect_dma semaphore(%arg14 : memref<!tpu.dma_semaphore, #tpu.memory_space<semaphore_mem>>) src(%arg8 : memref<128x128xf32, #tpu.memory_space<vmem>>) dst(%dma_wait3A_304 : memref<10240x128xf32, #tpu.memory_space<vmem_shared>>)
      %dma_start3A_305 = arith.constant 6 : i32
      %dma_start3A_306 = arith.constant 0 : i32
      %dma_start3A_307 = tpu.memref_slice %arg6[%rem3A_108, %dma_start3A_305, %dma_start3A_306] : memref<2x16x128xi32, #tpu.memory_space<vmem>> -> memref<1x1x128xi32, #tpu.memory_space<vmem>>
      %dma_start3A_308 = tpu.memref_squeeze %dma_start3A_307 : memref<1x1x128xi32, #tpu.memory_space<vmem>> -> memref<128xi32, #tpu.memory_space<vmem>>
      %dma_start3A_309 = arith.constant 0 : i32
      %dma_start3A_310 = arith.constant 0 : i32
      %dma_start3A_311 = tpu.memref_slice %arg4[%dma_start3A_309, %dma_start3A_310] : memref<20000x128xf32, #tpu.memory_space<hbm>> -> memref<20000x128xf32, #tpu.memory_space<hbm>>
      tpu.enqueue_indirect_dma source(%dma_start3A_311 : memref<20000x128xf32, #tpu.memory_space<hbm>>) target(%arg8 : memref<128x128xf32, #tpu.memory_space<vmem>>) offsets(%dma_start3A_308 : memref<128xi32, #tpu.memory_space<vmem>>) semaphore(%arg12 : memref<!tpu.dma_semaphore, #tpu.memory_space<semaphore_mem>>)
      %dma_wait3A_312 = arith.constant 0 : i32
      %dma_wait3A_313 = arith.constant 0 : i32
      %dma_wait3A_314 = tpu.memref_slice %arg6[%rem3A_108, %dma_wait3A_312, %dma_wait3A_313] : memref<2x16x128xi32, #tpu.memory_space<vmem>> -> memref<1x1x128xi32, #tpu.memory_space<vmem>>
      %dma_wait3A_315 = tpu.memref_squeeze %dma_wait3A_314 : memref<1x1x128xi32, #tpu.memory_space<vmem>> -> memref<128xi32, #tpu.memory_space<vmem>>
      %dma_wait3A_316 = arith.constant 0 : i32
      %dma_wait3A_317 = arith.constant 0 : i32
      %dma_wait3A_318 = tpu.memref_slice %arg4[%dma_wait3A_316, %dma_wait3A_317] : memref<20000x128xf32, #tpu.memory_space<hbm>> -> memref<20000x128xf32, #tpu.memory_space<hbm>>
      tpu.wait_indirect_dma semaphore(%arg12 : memref<!tpu.dma_semaphore, #tpu.memory_space<semaphore_mem>>) src(%dma_wait3A_318 : memref<20000x128xf32, #tpu.memory_space<hbm>>) dst(%arg8 : memref<128x128xf32, #tpu.memory_space<vmem>>)
      %dma_start3A_319 = arith.constant 6 : i32
      %dma_start3A_320 = arith.constant 0 : i32
      %dma_start3A_321 = tpu.memref_slice %arg7[%rem3A_108, %dma_start3A_319, %dma_start3A_320] : memref<2x16x128xi32, #tpu.memory_space<vmem>> -> memref<1x1x128xi32, #tpu.memory_space<vmem>>
      %dma_start3A_322 = tpu.memref_squeeze %dma_start3A_321 : memref<1x1x128xi32, #tpu.memory_space<vmem>> -> memref<128xi32, #tpu.memory_space<vmem>>
      %dma_start3A_323 = arith.constant 0 : i32
      %dma_start3A_324 = arith.constant 0 : i32
      %dma_start3A_325 = tpu.memref_slice %arg10[%dma_start3A_323, %dma_start3A_324] : memref<10240x128xf32, #tpu.memory_space<vmem_shared>> -> memref<10240x128xf32, #tpu.memory_space<vmem_shared>>
      tpu.enqueue_indirect_dma source(%arg8 : memref<128x128xf32, #tpu.memory_space<vmem>>) target(%dma_start3A_325 : memref<10240x128xf32, #tpu.memory_space<vmem_shared>>) offsets(%dma_start3A_322 : memref<128xi32, #tpu.memory_space<vmem>>) semaphore(%arg14 : memref<!tpu.dma_semaphore, #tpu.memory_space<semaphore_mem>>) {add = true}
      %dma_wait3A_326 = arith.constant 0 : i32
      %dma_wait3A_327 = arith.constant 0 : i32
      %dma_wait3A_328 = tpu.memref_slice %arg7[%rem3A_108, %dma_wait3A_326, %dma_wait3A_327] : memref<2x16x128xi32, #tpu.memory_space<vmem>> -> memref<1x1x128xi32, #tpu.memory_space<vmem>>
      %dma_wait3A_329 = tpu.memref_squeeze %dma_wait3A_328 : memref<1x1x128xi32, #tpu.memory_space<vmem>> -> memref<128xi32, #tpu.memory_space<vmem>>
      %dma_wait3A_330 = arith.constant 0 : i32
      %dma_wait3A_331 = arith.constant 0 : i32
      %dma_wait3A_332 = tpu.memref_slice %arg10[%dma_wait3A_330, %dma_wait3A_331] : memref<10240x128xf32, #tpu.memory_space<vmem_shared>> -> memref<10240x128xf32, #tpu.memory_space<vmem_shared>>
      tpu.wait_indirect_dma semaphore(%arg15 : memref<!tpu.dma_semaphore, #tpu.memory_space<semaphore_mem>>) src(%arg9 : memref<128x128xf32, #tpu.memory_space<vmem>>) dst(%dma_wait3A_332 : memref<10240x128xf32, #tpu.memory_space<vmem_shared>>)
      %dma_start3A_333 = arith.constant 7 : i32
      %dma_start3A_334 = arith.constant 0 : i32
      %dma_start3A_335 = tpu.memref_slice %arg6[%rem3A_108, %dma_start3A_333, %dma_start3A_334] : memref<2x16x128xi32, #tpu.memory_space<vmem>> -> memref<1x1x128xi32, #tpu.memory_space<vmem>>
      %dma_start3A_336 = tpu.memref_squeeze %dma_start3A_335 : memref<1x1x128xi32, #tpu.memory_space<vmem>> -> memref<128xi32, #tpu.memory_space<vmem>>
      %dma_start3A_337 = arith.constant 0 : i32
      %dma_start3A_338 = arith.constant 0 : i32
      %dma_start3A_339 = tpu.memref_slice %arg4[%dma_start3A_337, %dma_start3A_338] : memref<20000x128xf32, #tpu.memory_space<hbm>> -> memref<20000x128xf32, #tpu.memory_space<hbm>>
      tpu.enqueue_indirect_dma source(%dma_start3A_339 : memref<20000x128xf32, #tpu.memory_space<hbm>>) target(%arg9 : memref<128x128xf32, #tpu.memory_space<vmem>>) offsets(%dma_start3A_336 : memref<128xi32, #tpu.memory_space<vmem>>) semaphore(%arg13 : memref<!tpu.dma_semaphore, #tpu.memory_space<semaphore_mem>>)
      %dma_wait3A_340 = arith.constant 0 : i32
      %dma_wait3A_341 = arith.constant 0 : i32
      %dma_wait3A_342 = tpu.memref_slice %arg6[%rem3A_108, %dma_wait3A_340, %dma_wait3A_341] : memref<2x16x128xi32, #tpu.memory_space<vmem>> -> memref<1x1x128xi32, #tpu.memory_space<vmem>>
      %dma_wait3A_343 = tpu.memref_squeeze %dma_wait3A_342 : memref<1x1x128xi32, #tpu.memory_space<vmem>> -> memref<128xi32, #tpu.memory_space<vmem>>
      %dma_wait3A_344 = arith.constant 0 : i32
      %dma_wait3A_345 = arith.constant 0 : i32
      %dma_wait3A_346 = tpu.memref_slice %arg4[%dma_wait3A_344, %dma_wait3A_345] : memref<20000x128xf32, #tpu.memory_space<hbm>> -> memref<20000x128xf32, #tpu.memory_space<hbm>>
      tpu.wait_indirect_dma semaphore(%arg13 : memref<!tpu.dma_semaphore, #tpu.memory_space<semaphore_mem>>) src(%dma_wait3A_346 : memref<20000x128xf32, #tpu.memory_space<hbm>>) dst(%arg9 : memref<128x128xf32, #tpu.memory_space<vmem>>)
      %dma_start3A_347 = arith.constant 7 : i32
      %dma_start3A_348 = arith.constant 0 : i32
      %dma_start3A_349 = tpu.memref_slice %arg7[%rem3A_108, %dma_start3A_347, %dma_start3A_348] : memref<2x16x128xi32, #tpu.memory_space<vmem>> -> memref<1x1x128xi32, #tpu.memory_space<vmem>>
      %dma_start3A_350 = tpu.memref_squeeze %dma_start3A_349 : memref<1x1x128xi32, #tpu.memory_space<vmem>> -> memref<128xi32, #tpu.memory_space<vmem>>
      %dma_start3A_351 = arith.constant 0 : i32
      %dma_start3A_352 = arith.constant 0 : i32
      %dma_start3A_353 = tpu.memref_slice %arg10[%dma_start3A_351, %dma_start3A_352] : memref<10240x128xf32, #tpu.memory_space<vmem_shared>> -> memref<10240x128xf32, #tpu.memory_space<vmem_shared>>
      tpu.enqueue_indirect_dma source(%arg9 : memref<128x128xf32, #tpu.memory_space<vmem>>) target(%dma_start3A_353 : memref<10240x128xf32, #tpu.memory_space<vmem_shared>>) offsets(%dma_start3A_350 : memref<128xi32, #tpu.memory_space<vmem>>) semaphore(%arg15 : memref<!tpu.dma_semaphore, #tpu.memory_space<semaphore_mem>>) {add = true}
      %dma_wait3A_354 = arith.constant 0 : i32
      %dma_wait3A_355 = arith.constant 0 : i32
      %dma_wait3A_356 = tpu.memref_slice %arg7[%rem3A_108, %dma_wait3A_354, %dma_wait3A_355] : memref<2x16x128xi32, #tpu.memory_space<vmem>> -> memref<1x1x128xi32, #tpu.memory_space<vmem>>
      %dma_wait3A_357 = tpu.memref_squeeze %dma_wait3A_356 : memref<1x1x128xi32, #tpu.memory_space<vmem>> -> memref<128xi32, #tpu.memory_space<vmem>>
      %dma_wait3A_358 = arith.constant 0 : i32
      %dma_wait3A_359 = arith.constant 0 : i32
      %dma_wait3A_360 = tpu.memref_slice %arg10[%dma_wait3A_358, %dma_wait3A_359] : memref<10240x128xf32, #tpu.memory_space<vmem_shared>> -> memref<10240x128xf32, #tpu.memory_space<vmem_shared>>
      tpu.wait_indirect_dma semaphore(%arg14 : memref<!tpu.dma_semaphore, #tpu.memory_space<semaphore_mem>>) src(%arg8 : memref<128x128xf32, #tpu.memory_space<vmem>>) dst(%dma_wait3A_360 : memref<10240x128xf32, #tpu.memory_space<vmem_shared>>)
      %dma_start3A_361 = arith.constant 8 : i32
      %dma_start3A_362 = arith.constant 0 : i32
      %dma_start3A_363 = tpu.memref_slice %arg6[%rem3A_108, %dma_start3A_361, %dma_start3A_362] : memref<2x16x128xi32, #tpu.memory_space<vmem>> -> memref<1x1x128xi32, #tpu.memory_space<vmem>>
      %dma_start3A_364 = tpu.memref_squeeze %dma_start3A_363 : memref<1x1x128xi32, #tpu.memory_space<vmem>> -> memref<128xi32, #tpu.memory_space<vmem>>
      %dma_start3A_365 = arith.constant 0 : i32
      %dma_start3A_366 = arith.constant 0 : i32
      %dma_start3A_367 = tpu.memref_slice %arg4[%dma_start3A_365, %dma_start3A_366] : memref<20000x128xf32, #tpu.memory_space<hbm>> -> memref<20000x128xf32, #tpu.memory_space<hbm>>
      tpu.enqueue_indirect_dma source(%dma_start3A_367 : memref<20000x128xf32, #tpu.memory_space<hbm>>) target(%arg8 : memref<128x128xf32, #tpu.memory_space<vmem>>) offsets(%dma_start3A_364 : memref<128xi32, #tpu.memory_space<vmem>>) semaphore(%arg12 : memref<!tpu.dma_semaphore, #tpu.memory_space<semaphore_mem>>)
      %dma_wait3A_368 = arith.constant 0 : i32
      %dma_wait3A_369 = arith.constant 0 : i32
      %dma_wait3A_370 = tpu.memref_slice %arg6[%rem3A_108, %dma_wait3A_368, %dma_wait3A_369] : memref<2x16x128xi32, #tpu.memory_space<vmem>> -> memref<1x1x128xi32, #tpu.memory_space<vmem>>
      %dma_wait3A_371 = tpu.memref_squeeze %dma_wait3A_370 : memref<1x1x128xi32, #tpu.memory_space<vmem>> -> memref<128xi32, #tpu.memory_space<vmem>>
      %dma_wait3A_372 = arith.constant 0 : i32
      %dma_wait3A_373 = arith.constant 0 : i32
      %dma_wait3A_374 = tpu.memref_slice %arg4[%dma_wait3A_372, %dma_wait3A_373] : memref<20000x128xf32, #tpu.memory_space<hbm>> -> memref<20000x128xf32, #tpu.memory_space<hbm>>
      tpu.wait_indirect_dma semaphore(%arg12 : memref<!tpu.dma_semaphore, #tpu.memory_space<semaphore_mem>>) src(%dma_wait3A_374 : memref<20000x128xf32, #tpu.memory_space<hbm>>) dst(%arg8 : memref<128x128xf32, #tpu.memory_space<vmem>>)
      %dma_start3A_375 = arith.constant 8 : i32
      %dma_start3A_376 = arith.constant 0 : i32
      %dma_start3A_377 = tpu.memref_slice %arg7[%rem3A_108, %dma_start3A_375, %dma_start3A_376] : memref<2x16x128xi32, #tpu.memory_space<vmem>> -> memref<1x1x128xi32, #tpu.memory_space<vmem>>
      %dma_start3A_378 = tpu.memref_squeeze %dma_start3A_377 : memref<1x1x128xi32, #tpu.memory_space<vmem>> -> memref<128xi32, #tpu.memory_space<vmem>>
      %dma_start3A_379 = arith.constant 0 : i32
      %dma_start3A_380 = arith.constant 0 : i32
      %dma_start3A_381 = tpu.memref_slice %arg10[%dma_start3A_379, %dma_start3A_380] : memref<10240x128xf32, #tpu.memory_space<vmem_shared>> -> memref<10240x128xf32, #tpu.memory_space<vmem_shared>>
      tpu.enqueue_indirect_dma source(%arg8 : memref<128x128xf32, #tpu.memory_space<vmem>>) target(%dma_start3A_381 : memref<10240x128xf32, #tpu.memory_space<vmem_shared>>) offsets(%dma_start3A_378 : memref<128xi32, #tpu.memory_space<vmem>>) semaphore(%arg14 : memref<!tpu.dma_semaphore, #tpu.memory_space<semaphore_mem>>) {add = true}
      %dma_wait3A_382 = arith.constant 0 : i32
      %dma_wait3A_383 = arith.constant 0 : i32
      %dma_wait3A_384 = tpu.memref_slice %arg7[%rem3A_108, %dma_wait3A_382, %dma_wait3A_383] : memref<2x16x128xi32, #tpu.memory_space<vmem>> -> memref<1x1x128xi32, #tpu.memory_space<vmem>>
      %dma_wait3A_385 = tpu.memref_squeeze %dma_wait3A_384 : memref<1x1x128xi32, #tpu.memory_space<vmem>> -> memref<128xi32, #tpu.memory_space<vmem>>
      %dma_wait3A_386 = arith.constant 0 : i32
      %dma_wait3A_387 = arith.constant 0 : i32
      %dma_wait3A_388 = tpu.memref_slice %arg10[%dma_wait3A_386, %dma_wait3A_387] : memref<10240x128xf32, #tpu.memory_space<vmem_shared>> -> memref<10240x128xf32, #tpu.memory_space<vmem_shared>>
      tpu.wait_indirect_dma semaphore(%arg15 : memref<!tpu.dma_semaphore, #tpu.memory_space<semaphore_mem>>) src(%arg9 : memref<128x128xf32, #tpu.memory_space<vmem>>) dst(%dma_wait3A_388 : memref<10240x128xf32, #tpu.memory_space<vmem_shared>>)
      %dma_start3A_389 = arith.constant 9 : i32
      %dma_start3A_390 = arith.constant 0 : i32
      %dma_start3A_391 = tpu.memref_slice %arg6[%rem3A_108, %dma_start3A_389, %dma_start3A_390] : memref<2x16x128xi32, #tpu.memory_space<vmem>> -> memref<1x1x128xi32, #tpu.memory_space<vmem>>
      %dma_start3A_392 = tpu.memref_squeeze %dma_start3A_391 : memref<1x1x128xi32, #tpu.memory_space<vmem>> -> memref<128xi32, #tpu.memory_space<vmem>>
      %dma_start3A_393 = arith.constant 0 : i32
      %dma_start3A_394 = arith.constant 0 : i32
      %dma_start3A_395 = tpu.memref_slice %arg4[%dma_start3A_393, %dma_start3A_394] : memref<20000x128xf32, #tpu.memory_space<hbm>> -> memref<20000x128xf32, #tpu.memory_space<hbm>>
      tpu.enqueue_indirect_dma source(%dma_start3A_395 : memref<20000x128xf32, #tpu.memory_space<hbm>>) target(%arg9 : memref<128x128xf32, #tpu.memory_space<vmem>>) offsets(%dma_start3A_392 : memref<128xi32, #tpu.memory_space<vmem>>) semaphore(%arg13 : memref<!tpu.dma_semaphore, #tpu.memory_space<semaphore_mem>>)
      %dma_wait3A_396 = arith.constant 0 : i32
      %dma_wait3A_397 = arith.constant 0 : i32
      %dma_wait3A_398 = tpu.memref_slice %arg6[%rem3A_108, %dma_wait3A_396, %dma_wait3A_397] : memref<2x16x128xi32, #tpu.memory_space<vmem>> -> memref<1x1x128xi32, #tpu.memory_space<vmem>>
      %dma_wait3A_399 = tpu.memref_squeeze %dma_wait3A_398 : memref<1x1x128xi32, #tpu.memory_space<vmem>> -> memref<128xi32, #tpu.memory_space<vmem>>
      %dma_wait3A_400 = arith.constant 0 : i32
      %dma_wait3A_401 = arith.constant 0 : i32
      %dma_wait3A_402 = tpu.memref_slice %arg4[%dma_wait3A_400, %dma_wait3A_401] : memref<20000x128xf32, #tpu.memory_space<hbm>> -> memref<20000x128xf32, #tpu.memory_space<hbm>>
      tpu.wait_indirect_dma semaphore(%arg13 : memref<!tpu.dma_semaphore, #tpu.memory_space<semaphore_mem>>) src(%dma_wait3A_402 : memref<20000x128xf32, #tpu.memory_space<hbm>>) dst(%arg9 : memref<128x128xf32, #tpu.memory_space<vmem>>)
      %dma_start3A_403 = arith.constant 9 : i32
      %dma_start3A_404 = arith.constant 0 : i32
      %dma_start3A_405 = tpu.memref_slice %arg7[%rem3A_108, %dma_start3A_403, %dma_start3A_404] : memref<2x16x128xi32, #tpu.memory_space<vmem>> -> memref<1x1x128xi32, #tpu.memory_space<vmem>>
      %dma_start3A_406 = tpu.memref_squeeze %dma_start3A_405 : memref<1x1x128xi32, #tpu.memory_space<vmem>> -> memref<128xi32, #tpu.memory_space<vmem>>
      %dma_start3A_407 = arith.constant 0 : i32
      %dma_start3A_408 = arith.constant 0 : i32
      %dma_start3A_409 = tpu.memref_slice %arg10[%dma_start3A_407, %dma_start3A_408] : memref<10240x128xf32, #tpu.memory_space<vmem_shared>> -> memref<10240x128xf32, #tpu.memory_space<vmem_shared>>
      tpu.enqueue_indirect_dma source(%arg9 : memref<128x128xf32, #tpu.memory_space<vmem>>) target(%dma_start3A_409 : memref<10240x128xf32, #tpu.memory_space<vmem_shared>>) offsets(%dma_start3A_406 : memref<128xi32, #tpu.memory_space<vmem>>) semaphore(%arg15 : memref<!tpu.dma_semaphore, #tpu.memory_space<semaphore_mem>>) {add = true}
      %dma_wait3A_410 = arith.constant 0 : i32
      %dma_wait3A_411 = arith.constant 0 : i32
      %dma_wait3A_412 = tpu.memref_slice %arg7[%rem3A_108, %dma_wait3A_410, %dma_wait3A_411] : memref<2x16x128xi32, #tpu.memory_space<vmem>> -> memref<1x1x128xi32, #tpu.memory_space<vmem>>
      %dma_wait3A_413 = tpu.memref_squeeze %dma_wait3A_412 : memref<1x1x128xi32, #tpu.memory_space<vmem>> -> memref<128xi32, #tpu.memory_space<vmem>>
      %dma_wait3A_414 = arith.constant 0 : i32
      %dma_wait3A_415 = arith.constant 0 : i32
      %dma_wait3A_416 = tpu.memref_slice %arg10[%dma_wait3A_414, %dma_wait3A_415] : memref<10240x128xf32, #tpu.memory_space<vmem_shared>> -> memref<10240x128xf32, #tpu.memory_space<vmem_shared>>
      tpu.wait_indirect_dma semaphore(%arg14 : memref<!tpu.dma_semaphore, #tpu.memory_space<semaphore_mem>>) src(%arg8 : memref<128x128xf32, #tpu.memory_space<vmem>>) dst(%dma_wait3A_416 : memref<10240x128xf32, #tpu.memory_space<vmem_shared>>)
      %dma_start3A_417 = arith.constant 10 : i32
      %dma_start3A_418 = arith.constant 0 : i32
      %dma_start3A_419 = tpu.memref_slice %arg6[%rem3A_108, %dma_start3A_417, %dma_start3A_418] : memref<2x16x128xi32, #tpu.memory_space<vmem>> -> memref<1x1x128xi32, #tpu.memory_space<vmem>>
      %dma_start3A_420 = tpu.memref_squeeze %dma_start3A_419 : memref<1x1x128xi32, #tpu.memory_space<vmem>> -> memref<128xi32, #tpu.memory_space<vmem>>
      %dma_start3A_421 = arith.constant 0 : i32
      %dma_start3A_422 = arith.constant 0 : i32
      %dma_start3A_423 = tpu.memref_slice %arg4[%dma_start3A_421, %dma_start3A_422] : memref<20000x128xf32, #tpu.memory_space<hbm>> -> memref<20000x128xf32, #tpu.memory_space<hbm>>
      tpu.enqueue_indirect_dma source(%dma_start3A_423 : memref<20000x128xf32, #tpu.memory_space<hbm>>) target(%arg8 : memref<128x128xf32, #tpu.memory_space<vmem>>) offsets(%dma_start3A_420 : memref<128xi32, #tpu.memory_space<vmem>>) semaphore(%arg12 : memref<!tpu.dma_semaphore, #tpu.memory_space<semaphore_mem>>)
      %dma_wait3A_424 = arith.constant 0 : i32
      %dma_wait3A_425 = arith.constant 0 : i32
      %dma_wait3A_426 = tpu.memref_slice %arg6[%rem3A_108, %dma_wait3A_424, %dma_wait3A_425] : memref<2x16x128xi32, #tpu.memory_space<vmem>> -> memref<1x1x128xi32, #tpu.memory_space<vmem>>
      %dma_wait3A_427 = tpu.memref_squeeze %dma_wait3A_426 : memref<1x1x128xi32, #tpu.memory_space<vmem>> -> memref<128xi32, #tpu.memory_space<vmem>>
      %dma_wait3A_428 = arith.constant 0 : i32
      %dma_wait3A_429 = arith.constant 0 : i32
      %dma_wait3A_430 = tpu.memref_slice %arg4[%dma_wait3A_428, %dma_wait3A_429] : memref<20000x128xf32, #tpu.memory_space<hbm>> -> memref<20000x128xf32, #tpu.memory_space<hbm>>
      tpu.wait_indirect_dma semaphore(%arg12 : memref<!tpu.dma_semaphore, #tpu.memory_space<semaphore_mem>>) src(%dma_wait3A_430 : memref<20000x128xf32, #tpu.memory_space<hbm>>) dst(%arg8 : memref<128x128xf32, #tpu.memory_space<vmem>>)
      %dma_start3A_431 = arith.constant 10 : i32
      %dma_start3A_432 = arith.constant 0 : i32
      %dma_start3A_433 = tpu.memref_slice %arg7[%rem3A_108, %dma_start3A_431, %dma_start3A_432] : memref<2x16x128xi32, #tpu.memory_space<vmem>> -> memref<1x1x128xi32, #tpu.memory_space<vmem>>
      %dma_start3A_434 = tpu.memref_squeeze %dma_start3A_433 : memref<1x1x128xi32, #tpu.memory_space<vmem>> -> memref<128xi32, #tpu.memory_space<vmem>>
      %dma_start3A_435 = arith.constant 0 : i32
      %dma_start3A_436 = arith.constant 0 : i32
      %dma_start3A_437 = tpu.memref_slice %arg10[%dma_start3A_435, %dma_start3A_436] : memref<10240x128xf32, #tpu.memory_space<vmem_shared>> -> memref<10240x128xf32, #tpu.memory_space<vmem_shared>>
      tpu.enqueue_indirect_dma source(%arg8 : memref<128x128xf32, #tpu.memory_space<vmem>>) target(%dma_start3A_437 : memref<10240x128xf32, #tpu.memory_space<vmem_shared>>) offsets(%dma_start3A_434 : memref<128xi32, #tpu.memory_space<vmem>>) semaphore(%arg14 : memref<!tpu.dma_semaphore, #tpu.memory_space<semaphore_mem>>) {add = true}
      %dma_wait3A_438 = arith.constant 0 : i32
      %dma_wait3A_439 = arith.constant 0 : i32
      %dma_wait3A_440 = tpu.memref_slice %arg7[%rem3A_108, %dma_wait3A_438, %dma_wait3A_439] : memref<2x16x128xi32, #tpu.memory_space<vmem>> -> memref<1x1x128xi32, #tpu.memory_space<vmem>>
      %dma_wait3A_441 = tpu.memref_squeeze %dma_wait3A_440 : memref<1x1x128xi32, #tpu.memory_space<vmem>> -> memref<128xi32, #tpu.memory_space<vmem>>
      %dma_wait3A_442 = arith.constant 0 : i32
      %dma_wait3A_443 = arith.constant 0 : i32
      %dma_wait3A_444 = tpu.memref_slice %arg10[%dma_wait3A_442, %dma_wait3A_443] : memref<10240x128xf32, #tpu.memory_space<vmem_shared>> -> memref<10240x128xf32, #tpu.memory_space<vmem_shared>>
      tpu.wait_indirect_dma semaphore(%arg15 : memref<!tpu.dma_semaphore, #tpu.memory_space<semaphore_mem>>) src(%arg9 : memref<128x128xf32, #tpu.memory_space<vmem>>) dst(%dma_wait3A_444 : memref<10240x128xf32, #tpu.memory_space<vmem_shared>>)
      %dma_start3A_445 = arith.constant 11 : i32
      %dma_start3A_446 = arith.constant 0 : i32
      %dma_start3A_447 = tpu.memref_slice %arg6[%rem3A_108, %dma_start3A_445, %dma_start3A_446] : memref<2x16x128xi32, #tpu.memory_space<vmem>> -> memref<1x1x128xi32, #tpu.memory_space<vmem>>
      %dma_start3A_448 = tpu.memref_squeeze %dma_start3A_447 : memref<1x1x128xi32, #tpu.memory_space<vmem>> -> memref<128xi32, #tpu.memory_space<vmem>>
      %dma_start3A_449 = arith.constant 0 : i32
      %dma_start3A_450 = arith.constant 0 : i32
      %dma_start3A_451 = tpu.memref_slice %arg4[%dma_start3A_449, %dma_start3A_450] : memref<20000x128xf32, #tpu.memory_space<hbm>> -> memref<20000x128xf32, #tpu.memory_space<hbm>>
      tpu.enqueue_indirect_dma source(%dma_start3A_451 : memref<20000x128xf32, #tpu.memory_space<hbm>>) target(%arg9 : memref<128x128xf32, #tpu.memory_space<vmem>>) offsets(%dma_start3A_448 : memref<128xi32, #tpu.memory_space<vmem>>) semaphore(%arg13 : memref<!tpu.dma_semaphore, #tpu.memory_space<semaphore_mem>>)
      %dma_wait3A_452 = arith.constant 0 : i32
      %dma_wait3A_453 = arith.constant 0 : i32
      %dma_wait3A_454 = tpu.memref_slice %arg6[%rem3A_108, %dma_wait3A_452, %dma_wait3A_453] : memref<2x16x128xi32, #tpu.memory_space<vmem>> -> memref<1x1x128xi32, #tpu.memory_space<vmem>>
      %dma_wait3A_455 = tpu.memref_squeeze %dma_wait3A_454 : memref<1x1x128xi32, #tpu.memory_space<vmem>> -> memref<128xi32, #tpu.memory_space<vmem>>
      %dma_wait3A_456 = arith.constant 0 : i32
      %dma_wait3A_457 = arith.constant 0 : i32
      %dma_wait3A_458 = tpu.memref_slice %arg4[%dma_wait3A_456, %dma_wait3A_457] : memref<20000x128xf32, #tpu.memory_space<hbm>> -> memref<20000x128xf32, #tpu.memory_space<hbm>>
      tpu.wait_indirect_dma semaphore(%arg13 : memref<!tpu.dma_semaphore, #tpu.memory_space<semaphore_mem>>) src(%dma_wait3A_458 : memref<20000x128xf32, #tpu.memory_space<hbm>>) dst(%arg9 : memref<128x128xf32, #tpu.memory_space<vmem>>)
      %dma_start3A_459 = arith.constant 11 : i32
      %dma_start3A_460 = arith.constant 0 : i32
      %dma_start3A_461 = tpu.memref_slice %arg7[%rem3A_108, %dma_start3A_459, %dma_start3A_460] : memref<2x16x128xi32, #tpu.memory_space<vmem>> -> memref<1x1x128xi32, #tpu.memory_space<vmem>>
      %dma_start3A_462 = tpu.memref_squeeze %dma_start3A_461 : memref<1x1x128xi32, #tpu.memory_space<vmem>> -> memref<128xi32, #tpu.memory_space<vmem>>
      %dma_start3A_463 = arith.constant 0 : i32
      %dma_start3A_464 = arith.constant 0 : i32
      %dma_start3A_465 = tpu.memref_slice %arg10[%dma_start3A_463, %dma_start3A_464] : memref<10240x128xf32, #tpu.memory_space<vmem_shared>> -> memref<10240x128xf32, #tpu.memory_space<vmem_shared>>
      tpu.enqueue_indirect_dma source(%arg9 : memref<128x128xf32, #tpu.memory_space<vmem>>) target(%dma_start3A_465 : memref<10240x128xf32, #tpu.memory_space<vmem_shared>>) offsets(%dma_start3A_462 : memref<128xi32, #tpu.memory_space<vmem>>) semaphore(%arg15 : memref<!tpu.dma_semaphore, #tpu.memory_space<semaphore_mem>>) {add = true}
      %dma_wait3A_466 = arith.constant 0 : i32
      %dma_wait3A_467 = arith.constant 0 : i32
      %dma_wait3A_468 = tpu.memref_slice %arg7[%rem3A_108, %dma_wait3A_466, %dma_wait3A_467] : memref<2x16x128xi32, #tpu.memory_space<vmem>> -> memref<1x1x128xi32, #tpu.memory_space<vmem>>
      %dma_wait3A_469 = tpu.memref_squeeze %dma_wait3A_468 : memref<1x1x128xi32, #tpu.memory_space<vmem>> -> memref<128xi32, #tpu.memory_space<vmem>>
      %dma_wait3A_470 = arith.constant 0 : i32
      %dma_wait3A_471 = arith.constant 0 : i32
      %dma_wait3A_472 = tpu.memref_slice %arg10[%dma_wait3A_470, %dma_wait3A_471] : memref<10240x128xf32, #tpu.memory_space<vmem_shared>> -> memref<10240x128xf32, #tpu.memory_space<vmem_shared>>
      tpu.wait_indirect_dma semaphore(%arg14 : memref<!tpu.dma_semaphore, #tpu.memory_space<semaphore_mem>>) src(%arg8 : memref<128x128xf32, #tpu.memory_space<vmem>>) dst(%dma_wait3A_472 : memref<10240x128xf32, #tpu.memory_space<vmem_shared>>)
      %dma_start3A_473 = arith.constant 12 : i32
      %dma_start3A_474 = arith.constant 0 : i32
      %dma_start3A_475 = tpu.memref_slice %arg6[%rem3A_108, %dma_start3A_473, %dma_start3A_474] : memref<2x16x128xi32, #tpu.memory_space<vmem>> -> memref<1x1x128xi32, #tpu.memory_space<vmem>>
      %dma_start3A_476 = tpu.memref_squeeze %dma_start3A_475 : memref<1x1x128xi32, #tpu.memory_space<vmem>> -> memref<128xi32, #tpu.memory_space<vmem>>
      %dma_start3A_477 = arith.constant 0 : i32
      %dma_start3A_478 = arith.constant 0 : i32
      %dma_start3A_479 = tpu.memref_slice %arg4[%dma_start3A_477, %dma_start3A_478] : memref<20000x128xf32, #tpu.memory_space<hbm>> -> memref<20000x128xf32, #tpu.memory_space<hbm>>
      tpu.enqueue_indirect_dma source(%dma_start3A_479 : memref<20000x128xf32, #tpu.memory_space<hbm>>) target(%arg8 : memref<128x128xf32, #tpu.memory_space<vmem>>) offsets(%dma_start3A_476 : memref<128xi32, #tpu.memory_space<vmem>>) semaphore(%arg12 : memref<!tpu.dma_semaphore, #tpu.memory_space<semaphore_mem>>)
      %dma_wait3A_480 = arith.constant 0 : i32
      %dma_wait3A_481 = arith.constant 0 : i32
      %dma_wait3A_482 = tpu.memref_slice %arg6[%rem3A_108, %dma_wait3A_480, %dma_wait3A_481] : memref<2x16x128xi32, #tpu.memory_space<vmem>> -> memref<1x1x128xi32, #tpu.memory_space<vmem>>
      %dma_wait3A_483 = tpu.memref_squeeze %dma_wait3A_482 : memref<1x1x128xi32, #tpu.memory_space<vmem>> -> memref<128xi32, #tpu.memory_space<vmem>>
      %dma_wait3A_484 = arith.constant 0 : i32
      %dma_wait3A_485 = arith.constant 0 : i32
      %dma_wait3A_486 = tpu.memref_slice %arg4[%dma_wait3A_484, %dma_wait3A_485] : memref<20000x128xf32, #tpu.memory_space<hbm>> -> memref<20000x128xf32, #tpu.memory_space<hbm>>
      tpu.wait_indirect_dma semaphore(%arg12 : memref<!tpu.dma_semaphore, #tpu.memory_space<semaphore_mem>>) src(%dma_wait3A_486 : memref<20000x128xf32, #tpu.memory_space<hbm>>) dst(%arg8 : memref<128x128xf32, #tpu.memory_space<vmem>>)
      %dma_start3A_487 = arith.constant 12 : i32
      %dma_start3A_488 = arith.constant 0 : i32
      %dma_start3A_489 = tpu.memref_slice %arg7[%rem3A_108, %dma_start3A_487, %dma_start3A_488] : memref<2x16x128xi32, #tpu.memory_space<vmem>> -> memref<1x1x128xi32, #tpu.memory_space<vmem>>
      %dma_start3A_490 = tpu.memref_squeeze %dma_start3A_489 : memref<1x1x128xi32, #tpu.memory_space<vmem>> -> memref<128xi32, #tpu.memory_space<vmem>>
      %dma_start3A_491 = arith.constant 0 : i32
      %dma_start3A_492 = arith.constant 0 : i32
      %dma_start3A_493 = tpu.memref_slice %arg10[%dma_start3A_491, %dma_start3A_492] : memref<10240x128xf32, #tpu.memory_space<vmem_shared>> -> memref<10240x128xf32, #tpu.memory_space<vmem_shared>>
      tpu.enqueue_indirect_dma source(%arg8 : memref<128x128xf32, #tpu.memory_space<vmem>>) target(%dma_start3A_493 : memref<10240x128xf32, #tpu.memory_space<vmem_shared>>) offsets(%dma_start3A_490 : memref<128xi32, #tpu.memory_space<vmem>>) semaphore(%arg14 : memref<!tpu.dma_semaphore, #tpu.memory_space<semaphore_mem>>) {add = true}
      %dma_wait3A_494 = arith.constant 0 : i32
      %dma_wait3A_495 = arith.constant 0 : i32
      %dma_wait3A_496 = tpu.memref_slice %arg7[%rem3A_108, %dma_wait3A_494, %dma_wait3A_495] : memref<2x16x128xi32, #tpu.memory_space<vmem>> -> memref<1x1x128xi32, #tpu.memory_space<vmem>>
      %dma_wait3A_497 = tpu.memref_squeeze %dma_wait3A_496 : memref<1x1x128xi32, #tpu.memory_space<vmem>> -> memref<128xi32, #tpu.memory_space<vmem>>
      %dma_wait3A_498 = arith.constant 0 : i32
      %dma_wait3A_499 = arith.constant 0 : i32
      %dma_wait3A_500 = tpu.memref_slice %arg10[%dma_wait3A_498, %dma_wait3A_499] : memref<10240x128xf32, #tpu.memory_space<vmem_shared>> -> memref<10240x128xf32, #tpu.memory_space<vmem_shared>>
      tpu.wait_indirect_dma semaphore(%arg15 : memref<!tpu.dma_semaphore, #tpu.memory_space<semaphore_mem>>) src(%arg9 : memref<128x128xf32, #tpu.memory_space<vmem>>) dst(%dma_wait3A_500 : memref<10240x128xf32, #tpu.memory_space<vmem_shared>>)
      %dma_start3A_501 = arith.constant 13 : i32
      %dma_start3A_502 = arith.constant 0 : i32
      %dma_start3A_503 = tpu.memref_slice %arg6[%rem3A_108, %dma_start3A_501, %dma_start3A_502] : memref<2x16x128xi32, #tpu.memory_space<vmem>> -> memref<1x1x128xi32, #tpu.memory_space<vmem>>
      %dma_start3A_504 = tpu.memref_squeeze %dma_start3A_503 : memref<1x1x128xi32, #tpu.memory_space<vmem>> -> memref<128xi32, #tpu.memory_space<vmem>>
      %dma_start3A_505 = arith.constant 0 : i32
      %dma_start3A_506 = arith.constant 0 : i32
      %dma_start3A_507 = tpu.memref_slice %arg4[%dma_start3A_505, %dma_start3A_506] : memref<20000x128xf32, #tpu.memory_space<hbm>> -> memref<20000x128xf32, #tpu.memory_space<hbm>>
      tpu.enqueue_indirect_dma source(%dma_start3A_507 : memref<20000x128xf32, #tpu.memory_space<hbm>>) target(%arg9 : memref<128x128xf32, #tpu.memory_space<vmem>>) offsets(%dma_start3A_504 : memref<128xi32, #tpu.memory_space<vmem>>) semaphore(%arg13 : memref<!tpu.dma_semaphore, #tpu.memory_space<semaphore_mem>>)
      %dma_wait3A_508 = arith.constant 0 : i32
      %dma_wait3A_509 = arith.constant 0 : i32
      %dma_wait3A_510 = tpu.memref_slice %arg6[%rem3A_108, %dma_wait3A_508, %dma_wait3A_509] : memref<2x16x128xi32, #tpu.memory_space<vmem>> -> memref<1x1x128xi32, #tpu.memory_space<vmem>>
      %dma_wait3A_511 = tpu.memref_squeeze %dma_wait3A_510 : memref<1x1x128xi32, #tpu.memory_space<vmem>> -> memref<128xi32, #tpu.memory_space<vmem>>
      %dma_wait3A_512 = arith.constant 0 : i32
      %dma_wait3A_513 = arith.constant 0 : i32
      %dma_wait3A_514 = tpu.memref_slice %arg4[%dma_wait3A_512, %dma_wait3A_513] : memref<20000x128xf32, #tpu.memory_space<hbm>> -> memref<20000x128xf32, #tpu.memory_space<hbm>>
      tpu.wait_indirect_dma semaphore(%arg13 : memref<!tpu.dma_semaphore, #tpu.memory_space<semaphore_mem>>) src(%dma_wait3A_514 : memref<20000x128xf32, #tpu.memory_space<hbm>>) dst(%arg9 : memref<128x128xf32, #tpu.memory_space<vmem>>)
      %dma_start3A_515 = arith.constant 13 : i32
      %dma_start3A_516 = arith.constant 0 : i32
      %dma_start3A_517 = tpu.memref_slice %arg7[%rem3A_108, %dma_start3A_515, %dma_start3A_516] : memref<2x16x128xi32, #tpu.memory_space<vmem>> -> memref<1x1x128xi32, #tpu.memory_space<vmem>>
      %dma_start3A_518 = tpu.memref_squeeze %dma_start3A_517 : memref<1x1x128xi32, #tpu.memory_space<vmem>> -> memref<128xi32, #tpu.memory_space<vmem>>
      %dma_start3A_519 = arith.constant 0 : i32
      %dma_start3A_520 = arith.constant 0 : i32
      %dma_start3A_521 = tpu.memref_slice %arg10[%dma_start3A_519, %dma_start3A_520] : memref<10240x128xf32, #tpu.memory_space<vmem_shared>> -> memref<10240x128xf32, #tpu.memory_space<vmem_shared>>
      tpu.enqueue_indirect_dma source(%arg9 : memref<128x128xf32, #tpu.memory_space<vmem>>) target(%dma_start3A_521 : memref<10240x128xf32, #tpu.memory_space<vmem_shared>>) offsets(%dma_start3A_518 : memref<128xi32, #tpu.memory_space<vmem>>) semaphore(%arg15 : memref<!tpu.dma_semaphore, #tpu.memory_space<semaphore_mem>>) {add = true}
      %dma_wait3A_522 = arith.constant 0 : i32
      %dma_wait3A_523 = arith.constant 0 : i32
      %dma_wait3A_524 = tpu.memref_slice %arg7[%rem3A_108, %dma_wait3A_522, %dma_wait3A_523] : memref<2x16x128xi32, #tpu.memory_space<vmem>> -> memref<1x1x128xi32, #tpu.memory_space<vmem>>
      %dma_wait3A_525 = tpu.memref_squeeze %dma_wait3A_524 : memref<1x1x128xi32, #tpu.memory_space<vmem>> -> memref<128xi32, #tpu.memory_space<vmem>>
      %dma_wait3A_526 = arith.constant 0 : i32
      %dma_wait3A_527 = arith.constant 0 : i32
      %dma_wait3A_528 = tpu.memref_slice %arg10[%dma_wait3A_526, %dma_wait3A_527] : memref<10240x128xf32, #tpu.memory_space<vmem_shared>> -> memref<10240x128xf32, #tpu.memory_space<vmem_shared>>
      tpu.wait_indirect_dma semaphore(%arg14 : memref<!tpu.dma_semaphore, #tpu.memory_space<semaphore_mem>>) src(%arg8 : memref<128x128xf32, #tpu.memory_space<vmem>>) dst(%dma_wait3A_528 : memref<10240x128xf32, #tpu.memory_space<vmem_shared>>)
      %dma_start3A_529 = arith.constant 14 : i32
      %dma_start3A_530 = arith.constant 0 : i32
      %dma_start3A_531 = tpu.memref_slice %arg6[%rem3A_108, %dma_start3A_529, %dma_start3A_530] : memref<2x16x128xi32, #tpu.memory_space<vmem>> -> memref<1x1x128xi32, #tpu.memory_space<vmem>>
      %dma_start3A_532 = tpu.memref_squeeze %dma_start3A_531 : memref<1x1x128xi32, #tpu.memory_space<vmem>> -> memref<128xi32, #tpu.memory_space<vmem>>
      %dma_start3A_533 = arith.constant 0 : i32
      %dma_start3A_534 = arith.constant 0 : i32
      %dma_start3A_535 = tpu.memref_slice %arg4[%dma_start3A_533, %dma_start3A_534] : memref<20000x128xf32, #tpu.memory_space<hbm>> -> memref<20000x128xf32, #tpu.memory_space<hbm>>
      tpu.enqueue_indirect_dma source(%dma_start3A_535 : memref<20000x128xf32, #tpu.memory_space<hbm>>) target(%arg8 : memref<128x128xf32, #tpu.memory_space<vmem>>) offsets(%dma_start3A_532 : memref<128xi32, #tpu.memory_space<vmem>>) semaphore(%arg12 : memref<!tpu.dma_semaphore, #tpu.memory_space<semaphore_mem>>)
      %dma_wait3A_536 = arith.constant 0 : i32
      %dma_wait3A_537 = arith.constant 0 : i32
      %dma_wait3A_538 = tpu.memref_slice %arg6[%rem3A_108, %dma_wait3A_536, %dma_wait3A_537] : memref<2x16x128xi32, #tpu.memory_space<vmem>> -> memref<1x1x128xi32, #tpu.memory_space<vmem>>
      %dma_wait3A_539 = tpu.memref_squeeze %dma_wait3A_538 : memref<1x1x128xi32, #tpu.memory_space<vmem>> -> memref<128xi32, #tpu.memory_space<vmem>>
      %dma_wait3A_540 = arith.constant 0 : i32
      %dma_wait3A_541 = arith.constant 0 : i32
      %dma_wait3A_542 = tpu.memref_slice %arg4[%dma_wait3A_540, %dma_wait3A_541] : memref<20000x128xf32, #tpu.memory_space<hbm>> -> memref<20000x128xf32, #tpu.memory_space<hbm>>
      tpu.wait_indirect_dma semaphore(%arg12 : memref<!tpu.dma_semaphore, #tpu.memory_space<semaphore_mem>>) src(%dma_wait3A_542 : memref<20000x128xf32, #tpu.memory_space<hbm>>) dst(%arg8 : memref<128x128xf32, #tpu.memory_space<vmem>>)
      %dma_start3A_543 = arith.constant 14 : i32
      %dma_start3A_544 = arith.constant 0 : i32
      %dma_start3A_545 = tpu.memref_slice %arg7[%rem3A_108, %dma_start3A_543, %dma_start3A_544] : memref<2x16x128xi32, #tpu.memory_space<vmem>> -> memref<1x1x128xi32, #tpu.memory_space<vmem>>
      %dma_start3A_546 = tpu.memref_squeeze %dma_start3A_545 : memref<1x1x128xi32, #tpu.memory_space<vmem>> -> memref<128xi32, #tpu.memory_space<vmem>>
      %dma_start3A_547 = arith.constant 0 : i32
      %dma_start3A_548 = arith.constant 0 : i32
      %dma_start3A_549 = tpu.memref_slice %arg10[%dma_start3A_547, %dma_start3A_548] : memref<10240x128xf32, #tpu.memory_space<vmem_shared>> -> memref<10240x128xf32, #tpu.memory_space<vmem_shared>>
      tpu.enqueue_indirect_dma source(%arg8 : memref<128x128xf32, #tpu.memory_space<vmem>>) target(%dma_start3A_549 : memref<10240x128xf32, #tpu.memory_space<vmem_shared>>) offsets(%dma_start3A_546 : memref<128xi32, #tpu.memory_space<vmem>>) semaphore(%arg14 : memref<!tpu.dma_semaphore, #tpu.memory_space<semaphore_mem>>) {add = true}
      %dma_wait3A_550 = arith.constant 0 : i32
      %dma_wait3A_551 = arith.constant 0 : i32
      %dma_wait3A_552 = tpu.memref_slice %arg7[%rem3A_108, %dma_wait3A_550, %dma_wait3A_551] : memref<2x16x128xi32, #tpu.memory_space<vmem>> -> memref<1x1x128xi32, #tpu.memory_space<vmem>>
      %dma_wait3A_553 = tpu.memref_squeeze %dma_wait3A_552 : memref<1x1x128xi32, #tpu.memory_space<vmem>> -> memref<128xi32, #tpu.memory_space<vmem>>
      %dma_wait3A_554 = arith.constant 0 : i32
      %dma_wait3A_555 = arith.constant 0 : i32
      %dma_wait3A_556 = tpu.memref_slice %arg10[%dma_wait3A_554, %dma_wait3A_555] : memref<10240x128xf32, #tpu.memory_space<vmem_shared>> -> memref<10240x128xf32, #tpu.memory_space<vmem_shared>>
      tpu.wait_indirect_dma semaphore(%arg15 : memref<!tpu.dma_semaphore, #tpu.memory_space<semaphore_mem>>) src(%arg9 : memref<128x128xf32, #tpu.memory_space<vmem>>) dst(%dma_wait3A_556 : memref<10240x128xf32, #tpu.memory_space<vmem_shared>>)
      %dma_start3A_557 = arith.constant 15 : i32
      %dma_start3A_558 = arith.constant 0 : i32
      %dma_start3A_559 = tpu.memref_slice %arg6[%rem3A_108, %dma_start3A_557, %dma_start3A_558] : memref<2x16x128xi32, #tpu.memory_space<vmem>> -> memref<1x1x128xi32, #tpu.memory_space<vmem>>
      %dma_start3A_560 = tpu.memref_squeeze %dma_start3A_559 : memref<1x1x128xi32, #tpu.memory_space<vmem>> -> memref<128xi32, #tpu.memory_space<vmem>>
      %dma_start3A_561 = arith.constant 0 : i32
      %dma_start3A_562 = arith.constant 0 : i32
      %dma_start3A_563 = tpu.memref_slice %arg4[%dma_start3A_561, %dma_start3A_562] : memref<20000x128xf32, #tpu.memory_space<hbm>> -> memref<20000x128xf32, #tpu.memory_space<hbm>>
      tpu.enqueue_indirect_dma source(%dma_start3A_563 : memref<20000x128xf32, #tpu.memory_space<hbm>>) target(%arg9 : memref<128x128xf32, #tpu.memory_space<vmem>>) offsets(%dma_start3A_560 : memref<128xi32, #tpu.memory_space<vmem>>) semaphore(%arg13 : memref<!tpu.dma_semaphore, #tpu.memory_space<semaphore_mem>>)
      %dma_wait3A_564 = arith.constant 0 : i32
      %dma_wait3A_565 = arith.constant 0 : i32
      %dma_wait3A_566 = tpu.memref_slice %arg6[%rem3A_108, %dma_wait3A_564, %dma_wait3A_565] : memref<2x16x128xi32, #tpu.memory_space<vmem>> -> memref<1x1x128xi32, #tpu.memory_space<vmem>>
      %dma_wait3A_567 = tpu.memref_squeeze %dma_wait3A_566 : memref<1x1x128xi32, #tpu.memory_space<vmem>> -> memref<128xi32, #tpu.memory_space<vmem>>
      %dma_wait3A_568 = arith.constant 0 : i32
      %dma_wait3A_569 = arith.constant 0 : i32
      %dma_wait3A_570 = tpu.memref_slice %arg4[%dma_wait3A_568, %dma_wait3A_569] : memref<20000x128xf32, #tpu.memory_space<hbm>> -> memref<20000x128xf32, #tpu.memory_space<hbm>>
      tpu.wait_indirect_dma semaphore(%arg13 : memref<!tpu.dma_semaphore, #tpu.memory_space<semaphore_mem>>) src(%dma_wait3A_570 : memref<20000x128xf32, #tpu.memory_space<hbm>>) dst(%arg9 : memref<128x128xf32, #tpu.memory_space<vmem>>)
      %dma_start3A_571 = arith.constant 15 : i32
      %dma_start3A_572 = arith.constant 0 : i32
      %dma_start3A_573 = tpu.memref_slice %arg7[%rem3A_108, %dma_start3A_571, %dma_start3A_572] : memref<2x16x128xi32, #tpu.memory_space<vmem>> -> memref<1x1x128xi32, #tpu.memory_space<vmem>>
      %dma_start3A_574 = tpu.memref_squeeze %dma_start3A_573 : memref<1x1x128xi32, #tpu.memory_space<vmem>> -> memref<128xi32, #tpu.memory_space<vmem>>
      %dma_start3A_575 = arith.constant 0 : i32
      %dma_start3A_576 = arith.constant 0 : i32
      %dma_start3A_577 = tpu.memref_slice %arg10[%dma_start3A_575, %dma_start3A_576] : memref<10240x128xf32, #tpu.memory_space<vmem_shared>> -> memref<10240x128xf32, #tpu.memory_space<vmem_shared>>
      tpu.enqueue_indirect_dma source(%arg9 : memref<128x128xf32, #tpu.memory_space<vmem>>) target(%dma_start3A_577 : memref<10240x128xf32, #tpu.memory_space<vmem_shared>>) offsets(%dma_start3A_574 : memref<128xi32, #tpu.memory_space<vmem>>) semaphore(%arg15 : memref<!tpu.dma_semaphore, #tpu.memory_space<semaphore_mem>>) {add = true}
      %dma_wait3A_578 = arith.constant 0 : i32
      %dma_wait3A_579 = arith.constant 0 : i32
      %dma_wait3A_580 = tpu.memref_slice %arg7[%rem3A_108, %dma_wait3A_578, %dma_wait3A_579] : memref<2x16x128xi32, #tpu.memory_space<vmem>> -> memref<1x1x128xi32, #tpu.memory_space<vmem>>
      %dma_wait3A_581 = tpu.memref_squeeze %dma_wait3A_580 : memref<1x1x128xi32, #tpu.memory_space<vmem>> -> memref<128xi32, #tpu.memory_space<vmem>>
      %dma_wait3A_582 = arith.constant 0 : i32
      %dma_wait3A_583 = arith.constant 0 : i32
      %dma_wait3A_584 = tpu.memref_slice %arg10[%dma_wait3A_582, %dma_wait3A_583] : memref<10240x128xf32, #tpu.memory_space<vmem_shared>> -> memref<10240x128xf32, #tpu.memory_space<vmem_shared>>
      tpu.wait_indirect_dma semaphore(%arg14 : memref<!tpu.dma_semaphore, #tpu.memory_space<semaphore_mem>>) src(%arg8 : memref<128x128xf32, #tpu.memory_space<vmem>>) dst(%dma_wait3A_584 : memref<10240x128xf32, #tpu.memory_space<vmem_shared>>)
      %dma_wait3A_585 = arith.constant 0 : i32
      %dma_wait3A_586 = arith.constant 0 : i32
      %dma_wait3A_587 = tpu.memref_slice %arg7[%rem3A_108, %dma_wait3A_585, %dma_wait3A_586] : memref<2x16x128xi32, #tpu.memory_space<vmem>> -> memref<1x1x128xi32, #tpu.memory_space<vmem>>
      %dma_wait3A_588 = tpu.memref_squeeze %dma_wait3A_587 : memref<1x1x128xi32, #tpu.memory_space<vmem>> -> memref<128xi32, #tpu.memory_space<vmem>>
      %dma_wait3A_589 = arith.constant 0 : i32
      %dma_wait3A_590 = arith.constant 0 : i32
      %dma_wait3A_591 = tpu.memref_slice %arg10[%dma_wait3A_589, %dma_wait3A_590] : memref<10240x128xf32, #tpu.memory_space<vmem_shared>> -> memref<10240x128xf32, #tpu.memory_space<vmem_shared>>
      tpu.wait_indirect_dma semaphore(%arg15 : memref<!tpu.dma_semaphore, #tpu.memory_space<semaphore_mem>>) src(%arg9 : memref<128x128xf32, #tpu.memory_space<vmem>>) dst(%dma_wait3A_591 : memref<10240x128xf32, #tpu.memory_space<vmem_shared>>)
    }
    %scan3A_65 = arith.constant 10 : i32
    %barrier3A_66 = arith.constant 0 : index
    tpu.barrier barrier_id(%barrier3A_66)
    %mul3A_67 = arith.constant 640 : i32
    %mul3A_68 = arith.muli %arg1, %mul3A_67 : i32
    %add3A_69 = arith.constant 0 : i32
    %add3A_70 = arith.addi %mul3A_68, %add3A_69 : i32
    %mul3A_71 = arith.constant 640 : i32
    %mul3A_72 = arith.muli %arg1, %mul3A_71 : i32
    %add3A_73 = arith.constant 0 : i32
    %add3A_74 = arith.addi %mul3A_72, %add3A_73 : i32
    "tpu.region"() ({
      %run_scoped3A = tpu.sem_alloc : memref<!tpu.dma_semaphore, #tpu.memory_space<semaphore_mem>>
      %dma_start3A_107 = arith.constant 0 : i32
      %dma_start3A_108 = arith.constant 0 : i32
      %dma_start3A_109 = tpu.memref_slice %arg5[%arg0, %dma_start3A_107, %dma_start3A_108] : memref<2x10240x128xf32, #tpu.memory_space<hbm>> -> memref<1x10240x128xf32, #tpu.memory_space<hbm>>
      %dma_start3A_110 = tpu.memref_squeeze %dma_start3A_109 : memref<1x10240x128xf32, #tpu.memory_space<hbm>> -> memref<10240x128xf32, #tpu.memory_space<hbm>>
      %dma_start3A_111 = arith.constant 0 : i32
      %dma_start3A_112 = tpu.memref_slice %dma_start3A_110[%add3A_74, %dma_start3A_111] : memref<10240x128xf32, #tpu.memory_space<hbm>> -> memref<128x128xf32, #tpu.memory_space<hbm>>
      %dma_start3A_113 = arith.constant 0 : i32
      %dma_start3A_114 = tpu.memref_slice %arg10[%add3A_70, %dma_start3A_113] : memref<10240x128xf32, #tpu.memory_space<vmem_shared>> -> memref<128x128xf32, #tpu.memory_space<vmem_shared>>
      tpu.enqueue_dma source(%dma_start3A_114 : memref<128x128xf32, #tpu.memory_space<vmem_shared>>) target(%dma_start3A_112 : memref<128x128xf32, #tpu.memory_space<hbm>>) target_semaphore(%run_scoped3A : memref<!tpu.dma_semaphore, #tpu.memory_space<semaphore_mem>>)
      %dma_wait3A = arith.constant 0 : i32
      %dma_wait3A_115 = arith.constant 0 : i32
      %dma_wait3A_116 = tpu.memref_slice %arg5[%arg0, %dma_wait3A, %dma_wait3A_115] : memref<2x10240x128xf32, #tpu.memory_space<hbm>> -> memref<1x10240x128xf32, #tpu.memory_space<hbm>>
      %dma_wait3A_117 = tpu.memref_squeeze %dma_wait3A_116 : memref<1x10240x128xf32, #tpu.memory_space<hbm>> -> memref<10240x128xf32, #tpu.memory_space<hbm>>
      %dma_wait3A_118 = arith.constant 0 : i32
      %dma_wait3A_119 = tpu.memref_slice %dma_wait3A_117[%add3A_74, %dma_wait3A_118] : memref<10240x128xf32, #tpu.memory_space<hbm>> -> memref<128x128xf32, #tpu.memory_space<hbm>>
      %dma_wait3A_120 = arith.constant 0 : i32
      %dma_wait3A_121 = tpu.memref_slice %arg10[%add3A_70, %dma_wait3A_120] : memref<10240x128xf32, #tpu.memory_space<vmem_shared>> -> memref<128x128xf32, #tpu.memory_space<vmem_shared>>
      tpu.wait_dma2 semaphore(%run_scoped3A : memref<!tpu.dma_semaphore, #tpu.memory_space<semaphore_mem>>) src(%dma_wait3A_121 : memref<128x128xf32, #tpu.memory_space<vmem_shared>>) dst(%dma_wait3A_119 : memref<128x128xf32, #tpu.memory_space<hbm>>)
      tpu.yield
    }) : () -> ()
    %mul3A_75 = arith.constant 640 : i32
    %mul3A_76 = arith.muli %arg1, %mul3A_75 : i32
    %add3A_77 = arith.constant 128 : i32
    %add3A_78 = arith.addi %mul3A_76, %add3A_77 : i32
    %mul3A_79 = arith.constant 640 : i32
    %mul3A_80 = arith.muli %arg1, %mul3A_79 : i32
    %add3A_81 = arith.constant 128 : i32
    %add3A_82 = arith.addi %mul3A_80, %add3A_81 : i32
    "tpu.region"() ({
      %run_scoped3A = tpu.sem_alloc : memref<!tpu.dma_semaphore, #tpu.memory_space<semaphore_mem>>
      %dma_start3A_107 = arith.constant 0 : i32
      %dma_start3A_108 = arith.constant 0 : i32
      %dma_start3A_109 = tpu.memref_slice %arg5[%arg0, %dma_start3A_107, %dma_start3A_108] : memref<2x10240x128xf32, #tpu.memory_space<hbm>> -> memref<1x10240x128xf32, #tpu.memory_space<hbm>>
      %dma_start3A_110 = tpu.memref_squeeze %dma_start3A_109 : memref<1x10240x128xf32, #tpu.memory_space<hbm>> -> memref<10240x128xf32, #tpu.memory_space<hbm>>
      %dma_start3A_111 = arith.constant 0 : i32
      %dma_start3A_112 = tpu.memref_slice %dma_start3A_110[%add3A_82, %dma_start3A_111] : memref<10240x128xf32, #tpu.memory_space<hbm>> -> memref<128x128xf32, #tpu.memory_space<hbm>>
      %dma_start3A_113 = arith.constant 0 : i32
      %dma_start3A_114 = tpu.memref_slice %arg10[%add3A_78, %dma_start3A_113] : memref<10240x128xf32, #tpu.memory_space<vmem_shared>> -> memref<128x128xf32, #tpu.memory_space<vmem_shared>>
      tpu.enqueue_dma source(%dma_start3A_114 : memref<128x128xf32, #tpu.memory_space<vmem_shared>>) target(%dma_start3A_112 : memref<128x128xf32, #tpu.memory_space<hbm>>) target_semaphore(%run_scoped3A : memref<!tpu.dma_semaphore, #tpu.memory_space<semaphore_mem>>)
      %dma_wait3A = arith.constant 0 : i32
      %dma_wait3A_115 = arith.constant 0 : i32
      %dma_wait3A_116 = tpu.memref_slice %arg5[%arg0, %dma_wait3A, %dma_wait3A_115] : memref<2x10240x128xf32, #tpu.memory_space<hbm>> -> memref<1x10240x128xf32, #tpu.memory_space<hbm>>
      %dma_wait3A_117 = tpu.memref_squeeze %dma_wait3A_116 : memref<1x10240x128xf32, #tpu.memory_space<hbm>> -> memref<10240x128xf32, #tpu.memory_space<hbm>>
      %dma_wait3A_118 = arith.constant 0 : i32
      %dma_wait3A_119 = tpu.memref_slice %dma_wait3A_117[%add3A_82, %dma_wait3A_118] : memref<10240x128xf32, #tpu.memory_space<hbm>> -> memref<128x128xf32, #tpu.memory_space<hbm>>
      %dma_wait3A_120 = arith.constant 0 : i32
      %dma_wait3A_121 = tpu.memref_slice %arg10[%add3A_78, %dma_wait3A_120] : memref<10240x128xf32, #tpu.memory_space<vmem_shared>> -> memref<128x128xf32, #tpu.memory_space<vmem_shared>>
      tpu.wait_dma2 semaphore(%run_scoped3A : memref<!tpu.dma_semaphore, #tpu.memory_space<semaphore_mem>>) src(%dma_wait3A_121 : memref<128x128xf32, #tpu.memory_space<vmem_shared>>) dst(%dma_wait3A_119 : memref<128x128xf32, #tpu.memory_space<hbm>>)
      tpu.yield
    }) : () -> ()
    %mul3A_83 = arith.constant 640 : i32
    %mul3A_84 = arith.muli %arg1, %mul3A_83 : i32
    %add3A_85 = arith.constant 256 : i32
    %add3A_86 = arith.addi %mul3A_84, %add3A_85 : i32
    %mul3A_87 = arith.constant 640 : i32
    %mul3A_88 = arith.muli %arg1, %mul3A_87 : i32
    %add3A_89 = arith.constant 256 : i32
    %add3A_90 = arith.addi %mul3A_88, %add3A_89 : i32
    "tpu.region"() ({
      %run_scoped3A = tpu.sem_alloc : memref<!tpu.dma_semaphore, #tpu.memory_space<semaphore_mem>>
      %dma_start3A_107 = arith.constant 0 : i32
      %dma_start3A_108 = arith.constant 0 : i32
      %dma_start3A_109 = tpu.memref_slice %arg5[%arg0, %dma_start3A_107, %dma_start3A_108] : memref<2x10240x128xf32, #tpu.memory_space<hbm>> -> memref<1x10240x128xf32, #tpu.memory_space<hbm>>
      %dma_start3A_110 = tpu.memref_squeeze %dma_start3A_109 : memref<1x10240x128xf32, #tpu.memory_space<hbm>> -> memref<10240x128xf32, #tpu.memory_space<hbm>>
      %dma_start3A_111 = arith.constant 0 : i32
      %dma_start3A_112 = tpu.memref_slice %dma_start3A_110[%add3A_90, %dma_start3A_111] : memref<10240x128xf32, #tpu.memory_space<hbm>> -> memref<128x128xf32, #tpu.memory_space<hbm>>
      %dma_start3A_113 = arith.constant 0 : i32
      %dma_start3A_114 = tpu.memref_slice %arg10[%add3A_86, %dma_start3A_113] : memref<10240x128xf32, #tpu.memory_space<vmem_shared>> -> memref<128x128xf32, #tpu.memory_space<vmem_shared>>
      tpu.enqueue_dma source(%dma_start3A_114 : memref<128x128xf32, #tpu.memory_space<vmem_shared>>) target(%dma_start3A_112 : memref<128x128xf32, #tpu.memory_space<hbm>>) target_semaphore(%run_scoped3A : memref<!tpu.dma_semaphore, #tpu.memory_space<semaphore_mem>>)
      %dma_wait3A = arith.constant 0 : i32
      %dma_wait3A_115 = arith.constant 0 : i32
      %dma_wait3A_116 = tpu.memref_slice %arg5[%arg0, %dma_wait3A, %dma_wait3A_115] : memref<2x10240x128xf32, #tpu.memory_space<hbm>> -> memref<1x10240x128xf32, #tpu.memory_space<hbm>>
      %dma_wait3A_117 = tpu.memref_squeeze %dma_wait3A_116 : memref<1x10240x128xf32, #tpu.memory_space<hbm>> -> memref<10240x128xf32, #tpu.memory_space<hbm>>
      %dma_wait3A_118 = arith.constant 0 : i32
      %dma_wait3A_119 = tpu.memref_slice %dma_wait3A_117[%add3A_90, %dma_wait3A_118] : memref<10240x128xf32, #tpu.memory_space<hbm>> -> memref<128x128xf32, #tpu.memory_space<hbm>>
      %dma_wait3A_120 = arith.constant 0 : i32
      %dma_wait3A_121 = tpu.memref_slice %arg10[%add3A_86, %dma_wait3A_120] : memref<10240x128xf32, #tpu.memory_space<vmem_shared>> -> memref<128x128xf32, #tpu.memory_space<vmem_shared>>
      tpu.wait_dma2 semaphore(%run_scoped3A : memref<!tpu.dma_semaphore, #tpu.memory_space<semaphore_mem>>) src(%dma_wait3A_121 : memref<128x128xf32, #tpu.memory_space<vmem_shared>>) dst(%dma_wait3A_119 : memref<128x128xf32, #tpu.memory_space<hbm>>)
      tpu.yield
    }) : () -> ()
    %mul3A_91 = arith.constant 640 : i32
    %mul3A_92 = arith.muli %arg1, %mul3A_91 : i32
    %add3A_93 = arith.constant 384 : i32
    %add3A_94 = arith.addi %mul3A_92, %add3A_93 : i32
    %mul3A_95 = arith.constant 640 : i32
    %mul3A_96 = arith.muli %arg1, %mul3A_95 : i32
    %add3A_97 = arith.constant 384 : i32
    %add3A_98 = arith.addi %mul3A_96, %add3A_97 : i32
    "tpu.region"() ({
      %run_scoped3A = tpu.sem_alloc : memref<!tpu.dma_semaphore, #tpu.memory_space<semaphore_mem>>
      %dma_start3A_107 = arith.constant 0 : i32
      %dma_start3A_108 = arith.constant 0 : i32
      %dma_start3A_109 = tpu.memref_slice %arg5[%arg0, %dma_start3A_107, %dma_start3A_108] : memref<2x10240x128xf32, #tpu.memory_space<hbm>> -> memref<1x10240x128xf32, #tpu.memory_space<hbm>>
      %dma_start3A_110 = tpu.memref_squeeze %dma_start3A_109 : memref<1x10240x128xf32, #tpu.memory_space<hbm>> -> memref<10240x128xf32, #tpu.memory_space<hbm>>
      %dma_start3A_111 = arith.constant 0 : i32
      %dma_start3A_112 = tpu.memref_slice %dma_start3A_110[%add3A_98, %dma_start3A_111] : memref<10240x128xf32, #tpu.memory_space<hbm>> -> memref<128x128xf32, #tpu.memory_space<hbm>>
      %dma_start3A_113 = arith.constant 0 : i32
      %dma_start3A_114 = tpu.memref_slice %arg10[%add3A_94, %dma_start3A_113] : memref<10240x128xf32, #tpu.memory_space<vmem_shared>> -> memref<128x128xf32, #tpu.memory_space<vmem_shared>>
      tpu.enqueue_dma source(%dma_start3A_114 : memref<128x128xf32, #tpu.memory_space<vmem_shared>>) target(%dma_start3A_112 : memref<128x128xf32, #tpu.memory_space<hbm>>) target_semaphore(%run_scoped3A : memref<!tpu.dma_semaphore, #tpu.memory_space<semaphore_mem>>)
      %dma_wait3A = arith.constant 0 : i32
      %dma_wait3A_115 = arith.constant 0 : i32
      %dma_wait3A_116 = tpu.memref_slice %arg5[%arg0, %dma_wait3A, %dma_wait3A_115] : memref<2x10240x128xf32, #tpu.memory_space<hbm>> -> memref<1x10240x128xf32, #tpu.memory_space<hbm>>
      %dma_wait3A_117 = tpu.memref_squeeze %dma_wait3A_116 : memref<1x10240x128xf32, #tpu.memory_space<hbm>> -> memref<10240x128xf32, #tpu.memory_space<hbm>>
      %dma_wait3A_118 = arith.constant 0 : i32
      %dma_wait3A_119 = tpu.memref_slice %dma_wait3A_117[%add3A_98, %dma_wait3A_118] : memref<10240x128xf32, #tpu.memory_space<hbm>> -> memref<128x128xf32, #tpu.memory_space<hbm>>
      %dma_wait3A_120 = arith.constant 0 : i32
      %dma_wait3A_121 = tpu.memref_slice %arg10[%add3A_94, %dma_wait3A_120] : memref<10240x128xf32, #tpu.memory_space<vmem_shared>> -> memref<128x128xf32, #tpu.memory_space<vmem_shared>>
      tpu.wait_dma2 semaphore(%run_scoped3A : memref<!tpu.dma_semaphore, #tpu.memory_space<semaphore_mem>>) src(%dma_wait3A_121 : memref<128x128xf32, #tpu.memory_space<vmem_shared>>) dst(%dma_wait3A_119 : memref<128x128xf32, #tpu.memory_space<hbm>>)
      tpu.yield
    }) : () -> ()
    %mul3A_99 = arith.constant 640 : i32
    %mul3A_100 = arith.muli %arg1, %mul3A_99 : i32
    %add3A_101 = arith.constant 512 : i32
    %add3A_102 = arith.addi %mul3A_100, %add3A_101 : i32
    %mul3A_103 = arith.constant 640 : i32
    %mul3A_104 = arith.muli %arg1, %mul3A_103 : i32
    %add3A_105 = arith.constant 512 : i32
    %add3A_106 = arith.addi %mul3A_104, %add3A_105 : i32
    "tpu.region"() ({
      %run_scoped3A = tpu.sem_alloc : memref<!tpu.dma_semaphore, #tpu.memory_space<semaphore_mem>>
      %dma_start3A_107 = arith.constant 0 : i32
      %dma_start3A_108 = arith.constant 0 : i32
      %dma_start3A_109 = tpu.memref_slice %arg5[%arg0, %dma_start3A_107, %dma_start3A_108] : memref<2x10240x128xf32, #tpu.memory_space<hbm>> -> memref<1x10240x128xf32, #tpu.memory_space<hbm>>
      %dma_start3A_110 = tpu.memref_squeeze %dma_start3A_109 : memref<1x10240x128xf32, #tpu.memory_space<hbm>> -> memref<10240x128xf32, #tpu.memory_space<hbm>>
      %dma_start3A_111 = arith.constant 0 : i32
      %dma_start3A_112 = tpu.memref_slice %dma_start3A_110[%add3A_106, %dma_start3A_111] : memref<10240x128xf32, #tpu.memory_space<hbm>> -> memref<128x128xf32, #tpu.memory_space<hbm>>
      %dma_start3A_113 = arith.constant 0 : i32
      %dma_start3A_114 = tpu.memref_slice %arg10[%add3A_102, %dma_start3A_113] : memref<10240x128xf32, #tpu.memory_space<vmem_shared>> -> memref<128x128xf32, #tpu.memory_space<vmem_shared>>
      tpu.enqueue_dma source(%dma_start3A_114 : memref<128x128xf32, #tpu.memory_space<vmem_shared>>) target(%dma_start3A_112 : memref<128x128xf32, #tpu.memory_space<hbm>>) target_semaphore(%run_scoped3A : memref<!tpu.dma_semaphore, #tpu.memory_space<semaphore_mem>>)
      %dma_wait3A = arith.constant 0 : i32
      %dma_wait3A_115 = arith.constant 0 : i32
      %dma_wait3A_116 = tpu.memref_slice %arg5[%arg0, %dma_wait3A, %dma_wait3A_115] : memref<2x10240x128xf32, #tpu.memory_space<hbm>> -> memref<1x10240x128xf32, #tpu.memory_space<hbm>>
      %dma_wait3A_117 = tpu.memref_squeeze %dma_wait3A_116 : memref<1x10240x128xf32, #tpu.memory_space<hbm>> -> memref<10240x128xf32, #tpu.memory_space<hbm>>
      %dma_wait3A_118 = arith.constant 0 : i32
      %dma_wait3A_119 = tpu.memref_slice %dma_wait3A_117[%add3A_106, %dma_wait3A_118] : memref<10240x128xf32, #tpu.memory_space<hbm>> -> memref<128x128xf32, #tpu.memory_space<hbm>>
      %dma_wait3A_120 = arith.constant 0 : i32
      %dma_wait3A_121 = tpu.memref_slice %arg10[%add3A_102, %dma_wait3A_120] : memref<10240x128xf32, #tpu.memory_space<vmem_shared>> -> memref<128x128xf32, #tpu.memory_space<vmem_shared>>
      tpu.wait_dma2 semaphore(%run_scoped3A : memref<!tpu.dma_semaphore, #tpu.memory_space<semaphore_mem>>) src(%dma_wait3A_121 : memref<128x128xf32, #tpu.memory_space<vmem_shared>>) dst(%dma_wait3A_119 : memref<128x128xf32, #tpu.memory_space<hbm>>)
      tpu.yield
    }) : () -> ()
    return
  }
}

module attributes {stable_mosaic.version = 14 : i64} {
  func.func @body(%arg0: i32, %arg1: memref<1x1000x128xf32, #tpu.memory_space<vmem>>, %arg2: memref<1x1000x128xf32, #tpu.memory_space<vmem>>, %arg3: memref<1000x128xf32, #tpu.memory_space<vmem>>, %arg4: memref<128x256xf32, #tpu.memory_space<vmem>>, %arg5: memref<1x256xf32, #tpu.memory_space<vmem>>, %arg6: memref<256x256xf32, #tpu.memory_space<vmem>>, %arg7: memref<1x256xf32, #tpu.memory_space<vmem>>, %arg8: memref<1000x2x128xf32, #tpu.memory_space<vmem>>) attributes {dimension_semantics = [#tpu.dimension_semantics<arbitrary>], iteration_bounds = array<i64: 10>, scalar_prefetch = 0 : i64, scratch_operands = 0 : i64, tpu.core_type = #tpu.core_type<tc>, window_params = [{transform_indices = @transform_0, window_bounds = array<i64: 1, 1000, 128>}, {transform_indices = @transform_1, window_bounds = array<i64: 1, 1000, 128>}, {transform_indices = @transform_2, window_bounds = array<i64: 1000, 128>}, {pipeline_mode = #tpu.pipeline_mode<synchronous>, transform_indices = @transform_3, window_bounds = array<i64: 128, 256>}, {pipeline_mode = #tpu.pipeline_mode<synchronous>, transform_indices = @transform_4, window_bounds = array<i64: 1, 256>}, {pipeline_mode = #tpu.pipeline_mode<synchronous>, transform_indices = @transform_5, window_bounds = array<i64: 256, 256>}, {pipeline_mode = #tpu.pipeline_mode<synchronous>, transform_indices = @transform_6, window_bounds = array<i64: 1, 256>}, {transform_indices = @transform_7, window_bounds = array<i64: 1000, 2, 128>}]} {
    %get3A = arith.constant 0 : index
    %get3A_0 = arith.constant 0 : index
    %get3A_1 = arith.constant 0 : index
    %get3A_2 = vector.load %arg1[%get3A, %get3A_0, %get3A_1] : memref<1x1000x128xf32, #tpu.memory_space<vmem>>, vector<1x1000x128xf32>
    %get3A_3 = vector.shape_cast %get3A_2 : vector<1x1000x128xf32> to vector<1000x128xf32>
    %get3A_4 = arith.constant 0 : index
    %get3A_5 = arith.constant 0 : index
    %get3A_6 = arith.constant 0 : index
    %get3A_7 = vector.load %arg2[%get3A_4, %get3A_5, %get3A_6] : memref<1x1000x128xf32, #tpu.memory_space<vmem>>, vector<1x1000x128xf32>
    %get3A_8 = vector.shape_cast %get3A_7 : vector<1x1000x128xf32> to vector<1000x128xf32>
    %add3A = arith.addf %get3A_3, %get3A_8 : vector<1000x128xf32>
    %get3A_9 = arith.constant 0 : index
    %get3A_10 = arith.constant 0 : index
    %get3A_11 = vector.load %arg3[%get3A_9, %get3A_10] : memref<1000x128xf32, #tpu.memory_space<vmem>>, vector<1000x128xf32>
    %add3A_12 = arith.addf %add3A, %get3A_11 : vector<1000x128xf32>
    %get3A_13 = arith.constant 0 : index
    %get3A_14 = arith.constant 0 : index
    %get3A_15 = vector.load %arg4[%get3A_13, %get3A_14] : memref<128x256xf32, #tpu.memory_space<vmem>>, vector<128x256xf32>
    %dot_general3A = arith.constant dense<0.000000e+00> : vector<1000x256xf32>
    %dot_general3A_16 = tpu.matmul %add3A_12, %get3A_15, %dot_general3A {dimension_numbers = #tpu.dot_dimension_numbers<[1], [0], [0], [1], [0, 0, 1, 1], [], []>, transpose_lhs_hint = false} : vector<1000x128xf32>, vector<128x256xf32>, vector<1000x256xf32> -> vector<1000x256xf32>
    %get3A_17 = arith.constant 0 : index
    %get3A_18 = arith.constant 0 : index
    %get3A_19 = vector.load %arg5[%get3A_17, %get3A_18] : memref<1x256xf32, #tpu.memory_space<vmem>>, vector<1x256xf32>
    %add3A_20 = vector.broadcast %get3A_19 : vector<1x256xf32> to vector<1000x256xf32>
    %add3A_21 = arith.addf %dot_general3A_16, %add3A_20 : vector<1000x256xf32>
    %max3A = arith.constant 0.000000e+00 : f32
    %max3A_22 = vector.broadcast %max3A : f32 to vector<1000x256xf32>
    %max3A_23 = arith.maximumf %add3A_21, %max3A_22 : vector<1000x256xf32>
    %get3A_24 = arith.constant 0 : index
    %get3A_25 = arith.constant 0 : index
    %get3A_26 = vector.load %arg6[%get3A_24, %get3A_25] : memref<256x256xf32, #tpu.memory_space<vmem>>, vector<256x256xf32>
    %dot_general3A_27 = arith.constant dense<0.000000e+00> : vector<1000x256xf32>
    %dot_general3A_28 = tpu.matmul %max3A_23, %get3A_26, %dot_general3A_27 {dimension_numbers = #tpu.dot_dimension_numbers<[1], [0], [0], [1], [0, 0, 1, 1], [], []>, transpose_lhs_hint = false} : vector<1000x256xf32>, vector<256x256xf32>, vector<1000x256xf32> -> vector<1000x256xf32>
    %get3A_29 = arith.constant 0 : index
    %get3A_30 = arith.constant 0 : index
    %get3A_31 = vector.load %arg7[%get3A_29, %get3A_30] : memref<1x256xf32, #tpu.memory_space<vmem>>, vector<1x256xf32>
    %add3A_32 = vector.broadcast %get3A_31 : vector<1x256xf32> to vector<1000x256xf32>
    %add3A_33 = arith.addf %dot_general3A_28, %add3A_32 : vector<1000x256xf32>
    %max3A_34 = arith.constant 0.000000e+00 : f32
    %max3A_35 = vector.broadcast %max3A_34 : f32 to vector<1000x256xf32>
    %max3A_36 = arith.maximumf %add3A_33, %max3A_35 : vector<1000x256xf32>
    %slice3A = vector.extract_strided_slice %max3A_36 {offsets = [0, 0], sizes = [1000, 128], strides = [1, 1]} : vector<1000x256xf32> to vector<1000x128xf32>
    %swap3A = arith.constant 0 : index
    %swap3A_37 = arith.constant 0 : index
    %swap3A_38 = arith.constant 0 : index
    %swap3A_39 = vector.load %arg8[%swap3A, %swap3A_37, %swap3A_38] : memref<1000x2x128xf32, #tpu.memory_space<vmem>>, vector<1000x1x128xf32>
    %swap3A_40 = vector.shape_cast %swap3A_39 : vector<1000x1x128xf32> to vector<1000x128xf32>
    %swap3A_41 = vector.shape_cast %slice3A : vector<1000x128xf32> to vector<1000x1x128xf32>
    tpu.vector_store %arg8[%swap3A, %swap3A_37, %swap3A_38], %swap3A_41 {strides = array<i32>} : memref<1000x2x128xf32, #tpu.memory_space<vmem>>, vector<1000x1x128xf32>,
    %slice3A_42 = vector.extract_strided_slice %max3A_36 {offsets = [0, 128], sizes = [1000, 128], strides = [1, 1]} : vector<1000x256xf32> to vector<1000x128xf32>
    %swap3A_43 = arith.constant 0 : index
    %swap3A_44 = arith.constant 1 : index
    %swap3A_45 = arith.constant 0 : index
    %swap3A_46 = vector.load %arg8[%swap3A_43, %swap3A_44, %swap3A_45] : memref<1000x2x128xf32, #tpu.memory_space<vmem>>, vector<1000x1x128xf32>
    %swap3A_47 = vector.shape_cast %swap3A_46 : vector<1000x1x128xf32> to vector<1000x128xf32>
    %swap3A_48 = vector.shape_cast %slice3A_42 : vector<1000x128xf32> to vector<1000x1x128xf32>
    tpu.vector_store %arg8[%swap3A_43, %swap3A_44, %swap3A_45], %swap3A_48 {strides = array<i32>} : memref<1000x2x128xf32, #tpu.memory_space<vmem>>, vector<1000x1x128xf32>,
    return
  }
  func.func @transform_0(%arg0: i32) -> (i32, i32, i32) {
    %c0_i32 = arith.constant 0 : i32
    %c0_i32_0 = arith.constant 0 : i32
    %c0_i32_1 = arith.constant 0 : i32
    return %c0_i32, %arg0, %c0_i32_0 : i32, i32, i32
  }
  func.func @transform_1(%arg0: i32) -> (i32, i32, i32) {
    %c1_i32 = arith.constant 1 : i32
    %c0_i32 = arith.constant 0 : i32
    %c0_i32_0 = arith.constant 0 : i32
    return %c1_i32, %arg0, %c0_i32 : i32, i32, i32
  }
  func.func @transform_2(%arg0: i32) -> (i32, i32) {
    %c0_i32 = arith.constant 0 : i32
    %c0_i32_0 = arith.constant 0 : i32
    return %arg0, %c0_i32 : i32, i32
  }
  func.func @transform_3(%arg0: i32) -> (i32, i32) {
    %c0_i32 = arith.constant 0 : i32
    %c0_i32_0 = arith.constant 0 : i32
    %c0_i32_1 = arith.constant 0 : i32
    return %c0_i32, %c0_i32_0 : i32, i32
  }
  func.func @transform_4(%arg0: i32) -> (i32, i32) {
    %c0_i32 = arith.constant 0 : i32
    %c0_i32_0 = arith.constant 0 : i32
    %c0_i32_1 = arith.constant 0 : i32
    return %c0_i32, %c0_i32_0 : i32, i32
  }
  func.func @transform_5(%arg0: i32) -> (i32, i32) {
    %c0_i32 = arith.constant 0 : i32
    %c0_i32_0 = arith.constant 0 : i32
    %c0_i32_1 = arith.constant 0 : i32
    return %c0_i32, %c0_i32_0 : i32, i32
  }
  func.func @transform_6(%arg0: i32) -> (i32, i32) {
    %c0_i32 = arith.constant 0 : i32
    %c0_i32_0 = arith.constant 0 : i32
    %c0_i32_1 = arith.constant 0 : i32
    return %c0_i32, %c0_i32_0 : i32, i32
  }
  func.func @transform_7(%arg0: i32) -> (i32, i32, i32) {
    %c0_i32 = arith.constant 0 : i32
    %c0_i32_0 = arith.constant 0 : i32
    %c0_i32_1 = arith.constant 0 : i32
    return %arg0, %c0_i32, %c0_i32_0 : i32, i32, i32
  }
}

module attributes {stable_mosaic.version = 14 : i64} {
  func.func @body(%arg0: i32, %arg1: memref<1x1000x128xf32, #tpu.memory_space<vmem>>, %arg2: memref<1x1000x128xf32, #tpu.memory_space<vmem>>, %arg3: memref<1000x2x128xf32, #tpu.memory_space<vmem>>, %arg4: memref<256x256xf32, #tpu.memory_space<vmem>>, %arg5: memref<1x256xf32, #tpu.memory_space<vmem>>, %arg6: memref<256x256xf32, #tpu.memory_space<vmem>>, %arg7: memref<1x256xf32, #tpu.memory_space<vmem>>, %arg8: memref<1000x2x128xf32, #tpu.memory_space<vmem>>) attributes {dimension_semantics = [#tpu.dimension_semantics<arbitrary>], iteration_bounds = array<i64: 10>, scalar_prefetch = 0 : i64, scratch_operands = 0 : i64, tpu.core_type = #tpu.core_type<tc>, window_params = [{transform_indices = @transform_0, window_bounds = array<i64: 1, 1000, 128>}, {transform_indices = @transform_1, window_bounds = array<i64: 1, 1000, 128>}, {transform_indices = @transform_2, window_bounds = array<i64: 1000, 2, 128>}, {pipeline_mode = #tpu.pipeline_mode<synchronous>, transform_indices = @transform_3, window_bounds = array<i64: 256, 256>}, {pipeline_mode = #tpu.pipeline_mode<synchronous>, transform_indices = @transform_4, window_bounds = array<i64: 1, 256>}, {pipeline_mode = #tpu.pipeline_mode<synchronous>, transform_indices = @transform_5, window_bounds = array<i64: 256, 256>}, {pipeline_mode = #tpu.pipeline_mode<synchronous>, transform_indices = @transform_6, window_bounds = array<i64: 1, 256>}, {transform_indices = @transform_7, window_bounds = array<i64: 1000, 2, 128>}]} {
    %get3A = arith.constant 0 : index
    %get3A_0 = arith.constant 0 : index
    %get3A_1 = arith.constant 0 : index
    %get3A_2 = vector.load %arg1[%get3A, %get3A_0, %get3A_1] : memref<1x1000x128xf32, #tpu.memory_space<vmem>>, vector<1x1000x128xf32>
    %get3A_3 = vector.shape_cast %get3A_2 : vector<1x1000x128xf32> to vector<1000x128xf32>
    %get3A_4 = arith.constant 0 : index
    %get3A_5 = arith.constant 0 : index
    %get3A_6 = arith.constant 0 : index
    %get3A_7 = vector.load %arg2[%get3A_4, %get3A_5, %get3A_6] : memref<1x1000x128xf32, #tpu.memory_space<vmem>>, vector<1x1000x128xf32>
    %get3A_8 = vector.shape_cast %get3A_7 : vector<1x1000x128xf32> to vector<1000x128xf32>
    %concatenate3A = tpu.concatenate %get3A_3, %get3A_8 in 1 : vector<1000x128xf32>, vector<1000x128xf32> -> vector<1000x256xf32>
    %get3A_9 = arith.constant 0 : index
    %get3A_10 = arith.constant 0 : index
    %get3A_11 = arith.constant 0 : index
    %get3A_12 = vector.load %arg3[%get3A_9, %get3A_10, %get3A_11] : memref<1000x2x128xf32, #tpu.memory_space<vmem>>, vector<1000x1x128xf32>
    %get3A_13 = vector.shape_cast %get3A_12 : vector<1000x1x128xf32> to vector<1000x128xf32>
    %get3A_14 = arith.constant 0 : index
    %get3A_15 = arith.constant 1 : index
    %get3A_16 = arith.constant 0 : index
    %get3A_17 = vector.load %arg3[%get3A_14, %get3A_15, %get3A_16] : memref<1000x2x128xf32, #tpu.memory_space<vmem>>, vector<1000x1x128xf32>
    %get3A_18 = vector.shape_cast %get3A_17 : vector<1000x1x128xf32> to vector<1000x128xf32>
    %concatenate3A_19 = tpu.concatenate %get3A_13, %get3A_18 in 1 : vector<1000x128xf32>, vector<1000x128xf32> -> vector<1000x256xf32>
    %add3A = arith.addf %concatenate3A, %concatenate3A_19 : vector<1000x256xf32>
    %get3A_20 = arith.constant 0 : index
    %get3A_21 = arith.constant 0 : index
    %get3A_22 = vector.load %arg4[%get3A_20, %get3A_21] : memref<256x256xf32, #tpu.memory_space<vmem>>, vector<256x256xf32>
    %dot_general3A = arith.constant dense<0.000000e+00> : vector<1000x256xf32>
    %dot_general3A_23 = tpu.matmul %add3A, %get3A_22, %dot_general3A {dimension_numbers = #tpu.dot_dimension_numbers<[1], [0], [0], [1], [0, 0, 1, 1], [], []>, transpose_lhs_hint = false} : vector<1000x256xf32>, vector<256x256xf32>, vector<1000x256xf32> -> vector<1000x256xf32>
    %get3A_24 = arith.constant 0 : index
    %get3A_25 = arith.constant 0 : index
    %get3A_26 = vector.load %arg5[%get3A_24, %get3A_25] : memref<1x256xf32, #tpu.memory_space<vmem>>, vector<1x256xf32>
    %add3A_27 = vector.broadcast %get3A_26 : vector<1x256xf32> to vector<1000x256xf32>
    %add3A_28 = arith.addf %dot_general3A_23, %add3A_27 : vector<1000x256xf32>
    %max3A = arith.constant 0.000000e+00 : f32
    %max3A_29 = vector.broadcast %max3A : f32 to vector<1000x256xf32>
    %max3A_30 = arith.maximumf %add3A_28, %max3A_29 : vector<1000x256xf32>
    %get3A_31 = arith.constant 0 : index
    %get3A_32 = arith.constant 0 : index
    %get3A_33 = vector.load %arg6[%get3A_31, %get3A_32] : memref<256x256xf32, #tpu.memory_space<vmem>>, vector<256x256xf32>
    %dot_general3A_34 = arith.constant dense<0.000000e+00> : vector<1000x256xf32>
    %dot_general3A_35 = tpu.matmul %max3A_30, %get3A_33, %dot_general3A_34 {dimension_numbers = #tpu.dot_dimension_numbers<[1], [0], [0], [1], [0, 0, 1, 1], [], []>, transpose_lhs_hint = false} : vector<1000x256xf32>, vector<256x256xf32>, vector<1000x256xf32> -> vector<1000x256xf32>
    %get3A_36 = arith.constant 0 : index
    %get3A_37 = arith.constant 0 : index
    %get3A_38 = vector.load %arg7[%get3A_36, %get3A_37] : memref<1x256xf32, #tpu.memory_space<vmem>>, vector<1x256xf32>
    %add3A_39 = vector.broadcast %get3A_38 : vector<1x256xf32> to vector<1000x256xf32>
    %add3A_40 = arith.addf %dot_general3A_35, %add3A_39 : vector<1000x256xf32>
    %max3A_41 = arith.constant 0.000000e+00 : f32
    %max3A_42 = vector.broadcast %max3A_41 : f32 to vector<1000x256xf32>
    %max3A_43 = arith.maximumf %add3A_40, %max3A_42 : vector<1000x256xf32>
    %slice3A = vector.extract_strided_slice %max3A_43 {offsets = [0, 0], sizes = [1000, 128], strides = [1, 1]} : vector<1000x256xf32> to vector<1000x128xf32>
    %swap3A = arith.constant 0 : index
    %swap3A_44 = arith.constant 0 : index
    %swap3A_45 = arith.constant 0 : index
    %swap3A_46 = vector.load %arg8[%swap3A, %swap3A_44, %swap3A_45] : memref<1000x2x128xf32, #tpu.memory_space<vmem>>, vector<1000x1x128xf32>
    %swap3A_47 = vector.shape_cast %swap3A_46 : vector<1000x1x128xf32> to vector<1000x128xf32>
    %swap3A_48 = vector.shape_cast %slice3A : vector<1000x128xf32> to vector<1000x1x128xf32>
    tpu.vector_store %arg8[%swap3A, %swap3A_44, %swap3A_45], %swap3A_48 {strides = array<i32>} : memref<1000x2x128xf32, #tpu.memory_space<vmem>>, vector<1000x1x128xf32>,
    %slice3A_49 = vector.extract_strided_slice %max3A_43 {offsets = [0, 128], sizes = [1000, 128], strides = [1, 1]} : vector<1000x256xf32> to vector<1000x128xf32>
    %swap3A_50 = arith.constant 0 : index
    %swap3A_51 = arith.constant 1 : index
    %swap3A_52 = arith.constant 0 : index
    %swap3A_53 = vector.load %arg8[%swap3A_50, %swap3A_51, %swap3A_52] : memref<1000x2x128xf32, #tpu.memory_space<vmem>>, vector<1000x1x128xf32>
    %swap3A_54 = vector.shape_cast %swap3A_53 : vector<1000x1x128xf32> to vector<1000x128xf32>
    %swap3A_55 = vector.shape_cast %slice3A_49 : vector<1000x128xf32> to vector<1000x1x128xf32>
    tpu.vector_store %arg8[%swap3A_50, %swap3A_51, %swap3A_52], %swap3A_55 {strides = array<i32>} : memref<1000x2x128xf32, #tpu.memory_space<vmem>>, vector<1000x1x128xf32>,
    return
  }
  func.func @transform_0(%arg0: i32) -> (i32, i32, i32) {
    %c0_i32 = arith.constant 0 : i32
    %c0_i32_0 = arith.constant 0 : i32
    %c0_i32_1 = arith.constant 0 : i32
    return %c0_i32, %arg0, %c0_i32_0 : i32, i32, i32
  }
  func.func @transform_1(%arg0: i32) -> (i32, i32, i32) {
    %c1_i32 = arith.constant 1 : i32
    %c0_i32 = arith.constant 0 : i32
    %c0_i32_0 = arith.constant 0 : i32
    return %c1_i32, %arg0, %c0_i32 : i32, i32, i32
  }
  func.func @transform_2(%arg0: i32) -> (i32, i32, i32) {
    %c0_i32 = arith.constant 0 : i32
    %c0_i32_0 = arith.constant 0 : i32
    %c0_i32_1 = arith.constant 0 : i32
    return %arg0, %c0_i32, %c0_i32_0 : i32, i32, i32
  }
  func.func @transform_3(%arg0: i32) -> (i32, i32) {
    %c0_i32 = arith.constant 0 : i32
    %c0_i32_0 = arith.constant 0 : i32
    %c0_i32_1 = arith.constant 0 : i32
    return %c0_i32, %c0_i32_0 : i32, i32
  }
  func.func @transform_4(%arg0: i32) -> (i32, i32) {
    %c0_i32 = arith.constant 0 : i32
    %c0_i32_0 = arith.constant 0 : i32
    %c0_i32_1 = arith.constant 0 : i32
    return %c0_i32, %c0_i32_0 : i32, i32
  }
  func.func @transform_5(%arg0: i32) -> (i32, i32) {
    %c0_i32 = arith.constant 0 : i32
    %c0_i32_0 = arith.constant 0 : i32
    %c0_i32_1 = arith.constant 0 : i32
    return %c0_i32, %c0_i32_0 : i32, i32
  }
  func.func @transform_6(%arg0: i32) -> (i32, i32) {
    %c0_i32 = arith.constant 0 : i32
    %c0_i32_0 = arith.constant 0 : i32
    %c0_i32_1 = arith.constant 0 : i32
    return %c0_i32, %c0_i32_0 : i32, i32
  }
  func.func @transform_7(%arg0: i32) -> (i32, i32, i32) {
    %c0_i32 = arith.constant 0 : i32
    %c0_i32_0 = arith.constant 0 : i32
    %c0_i32_1 = arith.constant 0 : i32
    return %arg0, %c0_i32, %c0_i32_0 : i32, i32, i32
  }
}

module attributes {stable_mosaic.version = 14 : i64} {
  func.func @body(%arg0: i32, %arg1: memref<1x1000x128xf32, #tpu.memory_space<vmem>>, %arg2: memref<1x1000x128xf32, #tpu.memory_space<vmem>>, %arg3: memref<1000x2x128xf32, #tpu.memory_space<vmem>>, %arg4: memref<256x128xf32, #tpu.memory_space<vmem>>, %arg5: memref<1x128xf32, #tpu.memory_space<vmem>>, %arg6: memref<128x128xf32, #tpu.memory_space<vmem>>, %arg7: memref<1x128xf32, #tpu.memory_space<vmem>>, %arg8: memref<1x1x1000xi32, #tpu.memory_space<vmem>>, %arg9: memref<1000x128xf32, #tpu.memory_space<vmem>>, %arg10: memref<64x128xf32, #tpu.memory_space<vmem>>) attributes {dimension_semantics = [#tpu.dimension_semantics<arbitrary>], iteration_bounds = array<i64: 10>, scalar_prefetch = 0 : i64, scratch_operands = 0 : i64, tpu.core_type = #tpu.core_type<tc>, window_params = [{transform_indices = @transform_0, window_bounds = array<i64: 1, 1000, 128>}, {transform_indices = @transform_1, window_bounds = array<i64: 1, 1000, 128>}, {transform_indices = @transform_2, window_bounds = array<i64: 1000, 2, 128>}, {pipeline_mode = #tpu.pipeline_mode<synchronous>, transform_indices = @transform_3, window_bounds = array<i64: 256, 128>}, {pipeline_mode = #tpu.pipeline_mode<synchronous>, transform_indices = @transform_4, window_bounds = array<i64: 1, 128>}, {pipeline_mode = #tpu.pipeline_mode<synchronous>, transform_indices = @transform_5, window_bounds = array<i64: 128, 128>}, {pipeline_mode = #tpu.pipeline_mode<synchronous>, transform_indices = @transform_6, window_bounds = array<i64: 1, 128>}, {transform_indices = @transform_7, window_bounds = array<i64: 1, 1, 1000>}, {transform_indices = @transform_8, window_bounds = array<i64: 1000, 128>}, {pipeline_mode = #tpu.pipeline_mode<synchronous>, transform_indices = @transform_9, window_bounds = array<i64: 64, 128>}]} {
    %get3A = arith.constant 0 : index
    %get3A_0 = arith.constant 0 : index
    %get3A_1 = arith.constant 0 : index
    %get3A_2 = vector.load %arg1[%get3A, %get3A_0, %get3A_1] : memref<1x1000x128xf32, #tpu.memory_space<vmem>>, vector<1x1000x128xf32>
    %get3A_3 = vector.shape_cast %get3A_2 : vector<1x1000x128xf32> to vector<1000x128xf32>
    %get3A_4 = arith.constant 0 : index
    %get3A_5 = arith.constant 0 : index
    %get3A_6 = arith.constant 0 : index
    %get3A_7 = vector.load %arg2[%get3A_4, %get3A_5, %get3A_6] : memref<1x1000x128xf32, #tpu.memory_space<vmem>>, vector<1x1000x128xf32>
    %get3A_8 = vector.shape_cast %get3A_7 : vector<1x1000x128xf32> to vector<1000x128xf32>
    %concatenate3A = tpu.concatenate %get3A_3, %get3A_8 in 1 : vector<1000x128xf32>, vector<1000x128xf32> -> vector<1000x256xf32>
    %get3A_9 = arith.constant 0 : index
    %get3A_10 = arith.constant 0 : index
    %get3A_11 = arith.constant 0 : index
    %get3A_12 = vector.load %arg3[%get3A_9, %get3A_10, %get3A_11] : memref<1000x2x128xf32, #tpu.memory_space<vmem>>, vector<1000x1x128xf32>
    %get3A_13 = vector.shape_cast %get3A_12 : vector<1000x1x128xf32> to vector<1000x128xf32>
    %get3A_14 = arith.constant 0 : index
    %get3A_15 = arith.constant 1 : index
    %get3A_16 = arith.constant 0 : index
    %get3A_17 = vector.load %arg3[%get3A_14, %get3A_15, %get3A_16] : memref<1000x2x128xf32, #tpu.memory_space<vmem>>, vector<1000x1x128xf32>
    %get3A_18 = vector.shape_cast %get3A_17 : vector<1000x1x128xf32> to vector<1000x128xf32>
    %concatenate3A_19 = tpu.concatenate %get3A_13, %get3A_18 in 1 : vector<1000x128xf32>, vector<1000x128xf32> -> vector<1000x256xf32>
    %add3A = arith.addf %concatenate3A, %concatenate3A_19 : vector<1000x256xf32>
    %get3A_20 = arith.constant 0 : index
    %get3A_21 = arith.constant 0 : index
    %get3A_22 = vector.load %arg4[%get3A_20, %get3A_21] : memref<256x128xf32, #tpu.memory_space<vmem>>, vector<256x128xf32>
    %dot_general3A = arith.constant dense<0.000000e+00> : vector<1000x128xf32>
    %dot_general3A_23 = tpu.matmul %add3A, %get3A_22, %dot_general3A {dimension_numbers = #tpu.dot_dimension_numbers<[1], [0], [0], [1], [0, 0, 1, 1], [], []>, transpose_lhs_hint = false} : vector<1000x256xf32>, vector<256x128xf32>, vector<1000x128xf32> -> vector<1000x128xf32>
    %get3A_24 = arith.constant 0 : index
    %get3A_25 = arith.constant 0 : index
    %get3A_26 = vector.load %arg5[%get3A_24, %get3A_25] : memref<1x128xf32, #tpu.memory_space<vmem>>, vector<1x128xf32>
    %add3A_27 = vector.broadcast %get3A_26 : vector<1x128xf32> to vector<1000x128xf32>
    %add3A_28 = arith.addf %dot_general3A_23, %add3A_27 : vector<1000x128xf32>
    %max3A = arith.constant 0.000000e+00 : f32
    %max3A_29 = vector.broadcast %max3A : f32 to vector<1000x128xf32>
    %max3A_30 = arith.maximumf %add3A_28, %max3A_29 : vector<1000x128xf32>
    %get3A_31 = arith.constant 0 : index
    %get3A_32 = arith.constant 0 : index
    %get3A_33 = vector.load %arg6[%get3A_31, %get3A_32] : memref<128x128xf32, #tpu.memory_space<vmem>>, vector<128x128xf32>
    %dot_general3A_34 = arith.constant dense<0.000000e+00> : vector<1000x128xf32>
    %dot_general3A_35 = tpu.matmul %max3A_30, %get3A_33, %dot_general3A_34 {dimension_numbers = #tpu.dot_dimension_numbers<[1], [0], [0], [1], [0, 0, 1, 1], [], []>, transpose_lhs_hint = false} : vector<1000x128xf32>, vector<128x128xf32>, vector<1000x128xf32> -> vector<1000x128xf32>
    %get3A_36 = arith.constant 0 : index
    %get3A_37 = arith.constant 0 : index
    %get3A_38 = vector.load %arg7[%get3A_36, %get3A_37] : memref<1x128xf32, #tpu.memory_space<vmem>>, vector<1x128xf32>
    %add3A_39 = vector.broadcast %get3A_38 : vector<1x128xf32> to vector<1000x128xf32>
    %add3A_40 = arith.addf %dot_general3A_35, %add3A_39 : vector<1000x128xf32>
    %max3A_41 = arith.constant 0.000000e+00 : f32
    %max3A_42 = vector.broadcast %max3A_41 : f32 to vector<1000x128xf32>
    %max3A_43 = arith.maximumf %add3A_40, %max3A_42 : vector<1000x128xf32>
    %swap3A = arith.constant 0 : index
    %swap3A_44 = arith.constant 0 : index
    %swap3A_45 = vector.load %arg9[%swap3A, %swap3A_44] : memref<1000x128xf32, #tpu.memory_space<vmem>>, vector<1000x128xf32>
    tpu.vector_store %arg9[%swap3A, %swap3A_44], %max3A_43 {strides = array<i32>} : memref<1000x128xf32, #tpu.memory_space<vmem>>, vector<1000x128xf32>,
    %iota3A = tpu.iota {dimensions = array<i32: 0>} : vector<64x1000xi32>
    %get3A_46 = arith.constant 0 : index
    %get3A_47 = arith.constant 0 : index
    %get3A_48 = arith.constant 0 : index
    %get3A_49 = vector.load %arg8[%get3A_46, %get3A_47, %get3A_48] : memref<1x1x1000xi32, #tpu.memory_space<vmem>>, vector<1x1x1000xi32>
    %get3A_50 = vector.shape_cast %get3A_49 : vector<1x1x1000xi32> to vector<1x1000xi32>
    %eq3A = vector.broadcast %get3A_50 : vector<1x1000xi32> to vector<64x1000xi32>
    %eq3A_51 = arith.cmpi eq, %eq3A, %iota3A : vector<64x1000xi32>
    %convert_element_type3A = arith.extui %eq3A_51 : vector<64x1000xi1> to vector<64x1000xi32>
    %convert_element_type3A_52 = arith.sitofp %convert_element_type3A : vector<64x1000xi32> to vector<64x1000xf32>
    %dot_general3A_53 = arith.constant dense<0.000000e+00> : vector<64x128xf32>
    %dot_general3A_54 = tpu.matmul %convert_element_type3A_52, %max3A_43, %dot_general3A_53 {dimension_numbers = #tpu.dot_dimension_numbers<[1], [0], [0], [1], [0, 0, 1, 1], [], []>, transpose_lhs_hint = false} : vector<64x1000xf32>, vector<1000x128xf32>, vector<64x128xf32> -> vector<64x128xf32>
    %eq3A_55 = arith.constant 0 : i32
    %eq3A_56 = arith.cmpi eq, %arg0, %eq3A_55 : i32
    %convert_element_type3A_57 = arith.extui %eq3A_56 : i1 to i32
    %cond3A = arith.constant 0 : i32
    %cond3A_58 = arith.cmpi ne, %convert_element_type3A_57, %cond3A : i32
    scf.if %cond3A_58 {
      %swap3A_63 = arith.constant 0 : index
      %swap3A_64 = arith.constant 0 : index
      %swap3A_65 = vector.load %arg10[%swap3A_63, %swap3A_64] : memref<64x128xf32, #tpu.memory_space<vmem>>, vector<64x128xf32>
      tpu.vector_store %arg10[%swap3A_63, %swap3A_64], %dot_general3A_54 {strides = array<i32>} : memref<64x128xf32, #tpu.memory_space<vmem>>, vector<64x128xf32>,
    } else {
    }
    %gt3A = arith.constant 0 : i32
    %gt3A_59 = arith.cmpi sgt, %arg0, %gt3A : i32
    %convert_element_type3A_60 = arith.extui %gt3A_59 : i1 to i32
    %cond3A_61 = arith.constant 0 : i32
    %cond3A_62 = arith.cmpi ne, %convert_element_type3A_60, %cond3A_61 : i32
    scf.if %cond3A_62 {
      %get3A_63 = arith.constant 0 : index
      %get3A_64 = arith.constant 0 : index
      %get3A_65 = vector.load %arg10[%get3A_63, %get3A_64] : memref<64x128xf32, #tpu.memory_space<vmem>>, vector<64x128xf32>
      %add3A_66 = arith.addf %get3A_65, %dot_general3A_54 : vector<64x128xf32>
      %swap3A_67 = arith.constant 0 : index
      %swap3A_68 = arith.constant 0 : index
      %swap3A_69 = vector.load %arg10[%swap3A_67, %swap3A_68] : memref<64x128xf32, #tpu.memory_space<vmem>>, vector<64x128xf32>
      tpu.vector_store %arg10[%swap3A_67, %swap3A_68], %add3A_66 {strides = array<i32>} : memref<64x128xf32, #tpu.memory_space<vmem>>, vector<64x128xf32>,
    } else {
    }
    return
  }
  func.func @transform_0(%arg0: i32) -> (i32, i32, i32) {
    %c0_i32 = arith.constant 0 : i32
    %c0_i32_0 = arith.constant 0 : i32
    %c0_i32_1 = arith.constant 0 : i32
    return %c0_i32, %arg0, %c0_i32_0 : i32, i32, i32
  }
  func.func @transform_1(%arg0: i32) -> (i32, i32, i32) {
    %c1_i32 = arith.constant 1 : i32
    %c0_i32 = arith.constant 0 : i32
    %c0_i32_0 = arith.constant 0 : i32
    return %c1_i32, %arg0, %c0_i32 : i32, i32, i32
  }
  func.func @transform_2(%arg0: i32) -> (i32, i32, i32) {
    %c0_i32 = arith.constant 0 : i32
    %c0_i32_0 = arith.constant 0 : i32
    %c0_i32_1 = arith.constant 0 : i32
    return %arg0, %c0_i32, %c0_i32_0 : i32, i32, i32
  }
  func.func @transform_3(%arg0: i32) -> (i32, i32) {
    %c0_i32 = arith.constant 0 : i32
    %c0_i32_0 = arith.constant 0 : i32
    %c0_i32_1 = arith.constant 0 : i32
    return %c0_i32, %c0_i32_0 : i32, i32
  }
  func.func @transform_4(%arg0: i32) -> (i32, i32) {
    %c0_i32 = arith.constant 0 : i32
    %c0_i32_0 = arith.constant 0 : i32
    %c0_i32_1 = arith.constant 0 : i32
    return %c0_i32, %c0_i32_0 : i32, i32
  }
  func.func @transform_5(%arg0: i32) -> (i32, i32) {
    %c0_i32 = arith.constant 0 : i32
    %c0_i32_0 = arith.constant 0 : i32
    %c0_i32_1 = arith.constant 0 : i32
    return %c0_i32, %c0_i32_0 : i32, i32
  }
  func.func @transform_6(%arg0: i32) -> (i32, i32) {
    %c0_i32 = arith.constant 0 : i32
    %c0_i32_0 = arith.constant 0 : i32
    %c0_i32_1 = arith.constant 0 : i32
    return %c0_i32, %c0_i32_0 : i32, i32
  }
  func.func @transform_7(%arg0: i32) -> (i32, i32, i32) {
    %c0_i32 = arith.constant 0 : i32
    %c0_i32_0 = arith.constant 0 : i32
    %c0_i32_1 = arith.constant 0 : i32
    return %arg0, %c0_i32, %c0_i32_0 : i32, i32, i32
  }
  func.func @transform_8(%arg0: i32) -> (i32, i32) {
    %c0_i32 = arith.constant 0 : i32
    %c0_i32_0 = arith.constant 0 : i32
    return %arg0, %c0_i32 : i32, i32
  }
  func.func @transform_9(%arg0: i32) -> (i32, i32) {
    %c0_i32 = arith.constant 0 : i32
    %c0_i32_0 = arith.constant 0 : i32
    %c0_i32_1 = arith.constant 0 : i32
    return %c0_i32, %c0_i32_0 : i32, i32
  }
}

</mosaic_0001>

<sc_bundles>
// kernel: kernel.11.cloned.1.call-start
scs
__scs_entry_jumppad:
0x0: {  	(pc) =	sbr.rel $0x88, $3  }
0x1: {  	(tag) =	ssettag $0x0;
	lr =	simm.s32 $0x1  }
0x2: {  	[smem:$0x3F92] =	sst lr;
	_ =	strace $0xD0000000  }
0x3: {  	_ = 	snop  }
0x4: {  	_ = 	snop  }
0x5: {  	_ = 	snop  }
0x6: {  	_ = 	snop  }
0x7: {  	_ = 	snop  }
__scs_overlays_trampoline_lowered:
0x8: {  	[smem:$0x3FA1] =	sst s0  }
0x9: {  	[smem:$0x3FA2] =	sst s1  }
0xa: {  	[smem:$0x3FA3] =	sst s2  }
0xb: {  	[smem:$0x3FA4] =	sst s3  }
0xc: {  	[smem:$0x3FA5] =	sst s4  }
0xd: {  	[smem:$0x3FA6] =	sst s5  }
0xe: {  	[smem:$0x3FA7] =	sst s6  }
0xf: {  	[smem:$0x3FA8] =	sst s7  }
0x10: {  	[smem:$0x3FA9] =	sst s8  }
0x11: {  	[smem:$0x3FAA] =	sst s9;
	s0 =	simm.s32 @!p0 $0x0  }
0x12: {  	s1 =	sld [smem:$0x3F90];
	s0 =	simm.s32 @p0 $0x1  }
0x13: {  	[smem:$0x3FAB] =	sst s0;
	s0 =	simm.s32 @!p1 $0x0  }
0x14: {  	s2 =	sld [smem:$0x3F8F];
	s0 =	simm.s32 @p1 $0x1  }
0x15: {  	[smem:$0x3FAC] =	sst s0;
	s0 =	simm.s32 @!p2 $0x0  }
0x16: {  	s3 =	sld [smem:$0x3FDB];
	s0 =	simm.s32 @p2 $0x1  }
0x17: {  	s4 =	simm.s32 $0x1BF5;
	[smem:$0x3FAE] =	sst s0  }
0x18: {  	s0 =	sld [smem:$0x3F91];
	_ =	swait.ge [sflag:s4], $0x0  }
0x19: {  	s7 =	sld [smem:$0x3F92]  }
0x1a: {  	s8 =	sadd.s32 $0xFFFFE003, lr  }
0x1b: {  	s9 =	sadd.s32 $0xFFFFFEF7, lr;
	s5 =	simm.s32 $0xFFFFFFFF;
	p2 =	slt.u32 s8, $0xFFFFF086  }
0x1c: {  	p1 =	slt.u32 s9, $0xF7A;
	s5 =	simm.s32 @!p2 $0x0  }
0x1d: {  	s5 =	simm.s32 @p1 $0x1;
	p0 =	seq.s32 s7, s2  }
0x1e: {  	s7 =	smul.u32 @!p0 $0xF7A, s2;
	p2 =	seq.s32 @!p0 s5, $0x0  }
0x1f: {  	s9 =	smul.u32 $0xF7A, s1;
	s8 =	simm.s32 @!p0 $0x1BF5;
	p2 =	por !p2, p0  }
0x20: {  	[sflag:s8] =	ssyncset.s32 @!p0 $0xFFFFF086;
	s6 =	sadd.s32 @!p0 s3, s7;
	s7 =	simm.s32 @!p0 $0x108  }
0x21: {  	s3 =	sadd.s32 s3, s9;
	s6 =	sadd.s32 @!p0 $0x88, s6;
	s7 =	simm.s32 @p2 $0x1082  }
0x22: {  	[simem:s7], [sflag:s8] =	dma.local @!p0 [hbm:s6], $0xF7A  }
0x23: {  	s9 =	sor.u32 $0xD0000000, s2;
	s6 =	simm.s32 $0x108;
	_ =	swait.ge @!p0 [sflag:s8], $0x0  }
0x24: {  	s3 =	sadd.s32 $0x88, s3;
	s6 =	simm.s32 @!p1 $0x1082;
	[sflag:s4] =	ssyncset.s32 $0xFFFFF086  }
0x25: {  	[simem:s6], [sflag:s4] =	dma.local [hbm:s3], $0xF7A  }
0x26: {  	[smem:$0x3F92] =	sst s1;
	(tag) =	ssettag s2;
	_ =	strace s9  }
0x27: {  	s1 =	sld [smem:$0x3FA2]  }
0x28: {  	s2 =	sld [smem:$0x3FA3]  }
0x29: {  	s4 =	sld [smem:$0x3FA5]  }
0x2a: {  	p0 =	seq.s32 s5, $0x0;
	s5 =	sld [smem:$0x3FA6]  }
0x2b: {  	s6 =	sld [smem:$0x3FA7]  }
0x2c: {  	s7 =	sld [smem:$0x3FA8]  }
0x2d: {  	s3 =	simm.s32 $0x108;
	s8 =	sld [smem:$0x3FA9]  }
0x2e: {  	s3 =	simm.s32 @!p0 $0x1082;
	s9 =	sld [smem:$0x3FAA]  }
0x2f: {  	lr =	sadd.s32 s0, s3;
	s0 =	sld [smem:$0x3FA1]  }
0x30: {  	s3 =	sld [smem:$0x3FA4]  }
0x31: {  	[smem:$0x3FAD] =	sst s10  }
0x32: {  	s10 =	sld [smem:$0x3FAB];
	_ =	sdelay $0x3  }
0x33: {  	p0 =	seq.s32 s10, $0x1;
	s10 =	sld [smem:$0x3FAD];
	_ =	sdelay $0x3  }
0x34: {  	[smem:$0x3FAD] =	sst s10  }
0x35: {  	s10 =	sld [smem:$0x3FAC];
	_ =	sdelay $0x3  }
0x36: {  	p1 =	seq.s32 s10, $0x1;
	s10 =	sld [smem:$0x3FAD];
	_ =	sdelay $0x3  }
0x37: {  	[smem:$0x3FAD] =	sst s10  }
0x38: {  	s10 =	sld [smem:$0x3FAE]  }
0x39: {  	_ = 	snop;
	(pc) =	sbr.ind lr, $3  }
0x3a: {  	_ = 	snop  }
0x3b: {  	_ = 	snop  }
0x3c: {  	p2 =	seq.s32 s10, $0x1;
	s10 =	sld [smem:$0x3FAD]  }
0x3d: {  	_ =	shalt  }
0x3e: {  	_ =	shalt  }
0x3f: {  	_ =	shalt  }
0x40: {  	_ =	shalt  }
0x41: {  	_ =	shalt  }
0x42: {  	_ =	shalt  }
0x43: {  	_ =	shalt  }
0x44: {  	_ =	shalt  }
0x45: {  	_ =	shalt  }
0x46: {  	_ =	shalt  }
0x47: {  	_ =	shalt  }
0x48: {  	_ =	shalt  }
0x49: {  	_ =	shalt  }
0x4a: {  	_ =	shalt  }
0x4b: {  	_ =	shalt  }
0x4c: {  	_ =	shalt  }
0x4d: {  	_ =	shalt  }
0x4e: {  	_ =	shalt  }
0x4f: {  	_ =	shalt  }
0x50: {  	_ =	shalt  }
0x51: {  	_ =	shalt  }
0x52: {  	_ =	shalt  }
0x53: {  	_ =	shalt  }
0x54: {  	_ =	shalt  }
0x55: {  	_ =	shalt  }
0x56: {  	_ =	shalt  }
0x57: {  	_ =	shalt  }
0x58: {  	_ =	shalt  }
0x59: {  	_ =	shalt  }
0x5a: {  	_ =	shalt  }
0x5b: {  	_ =	shalt  }
0x5c: {  	_ =	shalt  }
0x5d: {  	_ =	shalt  }
0x5e: {  	_ =	shalt  }
0x5f: {  	_ =	shalt  }
0x60: {  	_ =	shalt  }
0x61: {  	_ =	shalt  }
0x62: {  	_ =	shalt  }
0x63: {  	_ =	shalt  }
0x64: {  	_ =	shalt  }
0x65: {  	_ =	shalt  }
0x66: {  	_ =	shalt  }
0x67: {  	_ =	shalt  }
0x68: {  	_ =	shalt  }
0x69: {  	_ =	shalt  }
0x6a: {  	_ =	shalt  }
0x6b: {  	_ =	shalt  }
0x6c: {  	_ =	shalt  }
0x6d: {  	_ =	shalt  }
0x6e: {  	_ =	shalt  }
0x6f: {  	_ =	shalt  }
0x70: {  	_ =	shalt  }
0x71: {  	_ =	shalt  }
0x72: {  	_ =	shalt  }
0x73: {  	_ =	shalt  }
0x74: {  	_ =	shalt  }
0x75: {  	_ =	shalt  }
0x76: {  	_ =	shalt  }
0x77: {  	_ =	shalt  }
0x78: {  	_ =	shalt  }
0x79: {  	_ =	shalt  }
0x7a: {  	_ =	shalt  }
0x7b: {  	_ =	shalt  }
0x7c: {  	_ =	shalt  }
0x7d: {  	_ =	shalt  }
0x7e: {  	_ =	shalt  }
0x7f: {  	_ =	shalt  }
0x80: {  	_ =	shalt  }
0x81: {  	_ =	shalt  }
0x82: {  	_ =	shalt  }
0x83: {  	_ =	shalt  }
0x84: {  	_ =	shalt  }
0x85: {  	_ =	shalt  }
0x86: {  	_ =	shalt  }
0x87: {  	_ =	shalt  }
.Lfunc_end0:
.L_simem_size_0:
called_computation.1_lowered:
.L_overlay_start_0:
0x88: {  	s2 =	sld [smem:$0x3FD9]  }
0x89: {  	s3 =	sld [smem:$0x3FFE];
	_ =	sdelay $0x1  }
0x8a: {  	s1 =	srdreg.scid  }
0x8b: {  	s0 =	sand.u32 $0x1, s1  }
0x8c: {  	s14 =	sshll.u32 s0, $0xA;
	s2 =	sadd.s32 s3, s2  }
0x8d: {  	s2 =	sadd.s32 s2, s14  }
0x8e: {  	[smem:$0x3FB9] =	sst s2  }
0x8f: {  	_ = 	snop  }
0x90: {  	s2 =	sld [smem:$0x3FD0];
	_ =	sdelay $0x2  }
0x91: {  	s15 =	simm.s32 $0xA;
	s4 =	simm.s32 $0x10  }
0x92: {  	[smem:s4], [sflag:s15] =	dma.local [hbm:s2], $0x1  }
0x93: {  	_ =	swait.eq [sflag:s15], $0x1  }
0x94: {  	[sflag:s15] =	ssyncset.done $0x0  }
0x95: {  	[sflag:s15] =	ssyncadd.s32 $0xFFFFFFFF  }
0x96: {  	s16 =	sld [smem:$0x11];
	(tm) =	ssettm $0x1  }
0x97: {  	s17 =	sld [smem:$0x3FFB];
	_ =	sdelay $0x3  }
0x98: {  	_ =	strace s17  }
0x99: {  	s3 =	sld [smem:$0x3FFC];
	_ =	sdelay $0x3  }
0x9a: {  	_ =	strace s3  }
0x9b: {  	s3 =	sld [smem:$0x3FFD];
	_ =	sdelay $0x3  }
0x9c: {  	_ =	strace s3  }
0x9d: {  	_ =	strace $0x8FFFFFFF  }
0x9e: {  	s18 =	sld [smem:$0x3FDB];
	_ =	sdelay $0x1  }
0x9f: {  	s19 =	simm.s32 $_scs_section_size  }
0xa0: {  	s5 =	simm.s32 $_size__tile_overlayer_lowered;
	s6 =	simm.s32 $_tile_overlayer_lowered  }
0xa1: {  	s22 =	simm.s32 $0x1BFF;
	s21 =	sshll.u32 s6, $0x1;
	s3 =	sadd.s32 s19, s18  }
0xa2: {  	s7 =	simm.s32 $0x0;
	s20 =	sshll.u32 s5, $0x1;
	s5 =	sadd.s32 s21, s3  }
0xa3: {  	[timem:s7], [sflag:s22] =	dma.local [hbm:s5], s20  }
0xa4: {  	_ =	swait.ge [sflag:s22], s20  }
0xa5: {  	s4 =	ssub.s32 $0x0, s20;
	[sflag:s22] =	ssyncset.done $0x0  }
0xa6: {  	[sflag:s22] =	ssyncadd.s32 s4;
	_ =	sdelay $0x1  }
0xa7: {  	s23 =	simm.s32 $0x1B8B  }
0xa8: {  	_ =	swait.ge [sflag:s23], $0x1  }
0xa9: {  	[sflag:s23] =	ssyncset.done $0x0  }
0xaa: {  	s25 =	simm.s32 $0x1B8E;
	s24 =	sld [smem:$0x3FFE];
	[sflag:s23] =	ssyncadd.s32 $0xFFFFFFFF  }
0xab: {  	s26 =	simm.s32 $execute0_lowered;
	[smem:$0x3FD2] =	sst s25  }
0xac: {  	s5 =	sshll.u32 s26, $0x1;
	_ =	strace $0x80000049;
	[dreg:$0x1] =	wrdreg $0xFFFFFFFF  }
0xad: {  	s28 =	simm.s32 $_size_execute0_lowered;
	s3 =	sadd.s32 s3, s5;
	[dreg:$0x0] =	wrdreg $0x0  }
0xae: {  	s5 =	sshll.u32 s28, $0x1;
	[dreg:$0x2] =	wrdreg s3  }
0xaf: {  	[dreg:$0x3] =	wrdreg s5  }
0xb0: {  	[dreg:$0x4] =	wrdreg $0xC0  }
0xb1: {  	_ =	task [dreg:s7], $0x5FFFF  }
0xb2: {  	[dreg:$0x1] =	wrdreg $0xFFFFFFFF  }
0xb3: {  	[dreg:$0x0] =	wrdreg $0x60  }
0xb4: {  	[dreg:$0x2] =	wrdreg s16  }
0xb5: {  	[dreg:$0x3] =	wrdreg s24  }
0xb6: {  	[dreg:$0x4] =	wrdreg $0xA0000  }
0xb7: {  	[dreg:$0x5] =	wrdreg $0x9  }
0xb8: {  	_ =	task.clear_ibuf [dreg:s7], $0x6FFFF;
	_ =	strace $0x90000049  }
0xb9: {  	s29 =	simm.s32 $0x9;
	_ =	strace $0x8000004B  }
0xba: {  	_ =	swait.ge [sflag:s29], $0x1  }
0xbb: {  	[sflag:s29] =	ssyncadd.s32 $0xFFFFFFFF  }
0xbc: {  	_ =	strace $0x9000004B  }
0xbd: {  	_ =	sfence  }
0xbe: {  	s30 =	sld [smem:$0x0];
	_ =	sdelay $0x2  }
0xbf: {  	s31 =	sshll.u32 s1, $0xD;
	s1 =	sshrl.u32 s1, $0x2  }
0xc0: {  	s3 =	sand.u32 $0x4000, s31;
	s1 =	sadd.s32 s1, s30  }
0xc1: {  	s0 =	sor.u32 s3, s0;
	s1 =	sshll.u32 s1, $0x11  }
0xc2: {  	s0 =	sor.u32 s1, s0  }
0xc3: {  	s0 =	sadd.s32 $0x8F2B, s0  }
0xc4: {  	[sflag:s0] =	ssyncadd.remote.s32 $0x1  }
0xc5: {  	_ =	sfence.sel $0xFFFF  }
0xc6: {  	[dreg:$0x0] =	wrdreg $0xFFFFFFFF;
	(pc) =	sbr.abs _section_cstart, $3  }
0xc7: {  	[dreg:$0x1] =	wrdreg $0xFFFFFFFF  }
0xc8: {  	_ =	task.clear_ibuf [dreg:s7], $0x2FFFF;
	_ =	strace $0x9FFFFFFF  }
0xc9: {  	(tm) =	ssettm $0x7FFFFFFF  }
tec
execute0_lowered:
.L_overlay_start_1:
0x0: {  	(tag) =	ssettag $0x1  }
0x1: {  	s0 =	rddreg [dreg:$0x0]  }
0x2: {  	s3 =	rddreg [dreg:$0x1]  }
0x3: {  	s1 =	rddreg [dreg:$0x2];
	s2 =	simm.s32 $0x0;
	s4 =	srdreg.scid  }
0x4: {  	s23 =	stileid.u32;
	s28 =	simm.s32 $0x3;
	s29 =	simm.s32 $0x4  }
0x5: {  	s30 =	simm.s32 $0x5;
	[smem:$0x7FF] =	sst s2;
	s8 =	smul.u32 $0x280, s23  }
0x6: {  	s11 =	sand.u32 $0x1, s4;
	s12 =	sadd.s32 $0x5C400, s3;
	s22 =	smul.u32 $0x50000, s23  }
0x7: {  	s4 =	sadd.s32 $0x4200, s3;
	s18 =	smul.u32 $0x5000, s23;
	_ =	strace $0x8000004A  }
0x8: {  	s5 =	smul.u32 $0x28000, s11;
	s6 =	ssub.s32 $0x2, s11;
	s21 =	sshll.u32 s11, $0x4  }
0x9: {  	s20 =	sshrl.u32 s6, $0x1;
	s9 =	sor.u32 s23, s21;
	s14 =	sadd.s32 $0x80, s8  }
0xa: {  	s15 =	sadd.s32 $0x100, s8;
	s24 =	sshrl.u32 s22, $0x2;
	s16 =	sadd.s32 $0x180, s8  }
0xb: {  	s17 =	sadd.s32 $0x200, s8;
	s19 =	sshrl.u32 s18, $0x3;
	s21 =	smul.u32 $0x2800, s23  }
0xc: {  	s23 =	smul.u32 $0xA00, s23;
	s3 =	sadd.s32 s5, s3;
	s13 =	ssub.s32 s6, s20  }
0xd: {  	s25 =	sshll.u32 s14, $0x7;
	s7 =	sshll.u32 s15, $0x7;
	s5 =	sadd.s32 s24, s1  }
0xe: {  	s10 =	smul.u32 $0x5000, s9;
	s26 =	sshll.u32 s16, $0x7;
	s31 =	sshll.u32 s17, $0x7  }
0xf: {  	s20 =	smul.u32 $0x50000, s11;
	s19 =	sadd.s32 s12, s19;
	s22 =	sshll.u32 s14, $0x4  }
0x10: {  	s24 =	sshll.u32 s16, $0x4;
	s16 =	simm.s32 $0x6;
	s6 =	sadd.s32 s25, s1  }
0x11: {  	s7 =	sadd.s32 s7, s1;
	s8 =	sadd.s32 s26, s1;
	s9 =	sadd.s32 s31, s1  }
0x12: {  	[dreg:$0x5] =	wrdreg s19;
	s3 =	sadd.s32 $0x66400, s3;
	s26 =	sshll.u32 s15, $0x4  }
0x13: {  	s25 =	sshll.u32 s17, $0x4;
	s31 =	sadd.s32 s23, s12;
	s12 =	smax.u32 s13, $0x1  }
0x14: {  	s15 =	simm.s32 $0x2000;
	s19 =	simm.s32 $0x80;
	s10 =	sshrl.u32 s10, $0x3  }
0x15: {  	s20 =	sadd.s32 s18, s20;
	s18 =	simm.s32 $0x1;
	s23 =	sadd.s32 s24, s3  }
0x16: {  	s24 =	sadd.s32 s25, s3;
	s25 =	simm.s32 $0x2;
	s10 =	sadd.s32 s0, s10  }
0x17: {  	s14 =	sor.u32 $0x800, s20;
	s20 =	sadd.s32 s21, s3;
	s21 =	sadd.s32 s22, s3  }
0x18: {  	s22 =	sadd.s32 s26, s3;
	s26 =	simm.s32 $0x6000;
	s14 =	sshrl.u32 s14, $0x3  }
0x19: {  	v0 =	vimm.f32 $0.0e+00;
	[dreg:$0x4] =	wrdreg s10;
	s17 =	sadd.s32 s14, s0;
	s14 =	sadd.s32 $0x100, s31  }
.LBB2_1:
0x1a: {  	s0 =	simm.s32 $0x0;
	s3 =	simm.s32 $0x200  }
.LBB2_2:
0x1b: {  	p0 =	sne.s32 s3, $0xFE00;
	[tilespmem:s0+$0x2070] =	vst v0  }
0x1c: {  	[tilespmem:s0+$0x2000] =	vst v0  }
0x1d: {  	[tilespmem:s0+$0x2010] =	vst v0  }
.Ltmp0:
0x1e: {  	[tilespmem:s0+$0x2020] =	vst v0;
	(pc) =	sbr.rel @p0 .LBB2_2-.Ltmp0, $4  }
0x1f: {  	[tilespmem:s0+$0x2030] =	vst v0  }
0x20: {  	[tilespmem:s0+$0x2040] =	vst v0  }
0x21: {  	[tilespmem:s0+$0x2050] =	vst v0  }
0x22: {  	[tilespmem:s0+$0x2060] =	vst v0;
	s0 =	sshra.s32 s3, $0x2;
	s3 =	sadd.s32 $0x200, s3  }
0x23: {  	[tilespmem:s0+$0x2070] =	vst v0  }
0x24: {  	[tilespmem:s0+$0x2000] =	vst v0  }
0x25: {  	[tilespmem:s0+$0x2010] =	vst v0  }
0x26: {  	[tilespmem:s0+$0x2020] =	vst v0  }
0x27: {  	[tilespmem:s0+$0x2030] =	vst v0  }
0x28: {  	[tilespmem:s0+$0x2040] =	vst v0  }
0x29: {  	[tilespmem:s0+$0x2050] =	vst v0  }
0x2a: {  	[tilespmem:s0+$0x2060] =	vst v0  }
0x2b: {  	[spmem:s5] =	stream.linear.scatter [tilespmem:s15], [sflag:$0x6], $0x4000, $0x38;
	[tilespmem:$0x1E000] =	vst v63  }
0x2c: {  	_ =	swait.ge [sflag:s16], $0x4000  }
0x2d: {  	[sflag:s16] =	ssyncset.done $0x0  }
0x2e: {  	[sflag:s16] =	ssyncadd.s32 $0xFFFFC000  }
0x2f: {  	[spmem:s6] =	stream.linear.scatter [tilespmem:s15], [sflag:$0x6], $0x4000, $0x38;
	[tilespmem:$0x1E000] =	vst v63  }
0x30: {  	_ =	swait.ge [sflag:s16], $0x4000  }
0x31: {  	[sflag:s16] =	ssyncset.done $0x0  }
0x32: {  	[sflag:s16] =	ssyncadd.s32 $0xFFFFC000  }
0x33: {  	[spmem:s7] =	stream.linear.scatter [tilespmem:s15], [sflag:$0x6], $0x4000, $0x38;
	[tilespmem:$0x1E000] =	vst v63  }
0x34: {  	_ =	swait.ge [sflag:s16], $0x4000  }
0x35: {  	[sflag:s16] =	ssyncset.done $0x0  }
0x36: {  	[sflag:s16] =	ssyncadd.s32 $0xFFFFC000  }
0x37: {  	[spmem:s8] =	stream.linear.scatter [tilespmem:s15], [sflag:$0x6], $0x4000, $0x38;
	[tilespmem:$0x1E000] =	vst v63  }
0x38: {  	_ =	swait.ge [sflag:s16], $0x4000  }
0x39: {  	[sflag:s16] =	ssyncset.done $0x0  }
0x3a: {  	[sflag:s16] =	ssyncadd.s32 $0xFFFFC000  }
0x3b: {  	[spmem:s9] =	stream.linear.scatter [tilespmem:s15], [sflag:$0x6], $0x4000, $0x38;
	[tilespmem:$0x1E000] =	vst v63  }
0x3c: {  	_ =	swait.ge [sflag:s16], $0x4000  }
0x3d: {  	[sflag:s16] =	ssyncset.done $0x0  }
0x3e: {  	[sflag:s16] =	ssyncadd.s32 $0xFFFFC000  }
0x3f: {  	[bflag:$0x0] =	sbarrier.arrive $0xFFFF  }
0x40: {  	s0 =	simm.s32 $0x0;
	s3 =	rddreg [dreg:$0x4]  }
0x41: {  	[tilespmem:s0], [sflag:$0x1] =	stream.linear.gather [hbm4b:s3+s0], $0x800, $0x38;
	[tilespmem:$0x1E000] =	vst v63  }
0x42: {  	s10 =	simm.s32 $0x1000;
	s13 =	rddreg [dreg:$0x5]  }
0x43: {  	[tilespmem:s10], [sflag:$0x1] =	stream.linear.gather [hbm4b:s13+s0], $0x800, $0x38;
	[tilespmem:$0x1E000] =	vst v63  }
0x44: {  	_ =	swait.ge [sflag:s18], $0x800  }
0x45: {  	[sflag:s18] =	ssyncset.done $0x0  }
0x46: {  	[sflag:s18] =	ssyncadd.s32 $0xFFFFF800  }
0x47: {  	p0 =	por $0x0, $0x0;
	_ =	swait.ge [sflag:s18], $0x800  }
0x48: {  	s0 =	sand.u32 @!p0 $0x800, s0;
	[sflag:s18] =	ssyncset.done $0x0  }
0x49: {  	s13 =	simm.s32 @!p0 $0x0;
	s3 =	sxor.u32 @!p0 $0x800, s0;
	[sflag:s18] =	ssyncadd.s32 $0xFFFFF800  }
0x4a: {  	[tilespmem:s3], [sflag:$0x1] =	stream.linear.gather @!p0 [hbm4b:s17+s13], $0x800, $0x38;
	[tilespmem:$0x1E000] =	vst v63  }
0x4b: {  	s3 =	sxor.u32 @!p0 $0x1800, s0  }
0x4c: {  	[tilespmem:s3], [sflag:$0x1] =	stream.linear.gather @!p0 [hbm4b:s14+s13], $0x800, $0x38;
	[tilespmem:$0x1E000] =	vst v63  }
0x4d: {  	s0 =	simm.s32 @p0 $0x800  }
0x4e: {  	[tilespmem:s15], [sflag:$0x2] =	stream.indirect.gather [hbm4b:s4+s19], $0x80, s0, s19, $0xb8;
	[tilespmem:$0x1E000] =	vst v63  }
0x4f: {  	_ =	swait.ge [sflag:s25], $0x4000  }
0x50: {  	[sflag:s25] =	ssyncset.done $0x0  }
0x51: {  	s10 =	sor.u32 $0x1000, s0;
	[sflag:s25] =	ssyncadd.s32 $0xFFFFC000  }
0x52: {  	[spmem:s1] =	stream.indirect.scatter.add.f32 [tilespmem:s15], [sflag:$0x4], $0x80, s10, s19, $0xb8;
	[tilespmem:$0x1E000] =	vst v63  }
0x53: {  	s11 =	sor.u32 $0x80, s0  }
0x54: {  	[tilespmem:s26], [sflag:$0x3] =	stream.indirect.gather [hbm4b:s4+s19], $0x80, s11, s19, $0xb8;
	[tilespmem:$0x1E000] =	vst v63  }
0x55: {  	_ =	swait.ge [sflag:s28], $0x4000  }
0x56: {  	[sflag:s28] =	ssyncset.done $0x0  }
0x57: {  	s13 =	sor.u32 $0x1080, s0;
	[sflag:s28] =	ssyncadd.s32 $0xFFFFC000  }
0x58: {  	[spmem:s1] =	stream.indirect.scatter.add.f32 [tilespmem:s26], [sflag:$0x5], $0x80, s13, s19, $0xb8;
	[tilespmem:$0x1E000] =	vst v63  }
0x59: {  	_ =	swait.ge [sflag:s29], $0x4000  }
0x5a: {  	[sflag:s29] =	ssyncset.done $0x0  }
0x5b: {  	s10 =	sor.u32 $0x100, s0;
	[sflag:s29] =	ssyncadd.s32 $0xFFFFC000  }
0x5c: {  	[tilespmem:s15], [sflag:$0x2] =	stream.indirect.gather [hbm4b:s4+s19], $0x80, s10, s19, $0xb8;
	[tilespmem:$0x1E000] =	vst v63  }
0x5d: {  	_ =	swait.ge [sflag:s25], $0x4000  }
0x5e: {  	[sflag:s25] =	ssyncset.done $0x0  }
0x5f: {  	s11 =	sor.u32 $0x1100, s0;
	[sflag:s25] =	ssyncadd.s32 $0xFFFFC000  }
0x60: {  	[spmem:s1] =	stream.indirect.scatter.add.f32 [tilespmem:s15], [sflag:$0x4], $0x80, s11, s19, $0xb8;
	[tilespmem:$0x1E000] =	vst v63  }
0x61: {  	_ =	swait.ge [sflag:s30], $0x4000  }
0x62: {  	[sflag:s30] =	ssyncset.done $0x0  }
0x63: {  	s13 =	sor.u32 $0x180, s0;
	[sflag:s30] =	ssyncadd.s32 $0xFFFFC000  }
0x64: {  	[tilespmem:s26], [sflag:$0x3] =	stream.indirect.gather [hbm4b:s4+s19], $0x80, s13, s19, $0xb8;
	[tilespmem:$0x1E000] =	vst v63  }
0x65: {  	_ =	swait.ge [sflag:s28], $0x4000  }
0x66: {  	[sflag:s28] =	ssyncset.done $0x0  }
0x67: {  	s10 =	sor.u32 $0x1180, s0;
	[sflag:s28] =	ssyncadd.s32 $0xFFFFC000  }
0x68: {  	[spmem:s1] =	stream.indirect.scatter.add.f32 [tilespmem:s26], [sflag:$0x5], $0x80, s10, s19, $0xb8;
	[tilespmem:$0x1E000] =	vst v63  }
0x69: {  	_ =	swait.ge [sflag:s29], $0x4000  }
0x6a: {  	[sflag:s29] =	ssyncset.done $0x0  }
0x6b: {  	s11 =	sor.u32 $0x200, s0;
	[sflag:s29] =	ssyncadd.s32 $0xFFFFC000  }
0x6c: {  	[tilespmem:s15], [sflag:$0x2] =	stream.indirect.gather [hbm4b:s4+s19], $0x80, s11, s19, $0xb8;
	[tilespmem:$0x1E000] =	vst v63  }
0x6d: {  	_ =	swait.ge [sflag:s25], $0x4000  }
0x6e: {  	[sflag:s25] =	ssyncset.done $0x0  }
0x6f: {  	s13 =	sor.u32 $0x1200, s0;
	[sflag:s25] =	ssyncadd.s32 $0xFFFFC000  }
0x70: {  	[spmem:s1] =	stream.indirect.scatter.add.f32 [tilespmem:s15], [sflag:$0x4], $0x80, s13, s19, $0xb8;
	[tilespmem:$0x1E000] =	vst v63  }
0x71: {  	_ =	swait.ge [sflag:s30], $0x4000  }
0x72: {  	[sflag:s30] =	ssyncset.done $0x0  }
0x73: {  	s10 =	sor.u32 $0x280, s0;
	[sflag:s30] =	ssyncadd.s32 $0xFFFFC000  }
0x74: {  	[tilespmem:s26], [sflag:$0x3] =	stream.indirect.gather [hbm4b:s4+s19], $0x80, s10, s19, $0xb8;
	[tilespmem:$0x1E000] =	vst v63  }
0x75: {  	_ =	swait.ge [sflag:s28], $0x4000  }
0x76: {  	[sflag:s28] =	ssyncset.done $0x0  }
0x77: {  	s11 =	sor.u32 $0x1280, s0;
	[sflag:s28] =	ssyncadd.s32 $0xFFFFC000  }
0x78: {  	[spmem:s1] =	stream.indirect.scatter.add.f32 [tilespmem:s26], [sflag:$0x5], $0x80, s11, s19, $0xb8;
	[tilespmem:$0x1E000] =	vst v63  }
0x79: {  	_ =	swait.ge [sflag:s29], $0x4000  }
0x7a: {  	[sflag:s29] =	ssyncset.done $0x0  }
0x7b: {  	s13 =	sor.u32 $0x300, s0;
	[sflag:s29] =	ssyncadd.s32 $0xFFFFC000  }
0x7c: {  	[tilespmem:s15], [sflag:$0x2] =	stream.indirect.gather [hbm4b:s4+s19], $0x80, s13, s19, $0xb8;
	[tilespmem:$0x1E000] =	vst v63  }
0x7d: {  	_ =	swait.ge [sflag:s25], $0x4000  }
0x7e: {  	[sflag:s25] =	ssyncset.done $0x0  }
0x7f: {  	s10 =	sor.u32 $0x1300, s0;
	[sflag:s25] =	ssyncadd.s32 $0xFFFFC000  }
0x80: {  	[spmem:s1] =	stream.indirect.scatter.add.f32 [tilespmem:s15], [sflag:$0x4], $0x80, s10, s19, $0xb8;
	[tilespmem:$0x1E000] =	vst v63  }
0x81: {  	_ =	swait.ge [sflag:s30], $0x4000  }
0x82: {  	[sflag:s30] =	ssyncset.done $0x0  }
0x83: {  	s11 =	sor.u32 $0x380, s0;
	[sflag:s30] =	ssyncadd.s32 $0xFFFFC000  }
0x84: {  	[tilespmem:s26], [sflag:$0x3] =	stream.indirect.gather [hbm4b:s4+s19], $0x80, s11, s19, $0xb8;
	[tilespmem:$0x1E000] =	vst v63  }
0x85: {  	_ =	swait.ge [sflag:s28], $0x4000  }
0x86: {  	[sflag:s28] =	ssyncset.done $0x0  }
0x87: {  	s13 =	sor.u32 $0x1380, s0;
	[sflag:s28] =	ssyncadd.s32 $0xFFFFC000  }
0x88: {  	[spmem:s1] =	stream.indirect.scatter.add.f32 [tilespmem:s26], [sflag:$0x5], $0x80, s13, s19, $0xb8;
	[tilespmem:$0x1E000] =	vst v63  }
0x89: {  	_ =	swait.ge [sflag:s29], $0x4000  }
0x8a: {  	[sflag:s29] =	ssyncset.done $0x0  }
0x8b: {  	s10 =	sor.u32 $0x400, s0;
	[sflag:s29] =	ssyncadd.s32 $0xFFFFC000  }
0x8c: {  	[tilespmem:s15], [sflag:$0x2] =	stream.indirect.gather [hbm4b:s4+s19], $0x80, s10, s19, $0xb8;
	[tilespmem:$0x1E000] =	vst v63  }
0x8d: {  	_ =	swait.ge [sflag:s25], $0x4000  }
0x8e: {  	[sflag:s25] =	ssyncset.done $0x0  }
0x8f: {  	s11 =	sor.u32 $0x1400, s0;
	[sflag:s25] =	ssyncadd.s32 $0xFFFFC000  }
0x90: {  	[spmem:s1] =	stream.indirect.scatter.add.f32 [tilespmem:s15], [sflag:$0x4], $0x80, s11, s19, $0xb8;
	[tilespmem:$0x1E000] =	vst v63  }
0x91: {  	_ =	swait.ge [sflag:s30], $0x4000  }
0x92: {  	[sflag:s30] =	ssyncset.done $0x0  }
0x93: {  	s13 =	sor.u32 $0x480, s0;
	[sflag:s30] =	ssyncadd.s32 $0xFFFFC000  }
0x94: {  	[tilespmem:s26], [sflag:$0x3] =	stream.indirect.gather [hbm4b:s4+s19], $0x80, s13, s19, $0xb8;
	[tilespmem:$0x1E000] =	vst v63  }
0x95: {  	_ =	swait.ge [sflag:s28], $0x4000  }
0x96: {  	[sflag:s28] =	ssyncset.done $0x0  }
0x97: {  	s10 =	sor.u32 $0x1480, s0;
	[sflag:s28] =	ssyncadd.s32 $0xFFFFC000  }
0x98: {  	[spmem:s1] =	stream.indirect.scatter.add.f32 [tilespmem:s26], [sflag:$0x5], $0x80, s10, s19, $0xb8;
	[tilespmem:$0x1E000] =	vst v63  }
0x99: {  	_ =	swait.ge [sflag:s29], $0x4000  }
0x9a: {  	[sflag:s29] =	ssyncset.done $0x0  }
0x9b: {  	s11 =	sor.u32 $0x500, s0;
	[sflag:s29] =	ssyncadd.s32 $0xFFFFC000  }
0x9c: {  	[tilespmem:s15], [sflag:$0x2] =	stream.indirect.gather [hbm4b:s4+s19], $0x80, s11, s19, $0xb8;
	[tilespmem:$0x1E000] =	vst v63  }
0x9d: {  	_ =	swait.ge [sflag:s25], $0x4000  }
0x9e: {  	[sflag:s25] =	ssyncset.done $0x0  }
0x9f: {  	s13 =	sor.u32 $0x1500, s0;
	[sflag:s25] =	ssyncadd.s32 $0xFFFFC000  }
0xa0: {  	[spmem:s1] =	stream.indirect.scatter.add.f32 [tilespmem:s15], [sflag:$0x4], $0x80, s13, s19, $0xb8;
	[tilespmem:$0x1E000] =	vst v63  }
0xa1: {  	_ =	swait.ge [sflag:s30], $0x4000  }
0xa2: {  	[sflag:s30] =	ssyncset.done $0x0  }
0xa3: {  	s10 =	sor.u32 $0x580, s0;
	[sflag:s30] =	ssyncadd.s32 $0xFFFFC000  }
0xa4: {  	[tilespmem:s26], [sflag:$0x3] =	stream.indirect.gather [hbm4b:s4+s19], $0x80, s10, s19, $0xb8;
	[tilespmem:$0x1E000] =	vst v63  }
0xa5: {  	_ =	swait.ge [sflag:s28], $0x4000  }
0xa6: {  	[sflag:s28] =	ssyncset.done $0x0  }
0xa7: {  	s11 =	sor.u32 $0x1580, s0;
	[sflag:s28] =	ssyncadd.s32 $0xFFFFC000  }
0xa8: {  	[spmem:s1] =	stream.indirect.scatter.add.f32 [tilespmem:s26], [sflag:$0x5], $0x80, s11, s19, $0xb8;
	[tilespmem:$0x1E000] =	vst v63  }
0xa9: {  	_ =	swait.ge [sflag:s29], $0x4000  }
0xaa: {  	[sflag:s29] =	ssyncset.done $0x0  }
0xab: {  	s13 =	sor.u32 $0x600, s0;
	[sflag:s29] =	ssyncadd.s32 $0xFFFFC000  }
0xac: {  	[tilespmem:s15], [sflag:$0x2] =	stream.indirect.gather [hbm4b:s4+s19], $0x80, s13, s19, $0xb8;
	[tilespmem:$0x1E000] =	vst v63  }
0xad: {  	_ =	swait.ge [sflag:s25], $0x4000  }
0xae: {  	[sflag:s25] =	ssyncset.done $0x0  }
0xaf: {  	s10 =	sor.u32 $0x1600, s0;
	[sflag:s25] =	ssyncadd.s32 $0xFFFFC000  }
0xb0: {  	[spmem:s1] =	stream.indirect.scatter.add.f32 [tilespmem:s15], [sflag:$0x4], $0x80, s10, s19, $0xb8;
	[tilespmem:$0x1E000] =	vst v63  }
0xb1: {  	_ =	swait.ge [sflag:s30], $0x4000  }
0xb2: {  	[sflag:s30] =	ssyncset.done $0x0  }
0xb3: {  	s11 =	sor.u32 $0x680, s0;
	[sflag:s30] =	ssyncadd.s32 $0xFFFFC000  }
0xb4: {  	[tilespmem:s26], [sflag:$0x3] =	stream.indirect.gather [hbm4b:s4+s19], $0x80, s11, s19, $0xb8;
	[tilespmem:$0x1E000] =	vst v63  }
0xb5: {  	_ =	swait.ge [sflag:s28], $0x4000  }
0xb6: {  	[sflag:s28] =	ssyncset.done $0x0  }
0xb7: {  	s13 =	sor.u32 $0x1680, s0;
	[sflag:s28] =	ssyncadd.s32 $0xFFFFC000  }
0xb8: {  	[spmem:s1] =	stream.indirect.scatter.add.f32 [tilespmem:s26], [sflag:$0x5], $0x80, s13, s19, $0xb8;
	[tilespmem:$0x1E000] =	vst v63  }
0xb9: {  	_ =	swait.ge [sflag:s29], $0x4000  }
0xba: {  	[sflag:s29] =	ssyncset.done $0x0  }
0xbb: {  	s10 =	sor.u32 $0x700, s0;
	[sflag:s29] =	ssyncadd.s32 $0xFFFFC000  }
0xbc: {  	[tilespmem:s15], [sflag:$0x2] =	stream.indirect.gather [hbm4b:s4+s19], $0x80, s10, s19, $0xb8;
	[tilespmem:$0x1E000] =	vst v63  }
0xbd: {  	_ =	swait.ge [sflag:s25], $0x4000  }
0xbe: {  	[sflag:s25] =	ssyncset.done $0x0  }
0xbf: {  	s11 =	sor.u32 $0x1700, s0;
	[sflag:s25] =	ssyncadd.s32 $0xFFFFC000  }
0xc0: {  	[spmem:s1] =	stream.indirect.scatter.add.f32 [tilespmem:s15], [sflag:$0x4], $0x80, s11, s19, $0xb8;
	[tilespmem:$0x1E000] =	vst v63  }
0xc1: {  	_ =	swait.ge [sflag:s30], $0x4000  }
0xc2: {  	[sflag:s30] =	ssyncset.done $0x0  }
0xc3: {  	s13 =	sor.u32 $0x780, s0;
	[sflag:s30] =	ssyncadd.s32 $0xFFFFC000  }
0xc4: {  	[tilespmem:s26], [sflag:$0x3] =	stream.indirect.gather [hbm4b:s4+s19], $0x80, s13, s19, $0xb8;
	[tilespmem:$0x1E000] =	vst v63  }
0xc5: {  	_ =	swait.ge [sflag:s28], $0x4000  }
0xc6: {  	[sflag:s28] =	ssyncset.done $0x0  }
0xc7: {  	s0 =	sor.u32 $0x1780, s0;
	[sflag:s28] =	ssyncadd.s32 $0xFFFFC000  }
0xc8: {  	[spmem:s1] =	stream.indirect.scatter.add.f32 [tilespmem:s26], [sflag:$0x5], $0x80, s0, s19, $0xb8;
	[tilespmem:$0x1E000] =	vst v63  }
0xc9: {  	_ =	swait.ge [sflag:s29], $0x4000  }
0xca: {  	[sflag:s29] =	ssyncset.done $0x0  }
0xcb: {  	[sflag:s29] =	ssyncadd.s32 $0xFFFFC000  }
0xcc: {  	s31 =	simm.s32 $0x800;
	_ =	swait.ge [sflag:s30], $0x4000  }
0xcd: {  	s13 =	smov.u32 s17;
	s0 =	sadd.s32 $0x100, s14;
	[sflag:s30] =	ssyncset.done $0x0  }
.LBB2_4:
0xce: {  	[sflag:s30] =	ssyncadd.s32 $0xFFFFC000  }
0xcf: {  	s13 =	sadd.s32 $0x100, s13;
	s3 =	smov.u32 s31;
	s31 =	sadd.s32 $0x800, s31  }
0xd0: {  	_ =	swait.ge [sflag:s18], $0x800;
	p0 =	sne.s32 s31, $0x5000  }
0xd1: {  	[sflag:s18] =	ssyncset.done $0x0  }
0xd2: {  	[sflag:s18] =	ssyncadd.s32 $0xFFFFF800  }
0xd3: {  	p1 =	seq.s32 s3, $0x4800;
	_ =	swait.ge [sflag:s18], $0x800  }
0xd4: {  	s3 =	sand.u32 @!p1 $0x800, s3;
	[sflag:s18] =	ssyncset.done $0x0  }
0xd5: {  	s11 =	simm.s32 @!p1 $0x0;
	s10 =	sxor.u32 @!p1 $0x800, s3;
	[sflag:s18] =	ssyncadd.s32 $0xFFFFF800  }
0xd6: {  	[tilespmem:s10], [sflag:$0x1] =	stream.linear.gather @!p1 [hbm4b:s13+s11], $0x800, $0x38;
	[tilespmem:$0x1E000] =	vst v63  }
0xd7: {  	s10 =	sxor.u32 @!p1 $0x1800, s3  }
0xd8: {  	[tilespmem:s10], [sflag:$0x1] =	stream.linear.gather @!p1 [hbm4b:s0+s11], $0x800, $0x38;
	[tilespmem:$0x1E000] =	vst v63  }
0xd9: {  	s3 =	simm.s32 @p1 $0x800  }
0xda: {  	[tilespmem:s15], [sflag:$0x2] =	stream.indirect.gather [hbm4b:s4+s19], $0x80, s3, s19, $0xb8;
	[tilespmem:$0x1E000] =	vst v63  }
0xdb: {  	_ =	swait.ge [sflag:s25], $0x4000  }
0xdc: {  	[sflag:s25] =	ssyncset.done $0x0  }
0xdd: {  	s10 =	sor.u32 $0x1000, s3;
	[sflag:s25] =	ssyncadd.s32 $0xFFFFC000  }
0xde: {  	[spmem:s1] =	stream.indirect.scatter.add.f32 [tilespmem:s15], [sflag:$0x4], $0x80, s10, s19, $0xb8;
	[tilespmem:$0x1E000] =	vst v63  }
0xdf: {  	s10 =	sor.u32 $0x80, s3  }
0xe0: {  	[tilespmem:s26], [sflag:$0x3] =	stream.indirect.gather [hbm4b:s4+s19], $0x80, s10, s19, $0xb8;
	[tilespmem:$0x1E000] =	vst v63  }
0xe1: {  	_ =	swait.ge [sflag:s28], $0x4000  }
0xe2: {  	[sflag:s28] =	ssyncset.done $0x0  }
0xe3: {  	s10 =	sor.u32 $0x1080, s3;
	[sflag:s28] =	ssyncadd.s32 $0xFFFFC000  }
0xe4: {  	[spmem:s1] =	stream.indirect.scatter.add.f32 [tilespmem:s26], [sflag:$0x5], $0x80, s10, s19, $0xb8;
	[tilespmem:$0x1E000] =	vst v63  }
0xe5: {  	_ =	swait.ge [sflag:s29], $0x4000  }
0xe6: {  	[sflag:s29] =	ssyncset.done $0x0  }
0xe7: {  	s10 =	sor.u32 $0x100, s3;
	[sflag:s29] =	ssyncadd.s32 $0xFFFFC000  }
0xe8: {  	[tilespmem:s15], [sflag:$0x2] =	stream.indirect.gather [hbm4b:s4+s19], $0x80, s10, s19, $0xb8;
	[tilespmem:$0x1E000] =	vst v63  }
0xe9: {  	_ =	swait.ge [sflag:s25], $0x4000  }
0xea: {  	[sflag:s25] =	ssyncset.done $0x0  }
0xeb: {  	s10 =	sor.u32 $0x1100, s3;
	[sflag:s25] =	ssyncadd.s32 $0xFFFFC000  }
0xec: {  	[spmem:s1] =	stream.indirect.scatter.add.f32 [tilespmem:s15], [sflag:$0x4], $0x80, s10, s19, $0xb8;
	[tilespmem:$0x1E000] =	vst v63  }
0xed: {  	_ =	swait.ge [sflag:s30], $0x4000  }
0xee: {  	[sflag:s30] =	ssyncset.done $0x0  }
0xef: {  	s10 =	sor.u32 $0x180, s3;
	[sflag:s30] =	ssyncadd.s32 $0xFFFFC000  }
0xf0: {  	[tilespmem:s26], [sflag:$0x3] =	stream.indirect.gather [hbm4b:s4+s19], $0x80, s10, s19, $0xb8;
	[tilespmem:$0x1E000] =	vst v63  }
0xf1: {  	_ =	swait.ge [sflag:s28], $0x4000  }
0xf2: {  	[sflag:s28] =	ssyncset.done $0x0  }
0xf3: {  	s10 =	sor.u32 $0x1180, s3;
	[sflag:s28] =	ssyncadd.s32 $0xFFFFC000  }
0xf4: {  	[spmem:s1] =	stream.indirect.scatter.add.f32 [tilespmem:s26], [sflag:$0x5], $0x80, s10, s19, $0xb8;
	[tilespmem:$0x1E000] =	vst v63  }
0xf5: {  	_ =	swait.ge [sflag:s29], $0x4000  }
0xf6: {  	[sflag:s29] =	ssyncset.done $0x0  }
0xf7: {  	s10 =	sor.u32 $0x200, s3;
	[sflag:s29] =	ssyncadd.s32 $0xFFFFC000  }
0xf8: {  	[tilespmem:s15], [sflag:$0x2] =	stream.indirect.gather [hbm4b:s4+s19], $0x80, s10, s19, $0xb8;
	[tilespmem:$0x1E000] =	vst v63  }
0xf9: {  	_ =	swait.ge [sflag:s25], $0x4000  }
0xfa: {  	[sflag:s25] =	ssyncset.done $0x0  }
0xfb: {  	s10 =	sor.u32 $0x1200, s3;
	[sflag:s25] =	ssyncadd.s32 $0xFFFFC000  }
0xfc: {  	[spmem:s1] =	stream.indirect.scatter.add.f32 [tilespmem:s15], [sflag:$0x4], $0x80, s10, s19, $0xb8;
	[tilespmem:$0x1E000] =	vst v63  }
0xfd: {  	_ =	swait.ge [sflag:s30], $0x4000  }
0xfe: {  	[sflag:s30] =	ssyncset.done $0x0  }
0xff: {  	s10 =	sor.u32 $0x280, s3;
	[sflag:s30] =	ssyncadd.s32 $0xFFFFC000  }
0x100: {  	[tilespmem:s26], [sflag:$0x3] =	stream.indirect.gather [hbm4b:s4+s19], $0x80, s10, s19, $0xb8;
	[tilespmem:$0x1E000] =	vst v63  }
0x101: {  	_ =	swait.ge [sflag:s28], $0x4000  }
0x102: {  	[sflag:s28] =	ssyncset.done $0x0  }
0x103: {  	s10 =	sor.u32 $0x1280, s3;
	[sflag:s28] =	ssyncadd.s32 $0xFFFFC000  }
0x104: {  	[spmem:s1] =	stream.indirect.scatter.add.f32 [tilespmem:s26], [sflag:$0x5], $0x80, s10, s19, $0xb8;
	[tilespmem:$0x1E000] =	vst v63  }
0x105: {  	_ =	swait.ge [sflag:s29], $0x4000  }
0x106: {  	[sflag:s29] =	ssyncset.done $0x0  }
0x107: {  	s10 =	sor.u32 $0x300, s3;
	[sflag:s29] =	ssyncadd.s32 $0xFFFFC000  }
0x108: {  	[tilespmem:s15], [sflag:$0x2] =	stream.indirect.gather [hbm4b:s4+s19], $0x80, s10, s19, $0xb8;
	[tilespmem:$0x1E000] =	vst v63  }
0x109: {  	_ =	swait.ge [sflag:s25], $0x4000  }
0x10a: {  	[sflag:s25] =	ssyncset.done $0x0  }
0x10b: {  	s10 =	sor.u32 $0x1300, s3;
	[sflag:s25] =	ssyncadd.s32 $0xFFFFC000  }
0x10c: {  	[spmem:s1] =	stream.indirect.scatter.add.f32 [tilespmem:s15], [sflag:$0x4], $0x80, s10, s19, $0xb8;
	[tilespmem:$0x1E000] =	vst v63  }
0x10d: {  	_ =	swait.ge [sflag:s30], $0x4000  }
0x10e: {  	[sflag:s30] =	ssyncset.done $0x0  }
0x10f: {  	s10 =	sor.u32 $0x380, s3;
	[sflag:s30] =	ssyncadd.s32 $0xFFFFC000  }
0x110: {  	[tilespmem:s26], [sflag:$0x3] =	stream.indirect.gather [hbm4b:s4+s19], $0x80, s10, s19, $0xb8;
	[tilespmem:$0x1E000] =	vst v63  }
0x111: {  	_ =	swait.ge [sflag:s28], $0x4000  }
0x112: {  	[sflag:s28] =	ssyncset.done $0x0  }
0x113: {  	s10 =	sor.u32 $0x1380, s3;
	[sflag:s28] =	ssyncadd.s32 $0xFFFFC000  }
0x114: {  	[spmem:s1] =	stream.indirect.scatter.add.f32 [tilespmem:s26], [sflag:$0x5], $0x80, s10, s19, $0xb8;
	[tilespmem:$0x1E000] =	vst v63  }
0x115: {  	_ =	swait.ge [sflag:s29], $0x4000  }
0x116: {  	[sflag:s29] =	ssyncset.done $0x0  }
0x117: {  	s10 =	sor.u32 $0x400, s3;
	[sflag:s29] =	ssyncadd.s32 $0xFFFFC000  }
0x118: {  	[tilespmem:s15], [sflag:$0x2] =	stream.indirect.gather [hbm4b:s4+s19], $0x80, s10, s19, $0xb8;
	[tilespmem:$0x1E000] =	vst v63  }
0x119: {  	_ =	swait.ge [sflag:s25], $0x4000  }
0x11a: {  	[sflag:s25] =	ssyncset.done $0x0  }
0x11b: {  	s10 =	sor.u32 $0x1400, s3;
	[sflag:s25] =	ssyncadd.s32 $0xFFFFC000  }
0x11c: {  	[spmem:s1] =	stream.indirect.scatter.add.f32 [tilespmem:s15], [sflag:$0x4], $0x80, s10, s19, $0xb8;
	[tilespmem:$0x1E000] =	vst v63  }
0x11d: {  	_ =	swait.ge [sflag:s30], $0x4000  }
0x11e: {  	[sflag:s30] =	ssyncset.done $0x0  }
0x11f: {  	s10 =	sor.u32 $0x480, s3;
	[sflag:s30] =	ssyncadd.s32 $0xFFFFC000  }
0x120: {  	[tilespmem:s26], [sflag:$0x3] =	stream.indirect.gather [hbm4b:s4+s19], $0x80, s10, s19, $0xb8;
	[tilespmem:$0x1E000] =	vst v63  }
0x121: {  	_ =	swait.ge [sflag:s28], $0x4000  }
0x122: {  	[sflag:s28] =	ssyncset.done $0x0  }
0x123: {  	s10 =	sor.u32 $0x1480, s3;
	[sflag:s28] =	ssyncadd.s32 $0xFFFFC000  }
0x124: {  	[spmem:s1] =	stream.indirect.scatter.add.f32 [tilespmem:s26], [sflag:$0x5], $0x80, s10, s19, $0xb8;
	[tilespmem:$0x1E000] =	vst v63  }
0x125: {  	_ =	swait.ge [sflag:s29], $0x4000  }
0x126: {  	[sflag:s29] =	ssyncset.done $0x0  }
0x127: {  	s10 =	sor.u32 $0x500, s3;
	[sflag:s29] =	ssyncadd.s32 $0xFFFFC000  }
0x128: {  	[tilespmem:s15], [sflag:$0x2] =	stream.indirect.gather [hbm4b:s4+s19], $0x80, s10, s19, $0xb8;
	[tilespmem:$0x1E000] =	vst v63  }
0x129: {  	_ =	swait.ge [sflag:s25], $0x4000  }
0x12a: {  	[sflag:s25] =	ssyncset.done $0x0  }
0x12b: {  	s10 =	sor.u32 $0x1500, s3;
	[sflag:s25] =	ssyncadd.s32 $0xFFFFC000  }
0x12c: {  	[spmem:s1] =	stream.indirect.scatter.add.f32 [tilespmem:s15], [sflag:$0x4], $0x80, s10, s19, $0xb8;
	[tilespmem:$0x1E000] =	vst v63  }
0x12d: {  	_ =	swait.ge [sflag:s30], $0x4000  }
0x12e: {  	[sflag:s30] =	ssyncset.done $0x0  }
0x12f: {  	s10 =	sor.u32 $0x580, s3;
	[sflag:s30] =	ssyncadd.s32 $0xFFFFC000  }
0x130: {  	[tilespmem:s26], [sflag:$0x3] =	stream.indirect.gather [hbm4b:s4+s19], $0x80, s10, s19, $0xb8;
	[tilespmem:$0x1E000] =	vst v63  }
0x131: {  	_ =	swait.ge [sflag:s28], $0x4000  }
0x132: {  	[sflag:s28] =	ssyncset.done $0x0  }
0x133: {  	s10 =	sor.u32 $0x1580, s3;
	[sflag:s28] =	ssyncadd.s32 $0xFFFFC000  }
0x134: {  	[spmem:s1] =	stream.indirect.scatter.add.f32 [tilespmem:s26], [sflag:$0x5], $0x80, s10, s19, $0xb8;
	[tilespmem:$0x1E000] =	vst v63  }
0x135: {  	_ =	swait.ge [sflag:s29], $0x4000  }
0x136: {  	[sflag:s29] =	ssyncset.done $0x0  }
0x137: {  	s10 =	sor.u32 $0x600, s3;
	[sflag:s29] =	ssyncadd.s32 $0xFFFFC000  }
0x138: {  	[tilespmem:s15], [sflag:$0x2] =	stream.indirect.gather [hbm4b:s4+s19], $0x80, s10, s19, $0xb8;
	[tilespmem:$0x1E000] =	vst v63  }
0x139: {  	_ =	swait.ge [sflag:s25], $0x4000  }
0x13a: {  	[sflag:s25] =	ssyncset.done $0x0  }
0x13b: {  	s10 =	sor.u32 $0x1600, s3;
	[sflag:s25] =	ssyncadd.s32 $0xFFFFC000  }
0x13c: {  	[spmem:s1] =	stream.indirect.scatter.add.f32 [tilespmem:s15], [sflag:$0x4], $0x80, s10, s19, $0xb8;
	[tilespmem:$0x1E000] =	vst v63  }
0x13d: {  	_ =	swait.ge [sflag:s30], $0x4000  }
0x13e: {  	[sflag:s30] =	ssyncset.done $0x0  }
0x13f: {  	s10 =	sor.u32 $0x680, s3;
	[sflag:s30] =	ssyncadd.s32 $0xFFFFC000  }
0x140: {  	[tilespmem:s26], [sflag:$0x3] =	stream.indirect.gather [hbm4b:s4+s19], $0x80, s10, s19, $0xb8;
	[tilespmem:$0x1E000] =	vst v63  }
0x141: {  	_ =	swait.ge [sflag:s28], $0x4000  }
0x142: {  	[sflag:s28] =	ssyncset.done $0x0  }
0x143: {  	s10 =	sor.u32 $0x1680, s3;
	[sflag:s28] =	ssyncadd.s32 $0xFFFFC000  }
0x144: {  	[spmem:s1] =	stream.indirect.scatter.add.f32 [tilespmem:s26], [sflag:$0x5], $0x80, s10, s19, $0xb8;
	[tilespmem:$0x1E000] =	vst v63  }
0x145: {  	_ =	swait.ge [sflag:s29], $0x4000  }
0x146: {  	[sflag:s29] =	ssyncset.done $0x0  }
0x147: {  	s10 =	sor.u32 $0x700, s3;
	[sflag:s29] =	ssyncadd.s32 $0xFFFFC000  }
0x148: {  	[tilespmem:s15], [sflag:$0x2] =	stream.indirect.gather [hbm4b:s4+s19], $0x80, s10, s19, $0xb8;
	[tilespmem:$0x1E000] =	vst v63  }
0x149: {  	_ =	swait.ge [sflag:s25], $0x4000  }
0x14a: {  	[sflag:s25] =	ssyncset.done $0x0  }
0x14b: {  	s10 =	sor.u32 $0x1700, s3;
	[sflag:s25] =	ssyncadd.s32 $0xFFFFC000  }
0x14c: {  	[spmem:s1] =	stream.indirect.scatter.add.f32 [tilespmem:s15], [sflag:$0x4], $0x80, s10, s19, $0xb8;
	[tilespmem:$0x1E000] =	vst v63  }
0x14d: {  	_ =	swait.ge [sflag:s30], $0x4000  }
0x14e: {  	[sflag:s30] =	ssyncset.done $0x0  }
0x14f: {  	s10 =	sor.u32 $0x780, s3;
	[sflag:s30] =	ssyncadd.s32 $0xFFFFC000  }
0x150: {  	[tilespmem:s26], [sflag:$0x3] =	stream.indirect.gather [hbm4b:s4+s19], $0x80, s10, s19, $0xb8;
	[tilespmem:$0x1E000] =	vst v63  }
0x151: {  	_ =	swait.ge [sflag:s28], $0x4000  }
0x152: {  	[sflag:s28] =	ssyncset.done $0x0  }
0x153: {  	s3 =	sor.u32 $0x1780, s3;
	[sflag:s28] =	ssyncadd.s32 $0xFFFFC000  }
0x154: {  	[spmem:s1] =	stream.indirect.scatter.add.f32 [tilespmem:s26], [sflag:$0x5], $0x80, s3, s19, $0xb8;
	[tilespmem:$0x1E000] =	vst v63  }
.Ltmp1:
0x155: {  	_ =	swait.ge [sflag:s29], $0x4000;
	(pc) =	sbr.rel @p0 .LBB2_4-.Ltmp1, $4  }
0x156: {  	[sflag:s29] =	ssyncset.done $0x0  }
0x157: {  	[sflag:s29] =	ssyncadd.s32 $0xFFFFC000  }
0x158: {  	_ =	swait.ge [sflag:s30], $0x4000  }
0x159: {  	s0 =	sadd.s32 $0x100, s0;
	[sflag:s30] =	ssyncset.done $0x0  }
0x15a: {  	s0 =	stileid.u32  }
0x15b: {  	[sflag:s30] =	ssyncadd.s32 $0xFFFFC000;
	s0 =	sshll.u32 s0, $0x6  }
0x15c: {  	s3 =	sshrl.u32 s5, $0x3;
	[bflag:$0x0] =	sbarrier.arrive $0xFFFF;
	s0 =	sor.u32 $0x1C06, s0  }
0x15d: {  	[hbm:s20], [sflag:s0] =	dma.local [spmem:s3], $0x800  }
0x15e: {  	_ =	swait.ge [sflag:s16], $0x800  }
0x15f: {  	[sflag:s16] =	ssyncset.done $0x0  }
0x160: {  	s10 =	sshrl.u32 s6, $0x3;
	[sflag:s16] =	ssyncadd.s32 $0xFFFFF800  }
0x161: {  	[hbm:s21], [sflag:s0] =	dma.local [spmem:s10], $0x800  }
0x162: {  	_ =	swait.ge [sflag:s16], $0x800  }
0x163: {  	[sflag:s16] =	ssyncset.done $0x0  }
0x164: {  	s11 =	sshrl.u32 s7, $0x3;
	[sflag:s16] =	ssyncadd.s32 $0xFFFFF800  }
0x165: {  	[hbm:s22], [sflag:s0] =	dma.local [spmem:s11], $0x800  }
0x166: {  	_ =	swait.ge [sflag:s16], $0x800  }
0x167: {  	[sflag:s16] =	ssyncset.done $0x0  }
0x168: {  	s13 =	sshrl.u32 s8, $0x3;
	[sflag:s16] =	ssyncadd.s32 $0xFFFFF800  }
0x169: {  	[hbm:s23], [sflag:s0] =	dma.local [spmem:s13], $0x800  }
0x16a: {  	s2 =	sadd.s32 $0x1, s2;
	_ =	swait.ge [sflag:s16], $0x800  }
0x16b: {  	p0 =	sne.s32 s2, s12;
	[sflag:s16] =	ssyncset.done $0x0  }
.Ltmp2:
0x16c: {  	s31 =	sshrl.u32 s9, $0x3;
	[sflag:s16] =	ssyncadd.s32 $0xFFFFF800;
	(pc) =	sbr.rel @p0 .LBB2_1-.Ltmp2, $4  }
0x16d: {  	[hbm:s24], [sflag:s0] =	dma.local [spmem:s31], $0x800  }
0x16e: {  	_ =	swait.ge [sflag:s16], $0x800  }
0x16f: {  	[sflag:s16] =	ssyncset.done $0x0  }
0x170: {  	[sflag:s16] =	ssyncadd.s32 $0xFFFFF800  }
0x171: {  	_ =	sfence.sel $0x180000  }
0x172: {  	[bflag:$0x0] =	sbarrier.arrive $0xFFFF  }
0x173: {  	_ =	strace $0x9000004A  }
0x174: {  	s0 =	stileid.u32;
	[bflag:$0x2] =	sbarrier.arrive $0xFFFF  }
0x175: {  	p0 =	sne.s32 s0, $0x0;
	s0 =	rddreg [dreg:$0x3]  }
0x176: {  	s0 =	sadd.s32 @!p0 $0x100000, s0  }
0x177: {  	[sflag:s0] =	ssyncadd.tile.s32 @!p0 $0x1;
	_ =	shalt  }
.Lfunc_end2:
_tile_overlayer_lowered:
.L_overlay_start_2:
0x178: {  	(tag) =	ssettag $0x2  }
0x179: {  	s0 =	rddreg [dreg:$0x0];
	s2 =	stileid.u32  }
0x17a: {  	s1 =	rddreg [dreg:$0x1];
	p0 =	sne.s32 s2, $0x0  }
0x17b: {  	s3 =	rddreg [dreg:$0x2];
	[bflag:$0x3] =	sbarrier.arrive $0xFFFF;
	s2 =	simm.s32 @!p0 $0x1C06  }
0x17c: {  	[timem:s3], [sflag:s2] =	dma.local @!p0 [hbm:s0], s1  }
0x17d: {  	s0 =	simm.s32 @!p0 $0x6  }
0x17e: {  	_ =	swait.ge @!p0 [sflag:s0], s1  }
0x17f: {  	s1 =	ssub.s32 @!p0 $0x0, s1;
	[sflag:s0] =	ssyncset.done @!p0 $0x0  }
0x180: {  	[sflag:s0] =	ssyncadd.s32 @!p0 s1  }
0x181: {  	[bflag:$0x3] =	sbarrier.arrive $0xFFFF  }
0x182: {  	_ =	shalt  }

// kernel: kernel.14.cloned.1.call-start
scs
__scs_entry_jumppad:
0x0: {  	(pc) =	sbr.rel $0x88, $3  }
0x1: {  	(tag) =	ssettag $0x0;
	lr =	simm.s32 $0x1  }
0x2: {  	[smem:$0x3F92] =	sst lr;
	_ =	strace $0xD0000000  }
0x3: {  	_ = 	snop  }
0x4: {  	_ = 	snop  }
0x5: {  	_ = 	snop  }
0x6: {  	_ = 	snop  }
0x7: {  	_ = 	snop  }
__scs_overlays_trampoline_lowered:
0x8: {  	[smem:$0x3FA1] =	sst s0  }
0x9: {  	[smem:$0x3FA2] =	sst s1  }
0xa: {  	[smem:$0x3FA3] =	sst s2  }
0xb: {  	[smem:$0x3FA4] =	sst s3  }
0xc: {  	[smem:$0x3FA5] =	sst s4  }
0xd: {  	[smem:$0x3FA6] =	sst s5  }
0xe: {  	[smem:$0x3FA7] =	sst s6  }
0xf: {  	[smem:$0x3FA8] =	sst s7  }
0x10: {  	[smem:$0x3FA9] =	sst s8  }
0x11: {  	[smem:$0x3FAA] =	sst s9;
	s0 =	simm.s32 @!p0 $0x0  }
0x12: {  	s1 =	sld [smem:$0x3F90];
	s0 =	simm.s32 @p0 $0x1  }
0x13: {  	[smem:$0x3FAB] =	sst s0;
	s0 =	simm.s32 @!p1 $0x0  }
0x14: {  	s2 =	sld [smem:$0x3F8F];
	s0 =	simm.s32 @p1 $0x1  }
0x15: {  	[smem:$0x3FAC] =	sst s0;
	s0 =	simm.s32 @!p2 $0x0  }
0x16: {  	s3 =	sld [smem:$0x3FDB];
	s0 =	simm.s32 @p2 $0x1  }
0x17: {  	s4 =	simm.s32 $0x1BF5;
	[smem:$0x3FAE] =	sst s0  }
0x18: {  	s0 =	sld [smem:$0x3F91];
	_ =	swait.ge [sflag:s4], $0x0  }
0x19: {  	s7 =	sld [smem:$0x3F92]  }
0x1a: {  	s8 =	sadd.s32 $0xFFFFE003, lr  }
0x1b: {  	s9 =	sadd.s32 $0xFFFFFEF7, lr;
	s5 =	simm.s32 $0xFFFFFFFF;
	p2 =	slt.u32 s8, $0xFFFFF086  }
0x1c: {  	p1 =	slt.u32 s9, $0xF7A;
	s5 =	simm.s32 @!p2 $0x0  }
0x1d: {  	s5 =	simm.s32 @p1 $0x1;
	p0 =	seq.s32 s7, s2  }
0x1e: {  	s7 =	smul.u32 @!p0 $0xF7A, s2;
	p2 =	seq.s32 @!p0 s5, $0x0  }
0x1f: {  	s9 =	smul.u32 $0xF7A, s1;
	s8 =	simm.s32 @!p0 $0x1BF5;
	p2 =	por !p2, p0  }
0x20: {  	[sflag:s8] =	ssyncset.s32 @!p0 $0xFFFFF086;
	s6 =	sadd.s32 @!p0 s3, s7;
	s7 =	simm.s32 @!p0 $0x108  }
0x21: {  	s3 =	sadd.s32 s3, s9;
	s6 =	sadd.s32 @!p0 $0x88, s6;
	s7 =	simm.s32 @p2 $0x1082  }
0x22: {  	[simem:s7], [sflag:s8] =	dma.local @!p0 [hbm:s6], $0xF7A  }
0x23: {  	s9 =	sor.u32 $0xD0000000, s2;
	s6 =	simm.s32 $0x108;
	_ =	swait.ge @!p0 [sflag:s8], $0x0  }
0x24: {  	s3 =	sadd.s32 $0x88, s3;
	s6 =	simm.s32 @!p1 $0x1082;
	[sflag:s4] =	ssyncset.s32 $0xFFFFF086  }
0x25: {  	[simem:s6], [sflag:s4] =	dma.local [hbm:s3], $0xF7A  }
0x26: {  	[smem:$0x3F92] =	sst s1;
	(tag) =	ssettag s2;
	_ =	strace s9  }
0x27: {  	s1 =	sld [smem:$0x3FA2]  }
0x28: {  	s2 =	sld [smem:$0x3FA3]  }
0x29: {  	s4 =	sld [smem:$0x3FA5]  }
0x2a: {  	p0 =	seq.s32 s5, $0x0;
	s5 =	sld [smem:$0x3FA6]  }
0x2b: {  	s6 =	sld [smem:$0x3FA7]  }
0x2c: {  	s7 =	sld [smem:$0x3FA8]  }
0x2d: {  	s3 =	simm.s32 $0x108;
	s8 =	sld [smem:$0x3FA9]  }
0x2e: {  	s3 =	simm.s32 @!p0 $0x1082;
	s9 =	sld [smem:$0x3FAA]  }
0x2f: {  	lr =	sadd.s32 s0, s3;
	s0 =	sld [smem:$0x3FA1]  }
0x30: {  	s3 =	sld [smem:$0x3FA4]  }
0x31: {  	[smem:$0x3FAD] =	sst s10  }
0x32: {  	s10 =	sld [smem:$0x3FAB];
	_ =	sdelay $0x3  }
0x33: {  	p0 =	seq.s32 s10, $0x1;
	s10 =	sld [smem:$0x3FAD];
	_ =	sdelay $0x3  }
0x34: {  	[smem:$0x3FAD] =	sst s10  }
0x35: {  	s10 =	sld [smem:$0x3FAC];
	_ =	sdelay $0x3  }
0x36: {  	p1 =	seq.s32 s10, $0x1;
	s10 =	sld [smem:$0x3FAD];
	_ =	sdelay $0x3  }
0x37: {  	[smem:$0x3FAD] =	sst s10  }
0x38: {  	s10 =	sld [smem:$0x3FAE]  }
0x39: {  	_ = 	snop;
	(pc) =	sbr.ind lr, $3  }
0x3a: {  	_ = 	snop  }
0x3b: {  	_ = 	snop  }
0x3c: {  	p2 =	seq.s32 s10, $0x1;
	s10 =	sld [smem:$0x3FAD]  }
0x3d: {  	_ =	shalt  }
0x3e: {  	_ =	shalt  }
0x3f: {  	_ =	shalt  }
0x40: {  	_ =	shalt  }
0x41: {  	_ =	shalt  }
0x42: {  	_ =	shalt  }
0x43: {  	_ =	shalt  }
0x44: {  	_ =	shalt  }
0x45: {  	_ =	shalt  }
0x46: {  	_ =	shalt  }
0x47: {  	_ =	shalt  }
0x48: {  	_ =	shalt  }
0x49: {  	_ =	shalt  }
0x4a: {  	_ =	shalt  }
0x4b: {  	_ =	shalt  }
0x4c: {  	_ =	shalt  }
0x4d: {  	_ =	shalt  }
0x4e: {  	_ =	shalt  }
0x4f: {  	_ =	shalt  }
0x50: {  	_ =	shalt  }
0x51: {  	_ =	shalt  }
0x52: {  	_ =	shalt  }
0x53: {  	_ =	shalt  }
0x54: {  	_ =	shalt  }
0x55: {  	_ =	shalt  }
0x56: {  	_ =	shalt  }
0x57: {  	_ =	shalt  }
0x58: {  	_ =	shalt  }
0x59: {  	_ =	shalt  }
0x5a: {  	_ =	shalt  }
0x5b: {  	_ =	shalt  }
0x5c: {  	_ =	shalt  }
0x5d: {  	_ =	shalt  }
0x5e: {  	_ =	shalt  }
0x5f: {  	_ =	shalt  }
0x60: {  	_ =	shalt  }
0x61: {  	_ =	shalt  }
0x62: {  	_ =	shalt  }
0x63: {  	_ =	shalt  }
0x64: {  	_ =	shalt  }
0x65: {  	_ =	shalt  }
0x66: {  	_ =	shalt  }
0x67: {  	_ =	shalt  }
0x68: {  	_ =	shalt  }
0x69: {  	_ =	shalt  }
0x6a: {  	_ =	shalt  }
0x6b: {  	_ =	shalt  }
0x6c: {  	_ =	shalt  }
0x6d: {  	_ =	shalt  }
0x6e: {  	_ =	shalt  }
0x6f: {  	_ =	shalt  }
0x70: {  	_ =	shalt  }
0x71: {  	_ =	shalt  }
0x72: {  	_ =	shalt  }
0x73: {  	_ =	shalt  }
0x74: {  	_ =	shalt  }
0x75: {  	_ =	shalt  }
0x76: {  	_ =	shalt  }
0x77: {  	_ =	shalt  }
0x78: {  	_ =	shalt  }
0x79: {  	_ =	shalt  }
0x7a: {  	_ =	shalt  }
0x7b: {  	_ =	shalt  }
0x7c: {  	_ =	shalt  }
0x7d: {  	_ =	shalt  }
0x7e: {  	_ =	shalt  }
0x7f: {  	_ =	shalt  }
0x80: {  	_ =	shalt  }
0x81: {  	_ =	shalt  }
0x82: {  	_ =	shalt  }
0x83: {  	_ =	shalt  }
0x84: {  	_ =	shalt  }
0x85: {  	_ =	shalt  }
0x86: {  	_ =	shalt  }
0x87: {  	_ =	shalt  }
.Lfunc_end0:
.L_simem_size_0:
called_computation.2_lowered:
.L_overlay_start_0:
0x88: {  	s2 =	sld [smem:$0x3FD9]  }
0x89: {  	s3 =	sld [smem:$0x3FFE];
	_ =	sdelay $0x1  }
0x8a: {  	s1 =	srdreg.scid  }
0x8b: {  	s0 =	sand.u32 $0x1, s1  }
0x8c: {  	s14 =	sshll.u32 s0, $0xA;
	s2 =	sadd.s32 s3, s2  }
0x8d: {  	s2 =	sadd.s32 s2, s14  }
0x8e: {  	[smem:$0x3FB9] =	sst s2  }
0x8f: {  	_ = 	snop  }
0x90: {  	s2 =	sld [smem:$0x3FD0];
	_ =	sdelay $0x2  }
0x91: {  	s15 =	simm.s32 $0xA;
	s4 =	simm.s32 $0x10  }
0x92: {  	[smem:s4], [sflag:s15] =	dma.local [hbm:s2], $0x1  }
0x93: {  	_ =	swait.eq [sflag:s15], $0x1  }
0x94: {  	[sflag:s15] =	ssyncset.done $0x0  }
0x95: {  	[sflag:s15] =	ssyncadd.s32 $0xFFFFFFFF  }
0x96: {  	s16 =	sld [smem:$0x11];
	(tm) =	ssettm $0x1  }
0x97: {  	s17 =	sld [smem:$0x3FFB];
	_ =	sdelay $0x3  }
0x98: {  	_ =	strace s17  }
0x99: {  	s3 =	sld [smem:$0x3FFC];
	_ =	sdelay $0x3  }
0x9a: {  	_ =	strace s3  }
0x9b: {  	s3 =	sld [smem:$0x3FFD];
	_ =	sdelay $0x3  }
0x9c: {  	_ =	strace s3  }
0x9d: {  	_ =	strace $0x8FFFFFFF  }
0x9e: {  	s18 =	sld [smem:$0x3FDB];
	_ =	sdelay $0x1  }
0x9f: {  	s19 =	simm.s32 $_scs_section_size  }
0xa0: {  	s5 =	simm.s32 $_size__tile_overlayer_lowered;
	s6 =	simm.s32 $_tile_overlayer_lowered  }
0xa1: {  	s22 =	simm.s32 $0x1BFF;
	s21 =	sshll.u32 s6, $0x1;
	s3 =	sadd.s32 s19, s18  }
0xa2: {  	s7 =	simm.s32 $0x0;
	s20 =	sshll.u32 s5, $0x1;
	s5 =	sadd.s32 s21, s3  }
0xa3: {  	[timem:s7], [sflag:s22] =	dma.local [hbm:s5], s20  }
0xa4: {  	_ =	swait.ge [sflag:s22], s20  }
0xa5: {  	s4 =	ssub.s32 $0x0, s20;
	[sflag:s22] =	ssyncset.done $0x0  }
0xa6: {  	[sflag:s22] =	ssyncadd.s32 s4;
	_ =	sdelay $0x1  }
0xa7: {  	s23 =	simm.s32 $0x1B8B  }
0xa8: {  	_ =	swait.ge [sflag:s23], $0x1  }
0xa9: {  	[sflag:s23] =	ssyncset.done $0x0  }
0xaa: {  	s25 =	simm.s32 $0x1B8E;
	s24 =	sld [smem:$0x3FFE];
	[sflag:s23] =	ssyncadd.s32 $0xFFFFFFFF  }
0xab: {  	s26 =	simm.s32 $execute0_lowered;
	[smem:$0x3FD2] =	sst s25  }
0xac: {  	s5 =	sshll.u32 s26, $0x1;
	_ =	strace $0x8000004C;
	[dreg:$0x1] =	wrdreg $0xFFFFFFFF  }
0xad: {  	s28 =	simm.s32 $_size_execute0_lowered;
	s3 =	sadd.s32 s3, s5;
	[dreg:$0x0] =	wrdreg $0x0  }
0xae: {  	s5 =	sshll.u32 s28, $0x1;
	[dreg:$0x2] =	wrdreg s3  }
0xaf: {  	[dreg:$0x3] =	wrdreg s5  }
0xb0: {  	[dreg:$0x4] =	wrdreg $0xC0  }
0xb1: {  	_ =	task [dreg:s7], $0x5FFFF  }
0xb2: {  	[dreg:$0x1] =	wrdreg $0xFFFFFFFF  }
0xb3: {  	[dreg:$0x0] =	wrdreg $0x60  }
0xb4: {  	[dreg:$0x2] =	wrdreg s16  }
0xb5: {  	[dreg:$0x3] =	wrdreg s24  }
0xb6: {  	[dreg:$0x4] =	wrdreg $0xA0000  }
0xb7: {  	[dreg:$0x5] =	wrdreg $0x9  }
0xb8: {  	_ =	task.clear_ibuf [dreg:s7], $0x6FFFF;
	_ =	strace $0x9000004C  }
0xb9: {  	s29 =	simm.s32 $0x9;
	_ =	strace $0x8000004E  }
0xba: {  	_ =	swait.ge [sflag:s29], $0x1  }
0xbb: {  	[sflag:s29] =	ssyncadd.s32 $0xFFFFFFFF  }
0xbc: {  	_ =	strace $0x9000004E  }
0xbd: {  	_ =	sfence  }
0xbe: {  	s30 =	sld [smem:$0x0];
	_ =	sdelay $0x2  }
0xbf: {  	s31 =	sshll.u32 s1, $0xD;
	s1 =	sshrl.u32 s1, $0x2  }
0xc0: {  	s3 =	sand.u32 $0x4000, s31;
	s1 =	sadd.s32 s1, s30  }
0xc1: {  	s0 =	sor.u32 s3, s0;
	s1 =	sshll.u32 s1, $0x11  }
0xc2: {  	s0 =	sor.u32 s1, s0  }
0xc3: {  	s0 =	sadd.s32 $0x8F2B, s0  }
0xc4: {  	[sflag:s0] =	ssyncadd.remote.s32 $0x1  }
0xc5: {  	_ =	sfence.sel $0xFFFF  }
0xc6: {  	[dreg:$0x0] =	wrdreg $0xFFFFFFFF;
	(pc) =	sbr.abs _section_cstart, $3  }
0xc7: {  	[dreg:$0x1] =	wrdreg $0xFFFFFFFF  }
0xc8: {  	_ =	task.clear_ibuf [dreg:s7], $0x2FFFF;
	_ =	strace $0x9FFFFFFF  }
0xc9: {  	(tm) =	ssettm $0x7FFFFFFF  }
tec
execute0_lowered:
.L_overlay_start_1:
0x0: {  	(tag) =	ssettag $0x1  }
0x1: {  	s0 =	rddreg [dreg:$0x0]  }
0x2: {  	s3 =	rddreg [dreg:$0x1]  }
0x3: {  	s1 =	rddreg [dreg:$0x2];
	s2 =	simm.s32 $0x0;
	s4 =	srdreg.scid  }
0x4: {  	s23 =	stileid.u32;
	s28 =	simm.s32 $0x3;
	s29 =	simm.s32 $0x4  }
0x5: {  	s30 =	simm.s32 $0x5;
	[smem:$0x7FF] =	sst s2;
	s8 =	smul.u32 $0x280, s23  }
0x6: {  	s11 =	sand.u32 $0x1, s4;
	s12 =	sadd.s32 $0x5C400, s3;
	s22 =	smul.u32 $0x50000, s23  }
0x7: {  	s4 =	sadd.s32 $0x4200, s3;
	s18 =	smul.u32 $0x5000, s23;
	_ =	strace $0x8000004D  }
0x8: {  	s5 =	smul.u32 $0x28000, s11;
	s6 =	ssub.s32 $0x2, s11;
	s21 =	sshll.u32 s11, $0x4  }
0x9: {  	s20 =	sshrl.u32 s6, $0x1;
	s9 =	sor.u32 s23, s21;
	s14 =	sadd.s32 $0x80, s8  }
0xa: {  	s15 =	sadd.s32 $0x100, s8;
	s24 =	sshrl.u32 s22, $0x2;
	s16 =	sadd.s32 $0x180, s8  }
0xb: {  	s17 =	sadd.s32 $0x200, s8;
	s19 =	sshrl.u32 s18, $0x3;
	s21 =	smul.u32 $0x2800, s23  }
0xc: {  	s23 =	smul.u32 $0xA00, s23;
	s3 =	sadd.s32 s5, s3;
	s13 =	ssub.s32 s6, s20  }
0xd: {  	s25 =	sshll.u32 s14, $0x7;
	s7 =	sshll.u32 s15, $0x7;
	s5 =	sadd.s32 s24, s1  }
0xe: {  	s10 =	smul.u32 $0x5000, s9;
	s26 =	sshll.u32 s16, $0x7;
	s31 =	sshll.u32 s17, $0x7  }
0xf: {  	s20 =	smul.u32 $0x50000, s11;
	s19 =	sadd.s32 s12, s19;
	s22 =	sshll.u32 s14, $0x4  }
0x10: {  	s24 =	sshll.u32 s16, $0x4;
	s16 =	simm.s32 $0x6;
	s6 =	sadd.s32 s25, s1  }
0x11: {  	s7 =	sadd.s32 s7, s1;
	s8 =	sadd.s32 s26, s1;
	s9 =	sadd.s32 s31, s1  }
0x12: {  	[dreg:$0x5] =	wrdreg s19;
	s3 =	sadd.s32 $0x66400, s3;
	s26 =	sshll.u32 s15, $0x4  }
0x13: {  	s25 =	sshll.u32 s17, $0x4;
	s31 =	sadd.s32 s23, s12;
	s12 =	smax.u32 s13, $0x1  }
0x14: {  	s15 =	simm.s32 $0x2000;
	s19 =	simm.s32 $0x80;
	s10 =	sshrl.u32 s10, $0x3  }
0x15: {  	s20 =	sadd.s32 s18, s20;
	s18 =	simm.s32 $0x1;
	s23 =	sadd.s32 s24, s3  }
0x16: {  	s24 =	sadd.s32 s25, s3;
	s25 =	simm.s32 $0x2;
	s10 =	sadd.s32 s0, s10  }
0x17: {  	s14 =	sor.u32 $0x800, s20;
	s20 =	sadd.s32 s21, s3;
	s21 =	sadd.s32 s22, s3  }
0x18: {  	s22 =	sadd.s32 s26, s3;
	s26 =	simm.s32 $0x6000;
	s14 =	sshrl.u32 s14, $0x3  }
0x19: {  	v0 =	vimm.f32 $0.0e+00;
	[dreg:$0x4] =	wrdreg s10;
	s17 =	sadd.s32 s14, s0;
	s14 =	sadd.s32 $0x100, s31  }
.LBB2_1:
0x1a: {  	s0 =	simm.s32 $0x0;
	s3 =	simm.s32 $0x200  }
.LBB2_2:
0x1b: {  	p0 =	sne.s32 s3, $0xFE00;
	[tilespmem:s0+$0x2070] =	vst v0  }
0x1c: {  	[tilespmem:s0+$0x2000] =	vst v0  }
0x1d: {  	[tilespmem:s0+$0x2010] =	vst v0  }
.Ltmp0:
0x1e: {  	[tilespmem:s0+$0x2020] =	vst v0;
	(pc) =	sbr.rel @p0 .LBB2_2-.Ltmp0, $4  }
0x1f: {  	[tilespmem:s0+$0x2030] =	vst v0  }
0x20: {  	[tilespmem:s0+$0x2040] =	vst v0  }
0x21: {  	[tilespmem:s0+$0x2050] =	vst v0  }
0x22: {  	[tilespmem:s0+$0x2060] =	vst v0;
	s0 =	sshra.s32 s3, $0x2;
	s3 =	sadd.s32 $0x200, s3  }
0x23: {  	[tilespmem:s0+$0x2070] =	vst v0  }
0x24: {  	[tilespmem:s0+$0x2000] =	vst v0  }
0x25: {  	[tilespmem:s0+$0x2010] =	vst v0  }
0x26: {  	[tilespmem:s0+$0x2020] =	vst v0  }
0x27: {  	[tilespmem:s0+$0x2030] =	vst v0  }
0x28: {  	[tilespmem:s0+$0x2040] =	vst v0  }
0x29: {  	[tilespmem:s0+$0x2050] =	vst v0  }
0x2a: {  	[tilespmem:s0+$0x2060] =	vst v0  }
0x2b: {  	[spmem:s5] =	stream.linear.scatter [tilespmem:s15], [sflag:$0x6], $0x4000, $0x38;
	[tilespmem:$0x1E000] =	vst v63  }
0x2c: {  	_ =	swait.ge [sflag:s16], $0x4000  }
0x2d: {  	[sflag:s16] =	ssyncset.done $0x0  }
0x2e: {  	[sflag:s16] =	ssyncadd.s32 $0xFFFFC000  }
0x2f: {  	[spmem:s6] =	stream.linear.scatter [tilespmem:s15], [sflag:$0x6], $0x4000, $0x38;
	[tilespmem:$0x1E000] =	vst v63  }
0x30: {  	_ =	swait.ge [sflag:s16], $0x4000  }
0x31: {  	[sflag:s16] =	ssyncset.done $0x0  }
0x32: {  	[sflag:s16] =	ssyncadd.s32 $0xFFFFC000  }
0x33: {  	[spmem:s7] =	stream.linear.scatter [tilespmem:s15], [sflag:$0x6], $0x4000, $0x38;
	[tilespmem:$0x1E000] =	vst v63  }
0x34: {  	_ =	swait.ge [sflag:s16], $0x4000  }
0x35: {  	[sflag:s16] =	ssyncset.done $0x0  }
0x36: {  	[sflag:s16] =	ssyncadd.s32 $0xFFFFC000  }
0x37: {  	[spmem:s8] =	stream.linear.scatter [tilespmem:s15], [sflag:$0x6], $0x4000, $0x38;
	[tilespmem:$0x1E000] =	vst v63  }
0x38: {  	_ =	swait.ge [sflag:s16], $0x4000  }
0x39: {  	[sflag:s16] =	ssyncset.done $0x0  }
0x3a: {  	[sflag:s16] =	ssyncadd.s32 $0xFFFFC000  }
0x3b: {  	[spmem:s9] =	stream.linear.scatter [tilespmem:s15], [sflag:$0x6], $0x4000, $0x38;
	[tilespmem:$0x1E000] =	vst v63  }
0x3c: {  	_ =	swait.ge [sflag:s16], $0x4000  }
0x3d: {  	[sflag:s16] =	ssyncset.done $0x0  }
0x3e: {  	[sflag:s16] =	ssyncadd.s32 $0xFFFFC000  }
0x3f: {  	[bflag:$0x0] =	sbarrier.arrive $0xFFFF  }
0x40: {  	s0 =	simm.s32 $0x0;
	s3 =	rddreg [dreg:$0x4]  }
0x41: {  	[tilespmem:s0], [sflag:$0x1] =	stream.linear.gather [hbm4b:s3+s0], $0x800, $0x38;
	[tilespmem:$0x1E000] =	vst v63  }
0x42: {  	s10 =	simm.s32 $0x1000;
	s13 =	rddreg [dreg:$0x5]  }
0x43: {  	[tilespmem:s10], [sflag:$0x1] =	stream.linear.gather [hbm4b:s13+s0], $0x800, $0x38;
	[tilespmem:$0x1E000] =	vst v63  }
0x44: {  	_ =	swait.ge [sflag:s18], $0x800  }
0x45: {  	[sflag:s18] =	ssyncset.done $0x0  }
0x46: {  	[sflag:s18] =	ssyncadd.s32 $0xFFFFF800  }
0x47: {  	p0 =	por $0x0, $0x0;
	_ =	swait.ge [sflag:s18], $0x800  }
0x48: {  	s0 =	sand.u32 @!p0 $0x800, s0;
	[sflag:s18] =	ssyncset.done $0x0  }
0x49: {  	s13 =	simm.s32 @!p0 $0x0;
	s3 =	sxor.u32 @!p0 $0x800, s0;
	[sflag:s18] =	ssyncadd.s32 $0xFFFFF800  }
0x4a: {  	[tilespmem:s3], [sflag:$0x1] =	stream.linear.gather @!p0 [hbm4b:s17+s13], $0x800, $0x38;
	[tilespmem:$0x1E000] =	vst v63  }
0x4b: {  	s3 =	sxor.u32 @!p0 $0x1800, s0  }
0x4c: {  	[tilespmem:s3], [sflag:$0x1] =	stream.linear.gather @!p0 [hbm4b:s14+s13], $0x800, $0x38;
	[tilespmem:$0x1E000] =	vst v63  }
0x4d: {  	s0 =	simm.s32 @p0 $0x800  }
0x4e: {  	[tilespmem:s15], [sflag:$0x2] =	stream.indirect.gather [hbm4b:s4+s19], $0x80, s0, s19, $0xb8;
	[tilespmem:$0x1E000] =	vst v63  }
0x4f: {  	_ =	swait.ge [sflag:s25], $0x4000  }
0x50: {  	[sflag:s25] =	ssyncset.done $0x0  }
0x51: {  	s10 =	sor.u32 $0x1000, s0;
	[sflag:s25] =	ssyncadd.s32 $0xFFFFC000  }
0x52: {  	[spmem:s1] =	stream.indirect.scatter.add.f32 [tilespmem:s15], [sflag:$0x4], $0x80, s10, s19, $0xb8;
	[tilespmem:$0x1E000] =	vst v63  }
0x53: {  	s11 =	sor.u32 $0x80, s0  }
0x54: {  	[tilespmem:s26], [sflag:$0x3] =	stream.indirect.gather [hbm4b:s4+s19], $0x80, s11, s19, $0xb8;
	[tilespmem:$0x1E000] =	vst v63  }
0x55: {  	_ =	swait.ge [sflag:s28], $0x4000  }
0x56: {  	[sflag:s28] =	ssyncset.done $0x0  }
0x57: {  	s13 =	sor.u32 $0x1080, s0;
	[sflag:s28] =	ssyncadd.s32 $0xFFFFC000  }
0x58: {  	[spmem:s1] =	stream.indirect.scatter.add.f32 [tilespmem:s26], [sflag:$0x5], $0x80, s13, s19, $0xb8;
	[tilespmem:$0x1E000] =	vst v63  }
0x59: {  	_ =	swait.ge [sflag:s29], $0x4000  }
0x5a: {  	[sflag:s29] =	ssyncset.done $0x0  }
0x5b: {  	s10 =	sor.u32 $0x100, s0;
	[sflag:s29] =	ssyncadd.s32 $0xFFFFC000  }
0x5c: {  	[tilespmem:s15], [sflag:$0x2] =	stream.indirect.gather [hbm4b:s4+s19], $0x80, s10, s19, $0xb8;
	[tilespmem:$0x1E000] =	vst v63  }
0x5d: {  	_ =	swait.ge [sflag:s25], $0x4000  }
0x5e: {  	[sflag:s25] =	ssyncset.done $0x0  }
0x5f: {  	s11 =	sor.u32 $0x1100, s0;
	[sflag:s25] =	ssyncadd.s32 $0xFFFFC000  }
0x60: {  	[spmem:s1] =	stream.indirect.scatter.add.f32 [tilespmem:s15], [sflag:$0x4], $0x80, s11, s19, $0xb8;
	[tilespmem:$0x1E000] =	vst v63  }
0x61: {  	_ =	swait.ge [sflag:s30], $0x4000  }
0x62: {  	[sflag:s30] =	ssyncset.done $0x0  }
0x63: {  	s13 =	sor.u32 $0x180, s0;
	[sflag:s30] =	ssyncadd.s32 $0xFFFFC000  }
0x64: {  	[tilespmem:s26], [sflag:$0x3] =	stream.indirect.gather [hbm4b:s4+s19], $0x80, s13, s19, $0xb8;
	[tilespmem:$0x1E000] =	vst v63  }
0x65: {  	_ =	swait.ge [sflag:s28], $0x4000  }
0x66: {  	[sflag:s28] =	ssyncset.done $0x0  }
0x67: {  	s10 =	sor.u32 $0x1180, s0;
	[sflag:s28] =	ssyncadd.s32 $0xFFFFC000  }
0x68: {  	[spmem:s1] =	stream.indirect.scatter.add.f32 [tilespmem:s26], [sflag:$0x5], $0x80, s10, s19, $0xb8;
	[tilespmem:$0x1E000] =	vst v63  }
0x69: {  	_ =	swait.ge [sflag:s29], $0x4000  }
0x6a: {  	[sflag:s29] =	ssyncset.done $0x0  }
0x6b: {  	s11 =	sor.u32 $0x200, s0;
	[sflag:s29] =	ssyncadd.s32 $0xFFFFC000  }
0x6c: {  	[tilespmem:s15], [sflag:$0x2] =	stream.indirect.gather [hbm4b:s4+s19], $0x80, s11, s19, $0xb8;
	[tilespmem:$0x1E000] =	vst v63  }
0x6d: {  	_ =	swait.ge [sflag:s25], $0x4000  }
0x6e: {  	[sflag:s25] =	ssyncset.done $0x0  }
0x6f: {  	s13 =	sor.u32 $0x1200, s0;
	[sflag:s25] =	ssyncadd.s32 $0xFFFFC000  }
0x70: {  	[spmem:s1] =	stream.indirect.scatter.add.f32 [tilespmem:s15], [sflag:$0x4], $0x80, s13, s19, $0xb8;
	[tilespmem:$0x1E000] =	vst v63  }
0x71: {  	_ =	swait.ge [sflag:s30], $0x4000  }
0x72: {  	[sflag:s30] =	ssyncset.done $0x0  }
0x73: {  	s10 =	sor.u32 $0x280, s0;
	[sflag:s30] =	ssyncadd.s32 $0xFFFFC000  }
0x74: {  	[tilespmem:s26], [sflag:$0x3] =	stream.indirect.gather [hbm4b:s4+s19], $0x80, s10, s19, $0xb8;
	[tilespmem:$0x1E000] =	vst v63  }
0x75: {  	_ =	swait.ge [sflag:s28], $0x4000  }
0x76: {  	[sflag:s28] =	ssyncset.done $0x0  }
0x77: {  	s11 =	sor.u32 $0x1280, s0;
	[sflag:s28] =	ssyncadd.s32 $0xFFFFC000  }
0x78: {  	[spmem:s1] =	stream.indirect.scatter.add.f32 [tilespmem:s26], [sflag:$0x5], $0x80, s11, s19, $0xb8;
	[tilespmem:$0x1E000] =	vst v63  }
0x79: {  	_ =	swait.ge [sflag:s29], $0x4000  }
0x7a: {  	[sflag:s29] =	ssyncset.done $0x0  }
0x7b: {  	s13 =	sor.u32 $0x300, s0;
	[sflag:s29] =	ssyncadd.s32 $0xFFFFC000  }
0x7c: {  	[tilespmem:s15], [sflag:$0x2] =	stream.indirect.gather [hbm4b:s4+s19], $0x80, s13, s19, $0xb8;
	[tilespmem:$0x1E000] =	vst v63  }
0x7d: {  	_ =	swait.ge [sflag:s25], $0x4000  }
0x7e: {  	[sflag:s25] =	ssyncset.done $0x0  }
0x7f: {  	s10 =	sor.u32 $0x1300, s0;
	[sflag:s25] =	ssyncadd.s32 $0xFFFFC000  }
0x80: {  	[spmem:s1] =	stream.indirect.scatter.add.f32 [tilespmem:s15], [sflag:$0x4], $0x80, s10, s19, $0xb8;
	[tilespmem:$0x1E000] =	vst v63  }
0x81: {  	_ =	swait.ge [sflag:s30], $0x4000  }
0x82: {  	[sflag:s30] =	ssyncset.done $0x0  }
0x83: {  	s11 =	sor.u32 $0x380, s0;
	[sflag:s30] =	ssyncadd.s32 $0xFFFFC000  }
0x84: {  	[tilespmem:s26], [sflag:$0x3] =	stream.indirect.gather [hbm4b:s4+s19], $0x80, s11, s19, $0xb8;
	[tilespmem:$0x1E000] =	vst v63  }
0x85: {  	_ =	swait.ge [sflag:s28], $0x4000  }
0x86: {  	[sflag:s28] =	ssyncset.done $0x0  }
0x87: {  	s13 =	sor.u32 $0x1380, s0;
	[sflag:s28] =	ssyncadd.s32 $0xFFFFC000  }
0x88: {  	[spmem:s1] =	stream.indirect.scatter.add.f32 [tilespmem:s26], [sflag:$0x5], $0x80, s13, s19, $0xb8;
	[tilespmem:$0x1E000] =	vst v63  }
0x89: {  	_ =	swait.ge [sflag:s29], $0x4000  }
0x8a: {  	[sflag:s29] =	ssyncset.done $0x0  }
0x8b: {  	s10 =	sor.u32 $0x400, s0;
	[sflag:s29] =	ssyncadd.s32 $0xFFFFC000  }
0x8c: {  	[tilespmem:s15], [sflag:$0x2] =	stream.indirect.gather [hbm4b:s4+s19], $0x80, s10, s19, $0xb8;
	[tilespmem:$0x1E000] =	vst v63  }
0x8d: {  	_ =	swait.ge [sflag:s25], $0x4000  }
0x8e: {  	[sflag:s25] =	ssyncset.done $0x0  }
0x8f: {  	s11 =	sor.u32 $0x1400, s0;
	[sflag:s25] =	ssyncadd.s32 $0xFFFFC000  }
0x90: {  	[spmem:s1] =	stream.indirect.scatter.add.f32 [tilespmem:s15], [sflag:$0x4], $0x80, s11, s19, $0xb8;
	[tilespmem:$0x1E000] =	vst v63  }
0x91: {  	_ =	swait.ge [sflag:s30], $0x4000  }
0x92: {  	[sflag:s30] =	ssyncset.done $0x0  }
0x93: {  	s13 =	sor.u32 $0x480, s0;
	[sflag:s30] =	ssyncadd.s32 $0xFFFFC000  }
0x94: {  	[tilespmem:s26], [sflag:$0x3] =	stream.indirect.gather [hbm4b:s4+s19], $0x80, s13, s19, $0xb8;
	[tilespmem:$0x1E000] =	vst v63  }
0x95: {  	_ =	swait.ge [sflag:s28], $0x4000  }
0x96: {  	[sflag:s28] =	ssyncset.done $0x0  }
0x97: {  	s10 =	sor.u32 $0x1480, s0;
	[sflag:s28] =	ssyncadd.s32 $0xFFFFC000  }
0x98: {  	[spmem:s1] =	stream.indirect.scatter.add.f32 [tilespmem:s26], [sflag:$0x5], $0x80, s10, s19, $0xb8;
	[tilespmem:$0x1E000] =	vst v63  }
0x99: {  	_ =	swait.ge [sflag:s29], $0x4000  }
0x9a: {  	[sflag:s29] =	ssyncset.done $0x0  }
0x9b: {  	s11 =	sor.u32 $0x500, s0;
	[sflag:s29] =	ssyncadd.s32 $0xFFFFC000  }
0x9c: {  	[tilespmem:s15], [sflag:$0x2] =	stream.indirect.gather [hbm4b:s4+s19], $0x80, s11, s19, $0xb8;
	[tilespmem:$0x1E000] =	vst v63  }
0x9d: {  	_ =	swait.ge [sflag:s25], $0x4000  }
0x9e: {  	[sflag:s25] =	ssyncset.done $0x0  }
0x9f: {  	s13 =	sor.u32 $0x1500, s0;
	[sflag:s25] =	ssyncadd.s32 $0xFFFFC000  }
0xa0: {  	[spmem:s1] =	stream.indirect.scatter.add.f32 [tilespmem:s15], [sflag:$0x4], $0x80, s13, s19, $0xb8;
	[tilespmem:$0x1E000] =	vst v63  }
0xa1: {  	_ =	swait.ge [sflag:s30], $0x4000  }
0xa2: {  	[sflag:s30] =	ssyncset.done $0x0  }
0xa3: {  	s10 =	sor.u32 $0x580, s0;
	[sflag:s30] =	ssyncadd.s32 $0xFFFFC000  }
0xa4: {  	[tilespmem:s26], [sflag:$0x3] =	stream.indirect.gather [hbm4b:s4+s19], $0x80, s10, s19, $0xb8;
	[tilespmem:$0x1E000] =	vst v63  }
0xa5: {  	_ =	swait.ge [sflag:s28], $0x4000  }
0xa6: {  	[sflag:s28] =	ssyncset.done $0x0  }
0xa7: {  	s11 =	sor.u32 $0x1580, s0;
	[sflag:s28] =	ssyncadd.s32 $0xFFFFC000  }
0xa8: {  	[spmem:s1] =	stream.indirect.scatter.add.f32 [tilespmem:s26], [sflag:$0x5], $0x80, s11, s19, $0xb8;
	[tilespmem:$0x1E000] =	vst v63  }
0xa9: {  	_ =	swait.ge [sflag:s29], $0x4000  }
0xaa: {  	[sflag:s29] =	ssyncset.done $0x0  }
0xab: {  	s13 =	sor.u32 $0x600, s0;
	[sflag:s29] =	ssyncadd.s32 $0xFFFFC000  }
0xac: {  	[tilespmem:s15], [sflag:$0x2] =	stream.indirect.gather [hbm4b:s4+s19], $0x80, s13, s19, $0xb8;
	[tilespmem:$0x1E000] =	vst v63  }
0xad: {  	_ =	swait.ge [sflag:s25], $0x4000  }
0xae: {  	[sflag:s25] =	ssyncset.done $0x0  }
0xaf: {  	s10 =	sor.u32 $0x1600, s0;
	[sflag:s25] =	ssyncadd.s32 $0xFFFFC000  }
0xb0: {  	[spmem:s1] =	stream.indirect.scatter.add.f32 [tilespmem:s15], [sflag:$0x4], $0x80, s10, s19, $0xb8;
	[tilespmem:$0x1E000] =	vst v63  }
0xb1: {  	_ =	swait.ge [sflag:s30], $0x4000  }
0xb2: {  	[sflag:s30] =	ssyncset.done $0x0  }
0xb3: {  	s11 =	sor.u32 $0x680, s0;
	[sflag:s30] =	ssyncadd.s32 $0xFFFFC000  }
0xb4: {  	[tilespmem:s26], [sflag:$0x3] =	stream.indirect.gather [hbm4b:s4+s19], $0x80, s11, s19, $0xb8;
	[tilespmem:$0x1E000] =	vst v63  }
0xb5: {  	_ =	swait.ge [sflag:s28], $0x4000  }
0xb6: {  	[sflag:s28] =	ssyncset.done $0x0  }
0xb7: {  	s13 =	sor.u32 $0x1680, s0;
	[sflag:s28] =	ssyncadd.s32 $0xFFFFC000  }
0xb8: {  	[spmem:s1] =	stream.indirect.scatter.add.f32 [tilespmem:s26], [sflag:$0x5], $0x80, s13, s19, $0xb8;
	[tilespmem:$0x1E000] =	vst v63  }
0xb9: {  	_ =	swait.ge [sflag:s29], $0x4000  }
0xba: {  	[sflag:s29] =	ssyncset.done $0x0  }
0xbb: {  	s10 =	sor.u32 $0x700, s0;
	[sflag:s29] =	ssyncadd.s32 $0xFFFFC000  }
0xbc: {  	[tilespmem:s15], [sflag:$0x2] =	stream.indirect.gather [hbm4b:s4+s19], $0x80, s10, s19, $0xb8;
	[tilespmem:$0x1E000] =	vst v63  }
0xbd: {  	_ =	swait.ge [sflag:s25], $0x4000  }
0xbe: {  	[sflag:s25] =	ssyncset.done $0x0  }
0xbf: {  	s11 =	sor.u32 $0x1700, s0;
	[sflag:s25] =	ssyncadd.s32 $0xFFFFC000  }
0xc0: {  	[spmem:s1] =	stream.indirect.scatter.add.f32 [tilespmem:s15], [sflag:$0x4], $0x80, s11, s19, $0xb8;
	[tilespmem:$0x1E000] =	vst v63  }
0xc1: {  	_ =	swait.ge [sflag:s30], $0x4000  }
0xc2: {  	[sflag:s30] =	ssyncset.done $0x0  }
0xc3: {  	s13 =	sor.u32 $0x780, s0;
	[sflag:s30] =	ssyncadd.s32 $0xFFFFC000  }
0xc4: {  	[tilespmem:s26], [sflag:$0x3] =	stream.indirect.gather [hbm4b:s4+s19], $0x80, s13, s19, $0xb8;
	[tilespmem:$0x1E000] =	vst v63  }
0xc5: {  	_ =	swait.ge [sflag:s28], $0x4000  }
0xc6: {  	[sflag:s28] =	ssyncset.done $0x0  }
0xc7: {  	s0 =	sor.u32 $0x1780, s0;
	[sflag:s28] =	ssyncadd.s32 $0xFFFFC000  }
0xc8: {  	[spmem:s1] =	stream.indirect.scatter.add.f32 [tilespmem:s26], [sflag:$0x5], $0x80, s0, s19, $0xb8;
	[tilespmem:$0x1E000] =	vst v63  }
0xc9: {  	_ =	swait.ge [sflag:s29], $0x4000  }
0xca: {  	[sflag:s29] =	ssyncset.done $0x0  }
0xcb: {  	[sflag:s29] =	ssyncadd.s32 $0xFFFFC000  }
0xcc: {  	s31 =	simm.s32 $0x800;
	_ =	swait.ge [sflag:s30], $0x4000  }
0xcd: {  	s13 =	smov.u32 s17;
	s0 =	sadd.s32 $0x100, s14;
	[sflag:s30] =	ssyncset.done $0x0  }
.LBB2_4:
0xce: {  	[sflag:s30] =	ssyncadd.s32 $0xFFFFC000  }
0xcf: {  	s13 =	sadd.s32 $0x100, s13;
	s3 =	smov.u32 s31;
	s31 =	sadd.s32 $0x800, s31  }
0xd0: {  	_ =	swait.ge [sflag:s18], $0x800;
	p0 =	sne.s32 s31, $0x5000  }
0xd1: {  	[sflag:s18] =	ssyncset.done $0x0  }
0xd2: {  	[sflag:s18] =	ssyncadd.s32 $0xFFFFF800  }
0xd3: {  	p1 =	seq.s32 s3, $0x4800;
	_ =	swait.ge [sflag:s18], $0x800  }
0xd4: {  	s3 =	sand.u32 @!p1 $0x800, s3;
	[sflag:s18] =	ssyncset.done $0x0  }
0xd5: {  	s11 =	simm.s32 @!p1 $0x0;
	s10 =	sxor.u32 @!p1 $0x800, s3;
	[sflag:s18] =	ssyncadd.s32 $0xFFFFF800  }
0xd6: {  	[tilespmem:s10], [sflag:$0x1] =	stream.linear.gather @!p1 [hbm4b:s13+s11], $0x800, $0x38;
	[tilespmem:$0x1E000] =	vst v63  }
0xd7: {  	s10 =	sxor.u32 @!p1 $0x1800, s3  }
0xd8: {  	[tilespmem:s10], [sflag:$0x1] =	stream.linear.gather @!p1 [hbm4b:s0+s11], $0x800, $0x38;
	[tilespmem:$0x1E000] =	vst v63  }
0xd9: {  	s3 =	simm.s32 @p1 $0x800  }
0xda: {  	[tilespmem:s15], [sflag:$0x2] =	stream.indirect.gather [hbm4b:s4+s19], $0x80, s3, s19, $0xb8;
	[tilespmem:$0x1E000] =	vst v63  }
0xdb: {  	_ =	swait.ge [sflag:s25], $0x4000  }
0xdc: {  	[sflag:s25] =	ssyncset.done $0x0  }
0xdd: {  	s10 =	sor.u32 $0x1000, s3;
	[sflag:s25] =	ssyncadd.s32 $0xFFFFC000  }
0xde: {  	[spmem:s1] =	stream.indirect.scatter.add.f32 [tilespmem:s15], [sflag:$0x4], $0x80, s10, s19, $0xb8;
	[tilespmem:$0x1E000] =	vst v63  }
0xdf: {  	s10 =	sor.u32 $0x80, s3  }
0xe0: {  	[tilespmem:s26], [sflag:$0x3] =	stream.indirect.gather [hbm4b:s4+s19], $0x80, s10, s19, $0xb8;
	[tilespmem:$0x1E000] =	vst v63  }
0xe1: {  	_ =	swait.ge [sflag:s28], $0x4000  }
0xe2: {  	[sflag:s28] =	ssyncset.done $0x0  }
0xe3: {  	s10 =	sor.u32 $0x1080, s3;
	[sflag:s28] =	ssyncadd.s32 $0xFFFFC000  }
0xe4: {  	[spmem:s1] =	stream.indirect.scatter.add.f32 [tilespmem:s26], [sflag:$0x5], $0x80, s10, s19, $0xb8;
	[tilespmem:$0x1E000] =	vst v63  }
0xe5: {  	_ =	swait.ge [sflag:s29], $0x4000  }
0xe6: {  	[sflag:s29] =	ssyncset.done $0x0  }
0xe7: {  	s10 =	sor.u32 $0x100, s3;
	[sflag:s29] =	ssyncadd.s32 $0xFFFFC000  }
0xe8: {  	[tilespmem:s15], [sflag:$0x2] =	stream.indirect.gather [hbm4b:s4+s19], $0x80, s10, s19, $0xb8;
	[tilespmem:$0x1E000] =	vst v63  }
0xe9: {  	_ =	swait.ge [sflag:s25], $0x4000  }
0xea: {  	[sflag:s25] =	ssyncset.done $0x0  }
0xeb: {  	s10 =	sor.u32 $0x1100, s3;
	[sflag:s25] =	ssyncadd.s32 $0xFFFFC000  }
0xec: {  	[spmem:s1] =	stream.indirect.scatter.add.f32 [tilespmem:s15], [sflag:$0x4], $0x80, s10, s19, $0xb8;
	[tilespmem:$0x1E000] =	vst v63  }
0xed: {  	_ =	swait.ge [sflag:s30], $0x4000  }
0xee: {  	[sflag:s30] =	ssyncset.done $0x0  }
0xef: {  	s10 =	sor.u32 $0x180, s3;
	[sflag:s30] =	ssyncadd.s32 $0xFFFFC000  }
0xf0: {  	[tilespmem:s26], [sflag:$0x3] =	stream.indirect.gather [hbm4b:s4+s19], $0x80, s10, s19, $0xb8;
	[tilespmem:$0x1E000] =	vst v63  }
0xf1: {  	_ =	swait.ge [sflag:s28], $0x4000  }
0xf2: {  	[sflag:s28] =	ssyncset.done $0x0  }
0xf3: {  	s10 =	sor.u32 $0x1180, s3;
	[sflag:s28] =	ssyncadd.s32 $0xFFFFC000  }
0xf4: {  	[spmem:s1] =	stream.indirect.scatter.add.f32 [tilespmem:s26], [sflag:$0x5], $0x80, s10, s19, $0xb8;
	[tilespmem:$0x1E000] =	vst v63  }
0xf5: {  	_ =	swait.ge [sflag:s29], $0x4000  }
0xf6: {  	[sflag:s29] =	ssyncset.done $0x0  }
0xf7: {  	s10 =	sor.u32 $0x200, s3;
	[sflag:s29] =	ssyncadd.s32 $0xFFFFC000  }
0xf8: {  	[tilespmem:s15], [sflag:$0x2] =	stream.indirect.gather [hbm4b:s4+s19], $0x80, s10, s19, $0xb8;
	[tilespmem:$0x1E000] =	vst v63  }
0xf9: {  	_ =	swait.ge [sflag:s25], $0x4000  }
0xfa: {  	[sflag:s25] =	ssyncset.done $0x0  }
0xfb: {  	s10 =	sor.u32 $0x1200, s3;
	[sflag:s25] =	ssyncadd.s32 $0xFFFFC000  }
0xfc: {  	[spmem:s1] =	stream.indirect.scatter.add.f32 [tilespmem:s15], [sflag:$0x4], $0x80, s10, s19, $0xb8;
	[tilespmem:$0x1E000] =	vst v63  }
0xfd: {  	_ =	swait.ge [sflag:s30], $0x4000  }
0xfe: {  	[sflag:s30] =	ssyncset.done $0x0  }
0xff: {  	s10 =	sor.u32 $0x280, s3;
	[sflag:s30] =	ssyncadd.s32 $0xFFFFC000  }
0x100: {  	[tilespmem:s26], [sflag:$0x3] =	stream.indirect.gather [hbm4b:s4+s19], $0x80, s10, s19, $0xb8;
	[tilespmem:$0x1E000] =	vst v63  }
0x101: {  	_ =	swait.ge [sflag:s28], $0x4000  }
0x102: {  	[sflag:s28] =	ssyncset.done $0x0  }
0x103: {  	s10 =	sor.u32 $0x1280, s3;
	[sflag:s28] =	ssyncadd.s32 $0xFFFFC000  }
0x104: {  	[spmem:s1] =	stream.indirect.scatter.add.f32 [tilespmem:s26], [sflag:$0x5], $0x80, s10, s19, $0xb8;
	[tilespmem:$0x1E000] =	vst v63  }
0x105: {  	_ =	swait.ge [sflag:s29], $0x4000  }
0x106: {  	[sflag:s29] =	ssyncset.done $0x0  }
0x107: {  	s10 =	sor.u32 $0x300, s3;
	[sflag:s29] =	ssyncadd.s32 $0xFFFFC000  }
0x108: {  	[tilespmem:s15], [sflag:$0x2] =	stream.indirect.gather [hbm4b:s4+s19], $0x80, s10, s19, $0xb8;
	[tilespmem:$0x1E000] =	vst v63  }
0x109: {  	_ =	swait.ge [sflag:s25], $0x4000  }
0x10a: {  	[sflag:s25] =	ssyncset.done $0x0  }
0x10b: {  	s10 =	sor.u32 $0x1300, s3;
	[sflag:s25] =	ssyncadd.s32 $0xFFFFC000  }
0x10c: {  	[spmem:s1] =	stream.indirect.scatter.add.f32 [tilespmem:s15], [sflag:$0x4], $0x80, s10, s19, $0xb8;
	[tilespmem:$0x1E000] =	vst v63  }
0x10d: {  	_ =	swait.ge [sflag:s30], $0x4000  }
0x10e: {  	[sflag:s30] =	ssyncset.done $0x0  }
0x10f: {  	s10 =	sor.u32 $0x380, s3;
	[sflag:s30] =	ssyncadd.s32 $0xFFFFC000  }
0x110: {  	[tilespmem:s26], [sflag:$0x3] =	stream.indirect.gather [hbm4b:s4+s19], $0x80, s10, s19, $0xb8;
	[tilespmem:$0x1E000] =	vst v63  }
0x111: {  	_ =	swait.ge [sflag:s28], $0x4000  }
0x112: {  	[sflag:s28] =	ssyncset.done $0x0  }
0x113: {  	s10 =	sor.u32 $0x1380, s3;
	[sflag:s28] =	ssyncadd.s32 $0xFFFFC000  }
0x114: {  	[spmem:s1] =	stream.indirect.scatter.add.f32 [tilespmem:s26], [sflag:$0x5], $0x80, s10, s19, $0xb8;
	[tilespmem:$0x1E000] =	vst v63  }
0x115: {  	_ =	swait.ge [sflag:s29], $0x4000  }
0x116: {  	[sflag:s29] =	ssyncset.done $0x0  }
0x117: {  	s10 =	sor.u32 $0x400, s3;
	[sflag:s29] =	ssyncadd.s32 $0xFFFFC000  }
0x118: {  	[tilespmem:s15], [sflag:$0x2] =	stream.indirect.gather [hbm4b:s4+s19], $0x80, s10, s19, $0xb8;
	[tilespmem:$0x1E000] =	vst v63  }
0x119: {  	_ =	swait.ge [sflag:s25], $0x4000  }
0x11a: {  	[sflag:s25] =	ssyncset.done $0x0  }
0x11b: {  	s10 =	sor.u32 $0x1400, s3;
	[sflag:s25] =	ssyncadd.s32 $0xFFFFC000  }
0x11c: {  	[spmem:s1] =	stream.indirect.scatter.add.f32 [tilespmem:s15], [sflag:$0x4], $0x80, s10, s19, $0xb8;
	[tilespmem:$0x1E000] =	vst v63  }
0x11d: {  	_ =	swait.ge [sflag:s30], $0x4000  }
0x11e: {  	[sflag:s30] =	ssyncset.done $0x0  }
0x11f: {  	s10 =	sor.u32 $0x480, s3;
	[sflag:s30] =	ssyncadd.s32 $0xFFFFC000  }
0x120: {  	[tilespmem:s26], [sflag:$0x3] =	stream.indirect.gather [hbm4b:s4+s19], $0x80, s10, s19, $0xb8;
	[tilespmem:$0x1E000] =	vst v63  }
0x121: {  	_ =	swait.ge [sflag:s28], $0x4000  }
0x122: {  	[sflag:s28] =	ssyncset.done $0x0  }
0x123: {  	s10 =	sor.u32 $0x1480, s3;
	[sflag:s28] =	ssyncadd.s32 $0xFFFFC000  }
0x124: {  	[spmem:s1] =	stream.indirect.scatter.add.f32 [tilespmem:s26], [sflag:$0x5], $0x80, s10, s19, $0xb8;
	[tilespmem:$0x1E000] =	vst v63  }
0x125: {  	_ =	swait.ge [sflag:s29], $0x4000  }
0x126: {  	[sflag:s29] =	ssyncset.done $0x0  }
0x127: {  	s10 =	sor.u32 $0x500, s3;
	[sflag:s29] =	ssyncadd.s32 $0xFFFFC000  }
0x128: {  	[tilespmem:s15], [sflag:$0x2] =	stream.indirect.gather [hbm4b:s4+s19], $0x80, s10, s19, $0xb8;
	[tilespmem:$0x1E000] =	vst v63  }
0x129: {  	_ =	swait.ge [sflag:s25], $0x4000  }
0x12a: {  	[sflag:s25] =	ssyncset.done $0x0  }
0x12b: {  	s10 =	sor.u32 $0x1500, s3;
	[sflag:s25] =	ssyncadd.s32 $0xFFFFC000  }
0x12c: {  	[spmem:s1] =	stream.indirect.scatter.add.f32 [tilespmem:s15], [sflag:$0x4], $0x80, s10, s19, $0xb8;
	[tilespmem:$0x1E000] =	vst v63  }
0x12d: {  	_ =	swait.ge [sflag:s30], $0x4000  }
0x12e: {  	[sflag:s30] =	ssyncset.done $0x0  }
0x12f: {  	s10 =	sor.u32 $0x580, s3;
	[sflag:s30] =	ssyncadd.s32 $0xFFFFC000  }
0x130: {  	[tilespmem:s26], [sflag:$0x3] =	stream.indirect.gather [hbm4b:s4+s19], $0x80, s10, s19, $0xb8;
	[tilespmem:$0x1E000] =	vst v63  }
0x131: {  	_ =	swait.ge [sflag:s28], $0x4000  }
0x132: {  	[sflag:s28] =	ssyncset.done $0x0  }
0x133: {  	s10 =	sor.u32 $0x1580, s3;
	[sflag:s28] =	ssyncadd.s32 $0xFFFFC000  }
0x134: {  	[spmem:s1] =	stream.indirect.scatter.add.f32 [tilespmem:s26], [sflag:$0x5], $0x80, s10, s19, $0xb8;
	[tilespmem:$0x1E000] =	vst v63  }
0x135: {  	_ =	swait.ge [sflag:s29], $0x4000  }
0x136: {  	[sflag:s29] =	ssyncset.done $0x0  }
0x137: {  	s10 =	sor.u32 $0x600, s3;
	[sflag:s29] =	ssyncadd.s32 $0xFFFFC000  }
0x138: {  	[tilespmem:s15], [sflag:$0x2] =	stream.indirect.gather [hbm4b:s4+s19], $0x80, s10, s19, $0xb8;
	[tilespmem:$0x1E000] =	vst v63  }
0x139: {  	_ =	swait.ge [sflag:s25], $0x4000  }
0x13a: {  	[sflag:s25] =	ssyncset.done $0x0  }
0x13b: {  	s10 =	sor.u32 $0x1600, s3;
	[sflag:s25] =	ssyncadd.s32 $0xFFFFC000  }
0x13c: {  	[spmem:s1] =	stream.indirect.scatter.add.f32 [tilespmem:s15], [sflag:$0x4], $0x80, s10, s19, $0xb8;
	[tilespmem:$0x1E000] =	vst v63  }
0x13d: {  	_ =	swait.ge [sflag:s30], $0x4000  }
0x13e: {  	[sflag:s30] =	ssyncset.done $0x0  }
0x13f: {  	s10 =	sor.u32 $0x680, s3;
	[sflag:s30] =	ssyncadd.s32 $0xFFFFC000  }
0x140: {  	[tilespmem:s26], [sflag:$0x3] =	stream.indirect.gather [hbm4b:s4+s19], $0x80, s10, s19, $0xb8;
	[tilespmem:$0x1E000] =	vst v63  }
0x141: {  	_ =	swait.ge [sflag:s28], $0x4000  }
0x142: {  	[sflag:s28] =	ssyncset.done $0x0  }
0x143: {  	s10 =	sor.u32 $0x1680, s3;
	[sflag:s28] =	ssyncadd.s32 $0xFFFFC000  }
0x144: {  	[spmem:s1] =	stream.indirect.scatter.add.f32 [tilespmem:s26], [sflag:$0x5], $0x80, s10, s19, $0xb8;
	[tilespmem:$0x1E000] =	vst v63  }
0x145: {  	_ =	swait.ge [sflag:s29], $0x4000  }
0x146: {  	[sflag:s29] =	ssyncset.done $0x0  }
0x147: {  	s10 =	sor.u32 $0x700, s3;
	[sflag:s29] =	ssyncadd.s32 $0xFFFFC000  }
0x148: {  	[tilespmem:s15], [sflag:$0x2] =	stream.indirect.gather [hbm4b:s4+s19], $0x80, s10, s19, $0xb8;
	[tilespmem:$0x1E000] =	vst v63  }
0x149: {  	_ =	swait.ge [sflag:s25], $0x4000  }
0x14a: {  	[sflag:s25] =	ssyncset.done $0x0  }
0x14b: {  	s10 =	sor.u32 $0x1700, s3;
	[sflag:s25] =	ssyncadd.s32 $0xFFFFC000  }
0x14c: {  	[spmem:s1] =	stream.indirect.scatter.add.f32 [tilespmem:s15], [sflag:$0x4], $0x80, s10, s19, $0xb8;
	[tilespmem:$0x1E000] =	vst v63  }
0x14d: {  	_ =	swait.ge [sflag:s30], $0x4000  }
0x14e: {  	[sflag:s30] =	ssyncset.done $0x0  }
0x14f: {  	s10 =	sor.u32 $0x780, s3;
	[sflag:s30] =	ssyncadd.s32 $0xFFFFC000  }
0x150: {  	[tilespmem:s26], [sflag:$0x3] =	stream.indirect.gather [hbm4b:s4+s19], $0x80, s10, s19, $0xb8;
	[tilespmem:$0x1E000] =	vst v63  }
0x151: {  	_ =	swait.ge [sflag:s28], $0x4000  }
0x152: {  	[sflag:s28] =	ssyncset.done $0x0  }
0x153: {  	s3 =	sor.u32 $0x1780, s3;
	[sflag:s28] =	ssyncadd.s32 $0xFFFFC000  }
0x154: {  	[spmem:s1] =	stream.indirect.scatter.add.f32 [tilespmem:s26], [sflag:$0x5], $0x80, s3, s19, $0xb8;
	[tilespmem:$0x1E000] =	vst v63  }
.Ltmp1:
0x155: {  	_ =	swait.ge [sflag:s29], $0x4000;
	(pc) =	sbr.rel @p0 .LBB2_4-.Ltmp1, $4  }
0x156: {  	[sflag:s29] =	ssyncset.done $0x0  }
0x157: {  	[sflag:s29] =	ssyncadd.s32 $0xFFFFC000  }
0x158: {  	_ =	swait.ge [sflag:s30], $0x4000  }
0x159: {  	s0 =	sadd.s32 $0x100, s0;
	[sflag:s30] =	ssyncset.done $0x0  }
0x15a: {  	s0 =	stileid.u32  }
0x15b: {  	[sflag:s30] =	ssyncadd.s32 $0xFFFFC000;
	s0 =	sshll.u32 s0, $0x6  }
0x15c: {  	s3 =	sshrl.u32 s5, $0x3;
	[bflag:$0x0] =	sbarrier.arrive $0xFFFF;
	s0 =	sor.u32 $0x1C06, s0  }
0x15d: {  	[hbm:s20], [sflag:s0] =	dma.local [spmem:s3], $0x800  }
0x15e: {  	_ =	swait.ge [sflag:s16], $0x800  }
0x15f: {  	[sflag:s16] =	ssyncset.done $0x0  }
0x160: {  	s10 =	sshrl.u32 s6, $0x3;
	[sflag:s16] =	ssyncadd.s32 $0xFFFFF800  }
0x161: {  	[hbm:s21], [sflag:s0] =	dma.local [spmem:s10], $0x800  }
0x162: {  	_ =	swait.ge [sflag:s16], $0x800  }
0x163: {  	[sflag:s16] =	ssyncset.done $0x0  }
0x164: {  	s11 =	sshrl.u32 s7, $0x3;
	[sflag:s16] =	ssyncadd.s32 $0xFFFFF800  }
0x165: {  	[hbm:s22], [sflag:s0] =	dma.local [spmem:s11], $0x800  }
0x166: {  	_ =	swait.ge [sflag:s16], $0x800  }
0x167: {  	[sflag:s16] =	ssyncset.done $0x0  }
0x168: {  	s13 =	sshrl.u32 s8, $0x3;
	[sflag:s16] =	ssyncadd.s32 $0xFFFFF800  }
0x169: {  	[hbm:s23], [sflag:s0] =	dma.local [spmem:s13], $0x800  }
0x16a: {  	s2 =	sadd.s32 $0x1, s2;
	_ =	swait.ge [sflag:s16], $0x800  }
0x16b: {  	p0 =	sne.s32 s2, s12;
	[sflag:s16] =	ssyncset.done $0x0  }
.Ltmp2:
0x16c: {  	s31 =	sshrl.u32 s9, $0x3;
	[sflag:s16] =	ssyncadd.s32 $0xFFFFF800;
	(pc) =	sbr.rel @p0 .LBB2_1-.Ltmp2, $4  }
0x16d: {  	[hbm:s24], [sflag:s0] =	dma.local [spmem:s31], $0x800  }
0x16e: {  	_ =	swait.ge [sflag:s16], $0x800  }
0x16f: {  	[sflag:s16] =	ssyncset.done $0x0  }
0x170: {  	[sflag:s16] =	ssyncadd.s32 $0xFFFFF800  }
0x171: {  	_ =	sfence.sel $0x180000  }
0x172: {  	[bflag:$0x0] =	sbarrier.arrive $0xFFFF  }
0x173: {  	_ =	strace $0x9000004D  }
0x174: {  	s0 =	stileid.u32;
	[bflag:$0x2] =	sbarrier.arrive $0xFFFF  }
0x175: {  	p0 =	sne.s32 s0, $0x0;
	s0 =	rddreg [dreg:$0x3]  }
0x176: {  	s0 =	sadd.s32 @!p0 $0x100000, s0  }
0x177: {  	[sflag:s0] =	ssyncadd.tile.s32 @!p0 $0x1;
	_ =	shalt  }
.Lfunc_end2:
_tile_overlayer_lowered:
.L_overlay_start_2:
0x178: {  	(tag) =	ssettag $0x2  }
0x179: {  	s0 =	rddreg [dreg:$0x0];
	s2 =	stileid.u32  }
0x17a: {  	s1 =	rddreg [dreg:$0x1];
	p0 =	sne.s32 s2, $0x0  }
0x17b: {  	s3 =	rddreg [dreg:$0x2];
	[bflag:$0x3] =	sbarrier.arrive $0xFFFF;
	s2 =	simm.s32 @!p0 $0x1C06  }
0x17c: {  	[timem:s3], [sflag:s2] =	dma.local @!p0 [hbm:s0], s1  }
0x17d: {  	s0 =	simm.s32 @!p0 $0x6  }
0x17e: {  	_ =	swait.ge @!p0 [sflag:s0], s1  }
0x17f: {  	s1 =	ssub.s32 @!p0 $0x0, s1;
	[sflag:s0] =	ssyncset.done @!p0 $0x0  }
0x180: {  	[sflag:s0] =	ssyncadd.s32 @!p0 s1  }
0x181: {  	[bflag:$0x3] =	sbarrier.arrive $0xFFFF  }
0x182: {  	_ =	shalt  }

// kernel: kernel.8.cloned.1.call-start
scs
__scs_entry_jumppad:
0x0: {  	(pc) =	sbr.rel $0x88, $3  }
0x1: {  	(tag) =	ssettag $0x0;
	lr =	simm.s32 $0x1  }
0x2: {  	[smem:$0x3F92] =	sst lr;
	_ =	strace $0xD0000000  }
0x3: {  	_ = 	snop  }
0x4: {  	_ = 	snop  }
0x5: {  	_ = 	snop  }
0x6: {  	_ = 	snop  }
0x7: {  	_ = 	snop  }
__scs_overlays_trampoline_lowered:
0x8: {  	[smem:$0x3FA1] =	sst s0  }
0x9: {  	[smem:$0x3FA2] =	sst s1  }
0xa: {  	[smem:$0x3FA3] =	sst s2  }
0xb: {  	[smem:$0x3FA4] =	sst s3  }
0xc: {  	[smem:$0x3FA5] =	sst s4  }
0xd: {  	[smem:$0x3FA6] =	sst s5  }
0xe: {  	[smem:$0x3FA7] =	sst s6  }
0xf: {  	[smem:$0x3FA8] =	sst s7  }
0x10: {  	[smem:$0x3FA9] =	sst s8  }
0x11: {  	[smem:$0x3FAA] =	sst s9;
	s0 =	simm.s32 @!p0 $0x0  }
0x12: {  	s1 =	sld [smem:$0x3F90];
	s0 =	simm.s32 @p0 $0x1  }
0x13: {  	[smem:$0x3FAB] =	sst s0;
	s0 =	simm.s32 @!p1 $0x0  }
0x14: {  	s2 =	sld [smem:$0x3F8F];
	s0 =	simm.s32 @p1 $0x1  }
0x15: {  	[smem:$0x3FAC] =	sst s0;
	s0 =	simm.s32 @!p2 $0x0  }
0x16: {  	s3 =	sld [smem:$0x3FDB];
	s0 =	simm.s32 @p2 $0x1  }
0x17: {  	s4 =	simm.s32 $0x1BF5;
	[smem:$0x3FAE] =	sst s0  }
0x18: {  	s0 =	sld [smem:$0x3F91];
	_ =	swait.ge [sflag:s4], $0x0  }
0x19: {  	s7 =	sld [smem:$0x3F92]  }
0x1a: {  	s8 =	sadd.s32 $0xFFFFE003, lr  }
0x1b: {  	s9 =	sadd.s32 $0xFFFFFEF7, lr;
	s5 =	simm.s32 $0xFFFFFFFF;
	p2 =	slt.u32 s8, $0xFFFFF086  }
0x1c: {  	p1 =	slt.u32 s9, $0xF7A;
	s5 =	simm.s32 @!p2 $0x0  }
0x1d: {  	s5 =	simm.s32 @p1 $0x1;
	p0 =	seq.s32 s7, s2  }
0x1e: {  	s7 =	smul.u32 @!p0 $0xF7A, s2;
	p2 =	seq.s32 @!p0 s5, $0x0  }
0x1f: {  	s9 =	smul.u32 $0xF7A, s1;
	s8 =	simm.s32 @!p0 $0x1BF5;
	p2 =	por !p2, p0  }
0x20: {  	[sflag:s8] =	ssyncset.s32 @!p0 $0xFFFFF086;
	s6 =	sadd.s32 @!p0 s3, s7;
	s7 =	simm.s32 @!p0 $0x108  }
0x21: {  	s3 =	sadd.s32 s3, s9;
	s6 =	sadd.s32 @!p0 $0x88, s6;
	s7 =	simm.s32 @p2 $0x1082  }
0x22: {  	[simem:s7], [sflag:s8] =	dma.local @!p0 [hbm:s6], $0xF7A  }
0x23: {  	s9 =	sor.u32 $0xD0000000, s2;
	s6 =	simm.s32 $0x108;
	_ =	swait.ge @!p0 [sflag:s8], $0x0  }
0x24: {  	s3 =	sadd.s32 $0x88, s3;
	s6 =	simm.s32 @!p1 $0x1082;
	[sflag:s4] =	ssyncset.s32 $0xFFFFF086  }
0x25: {  	[simem:s6], [sflag:s4] =	dma.local [hbm:s3], $0xF7A  }
0x26: {  	[smem:$0x3F92] =	sst s1;
	(tag) =	ssettag s2;
	_ =	strace s9  }
0x27: {  	s1 =	sld [smem:$0x3FA2]  }
0x28: {  	s2 =	sld [smem:$0x3FA3]  }
0x29: {  	s4 =	sld [smem:$0x3FA5]  }
0x2a: {  	p0 =	seq.s32 s5, $0x0;
	s5 =	sld [smem:$0x3FA6]  }
0x2b: {  	s6 =	sld [smem:$0x3FA7]  }
0x2c: {  	s7 =	sld [smem:$0x3FA8]  }
0x2d: {  	s3 =	simm.s32 $0x108;
	s8 =	sld [smem:$0x3FA9]  }
0x2e: {  	s3 =	simm.s32 @!p0 $0x1082;
	s9 =	sld [smem:$0x3FAA]  }
0x2f: {  	lr =	sadd.s32 s0, s3;
	s0 =	sld [smem:$0x3FA1]  }
0x30: {  	s3 =	sld [smem:$0x3FA4]  }
0x31: {  	[smem:$0x3FAD] =	sst s10  }
0x32: {  	s10 =	sld [smem:$0x3FAB];
	_ =	sdelay $0x3  }
0x33: {  	p0 =	seq.s32 s10, $0x1;
	s10 =	sld [smem:$0x3FAD];
	_ =	sdelay $0x3  }
0x34: {  	[smem:$0x3FAD] =	sst s10  }
0x35: {  	s10 =	sld [smem:$0x3FAC];
	_ =	sdelay $0x3  }
0x36: {  	p1 =	seq.s32 s10, $0x1;
	s10 =	sld [smem:$0x3FAD];
	_ =	sdelay $0x3  }
0x37: {  	[smem:$0x3FAD] =	sst s10  }
0x38: {  	s10 =	sld [smem:$0x3FAE]  }
0x39: {  	_ = 	snop;
	(pc) =	sbr.ind lr, $3  }
0x3a: {  	_ = 	snop  }
0x3b: {  	_ = 	snop  }
0x3c: {  	p2 =	seq.s32 s10, $0x1;
	s10 =	sld [smem:$0x3FAD]  }
0x3d: {  	_ =	shalt  }
0x3e: {  	_ =	shalt  }
0x3f: {  	_ =	shalt  }
0x40: {  	_ =	shalt  }
0x41: {  	_ =	shalt  }
0x42: {  	_ =	shalt  }
0x43: {  	_ =	shalt  }
0x44: {  	_ =	shalt  }
0x45: {  	_ =	shalt  }
0x46: {  	_ =	shalt  }
0x47: {  	_ =	shalt  }
0x48: {  	_ =	shalt  }
0x49: {  	_ =	shalt  }
0x4a: {  	_ =	shalt  }
0x4b: {  	_ =	shalt  }
0x4c: {  	_ =	shalt  }
0x4d: {  	_ =	shalt  }
0x4e: {  	_ =	shalt  }
0x4f: {  	_ =	shalt  }
0x50: {  	_ =	shalt  }
0x51: {  	_ =	shalt  }
0x52: {  	_ =	shalt  }
0x53: {  	_ =	shalt  }
0x54: {  	_ =	shalt  }
0x55: {  	_ =	shalt  }
0x56: {  	_ =	shalt  }
0x57: {  	_ =	shalt  }
0x58: {  	_ =	shalt  }
0x59: {  	_ =	shalt  }
0x5a: {  	_ =	shalt  }
0x5b: {  	_ =	shalt  }
0x5c: {  	_ =	shalt  }
0x5d: {  	_ =	shalt  }
0x5e: {  	_ =	shalt  }
0x5f: {  	_ =	shalt  }
0x60: {  	_ =	shalt  }
0x61: {  	_ =	shalt  }
0x62: {  	_ =	shalt  }
0x63: {  	_ =	shalt  }
0x64: {  	_ =	shalt  }
0x65: {  	_ =	shalt  }
0x66: {  	_ =	shalt  }
0x67: {  	_ =	shalt  }
0x68: {  	_ =	shalt  }
0x69: {  	_ =	shalt  }
0x6a: {  	_ =	shalt  }
0x6b: {  	_ =	shalt  }
0x6c: {  	_ =	shalt  }
0x6d: {  	_ =	shalt  }
0x6e: {  	_ =	shalt  }
0x6f: {  	_ =	shalt  }
0x70: {  	_ =	shalt  }
0x71: {  	_ =	shalt  }
0x72: {  	_ =	shalt  }
0x73: {  	_ =	shalt  }
0x74: {  	_ =	shalt  }
0x75: {  	_ =	shalt  }
0x76: {  	_ =	shalt  }
0x77: {  	_ =	shalt  }
0x78: {  	_ =	shalt  }
0x79: {  	_ =	shalt  }
0x7a: {  	_ =	shalt  }
0x7b: {  	_ =	shalt  }
0x7c: {  	_ =	shalt  }
0x7d: {  	_ =	shalt  }
0x7e: {  	_ =	shalt  }
0x7f: {  	_ =	shalt  }
0x80: {  	_ =	shalt  }
0x81: {  	_ =	shalt  }
0x82: {  	_ =	shalt  }
0x83: {  	_ =	shalt  }
0x84: {  	_ =	shalt  }
0x85: {  	_ =	shalt  }
0x86: {  	_ =	shalt  }
0x87: {  	_ =	shalt  }
.Lfunc_end0:
.L_simem_size_0:
called_computation_lowered:
.L_overlay_start_0:
0x88: {  	s2 =	sld [smem:$0x3FD9]  }
0x89: {  	s3 =	sld [smem:$0x3FFE];
	_ =	sdelay $0x1  }
0x8a: {  	s1 =	srdreg.scid  }
0x8b: {  	s0 =	sand.u32 $0x1, s1  }
0x8c: {  	s16 =	sshll.u32 s0, $0xA;
	s2 =	sadd.s32 s3, s2  }
0x8d: {  	s2 =	sadd.s32 s2, s16  }
0x8e: {  	[smem:$0x3FB9] =	sst s2  }
0x8f: {  	_ = 	snop  }
0x90: {  	(tm) =	ssettm $0x1  }
0x91: {  	s17 =	sld [smem:$0x3FFB];
	_ =	sdelay $0x3  }
0x92: {  	_ =	strace s17  }
0x93: {  	s2 =	sld [smem:$0x3FFC];
	_ =	sdelay $0x3  }
0x94: {  	_ =	strace s2  }
0x95: {  	s2 =	sld [smem:$0x3FFD];
	_ =	sdelay $0x3  }
0x96: {  	_ =	strace s2  }
0x97: {  	_ =	strace $0x8FFFFFFF  }
0x98: {  	s18 =	sld [smem:$0x3FDB];
	_ =	sdelay $0x1  }
0x99: {  	s19 =	simm.s32 $_scs_section_size  }
0x9a: {  	s4 =	simm.s32 $_size__tile_overlayer_lowered;
	s5 =	simm.s32 $_tile_overlayer_lowered  }
0x9b: {  	s22 =	simm.s32 $0x1BFF;
	s21 =	sshll.u32 s5, $0x1;
	s2 =	sadd.s32 s19, s18  }
0x9c: {  	s6 =	simm.s32 $0x0;
	s20 =	sshll.u32 s4, $0x1;
	s4 =	sadd.s32 s21, s2  }
0x9d: {  	[timem:s6], [sflag:s22] =	dma.local [hbm:s4], s20  }
0x9e: {  	_ =	swait.ge [sflag:s22], s20  }
0x9f: {  	s3 =	ssub.s32 $0x0, s20;
	[sflag:s22] =	ssyncset.done $0x0  }
0xa0: {  	[sflag:s22] =	ssyncadd.s32 s3;
	_ =	sdelay $0x1  }
0xa1: {  	s23 =	simm.s32 $0x1B8B  }
0xa2: {  	_ =	swait.ge [sflag:s23], $0x1  }
0xa3: {  	[sflag:s23] =	ssyncset.done $0x0  }
0xa4: {  	s25 =	simm.s32 $0x1B8E;
	s24 =	sld [smem:$0x3FFE];
	[sflag:s23] =	ssyncadd.s32 $0xFFFFFFFF  }
0xa5: {  	s26 =	simm.s32 $execute0_lowered;
	[smem:$0x3FD2] =	sst s25  }
0xa6: {  	s4 =	sshll.u32 s26, $0x1;
	_ =	strace $0x80000046;
	[dreg:$0x1] =	wrdreg $0xFFFFFFFF  }
0xa7: {  	s28 =	simm.s32 $_size_execute0_lowered;
	s2 =	sadd.s32 s2, s4;
	[dreg:$0x0] =	wrdreg $0x0  }
0xa8: {  	s4 =	sshll.u32 s28, $0x1;
	[dreg:$0x2] =	wrdreg s2  }
0xa9: {  	[dreg:$0x3] =	wrdreg s4  }
0xaa: {  	[dreg:$0x4] =	wrdreg $0xC0  }
0xab: {  	_ =	task [dreg:s6], $0x5FFFF  }
0xac: {  	[dreg:$0x1] =	wrdreg $0xFFFFFFFF  }
0xad: {  	[dreg:$0x0] =	wrdreg $0x60  }
0xae: {  	[dreg:$0x2] =	wrdreg s24  }
0xaf: {  	[dreg:$0x3] =	wrdreg $0xA0000  }
0xb0: {  	[dreg:$0x4] =	wrdreg $0x9  }
0xb1: {  	_ =	task.clear_ibuf [dreg:s6], $0x5FFFF;
	_ =	strace $0x90000046  }
0xb2: {  	s29 =	simm.s32 $0x9;
	_ =	strace $0x80000048  }
0xb3: {  	_ =	swait.ge [sflag:s29], $0x1  }
0xb4: {  	[sflag:s29] =	ssyncadd.s32 $0xFFFFFFFF  }
0xb5: {  	_ =	strace $0x90000048  }
0xb6: {  	_ =	sfence  }
0xb7: {  	s30 =	sld [smem:$0x0];
	_ =	sdelay $0x2  }
0xb8: {  	s31 =	sshll.u32 s1, $0xD;
	s1 =	sshrl.u32 s1, $0x2  }
0xb9: {  	s3 =	sand.u32 $0x4000, s31;
	s1 =	sadd.s32 s1, s30  }
0xba: {  	s0 =	sor.u32 s3, s0;
	s1 =	sshll.u32 s1, $0x11  }
0xbb: {  	s0 =	sor.u32 s1, s0  }
0xbc: {  	s0 =	sadd.s32 $0x8F2B, s0  }
0xbd: {  	[sflag:s0] =	ssyncadd.remote.s32 $0x1  }
0xbe: {  	_ =	sfence.sel $0xFFFF  }
0xbf: {  	[dreg:$0x0] =	wrdreg $0xFFFFFFFF;
	(pc) =	sbr.abs _section_cstart, $3  }
0xc0: {  	[dreg:$0x1] =	wrdreg $0xFFFFFFFF  }
0xc1: {  	_ =	task.clear_ibuf [dreg:s6], $0x2FFFF;
	_ =	strace $0x9FFFFFFF  }
0xc2: {  	(tm) =	ssettm $0x7FFFFFFF  }
0xc3: {  	_ =	shalt  }
tec
execute0_lowered:
.L_overlay_start_1:
0x0: {  	(tag) =	ssettag $0x1  }
0x1: {  	s0 =	rddreg [dreg:$0x0]  }
0x2: {  	s1 =	rddreg [dreg:$0x1];
	s2 =	simm.s32 $0x0;
	s3 =	srdreg.scid  }
0x3: {  	s15 =	stileid.u32;
	s28 =	simm.s32 $0x6000;
	s29 =	simm.s32 $0x3  }
0x4: {  	s30 =	simm.s32 $0x4;
	s31 =	simm.s32 $0x5;
	[smem:$0x7FF] =	sst s2  }
0x5: {  	s4 =	sadd.s32 $0x52400, s0;
	s7 =	sand.u32 $0x1, s3;
	s10 =	smul.u32 $0x280, s15  }
0x6: {  	s5 =	sadd.s32 $0x5C400, s0;
	s6 =	sadd.s32 $0x4200, s0;
	s11 =	smul.u32 $0x50000, s15  }
0x7: {  	s13 =	smul.u32 $0x2800, s15;
	_ =	strace $0x80000047;
	s8 =	ssub.s32 $0x2, s7  }
0x8: {  	s16 =	smul.u32 $0x28000, s7;
	s7 =	sshll.u32 s7, $0x4;
	s9 =	sshrl.u32 s8, $0x1  }
0x9: {  	s18 =	sadd.s32 $0x80, s10;
	s21 =	sor.u32 s15, s7;
	s22 =	sshrl.u32 s11, $0x2  }
0xa: {  	s19 =	sadd.s32 $0x100, s10;
	s20 =	sadd.s32 $0x180, s10;
	s0 =	sadd.s32 s16, s0  }
0xb: {  	s17 =	ssub.s32 s8, s9;
	s23 =	sshll.u32 s18, $0x7;
	s7 =	sadd.s32 s22, s1  }
0xc: {  	s24 =	sshll.u32 s19, $0x7;
	s12 =	smul.u32 $0x2800, s21;
	s25 =	sshll.u32 s20, $0x7  }
0xd: {  	s21 =	sadd.s32 $0x200, s10;
	s19 =	sshll.u32 s19, $0x4;
	s22 =	sadd.s32 s13, s16  }
0xe: {  	s8 =	sadd.s32 s23, s1;
	s9 =	sadd.s32 s24, s1;
	s10 =	sadd.s32 s25, s1  }
0xf: {  	s26 =	sshll.u32 s21, $0x7;
	s15 =	sadd.s32 $0x66400, s0;
	s24 =	sshll.u32 s20, $0x4  }
0x10: {  	s25 =	sshll.u32 s21, $0x4;
	s23 =	smax.u32 s17, $0x1;
	s17 =	simm.s32 $0x2000  }
0x11: {  	s20 =	simm.s32 $0x1;
	s21 =	simm.s32 $0x80;
	s14 =	sshrl.u32 s12, $0x3  }
0x12: {  	s11 =	sadd.s32 s26, s1;
	[dreg:$0x6] =	wrdreg s23;
	s26 =	sadd.s32 $0x800, s22  }
0x13: {  	s23 =	sadd.s32 s19, s15;
	s24 =	sadd.s32 s24, s15;
	s25 =	sadd.s32 s25, s15  }
0x14: {  	s12 =	sadd.s32 s4, s14;
	[dreg:$0x3] =	wrdreg s26;
	s26 =	simm.s32 $0x2  }
0x15: {  	[dreg:$0x4] =	wrdreg s12;
	s12 =	sadd.s32 s5, s14;
	s14 =	sshll.u32 s18, $0x4  }
0x16: {  	v0 =	vimm.f32 $0.0e+00;
	s18 =	simm.s32 $0x6;
	[dreg:$0x5] =	wrdreg s12;
	s22 =	sadd.s32 s14, s15  }
.LBB2_1:
0x17: {  	s0 =	simm.s32 $0x0;
	s19 =	simm.s32 $0x200  }
.LBB2_2:
0x18: {  	p0 =	sne.s32 s19, $0xFE00;
	[tilespmem:s0+$0x2070] =	vst v0  }
0x19: {  	[tilespmem:s0+$0x2000] =	vst v0  }
0x1a: {  	[tilespmem:s0+$0x2010] =	vst v0  }
.Ltmp0:
0x1b: {  	[tilespmem:s0+$0x2020] =	vst v0;
	(pc) =	sbr.rel @p0 .LBB2_2-.Ltmp0, $4  }
0x1c: {  	[tilespmem:s0+$0x2030] =	vst v0  }
0x1d: {  	[tilespmem:s0+$0x2040] =	vst v0  }
0x1e: {  	[tilespmem:s0+$0x2050] =	vst v0  }
0x1f: {  	[tilespmem:s0+$0x2060] =	vst v0;
	s0 =	sshra.s32 s19, $0x2;
	s19 =	sadd.s32 $0x200, s19  }
0x20: {  	[tilespmem:s0+$0x2070] =	vst v0  }
0x21: {  	[tilespmem:s0+$0x2000] =	vst v0  }
0x22: {  	[tilespmem:s0+$0x2010] =	vst v0  }
0x23: {  	[tilespmem:s0+$0x2020] =	vst v0  }
0x24: {  	[tilespmem:s0+$0x2030] =	vst v0  }
0x25: {  	[tilespmem:s0+$0x2040] =	vst v0  }
0x26: {  	[tilespmem:s0+$0x2050] =	vst v0  }
0x27: {  	[tilespmem:s0+$0x2060] =	vst v0  }
0x28: {  	[spmem:s7] =	stream.linear.scatter [tilespmem:s17], [sflag:$0x6], $0x4000, $0x38;
	[tilespmem:$0x1E000] =	vst v63  }
0x29: {  	_ =	swait.ge [sflag:s18], $0x4000  }
0x2a: {  	[sflag:s18] =	ssyncset.done $0x0  }
0x2b: {  	[sflag:s18] =	ssyncadd.s32 $0xFFFFC000  }
0x2c: {  	[spmem:s8] =	stream.linear.scatter [tilespmem:s17], [sflag:$0x6], $0x4000, $0x38;
	[tilespmem:$0x1E000] =	vst v63  }
0x2d: {  	_ =	swait.ge [sflag:s18], $0x4000  }
0x2e: {  	[sflag:s18] =	ssyncset.done $0x0  }
0x2f: {  	[sflag:s18] =	ssyncadd.s32 $0xFFFFC000  }
0x30: {  	[spmem:s9] =	stream.linear.scatter [tilespmem:s17], [sflag:$0x6], $0x4000, $0x38;
	[tilespmem:$0x1E000] =	vst v63  }
0x31: {  	_ =	swait.ge [sflag:s18], $0x4000  }
0x32: {  	[sflag:s18] =	ssyncset.done $0x0  }
0x33: {  	[sflag:s18] =	ssyncadd.s32 $0xFFFFC000  }
0x34: {  	[spmem:s10] =	stream.linear.scatter [tilespmem:s17], [sflag:$0x6], $0x4000, $0x38;
	[tilespmem:$0x1E000] =	vst v63  }
0x35: {  	_ =	swait.ge [sflag:s18], $0x4000  }
0x36: {  	[sflag:s18] =	ssyncset.done $0x0  }
0x37: {  	[sflag:s18] =	ssyncadd.s32 $0xFFFFC000  }
0x38: {  	[spmem:s11] =	stream.linear.scatter [tilespmem:s17], [sflag:$0x6], $0x4000, $0x38;
	[tilespmem:$0x1E000] =	vst v63  }
0x39: {  	_ =	swait.ge [sflag:s18], $0x4000  }
0x3a: {  	[sflag:s18] =	ssyncset.done $0x0  }
0x3b: {  	[sflag:s18] =	ssyncadd.s32 $0xFFFFC000  }
0x3c: {  	[bflag:$0x0] =	sbarrier.arrive $0xFFFF  }
0x3d: {  	s0 =	simm.s32 $0x0;
	s3 =	rddreg [dreg:$0x4]  }
0x3e: {  	[tilespmem:s0], [sflag:$0x1] =	stream.linear.gather [hbm4b:s3+s0], $0x800, $0x38;
	[tilespmem:$0x1E000] =	vst v63  }
0x3f: {  	s12 =	simm.s32 $0x1000;
	s14 =	rddreg [dreg:$0x5]  }
0x40: {  	[tilespmem:s12], [sflag:$0x1] =	stream.linear.gather [hbm4b:s14+s0], $0x800, $0x38;
	[tilespmem:$0x1E000] =	vst v63  }
0x41: {  	_ =	swait.ge [sflag:s20], $0x800  }
0x42: {  	[sflag:s20] =	ssyncset.done $0x0  }
0x43: {  	[sflag:s20] =	ssyncadd.s32 $0xFFFFF800  }
0x44: {  	_ =	swait.ge [sflag:s20], $0x800  }
0x45: {  	p0 =	por $0x0, $0x0;
	s19 =	rddreg [dreg:$0x3]  }
0x46: {  	s0 =	sand.u32 @!p0 $0x800, s0;
	s19 =	sadd.s32 @!p0 $0x0, s19  }
0x47: {  	s14 =	simm.s32 @!p0 $0x0;
	[sflag:s20] =	ssyncset.done $0x0;
	s19 =	sshrl.u32 @!p0 s19, $0x3  }
0x48: {  	s3 =	sxor.u32 @!p0 $0x800, s0;
	[sflag:s20] =	ssyncadd.s32 $0xFFFFF800;
	s12 =	sadd.s32 @!p0 s4, s19  }
0x49: {  	[tilespmem:s3], [sflag:$0x1] =	stream.linear.gather @!p0 [hbm4b:s12+s14], $0x800, $0x38;
	[tilespmem:$0x1E000] =	vst v63  }
0x4a: {  	s3 =	sxor.u32 @!p0 $0x1800, s0;
	s12 =	sadd.s32 @!p0 s5, s19  }
0x4b: {  	[tilespmem:s3], [sflag:$0x1] =	stream.linear.gather @!p0 [hbm4b:s12+s14], $0x800, $0x38;
	[tilespmem:$0x1E000] =	vst v63  }
0x4c: {  	s0 =	simm.s32 @p0 $0x0  }
0x4d: {  	[tilespmem:s17], [sflag:$0x2] =	stream.indirect.gather [hbm4b:s6+s21], $0x80, s0, s21, $0xb8;
	[tilespmem:$0x1E000] =	vst v63  }
0x4e: {  	_ =	swait.ge [sflag:s26], $0x4000  }
0x4f: {  	[sflag:s26] =	ssyncset.done $0x0  }
0x50: {  	s16 =	sor.u32 $0x1000, s0;
	[sflag:s26] =	ssyncadd.s32 $0xFFFFC000  }
0x51: {  	[spmem:s1] =	stream.indirect.scatter.add.f32 [tilespmem:s17], [sflag:$0x4], $0x80, s16, s21, $0xb8;
	[tilespmem:$0x1E000] =	vst v63  }
0x52: {  	s19 =	sor.u32 $0x80, s0  }
0x53: {  	[tilespmem:s28], [sflag:$0x3] =	stream.indirect.gather [hbm4b:s6+s21], $0x80, s19, s21, $0xb8;
	[tilespmem:$0x1E000] =	vst v63  }
0x54: {  	_ =	swait.ge [sflag:s29], $0x4000  }
0x55: {  	[sflag:s29] =	ssyncset.done $0x0  }
0x56: {  	s12 =	sor.u32 $0x1080, s0;
	[sflag:s29] =	ssyncadd.s32 $0xFFFFC000  }
0x57: {  	[spmem:s1] =	stream.indirect.scatter.add.f32 [tilespmem:s28], [sflag:$0x5], $0x80, s12, s21, $0xb8;
	[tilespmem:$0x1E000] =	vst v63  }
0x58: {  	_ =	swait.ge [sflag:s30], $0x4000  }
0x59: {  	[sflag:s30] =	ssyncset.done $0x0  }
0x5a: {  	s14 =	sor.u32 $0x100, s0;
	[sflag:s30] =	ssyncadd.s32 $0xFFFFC000  }
0x5b: {  	[tilespmem:s17], [sflag:$0x2] =	stream.indirect.gather [hbm4b:s6+s21], $0x80, s14, s21, $0xb8;
	[tilespmem:$0x1E000] =	vst v63  }
0x5c: {  	_ =	swait.ge [sflag:s26], $0x4000  }
0x5d: {  	[sflag:s26] =	ssyncset.done $0x0  }
0x5e: {  	s16 =	sor.u32 $0x1100, s0;
	[sflag:s26] =	ssyncadd.s32 $0xFFFFC000  }
0x5f: {  	[spmem:s1] =	stream.indirect.scatter.add.f32 [tilespmem:s17], [sflag:$0x4], $0x80, s16, s21, $0xb8;
	[tilespmem:$0x1E000] =	vst v63  }
0x60: {  	_ =	swait.ge [sflag:s31], $0x4000  }
0x61: {  	[sflag:s31] =	ssyncset.done $0x0  }
0x62: {  	s19 =	sor.u32 $0x180, s0;
	[sflag:s31] =	ssyncadd.s32 $0xFFFFC000  }
0x63: {  	[tilespmem:s28], [sflag:$0x3] =	stream.indirect.gather [hbm4b:s6+s21], $0x80, s19, s21, $0xb8;
	[tilespmem:$0x1E000] =	vst v63  }
0x64: {  	_ =	swait.ge [sflag:s29], $0x4000  }
0x65: {  	[sflag:s29] =	ssyncset.done $0x0  }
0x66: {  	s12 =	sor.u32 $0x1180, s0;
	[sflag:s29] =	ssyncadd.s32 $0xFFFFC000  }
0x67: {  	[spmem:s1] =	stream.indirect.scatter.add.f32 [tilespmem:s28], [sflag:$0x5], $0x80, s12, s21, $0xb8;
	[tilespmem:$0x1E000] =	vst v63  }
0x68: {  	_ =	swait.ge [sflag:s30], $0x4000  }
0x69: {  	[sflag:s30] =	ssyncset.done $0x0  }
0x6a: {  	s14 =	sor.u32 $0x200, s0;
	[sflag:s30] =	ssyncadd.s32 $0xFFFFC000  }
0x6b: {  	[tilespmem:s17], [sflag:$0x2] =	stream.indirect.gather [hbm4b:s6+s21], $0x80, s14, s21, $0xb8;
	[tilespmem:$0x1E000] =	vst v63  }
0x6c: {  	_ =	swait.ge [sflag:s26], $0x4000  }
0x6d: {  	[sflag:s26] =	ssyncset.done $0x0  }
0x6e: {  	s16 =	sor.u32 $0x1200, s0;
	[sflag:s26] =	ssyncadd.s32 $0xFFFFC000  }
0x6f: {  	[spmem:s1] =	stream.indirect.scatter.add.f32 [tilespmem:s17], [sflag:$0x4], $0x80, s16, s21, $0xb8;
	[tilespmem:$0x1E000] =	vst v63  }
0x70: {  	_ =	swait.ge [sflag:s31], $0x4000  }
0x71: {  	[sflag:s31] =	ssyncset.done $0x0  }
0x72: {  	s19 =	sor.u32 $0x280, s0;
	[sflag:s31] =	ssyncadd.s32 $0xFFFFC000  }
0x73: {  	[tilespmem:s28], [sflag:$0x3] =	stream.indirect.gather [hbm4b:s6+s21], $0x80, s19, s21, $0xb8;
	[tilespmem:$0x1E000] =	vst v63  }
0x74: {  	_ =	swait.ge [sflag:s29], $0x4000  }
0x75: {  	[sflag:s29] =	ssyncset.done $0x0  }
0x76: {  	s12 =	sor.u32 $0x1280, s0;
	[sflag:s29] =	ssyncadd.s32 $0xFFFFC000  }
0x77: {  	[spmem:s1] =	stream.indirect.scatter.add.f32 [tilespmem:s28], [sflag:$0x5], $0x80, s12, s21, $0xb8;
	[tilespmem:$0x1E000] =	vst v63  }
0x78: {  	_ =	swait.ge [sflag:s30], $0x4000  }
0x79: {  	[sflag:s30] =	ssyncset.done $0x0  }
0x7a: {  	s14 =	sor.u32 $0x300, s0;
	[sflag:s30] =	ssyncadd.s32 $0xFFFFC000  }
0x7b: {  	[tilespmem:s17], [sflag:$0x2] =	stream.indirect.gather [hbm4b:s6+s21], $0x80, s14, s21, $0xb8;
	[tilespmem:$0x1E000] =	vst v63  }
0x7c: {  	_ =	swait.ge [sflag:s26], $0x4000  }
0x7d: {  	[sflag:s26] =	ssyncset.done $0x0  }
0x7e: {  	s16 =	sor.u32 $0x1300, s0;
	[sflag:s26] =	ssyncadd.s32 $0xFFFFC000  }
0x7f: {  	[spmem:s1] =	stream.indirect.scatter.add.f32 [tilespmem:s17], [sflag:$0x4], $0x80, s16, s21, $0xb8;
	[tilespmem:$0x1E000] =	vst v63  }
0x80: {  	_ =	swait.ge [sflag:s31], $0x4000  }
0x81: {  	[sflag:s31] =	ssyncset.done $0x0  }
0x82: {  	s19 =	sor.u32 $0x380, s0;
	[sflag:s31] =	ssyncadd.s32 $0xFFFFC000  }
0x83: {  	[tilespmem:s28], [sflag:$0x3] =	stream.indirect.gather [hbm4b:s6+s21], $0x80, s19, s21, $0xb8;
	[tilespmem:$0x1E000] =	vst v63  }
0x84: {  	_ =	swait.ge [sflag:s29], $0x4000  }
0x85: {  	[sflag:s29] =	ssyncset.done $0x0  }
0x86: {  	s12 =	sor.u32 $0x1380, s0;
	[sflag:s29] =	ssyncadd.s32 $0xFFFFC000  }
0x87: {  	[spmem:s1] =	stream.indirect.scatter.add.f32 [tilespmem:s28], [sflag:$0x5], $0x80, s12, s21, $0xb8;
	[tilespmem:$0x1E000] =	vst v63  }
0x88: {  	_ =	swait.ge [sflag:s30], $0x4000  }
0x89: {  	[sflag:s30] =	ssyncset.done $0x0  }
0x8a: {  	s14 =	sor.u32 $0x400, s0;
	[sflag:s30] =	ssyncadd.s32 $0xFFFFC000  }
0x8b: {  	[tilespmem:s17], [sflag:$0x2] =	stream.indirect.gather [hbm4b:s6+s21], $0x80, s14, s21, $0xb8;
	[tilespmem:$0x1E000] =	vst v63  }
0x8c: {  	_ =	swait.ge [sflag:s26], $0x4000  }
0x8d: {  	[sflag:s26] =	ssyncset.done $0x0  }
0x8e: {  	s16 =	sor.u32 $0x1400, s0;
	[sflag:s26] =	ssyncadd.s32 $0xFFFFC000  }
0x8f: {  	[spmem:s1] =	stream.indirect.scatter.add.f32 [tilespmem:s17], [sflag:$0x4], $0x80, s16, s21, $0xb8;
	[tilespmem:$0x1E000] =	vst v63  }
0x90: {  	_ =	swait.ge [sflag:s31], $0x4000  }
0x91: {  	[sflag:s31] =	ssyncset.done $0x0  }
0x92: {  	s19 =	sor.u32 $0x480, s0;
	[sflag:s31] =	ssyncadd.s32 $0xFFFFC000  }
0x93: {  	[tilespmem:s28], [sflag:$0x3] =	stream.indirect.gather [hbm4b:s6+s21], $0x80, s19, s21, $0xb8;
	[tilespmem:$0x1E000] =	vst v63  }
0x94: {  	_ =	swait.ge [sflag:s29], $0x4000  }
0x95: {  	[sflag:s29] =	ssyncset.done $0x0  }
0x96: {  	s12 =	sor.u32 $0x1480, s0;
	[sflag:s29] =	ssyncadd.s32 $0xFFFFC000  }
0x97: {  	[spmem:s1] =	stream.indirect.scatter.add.f32 [tilespmem:s28], [sflag:$0x5], $0x80, s12, s21, $0xb8;
	[tilespmem:$0x1E000] =	vst v63  }
0x98: {  	_ =	swait.ge [sflag:s30], $0x4000  }
0x99: {  	[sflag:s30] =	ssyncset.done $0x0  }
0x9a: {  	s14 =	sor.u32 $0x500, s0;
	[sflag:s30] =	ssyncadd.s32 $0xFFFFC000  }
0x9b: {  	[tilespmem:s17], [sflag:$0x2] =	stream.indirect.gather [hbm4b:s6+s21], $0x80, s14, s21, $0xb8;
	[tilespmem:$0x1E000] =	vst v63  }
0x9c: {  	_ =	swait.ge [sflag:s26], $0x4000  }
0x9d: {  	[sflag:s26] =	ssyncset.done $0x0  }
0x9e: {  	s16 =	sor.u32 $0x1500, s0;
	[sflag:s26] =	ssyncadd.s32 $0xFFFFC000  }
0x9f: {  	[spmem:s1] =	stream.indirect.scatter.add.f32 [tilespmem:s17], [sflag:$0x4], $0x80, s16, s21, $0xb8;
	[tilespmem:$0x1E000] =	vst v63  }
0xa0: {  	_ =	swait.ge [sflag:s31], $0x4000  }
0xa1: {  	[sflag:s31] =	ssyncset.done $0x0  }
0xa2: {  	s19 =	sor.u32 $0x580, s0;
	[sflag:s31] =	ssyncadd.s32 $0xFFFFC000  }
0xa3: {  	[tilespmem:s28], [sflag:$0x3] =	stream.indirect.gather [hbm4b:s6+s21], $0x80, s19, s21, $0xb8;
	[tilespmem:$0x1E000] =	vst v63  }
0xa4: {  	_ =	swait.ge [sflag:s29], $0x4000  }
0xa5: {  	[sflag:s29] =	ssyncset.done $0x0  }
0xa6: {  	s12 =	sor.u32 $0x1580, s0;
	[sflag:s29] =	ssyncadd.s32 $0xFFFFC000  }
0xa7: {  	[spmem:s1] =	stream.indirect.scatter.add.f32 [tilespmem:s28], [sflag:$0x5], $0x80, s12, s21, $0xb8;
	[tilespmem:$0x1E000] =	vst v63  }
0xa8: {  	_ =	swait.ge [sflag:s30], $0x4000  }
0xa9: {  	[sflag:s30] =	ssyncset.done $0x0  }
0xaa: {  	s14 =	sor.u32 $0x600, s0;
	[sflag:s30] =	ssyncadd.s32 $0xFFFFC000  }
0xab: {  	[tilespmem:s17], [sflag:$0x2] =	stream.indirect.gather [hbm4b:s6+s21], $0x80, s14, s21, $0xb8;
	[tilespmem:$0x1E000] =	vst v63  }
0xac: {  	_ =	swait.ge [sflag:s26], $0x4000  }
0xad: {  	[sflag:s26] =	ssyncset.done $0x0  }
0xae: {  	s16 =	sor.u32 $0x1600, s0;
	[sflag:s26] =	ssyncadd.s32 $0xFFFFC000  }
0xaf: {  	[spmem:s1] =	stream.indirect.scatter.add.f32 [tilespmem:s17], [sflag:$0x4], $0x80, s16, s21, $0xb8;
	[tilespmem:$0x1E000] =	vst v63  }
0xb0: {  	_ =	swait.ge [sflag:s31], $0x4000  }
0xb1: {  	[sflag:s31] =	ssyncset.done $0x0  }
0xb2: {  	s19 =	sor.u32 $0x680, s0;
	[sflag:s31] =	ssyncadd.s32 $0xFFFFC000  }
0xb3: {  	[tilespmem:s28], [sflag:$0x3] =	stream.indirect.gather [hbm4b:s6+s21], $0x80, s19, s21, $0xb8;
	[tilespmem:$0x1E000] =	vst v63  }
0xb4: {  	_ =	swait.ge [sflag:s29], $0x4000  }
0xb5: {  	[sflag:s29] =	ssyncset.done $0x0  }
0xb6: {  	s12 =	sor.u32 $0x1680, s0;
	[sflag:s29] =	ssyncadd.s32 $0xFFFFC000  }
0xb7: {  	[spmem:s1] =	stream.indirect.scatter.add.f32 [tilespmem:s28], [sflag:$0x5], $0x80, s12, s21, $0xb8;
	[tilespmem:$0x1E000] =	vst v63  }
0xb8: {  	_ =	swait.ge [sflag:s30], $0x4000  }
0xb9: {  	[sflag:s30] =	ssyncset.done $0x0  }
0xba: {  	s14 =	sor.u32 $0x700, s0;
	[sflag:s30] =	ssyncadd.s32 $0xFFFFC000  }
0xbb: {  	[tilespmem:s17], [sflag:$0x2] =	stream.indirect.gather [hbm4b:s6+s21], $0x80, s14, s21, $0xb8;
	[tilespmem:$0x1E000] =	vst v63  }
0xbc: {  	_ =	swait.ge [sflag:s26], $0x4000  }
0xbd: {  	[sflag:s26] =	ssyncset.done $0x0  }
0xbe: {  	s16 =	sor.u32 $0x1700, s0;
	[sflag:s26] =	ssyncadd.s32 $0xFFFFC000  }
0xbf: {  	[spmem:s1] =	stream.indirect.scatter.add.f32 [tilespmem:s17], [sflag:$0x4], $0x80, s16, s21, $0xb8;
	[tilespmem:$0x1E000] =	vst v63  }
0xc0: {  	_ =	swait.ge [sflag:s31], $0x4000  }
0xc1: {  	[sflag:s31] =	ssyncset.done $0x0  }
0xc2: {  	s19 =	sor.u32 $0x780, s0;
	[sflag:s31] =	ssyncadd.s32 $0xFFFFC000  }
0xc3: {  	[tilespmem:s28], [sflag:$0x3] =	stream.indirect.gather [hbm4b:s6+s21], $0x80, s19, s21, $0xb8;
	[tilespmem:$0x1E000] =	vst v63  }
0xc4: {  	_ =	swait.ge [sflag:s29], $0x4000  }
0xc5: {  	[sflag:s29] =	ssyncset.done $0x0  }
0xc6: {  	s0 =	sor.u32 $0x1780, s0;
	[sflag:s29] =	ssyncadd.s32 $0xFFFFC000  }
0xc7: {  	[spmem:s1] =	stream.indirect.scatter.add.f32 [tilespmem:s28], [sflag:$0x5], $0x80, s0, s21, $0xb8;
	[tilespmem:$0x1E000] =	vst v63  }
0xc8: {  	_ =	swait.ge [sflag:s30], $0x4000  }
0xc9: {  	[sflag:s30] =	ssyncset.done $0x0  }
0xca: {  	[sflag:s30] =	ssyncadd.s32 $0xFFFFC000  }
0xcb: {  	_ =	swait.ge [sflag:s31], $0x4000  }
0xcc: {  	s0 =	simm.s32 $0x800;
	[sflag:s31] =	ssyncset.done $0x0  }
.LBB2_4:
0xcd: {  	[sflag:s31] =	ssyncadd.s32 $0xFFFFC000  }
0xce: {  	_ =	swait.ge [sflag:s20], $0x800  }
0xcf: {  	[sflag:s20] =	ssyncset.done $0x0  }
0xd0: {  	[sflag:s20] =	ssyncadd.s32 $0xFFFFF800  }
0xd1: {  	s3 =	smov.u32 s0;
	_ =	swait.ge [sflag:s20], $0x800  }
0xd2: {  	p1 =	seq.s32 s3, $0x2000;
	s12 =	rddreg [dreg:$0x3]  }
0xd3: {  	s19 =	sand.u32 @!p1 $0x800, s3;
	s12 =	sadd.s32 @!p1 s3, s12  }
0xd4: {  	s16 =	simm.s32 @!p1 $0x0;
	[sflag:s20] =	ssyncset.done $0x0;
	s12 =	sshrl.u32 @!p1 s12, $0x3  }
0xd5: {  	s3 =	sxor.u32 @!p1 $0x800, s19;
	[sflag:s20] =	ssyncadd.s32 $0xFFFFF800;
	s14 =	sadd.s32 @!p1 s4, s12  }
0xd6: {  	[tilespmem:s3], [sflag:$0x1] =	stream.linear.gather @!p1 [hbm4b:s14+s16], $0x800, $0x38;
	[tilespmem:$0x1E000] =	vst v63  }
0xd7: {  	s12 =	sadd.s32 @!p1 s5, s12;
	s3 =	sxor.u32 @!p1 $0x1800, s19  }
0xd8: {  	[tilespmem:s3], [sflag:$0x1] =	stream.linear.gather @!p1 [hbm4b:s12+s16], $0x800, $0x38;
	[tilespmem:$0x1E000] =	vst v63  }
0xd9: {  	s19 =	simm.s32 @p1 $0x0  }
0xda: {  	[tilespmem:s17], [sflag:$0x2] =	stream.indirect.gather [hbm4b:s6+s21], $0x80, s19, s21, $0xb8;
	[tilespmem:$0x1E000] =	vst v63  }
0xdb: {  	_ =	swait.ge [sflag:s26], $0x4000  }
0xdc: {  	[sflag:s26] =	ssyncset.done $0x0  }
0xdd: {  	s12 =	sor.u32 $0x1000, s19;
	[sflag:s26] =	ssyncadd.s32 $0xFFFFC000  }
0xde: {  	[spmem:s1] =	stream.indirect.scatter.add.f32 [tilespmem:s17], [sflag:$0x4], $0x80, s12, s21, $0xb8;
	[tilespmem:$0x1E000] =	vst v63  }
0xdf: {  	s14 =	sor.u32 $0x80, s19  }
0xe0: {  	[tilespmem:s28], [sflag:$0x3] =	stream.indirect.gather [hbm4b:s6+s21], $0x80, s14, s21, $0xb8;
	[tilespmem:$0x1E000] =	vst v63  }
0xe1: {  	_ =	swait.ge [sflag:s29], $0x4000  }
0xe2: {  	[sflag:s29] =	ssyncset.done $0x0  }
0xe3: {  	s16 =	sor.u32 $0x1080, s19;
	[sflag:s29] =	ssyncadd.s32 $0xFFFFC000  }
0xe4: {  	[spmem:s1] =	stream.indirect.scatter.add.f32 [tilespmem:s28], [sflag:$0x5], $0x80, s16, s21, $0xb8;
	[tilespmem:$0x1E000] =	vst v63  }
0xe5: {  	_ =	swait.ge [sflag:s30], $0x4000  }
0xe6: {  	[sflag:s30] =	ssyncset.done $0x0  }
0xe7: {  	s12 =	sor.u32 $0x100, s19;
	[sflag:s30] =	ssyncadd.s32 $0xFFFFC000  }
0xe8: {  	[tilespmem:s17], [sflag:$0x2] =	stream.indirect.gather [hbm4b:s6+s21], $0x80, s12, s21, $0xb8;
	[tilespmem:$0x1E000] =	vst v63  }
0xe9: {  	_ =	swait.ge [sflag:s26], $0x4000  }
0xea: {  	[sflag:s26] =	ssyncset.done $0x0  }
0xeb: {  	s14 =	sor.u32 $0x1100, s19;
	[sflag:s26] =	ssyncadd.s32 $0xFFFFC000  }
0xec: {  	[spmem:s1] =	stream.indirect.scatter.add.f32 [tilespmem:s17], [sflag:$0x4], $0x80, s14, s21, $0xb8;
	[tilespmem:$0x1E000] =	vst v63  }
0xed: {  	_ =	swait.ge [sflag:s31], $0x4000  }
0xee: {  	[sflag:s31] =	ssyncset.done $0x0  }
0xef: {  	s16 =	sor.u32 $0x180, s19;
	[sflag:s31] =	ssyncadd.s32 $0xFFFFC000  }
0xf0: {  	[tilespmem:s28], [sflag:$0x3] =	stream.indirect.gather [hbm4b:s6+s21], $0x80, s16, s21, $0xb8;
	[tilespmem:$0x1E000] =	vst v63  }
0xf1: {  	_ =	swait.ge [sflag:s29], $0x4000  }
0xf2: {  	[sflag:s29] =	ssyncset.done $0x0  }
0xf3: {  	s12 =	sor.u32 $0x1180, s19;
	[sflag:s29] =	ssyncadd.s32 $0xFFFFC000  }
0xf4: {  	[spmem:s1] =	stream.indirect.scatter.add.f32 [tilespmem:s28], [sflag:$0x5], $0x80, s12, s21, $0xb8;
	[tilespmem:$0x1E000] =	vst v63  }
0xf5: {  	_ =	swait.ge [sflag:s30], $0x4000  }
0xf6: {  	[sflag:s30] =	ssyncset.done $0x0  }
0xf7: {  	s14 =	sor.u32 $0x200, s19;
	[sflag:s30] =	ssyncadd.s32 $0xFFFFC000  }
0xf8: {  	[tilespmem:s17], [sflag:$0x2] =	stream.indirect.gather [hbm4b:s6+s21], $0x80, s14, s21, $0xb8;
	[tilespmem:$0x1E000] =	vst v63  }
0xf9: {  	_ =	swait.ge [sflag:s26], $0x4000  }
0xfa: {  	[sflag:s26] =	ssyncset.done $0x0  }
0xfb: {  	s16 =	sor.u32 $0x1200, s19;
	[sflag:s26] =	ssyncadd.s32 $0xFFFFC000  }
0xfc: {  	[spmem:s1] =	stream.indirect.scatter.add.f32 [tilespmem:s17], [sflag:$0x4], $0x80, s16, s21, $0xb8;
	[tilespmem:$0x1E000] =	vst v63  }
0xfd: {  	_ =	swait.ge [sflag:s31], $0x4000  }
0xfe: {  	[sflag:s31] =	ssyncset.done $0x0  }
0xff: {  	s12 =	sor.u32 $0x280, s19;
	[sflag:s31] =	ssyncadd.s32 $0xFFFFC000  }
0x100: {  	[tilespmem:s28], [sflag:$0x3] =	stream.indirect.gather [hbm4b:s6+s21], $0x80, s12, s21, $0xb8;
	[tilespmem:$0x1E000] =	vst v63  }
0x101: {  	_ =	swait.ge [sflag:s29], $0x4000  }
0x102: {  	[sflag:s29] =	ssyncset.done $0x0  }
0x103: {  	s14 =	sor.u32 $0x1280, s19;
	[sflag:s29] =	ssyncadd.s32 $0xFFFFC000  }
0x104: {  	[spmem:s1] =	stream.indirect.scatter.add.f32 [tilespmem:s28], [sflag:$0x5], $0x80, s14, s21, $0xb8;
	[tilespmem:$0x1E000] =	vst v63  }
0x105: {  	_ =	swait.ge [sflag:s30], $0x4000  }
0x106: {  	[sflag:s30] =	ssyncset.done $0x0  }
0x107: {  	s16 =	sor.u32 $0x300, s19;
	[sflag:s30] =	ssyncadd.s32 $0xFFFFC000  }
0x108: {  	[tilespmem:s17], [sflag:$0x2] =	stream.indirect.gather [hbm4b:s6+s21], $0x80, s16, s21, $0xb8;
	[tilespmem:$0x1E000] =	vst v63  }
0x109: {  	_ =	swait.ge [sflag:s26], $0x4000  }
0x10a: {  	[sflag:s26] =	ssyncset.done $0x0  }
0x10b: {  	s12 =	sor.u32 $0x1300, s19;
	[sflag:s26] =	ssyncadd.s32 $0xFFFFC000  }
0x10c: {  	[spmem:s1] =	stream.indirect.scatter.add.f32 [tilespmem:s17], [sflag:$0x4], $0x80, s12, s21, $0xb8;
	[tilespmem:$0x1E000] =	vst v63  }
0x10d: {  	_ =	swait.ge [sflag:s31], $0x4000  }
0x10e: {  	[sflag:s31] =	ssyncset.done $0x0  }
0x10f: {  	s14 =	sor.u32 $0x380, s19;
	[sflag:s31] =	ssyncadd.s32 $0xFFFFC000  }
0x110: {  	[tilespmem:s28], [sflag:$0x3] =	stream.indirect.gather [hbm4b:s6+s21], $0x80, s14, s21, $0xb8;
	[tilespmem:$0x1E000] =	vst v63  }
0x111: {  	_ =	swait.ge [sflag:s29], $0x4000  }
0x112: {  	[sflag:s29] =	ssyncset.done $0x0  }
0x113: {  	s16 =	sor.u32 $0x1380, s19;
	[sflag:s29] =	ssyncadd.s32 $0xFFFFC000  }
0x114: {  	[spmem:s1] =	stream.indirect.scatter.add.f32 [tilespmem:s28], [sflag:$0x5], $0x80, s16, s21, $0xb8;
	[tilespmem:$0x1E000] =	vst v63  }
0x115: {  	_ =	swait.ge [sflag:s30], $0x4000  }
0x116: {  	[sflag:s30] =	ssyncset.done $0x0  }
0x117: {  	s12 =	sor.u32 $0x400, s19;
	[sflag:s30] =	ssyncadd.s32 $0xFFFFC000  }
0x118: {  	[tilespmem:s17], [sflag:$0x2] =	stream.indirect.gather [hbm4b:s6+s21], $0x80, s12, s21, $0xb8;
	[tilespmem:$0x1E000] =	vst v63  }
0x119: {  	_ =	swait.ge [sflag:s26], $0x4000  }
0x11a: {  	[sflag:s26] =	ssyncset.done $0x0  }
0x11b: {  	s14 =	sor.u32 $0x1400, s19;
	[sflag:s26] =	ssyncadd.s32 $0xFFFFC000  }
0x11c: {  	[spmem:s1] =	stream.indirect.scatter.add.f32 [tilespmem:s17], [sflag:$0x4], $0x80, s14, s21, $0xb8;
	[tilespmem:$0x1E000] =	vst v63  }
0x11d: {  	_ =	swait.ge [sflag:s31], $0x4000  }
0x11e: {  	[sflag:s31] =	ssyncset.done $0x0  }
0x11f: {  	s16 =	sor.u32 $0x480, s19;
	[sflag:s31] =	ssyncadd.s32 $0xFFFFC000  }
0x120: {  	[tilespmem:s28], [sflag:$0x3] =	stream.indirect.gather [hbm4b:s6+s21], $0x80, s16, s21, $0xb8;
	[tilespmem:$0x1E000] =	vst v63  }
0x121: {  	_ =	swait.ge [sflag:s29], $0x4000  }
0x122: {  	[sflag:s29] =	ssyncset.done $0x0  }
0x123: {  	s12 =	sor.u32 $0x1480, s19;
	[sflag:s29] =	ssyncadd.s32 $0xFFFFC000  }
0x124: {  	[spmem:s1] =	stream.indirect.scatter.add.f32 [tilespmem:s28], [sflag:$0x5], $0x80, s12, s21, $0xb8;
	[tilespmem:$0x1E000] =	vst v63  }
0x125: {  	_ =	swait.ge [sflag:s30], $0x4000  }
0x126: {  	[sflag:s30] =	ssyncset.done $0x0  }
0x127: {  	s14 =	sor.u32 $0x500, s19;
	[sflag:s30] =	ssyncadd.s32 $0xFFFFC000  }
0x128: {  	[tilespmem:s17], [sflag:$0x2] =	stream.indirect.gather [hbm4b:s6+s21], $0x80, s14, s21, $0xb8;
	[tilespmem:$0x1E000] =	vst v63  }
0x129: {  	_ =	swait.ge [sflag:s26], $0x4000  }
0x12a: {  	[sflag:s26] =	ssyncset.done $0x0  }
0x12b: {  	s16 =	sor.u32 $0x1500, s19;
	[sflag:s26] =	ssyncadd.s32 $0xFFFFC000  }
0x12c: {  	[spmem:s1] =	stream.indirect.scatter.add.f32 [tilespmem:s17], [sflag:$0x4], $0x80, s16, s21, $0xb8;
	[tilespmem:$0x1E000] =	vst v63  }
0x12d: {  	_ =	swait.ge [sflag:s31], $0x4000  }
0x12e: {  	[sflag:s31] =	ssyncset.done $0x0  }
0x12f: {  	s12 =	sor.u32 $0x580, s19;
	[sflag:s31] =	ssyncadd.s32 $0xFFFFC000  }
0x130: {  	[tilespmem:s28], [sflag:$0x3] =	stream.indirect.gather [hbm4b:s6+s21], $0x80, s12, s21, $0xb8;
	[tilespmem:$0x1E000] =	vst v63  }
0x131: {  	_ =	swait.ge [sflag:s29], $0x4000  }
0x132: {  	[sflag:s29] =	ssyncset.done $0x0  }
0x133: {  	s14 =	sor.u32 $0x1580, s19;
	[sflag:s29] =	ssyncadd.s32 $0xFFFFC000  }
0x134: {  	[spmem:s1] =	stream.indirect.scatter.add.f32 [tilespmem:s28], [sflag:$0x5], $0x80, s14, s21, $0xb8;
	[tilespmem:$0x1E000] =	vst v63  }
0x135: {  	_ =	swait.ge [sflag:s30], $0x4000  }
0x136: {  	[sflag:s30] =	ssyncset.done $0x0  }
0x137: {  	s16 =	sor.u32 $0x600, s19;
	[sflag:s30] =	ssyncadd.s32 $0xFFFFC000  }
0x138: {  	[tilespmem:s17], [sflag:$0x2] =	stream.indirect.gather [hbm4b:s6+s21], $0x80, s16, s21, $0xb8;
	[tilespmem:$0x1E000] =	vst v63  }
0x139: {  	_ =	swait.ge [sflag:s26], $0x4000  }
0x13a: {  	[sflag:s26] =	ssyncset.done $0x0  }
0x13b: {  	s12 =	sor.u32 $0x1600, s19;
	[sflag:s26] =	ssyncadd.s32 $0xFFFFC000  }
0x13c: {  	[spmem:s1] =	stream.indirect.scatter.add.f32 [tilespmem:s17], [sflag:$0x4], $0x80, s12, s21, $0xb8;
	[tilespmem:$0x1E000] =	vst v63  }
0x13d: {  	_ =	swait.ge [sflag:s31], $0x4000  }
0x13e: {  	[sflag:s31] =	ssyncset.done $0x0  }
0x13f: {  	s14 =	sor.u32 $0x680, s19;
	[sflag:s31] =	ssyncadd.s32 $0xFFFFC000  }
0x140: {  	[tilespmem:s28], [sflag:$0x3] =	stream.indirect.gather [hbm4b:s6+s21], $0x80, s14, s21, $0xb8;
	[tilespmem:$0x1E000] =	vst v63  }
0x141: {  	_ =	swait.ge [sflag:s29], $0x4000  }
0x142: {  	[sflag:s29] =	ssyncset.done $0x0  }
0x143: {  	s16 =	sor.u32 $0x1680, s19;
	[sflag:s29] =	ssyncadd.s32 $0xFFFFC000  }
0x144: {  	[spmem:s1] =	stream.indirect.scatter.add.f32 [tilespmem:s28], [sflag:$0x5], $0x80, s16, s21, $0xb8;
	[tilespmem:$0x1E000] =	vst v63  }
0x145: {  	_ =	swait.ge [sflag:s30], $0x4000  }
0x146: {  	[sflag:s30] =	ssyncset.done $0x0  }
0x147: {  	s12 =	sor.u32 $0x700, s19;
	[sflag:s30] =	ssyncadd.s32 $0xFFFFC000  }
0x148: {  	[tilespmem:s17], [sflag:$0x2] =	stream.indirect.gather [hbm4b:s6+s21], $0x80, s12, s21, $0xb8;
	[tilespmem:$0x1E000] =	vst v63  }
0x149: {  	_ =	swait.ge [sflag:s26], $0x4000  }
0x14a: {  	[sflag:s26] =	ssyncset.done $0x0  }
0x14b: {  	s14 =	sor.u32 $0x1700, s19;
	[sflag:s26] =	ssyncadd.s32 $0xFFFFC000  }
0x14c: {  	[spmem:s1] =	stream.indirect.scatter.add.f32 [tilespmem:s17], [sflag:$0x4], $0x80, s14, s21, $0xb8;
	[tilespmem:$0x1E000] =	vst v63  }
0x14d: {  	_ =	swait.ge [sflag:s31], $0x4000  }
0x14e: {  	[sflag:s31] =	ssyncset.done $0x0  }
0x14f: {  	s16 =	sor.u32 $0x780, s19;
	[sflag:s31] =	ssyncadd.s32 $0xFFFFC000  }
0x150: {  	[tilespmem:s28], [sflag:$0x3] =	stream.indirect.gather [hbm4b:s6+s21], $0x80, s16, s21, $0xb8;
	[tilespmem:$0x1E000] =	vst v63  }
0x151: {  	_ =	swait.ge [sflag:s29], $0x4000  }
0x152: {  	s0 =	sadd.s32 $0x800, s0;
	[sflag:s29] =	ssyncset.done $0x0  }
0x153: {  	p0 =	sne.s32 s0, $0x2800;
	s19 =	sor.u32 $0x1780, s19;
	[sflag:s29] =	ssyncadd.s32 $0xFFFFC000  }
0x154: {  	[spmem:s1] =	stream.indirect.scatter.add.f32 [tilespmem:s28], [sflag:$0x5], $0x80, s19, s21, $0xb8;
	[tilespmem:$0x1E000] =	vst v63  }
.Ltmp1:
0x155: {  	_ =	swait.ge [sflag:s30], $0x4000;
	(pc) =	sbr.rel @p0 .LBB2_4-.Ltmp1, $4  }
0x156: {  	[sflag:s30] =	ssyncset.done $0x0  }
0x157: {  	[sflag:s30] =	ssyncadd.s32 $0xFFFFC000  }
0x158: {  	_ =	swait.ge [sflag:s31], $0x4000  }
0x159: {  	[sflag:s31] =	ssyncset.done $0x0  }
0x15a: {  	s0 =	stileid.u32  }
0x15b: {  	[sflag:s31] =	ssyncadd.s32 $0xFFFFC000;
	s3 =	sadd.s32 s13, s15;
	s0 =	sshll.u32 s0, $0x6  }
0x15c: {  	s12 =	sshrl.u32 s7, $0x3;
	[bflag:$0x0] =	sbarrier.arrive $0xFFFF;
	s0 =	sor.u32 $0x1C06, s0  }
0x15d: {  	[hbm:s3], [sflag:s0] =	dma.local [spmem:s12], $0x800  }
0x15e: {  	_ =	swait.ge [sflag:s18], $0x800  }
0x15f: {  	[sflag:s18] =	ssyncset.done $0x0  }
0x160: {  	s19 =	sshrl.u32 s8, $0x3;
	[sflag:s18] =	ssyncadd.s32 $0xFFFFF800  }
0x161: {  	[hbm:s22], [sflag:s0] =	dma.local [spmem:s19], $0x800  }
0x162: {  	_ =	swait.ge [sflag:s18], $0x800  }
0x163: {  	[sflag:s18] =	ssyncset.done $0x0  }
0x164: {  	s12 =	sshrl.u32 s9, $0x3;
	[sflag:s18] =	ssyncadd.s32 $0xFFFFF800  }
0x165: {  	[hbm:s23], [sflag:s0] =	dma.local [spmem:s12], $0x800  }
0x166: {  	_ =	swait.ge [sflag:s18], $0x800  }
0x167: {  	[sflag:s18] =	ssyncset.done $0x0  }
0x168: {  	s14 =	sshrl.u32 s10, $0x3;
	[sflag:s18] =	ssyncadd.s32 $0xFFFFF800  }
0x169: {  	[hbm:s24], [sflag:s0] =	dma.local [spmem:s14], $0x800  }
0x16a: {  	_ =	swait.ge [sflag:s18], $0x800  }
0x16b: {  	[sflag:s18] =	ssyncset.done $0x0  }
0x16c: {  	s16 =	sshrl.u32 s11, $0x3;
	[sflag:s18] =	ssyncadd.s32 $0xFFFFF800  }
0x16d: {  	[hbm:s25], [sflag:s0] =	dma.local [spmem:s16], $0x800  }
0x16e: {  	_ =	swait.ge [sflag:s18], $0x800  }
0x16f: {  	s2 =	sadd.s32 $0x1, s2;
	s19 =	rddreg [dreg:$0x6]  }
0x170: {  	p0 =	sne.s32 s2, s19  }
.Ltmp2:
0x171: {  	_ = 	snop;
	(pc) =	sbr.rel @p0 .LBB2_1-.Ltmp2, $3  }
0x172: {  	_ =	sdelay $0x1  }
0x173: {  	[sflag:s18] =	ssyncset.done $0x0  }
0x174: {  	[sflag:s18] =	ssyncadd.s32 $0xFFFFF800  }
0x175: {  	_ =	sfence.sel $0x180000  }
0x176: {  	[bflag:$0x0] =	sbarrier.arrive $0xFFFF  }
0x177: {  	_ =	strace $0x90000047  }
0x178: {  	s0 =	stileid.u32;
	[bflag:$0x2] =	sbarrier.arrive $0xFFFF  }
0x179: {  	p0 =	sne.s32 s0, $0x0;
	s0 =	rddreg [dreg:$0x2]  }
0x17a: {  	s0 =	sadd.s32 @!p0 $0x100000, s0  }
0x17b: {  	[sflag:s0] =	ssyncadd.tile.s32 @!p0 $0x1;
	_ =	shalt  }
.Lfunc_end2:
_tile_overlayer_lowered:
.L_overlay_start_2:
0x17c: {  	(tag) =	ssettag $0x2  }
0x17d: {  	s0 =	rddreg [dreg:$0x0];
	s2 =	stileid.u32  }
0x17e: {  	s1 =	rddreg [dreg:$0x1];
	p0 =	sne.s32 s2, $0x0  }
0x17f: {  	s3 =	rddreg [dreg:$0x2];
	[bflag:$0x3] =	sbarrier.arrive $0xFFFF;
	s2 =	simm.s32 @!p0 $0x1C06  }
0x180: {  	[timem:s3], [sflag:s2] =	dma.local @!p0 [hbm:s0], s1  }
0x181: {  	s0 =	simm.s32 @!p0 $0x6  }
0x182: {  	_ =	swait.ge @!p0 [sflag:s0], s1  }
0x183: {  	s1 =	ssub.s32 @!p0 $0x0, s1;
	[sflag:s0] =	ssyncset.done @!p0 $0x0  }
0x184: {  	[sflag:s0] =	ssyncadd.s32 @!p0 s1  }
0x185: {  	[bflag:$0x3] =	sbarrier.arrive $0xFFFF  }
0x186: {  	_ =	shalt  }

</sc_bundles>
